<compile_context>
chip_gen: v7x
topology: tpu7x:2x2x1
jax: 0.10.2.dev20260603
libtpu: 0.0.44.dev20260713+nightly
codegen_flags: <defaults>
</compile_context>

<pallas_src>
import functools

import jax
import jax.numpy as jnp
from jax import lax
from jax.experimental import pallas as pl
from jax.experimental.pallas import tpu as pltpu
from jax.experimental.pallas import tpu_sc as plsc

N = 10000
T = 6
M = 10
R = 3
E = 640000
GLI = 14
GLO = 16

DP = 16
DS = 16
NTILES = 32
CH = 128
K = 160
NBUF = 8
EP = NTILES * K * CH
ROWS_PER_TILE = 632
NP = 16 * ROWS_PER_TILE

def _segment_sum_body(r_hbm, src_hbm, dst_hbm, zeros_hbm, out_hbm,
                      src_v, dst_v, rows_v, accum_sh, r_sh,
                      zsem, rsem, gsem, ssem):
    c = lax.axis_index("c")
    s = lax.axis_index("s")
    wid = s * 2 + c
    band = pl.ds(s * ROWS_PER_TILE, ROWS_PER_TILE)

    r_cp = pltpu.async_copy(r_hbm.at[band], r_sh.at[band], rsem)
    zero_cp = pltpu.async_copy(zeros_hbm.at[band], accum_sh.at[band], zsem)
    pltpu.sync_copy(src_hbm.at[wid], src_v)
    pltpu.sync_copy(dst_hbm.at[wid], dst_v)
    r_cp.wait()
    zero_cp.wait()
    plsc.subcore_barrier()

    for b in range(NBUF):
        pltpu.async_copy(r_sh.at[src_v.at[b]], rows_v.at[b], gsem.at[b])

    def group(g, carry):
        for b in range(NBUF):
            j = g * NBUF + b
            pltpu.make_async_copy(r_sh.at[src_v.at[j]], rows_v.at[b],
                                  gsem.at[b]).wait()
            pltpu.async_copy(rows_v.at[b], accum_sh.at[dst_v.at[j]],
                             ssem.at[b], add=True).wait()

            @pl.when(j + NBUF < K)
            def _():
                pltpu.async_copy(r_sh.at[src_v.at[j + NBUF]], rows_v.at[b],
                                 gsem.at[b])
        return carry

    lax.fori_loop(0, K // NBUF, group, 0)

    plsc.subcore_barrier()
    pltpu.sync_copy(accum_sh.at[band], out_hbm.at[c, band])


@functools.cache
def _segment_sum_sc():
    mesh = plsc.VectorSubcoreMesh(core_axis_name="c", subcore_axis_name="s")
    return pl.kernel(
        _segment_sum_body,
        out_type=jax.ShapeDtypeStruct((2, NP, DS), jnp.float32),
        mesh=mesh,
        compiler_params=pltpu.CompilerParams(use_tc_tiling_on_sc=False),
        scratch_types=[
            pltpu.VMEM((K, CH), jnp.int32),
            pltpu.VMEM((K, CH), jnp.int32),
            pltpu.VMEM((NBUF, CH, DS), jnp.float32),
            pltpu.VMEM_SHARED((NP, DS), jnp.float32),
            pltpu.VMEM_SHARED((NP, DS), jnp.float32),
            pltpu.SemaphoreType.DMA,
            pltpu.SemaphoreType.DMA,
            pltpu.SemaphoreType.DMA((NBUF,)),
            pltpu.SemaphoreType.DMA((NBUF,)),
        ],
    )


def _tc_layer_body(r_ref, p_ref, h_ref, b_ref, w_ref, fin_ref,
                   rout_ref, fout_ref):
    r = r_ref[...]
    v1 = r + p_ref[0] + p_ref[1]
    z = jnp.dot(v1, h_ref[...], preferred_element_type=jnp.float32,
                precision=lax.Precision.HIGHEST) + b_ref[...]
    col = lax.broadcasted_iota(jnp.int32, (NP, DP), 1) < M
    row = lax.broadcasted_iota(jnp.int32, (NP, DP), 0) < N
    rn = jnp.where(col & row, jax.nn.sigmoid(z), 0.0)
    rout_ref[...] = rn[:, :DS]
    sgm = rn * w_ref[...]
    mx = jnp.max(jnp.where(col, sgm, -jnp.inf), axis=1, keepdims=True)
    e = jnp.where(col, jnp.exp(sgm - mx), 0.0)
    fl = e / jnp.sum(e, axis=1, keepdims=True)
    fout_ref[...] = fin_ref[...] + jnp.sum(
        jnp.where(row, fl, 0.0), axis=0, keepdims=True)


_tc_layer = pl.pallas_call(
    _tc_layer_body,
    out_shape=[
        jax.ShapeDtypeStruct((NP, DS), jnp.float32),
        jax.ShapeDtypeStruct((1, DP), jnp.float32),
    ],
)


def _tc_last_body(r_ref, p_ref, h_ref, b_ref, w_ref, fin_ref,
                  xg_ref, wg_ref, bg_ref, wm_ref, bm_ref, out_ref):
    v1 = r_ref[...] + p_ref[0] + p_ref[1]
    z = jnp.dot(v1, h_ref[...], preferred_element_type=jnp.float32,
                precision=lax.Precision.HIGHEST) + b_ref[...]
    col = lax.broadcasted_iota(jnp.int32, (NP, DP), 1) < M
    row = lax.broadcasted_iota(jnp.int32, (NP, DP), 0) < N
    rn = jnp.where(col & row, jax.nn.sigmoid(z), 0.0)
    sgm = rn * w_ref[...]
    mx = jnp.max(jnp.where(col, sgm, -jnp.inf), axis=1, keepdims=True)
    e = jnp.where(col, jnp.exp(sgm - mx), 0.0)
    fl = e / jnp.sum(e, axis=1, keepdims=True)
    f = fin_ref[...] + jnp.sum(jnp.where(row, fl, 0.0), axis=0, keepdims=True)
    g = jnp.dot(xg_ref[...], wg_ref[...], preferred_element_type=jnp.float32,
                precision=lax.Precision.HIGHEST) + bg_ref[...]
    merged = jnp.concatenate([f, g], axis=1)
    out_ref[...] = jnp.dot(merged, wm_ref[...],
                           preferred_element_type=jnp.float32,
                           precision=lax.Precision.HIGHEST) + bm_ref[...]


_tc_last = pl.pallas_call(
    _tc_last_body,
    out_shape=jax.ShapeDtypeStruct((1, 3), jnp.float32),
)


def kernel(x_member, edge_index, x_group, H0, Hs, bH, Ws, Wg, bg, Wm, bm):
    f32 = jnp.float32
    src = edge_index[0].astype(jnp.int32)
    dst = edge_index[1].astype(jnp.int32)
    pad_idx = jnp.full((EP - E,), N, jnp.int32)
    src = jnp.concatenate([src, pad_idx]).reshape(NTILES, K, CH)
    dst = jnp.concatenate([dst, pad_idx]).reshape(NTILES, K, CH)

    r = jnp.pad(x_member.astype(f32), ((0, NP - N), (0, DS - T)))
    zeros_in = jnp.zeros((NP, DS), f32)

    h_pads = [jnp.pad(H0.astype(f32), ((0, DS - T), (0, DP - M)))] + [
        jnp.pad(Hs[i].astype(f32), ((0, DS - M), (0, DP - M)))
        for i in range(R)
    ]
    b_pads = [jnp.pad(bH[i].astype(f32), (0, DP - M)).reshape(1, DP)
              for i in range(R + 1)]
    w_bcast = [jnp.full((1, DP), Ws[i], f32) for i in range(R + 1)]

    xg = jnp.pad(x_group.astype(f32), ((0, 0), (0, DP - GLI)))
    wg = jnp.pad(Wg.astype(f32), ((0, DP - GLI), (0, 0)))
    wm = jnp.concatenate(
        [Wm[:M].astype(f32), jnp.zeros((DP - M, 3), f32), Wm[M:].astype(f32)],
        axis=0)

    f = jnp.zeros((1, DP), f32)
    for layer in range(R):
        partials = _segment_sum_sc()(r, src, dst, zeros_in)
        r, f = _tc_layer(r, partials, h_pads[layer], b_pads[layer],
                         w_bcast[layer], f)
    partials = _segment_sum_sc()(r, src, dst, zeros_in)
    return _tc_last(r, partials, h_pads[R], b_pads[R], w_bcast[R], f,
                    xg, wg, bg.reshape(1, GLO).astype(f32), wm,
                    bm.reshape(1, 3).astype(f32))

# --- scband reference (transcript-rebuilt; emitter-appended) ---
"""Pipeline reference for scband-nfp-53206054863434 (READ-ONLY COPY).

The authoritative reference and input builder live on the scoring server;
editing this copy changes nothing except your own understanding.
"""

import jax, jax.numpy as jnp
import numpy as np

R = 3
T = 6
M = 10
GLI = 14
GLO = 16
N = 10000
E = 640000


def setup_inputs(seed: int = 0) -> dict:
    key = jax.random.key(seed)
    ks = jax.random.split(key, 10)
    x_member = jax.random.normal(ks[0], (N, T), dtype=jnp.float32)
    edge_index = jax.random.randint(ks[1], (2, E), 0, N).astype(jnp.int64)
    x_group = jax.random.normal(ks[2], (1, GLI), dtype=jnp.float32)
    # H[0]: t->m ; H[L>0]: m->m (original code declares all Linear(t,m), which is
    # dimensionally inconsistent after the first iteration; corrected here)
    H0 = jax.random.normal(ks[3], (T, M), dtype=jnp.float32) * (1.0 / np.sqrt(T))
    Hs = jax.random.normal(ks[4], (R, M, M), dtype=jnp.float32) * (1.0 / np.sqrt(M))
    bH = jnp.zeros((R + 1, M), dtype=jnp.float32)
    Ws = jnp.full((R + 1,), 0.2, dtype=jnp.float32)
    Wg = jax.random.normal(ks[5], (GLI, GLO), dtype=jnp.float32) * (1.0 / np.sqrt(GLI))
    bg = jnp.zeros((GLO,), dtype=jnp.float32)
    Wm = jax.random.normal(ks[6], (M + GLO, 3), dtype=jnp.float32) * (1.0 / np.sqrt(M + GLO))
    bm = jnp.zeros((3,), dtype=jnp.float32)
    return {
        "x_member": x_member,
        "edge_index": edge_index,
        "x_group": x_group,
        "H0": H0,
        "Hs": Hs,
        "bH": bH,
        "Ws": Ws,
        "Wg": Wg,
        "bg": bg,
        "Wm": Wm,
        "bm": bm,
    }


def reference(x_member, edge_index, x_group, H0, Hs, bH, Ws, Wg, bg, Wm, bm):
    src = edge_index[0]
    dst = edge_index[1]
    r = x_member  # [N, T]
    f = jnp.zeros((1, M), dtype=x_member.dtype)
    for L in range(R + 1):
        # v1 = r[a] + sum of neighbor states (vectorized via scatter-add)
        neigh = jax.ops.segment_sum(r[src], dst, num_segments=N)
        v1 = r + neigh
        H = H0 if L == 0 else Hs[L - 1]
        r = jax.nn.sigmoid(v1 @ H + bH[L])  # [N, M]
        FL = jax.nn.softmax(r * Ws[L], axis=-1)  # [N, M]
        f = f + jnp.sum(FL, axis=0, keepdims=True)  # global fingerprint accumulation
    group_perceptron_output = x_group @ Wg + bg  # [1, GLO]
    merged_input = jnp.concatenate([f, group_perceptron_output], axis=1)  # [1, M+GLO]
    merged_output = merged_input @ Wm + bm  # [1, 3]
    return merged_output

if __name__ == "__main__":
    import jax
    _d = setup_inputs()
    print(jax.jit(kernel)(*tuple(_d.values())))

</pallas_src>

<mosaic_0001>
#map = affine_map<(d0, d1) -> (0, 0)>
#map1 = affine_map<(d0, d1) -> (0, 0, 0)>
module attributes {stable_mosaic.version = 14 : i64} {
  func.func @_segment_sum_body(%arg0: i32, %arg1: i32, %arg2: memref<10112x16xf32, #tpu.memory_space<hbm>>, %arg3: memref<32x160x128xi32, #tpu.memory_space<hbm>>, %arg4: memref<32x160x128xi32, #tpu.memory_space<hbm>>, %arg5: memref<10112x16xf32, #tpu.memory_space<hbm>>, %arg6: memref<2x10112x16xf32, #tpu.memory_space<hbm>>, %arg7: memref<160x128xi32, #tpu.memory_space<vmem>>, %arg8: memref<160x128xi32, #tpu.memory_space<vmem>>, %arg9: memref<8x128x16xf32, #tpu.memory_space<vmem>>, %arg10: memref<10112x16xf32, #tpu.memory_space<vmem_shared>>, %arg11: memref<10112x16xf32, #tpu.memory_space<vmem_shared>>, %arg12: memref<!tpu.dma_semaphore, #tpu.memory_space<semaphore_mem>>, %arg13: memref<!tpu.dma_semaphore, #tpu.memory_space<semaphore_mem>>, %arg14: memref<8x!tpu.dma_semaphore, #tpu.memory_space<semaphore_mem>>, %arg15: memref<8x!tpu.dma_semaphore, #tpu.memory_space<semaphore_mem>>) attributes {dimension_semantics = [#tpu.dimension_semantics<core_parallel>, #tpu.dimension_semantics<subcore_parallel>], iteration_bounds = array<i64: 2, 16>, scalar_prefetch = 0 : i64, scratch_operands = 9 : i64, tpu.core_type = #tpu.core_type<sc_vector_subcore>, window_params = [{transform_indices = #map}, {transform_indices = #map1}, {transform_indices = #map1}, {transform_indices = #map}, {transform_indices = #map1}]} {
    %mul3A = arith.constant 2 : i32
    %mul3A_0 = arith.muli %arg1, %mul3A : i32
    %add3A = arith.addi %mul3A_0, %arg0 : i32
    %mul3A_1 = arith.constant 632 : i32
    %mul3A_2 = arith.muli %arg1, %mul3A_1 : i32
    %dma_start3A = arith.constant 0 : i32
    %dma_start3A_3 = tpu.memref_slice %arg11[%mul3A_2, %dma_start3A] : memref<10112x16xf32, #tpu.memory_space<vmem_shared>> -> memref<632x16xf32, #tpu.memory_space<vmem_shared>>
    %dma_start3A_4 = arith.constant 0 : i32
    %dma_start3A_5 = tpu.memref_slice %arg2[%mul3A_2, %dma_start3A_4] : memref<10112x16xf32, #tpu.memory_space<hbm>> -> memref<632x16xf32, #tpu.memory_space<hbm>>
    tpu.enqueue_dma source(%dma_start3A_5 : memref<632x16xf32, #tpu.memory_space<hbm>>) target(%dma_start3A_3 : memref<632x16xf32, #tpu.memory_space<vmem_shared>>) target_semaphore(%arg13 : memref<!tpu.dma_semaphore, #tpu.memory_space<semaphore_mem>>)
    %dma_start3A_6 = arith.constant 0 : i32
    %dma_start3A_7 = tpu.memref_slice %arg10[%mul3A_2, %dma_start3A_6] : memref<10112x16xf32, #tpu.memory_space<vmem_shared>> -> memref<632x16xf32, #tpu.memory_space<vmem_shared>>
    %dma_start3A_8 = arith.constant 0 : i32
    %dma_start3A_9 = tpu.memref_slice %arg5[%mul3A_2, %dma_start3A_8] : memref<10112x16xf32, #tpu.memory_space<hbm>> -> memref<632x16xf32, #tpu.memory_space<hbm>>
    tpu.enqueue_dma source(%dma_start3A_9 : memref<632x16xf32, #tpu.memory_space<hbm>>) target(%dma_start3A_7 : memref<632x16xf32, #tpu.memory_space<vmem_shared>>) target_semaphore(%arg12 : memref<!tpu.dma_semaphore, #tpu.memory_space<semaphore_mem>>)
    "tpu.region"() ({
      %run_scoped3A = tpu.sem_alloc : memref<!tpu.dma_semaphore, #tpu.memory_space<semaphore_mem>>
      %dma_start3A_143 = arith.constant 0 : i32
      %dma_start3A_144 = arith.constant 0 : i32
      %dma_start3A_145 = tpu.memref_slice %arg3[%add3A, %dma_start3A_143, %dma_start3A_144] : memref<32x160x128xi32, #tpu.memory_space<hbm>> -> memref<1x160x128xi32, #tpu.memory_space<hbm>>
      %dma_start3A_146 = tpu.memref_squeeze %dma_start3A_145 : memref<1x160x128xi32, #tpu.memory_space<hbm>> -> memref<160x128xi32, #tpu.memory_space<hbm>>
      %dma_start3A_147 = arith.constant 0 : i32
      %dma_start3A_148 = arith.constant 0 : i32
      %dma_start3A_149 = tpu.memref_slice %arg3[%add3A, %dma_start3A_147, %dma_start3A_148] : memref<32x160x128xi32, #tpu.memory_space<hbm>> -> memref<1x160x128xi32, #tpu.memory_space<hbm>>
      %dma_start3A_150 = tpu.memref_squeeze %dma_start3A_149 : memref<1x160x128xi32, #tpu.memory_space<hbm>> -> memref<160x128xi32, #tpu.memory_space<hbm>>
      tpu.enqueue_dma source(%dma_start3A_150 : memref<160x128xi32, #tpu.memory_space<hbm>>) target(%arg7 : memref<160x128xi32, #tpu.memory_space<vmem>>) target_semaphore(%run_scoped3A : memref<!tpu.dma_semaphore, #tpu.memory_space<semaphore_mem>>)
      %dma_wait3A_151 = arith.constant 0 : i32
      %dma_wait3A_152 = arith.constant 0 : i32
      %dma_wait3A_153 = tpu.memref_slice %arg3[%add3A, %dma_wait3A_151, %dma_wait3A_152] : memref<32x160x128xi32, #tpu.memory_space<hbm>> -> memref<1x160x128xi32, #tpu.memory_space<hbm>>
      %dma_wait3A_154 = tpu.memref_squeeze %dma_wait3A_153 : memref<1x160x128xi32, #tpu.memory_space<hbm>> -> memref<160x128xi32, #tpu.memory_space<hbm>>
      %dma_wait3A_155 = arith.constant 0 : i32
      %dma_wait3A_156 = arith.constant 0 : i32
      %dma_wait3A_157 = tpu.memref_slice %arg3[%add3A, %dma_wait3A_155, %dma_wait3A_156] : memref<32x160x128xi32, #tpu.memory_space<hbm>> -> memref<1x160x128xi32, #tpu.memory_space<hbm>>
      %dma_wait3A_158 = tpu.memref_squeeze %dma_wait3A_157 : memref<1x160x128xi32, #tpu.memory_space<hbm>> -> memref<160x128xi32, #tpu.memory_space<hbm>>
      tpu.wait_dma2 semaphore(%run_scoped3A : memref<!tpu.dma_semaphore, #tpu.memory_space<semaphore_mem>>) src(%dma_wait3A_158 : memref<160x128xi32, #tpu.memory_space<hbm>>) dst(%arg7 : memref<160x128xi32, #tpu.memory_space<vmem>>)
      tpu.yield
    }) : () -> ()
    "tpu.region"() ({
      %run_scoped3A = tpu.sem_alloc : memref<!tpu.dma_semaphore, #tpu.memory_space<semaphore_mem>>
      %dma_start3A_143 = arith.constant 0 : i32
      %dma_start3A_144 = arith.constant 0 : i32
      %dma_start3A_145 = tpu.memref_slice %arg4[%add3A, %dma_start3A_143, %dma_start3A_144] : memref<32x160x128xi32, #tpu.memory_space<hbm>> -> memref<1x160x128xi32, #tpu.memory_space<hbm>>
      %dma_start3A_146 = tpu.memref_squeeze %dma_start3A_145 : memref<1x160x128xi32, #tpu.memory_space<hbm>> -> memref<160x128xi32, #tpu.memory_space<hbm>>
      %dma_start3A_147 = arith.constant 0 : i32
      %dma_start3A_148 = arith.constant 0 : i32
      %dma_start3A_149 = tpu.memref_slice %arg4[%add3A, %dma_start3A_147, %dma_start3A_148] : memref<32x160x128xi32, #tpu.memory_space<hbm>> -> memref<1x160x128xi32, #tpu.memory_space<hbm>>
      %dma_start3A_150 = tpu.memref_squeeze %dma_start3A_149 : memref<1x160x128xi32, #tpu.memory_space<hbm>> -> memref<160x128xi32, #tpu.memory_space<hbm>>
      tpu.enqueue_dma source(%dma_start3A_150 : memref<160x128xi32, #tpu.memory_space<hbm>>) target(%arg8 : memref<160x128xi32, #tpu.memory_space<vmem>>) target_semaphore(%run_scoped3A : memref<!tpu.dma_semaphore, #tpu.memory_space<semaphore_mem>>)
      %dma_wait3A_151 = arith.constant 0 : i32
      %dma_wait3A_152 = arith.constant 0 : i32
      %dma_wait3A_153 = tpu.memref_slice %arg4[%add3A, %dma_wait3A_151, %dma_wait3A_152] : memref<32x160x128xi32, #tpu.memory_space<hbm>> -> memref<1x160x128xi32, #tpu.memory_space<hbm>>
      %dma_wait3A_154 = tpu.memref_squeeze %dma_wait3A_153 : memref<1x160x128xi32, #tpu.memory_space<hbm>> -> memref<160x128xi32, #tpu.memory_space<hbm>>
      %dma_wait3A_155 = arith.constant 0 : i32
      %dma_wait3A_156 = arith.constant 0 : i32
      %dma_wait3A_157 = tpu.memref_slice %arg4[%add3A, %dma_wait3A_155, %dma_wait3A_156] : memref<32x160x128xi32, #tpu.memory_space<hbm>> -> memref<1x160x128xi32, #tpu.memory_space<hbm>>
      %dma_wait3A_158 = tpu.memref_squeeze %dma_wait3A_157 : memref<1x160x128xi32, #tpu.memory_space<hbm>> -> memref<160x128xi32, #tpu.memory_space<hbm>>
      tpu.wait_dma2 semaphore(%run_scoped3A : memref<!tpu.dma_semaphore, #tpu.memory_space<semaphore_mem>>) src(%dma_wait3A_158 : memref<160x128xi32, #tpu.memory_space<hbm>>) dst(%arg8 : memref<160x128xi32, #tpu.memory_space<vmem>>)
      tpu.yield
    }) : () -> ()
    %dma_wait3A = arith.constant 0 : i32
    %dma_wait3A_10 = tpu.memref_slice %arg11[%mul3A_2, %dma_wait3A] : memref<10112x16xf32, #tpu.memory_space<vmem_shared>> -> memref<632x16xf32, #tpu.memory_space<vmem_shared>>
    %dma_wait3A_11 = arith.constant 0 : i32
    %dma_wait3A_12 = tpu.memref_slice %arg2[%mul3A_2, %dma_wait3A_11] : memref<10112x16xf32, #tpu.memory_space<hbm>> -> memref<632x16xf32, #tpu.memory_space<hbm>>
    tpu.wait_dma2 semaphore(%arg13 : memref<!tpu.dma_semaphore, #tpu.memory_space<semaphore_mem>>) src(%dma_wait3A_12 : memref<632x16xf32, #tpu.memory_space<hbm>>) dst(%dma_wait3A_10 : memref<632x16xf32, #tpu.memory_space<vmem_shared>>)
    %dma_wait3A_13 = arith.constant 0 : i32
    %dma_wait3A_14 = tpu.memref_slice %arg10[%mul3A_2, %dma_wait3A_13] : memref<10112x16xf32, #tpu.memory_space<vmem_shared>> -> memref<632x16xf32, #tpu.memory_space<vmem_shared>>
    %dma_wait3A_15 = arith.constant 0 : i32
    %dma_wait3A_16 = tpu.memref_slice %arg5[%mul3A_2, %dma_wait3A_15] : memref<10112x16xf32, #tpu.memory_space<hbm>> -> memref<632x16xf32, #tpu.memory_space<hbm>>
    tpu.wait_dma2 semaphore(%arg12 : memref<!tpu.dma_semaphore, #tpu.memory_space<semaphore_mem>>) src(%dma_wait3A_16 : memref<632x16xf32, #tpu.memory_space<hbm>>) dst(%dma_wait3A_14 : memref<632x16xf32, #tpu.memory_space<vmem_shared>>)
    %barrier3A = arith.constant 0 : index
    tpu.barrier barrier_id(%barrier3A)
    %dma_start3A_17 = arith.constant 0 : i32
    %dma_start3A_18 = arith.constant 0 : i32
    %dma_start3A_19 = arith.constant 0 : i32
    %dma_start3A_20 = arith.constant 0 : i32
    %dma_start3A_21 = arith.constant 0 : i32
    %dma_start3A_22 = tpu.memref_slice %arg9[%dma_start3A_18, %dma_start3A_20, %dma_start3A_21] : memref<8x128x16xf32, #tpu.memory_space<vmem>> -> memref<1x128x16xf32, #tpu.memory_space<vmem>>
    %dma_start3A_23 = tpu.memref_squeeze %dma_start3A_22 : memref<1x128x16xf32, #tpu.memory_space<vmem>> -> memref<128x16xf32, #tpu.memory_space<vmem>>
    %dma_start3A_24 = arith.constant 0 : i32
    %dma_start3A_25 = tpu.memref_slice %arg7[%dma_start3A_17, %dma_start3A_24] : memref<160x128xi32, #tpu.memory_space<vmem>> -> memref<1x128xi32, #tpu.memory_space<vmem>>
    %dma_start3A_26 = tpu.memref_squeeze %dma_start3A_25 : memref<1x128xi32, #tpu.memory_space<vmem>> -> memref<128xi32, #tpu.memory_space<vmem>>
    %dma_start3A_27 = arith.constant 0 : i32
    %dma_start3A_28 = arith.constant 0 : i32
    %dma_start3A_29 = tpu.memref_slice %arg11[%dma_start3A_27, %dma_start3A_28] : memref<10112x16xf32, #tpu.memory_space<vmem_shared>> -> memref<10112x16xf32, #tpu.memory_space<vmem_shared>>
    %dma_start3A_30 = tpu.memref_slice %arg14[%dma_start3A_19] : memref<8x!tpu.dma_semaphore, #tpu.memory_space<semaphore_mem>> -> memref<1x!tpu.dma_semaphore, #tpu.memory_space<semaphore_mem>>
    %dma_start3A_31 = tpu.memref_squeeze %dma_start3A_30 : memref<1x!tpu.dma_semaphore, #tpu.memory_space<semaphore_mem>> -> memref<!tpu.dma_semaphore, #tpu.memory_space<semaphore_mem>>
    tpu.enqueue_indirect_dma source(%dma_start3A_29 : memref<10112x16xf32, #tpu.memory_space<vmem_shared>>) target(%dma_start3A_23 : memref<128x16xf32, #tpu.memory_space<vmem>>) offsets(%dma_start3A_26 : memref<128xi32, #tpu.memory_space<vmem>>) semaphore(%dma_start3A_31 : memref<!tpu.dma_semaphore, #tpu.memory_space<semaphore_mem>>)
    %dma_start3A_32 = arith.constant 1 : i32
    %dma_start3A_33 = arith.constant 1 : i32
    %dma_start3A_34 = arith.constant 1 : i32
    %dma_start3A_35 = arith.constant 0 : i32
    %dma_start3A_36 = arith.constant 0 : i32
    %dma_start3A_37 = tpu.memref_slice %arg9[%dma_start3A_33, %dma_start3A_35, %dma_start3A_36] : memref<8x128x16xf32, #tpu.memory_space<vmem>> -> memref<1x128x16xf32, #tpu.memory_space<vmem>>
    %dma_start3A_38 = tpu.memref_squeeze %dma_start3A_37 : memref<1x128x16xf32, #tpu.memory_space<vmem>> -> memref<128x16xf32, #tpu.memory_space<vmem>>
    %dma_start3A_39 = arith.constant 0 : i32
    %dma_start3A_40 = tpu.memref_slice %arg7[%dma_start3A_32, %dma_start3A_39] : memref<160x128xi32, #tpu.memory_space<vmem>> -> memref<1x128xi32, #tpu.memory_space<vmem>>
    %dma_start3A_41 = tpu.memref_squeeze %dma_start3A_40 : memref<1x128xi32, #tpu.memory_space<vmem>> -> memref<128xi32, #tpu.memory_space<vmem>>
    %dma_start3A_42 = arith.constant 0 : i32
    %dma_start3A_43 = arith.constant 0 : i32
    %dma_start3A_44 = tpu.memref_slice %arg11[%dma_start3A_42, %dma_start3A_43] : memref<10112x16xf32, #tpu.memory_space<vmem_shared>> -> memref<10112x16xf32, #tpu.memory_space<vmem_shared>>
    %dma_start3A_45 = tpu.memref_slice %arg14[%dma_start3A_34] : memref<8x!tpu.dma_semaphore, #tpu.memory_space<semaphore_mem>> -> memref<1x!tpu.dma_semaphore, #tpu.memory_space<semaphore_mem>>
    %dma_start3A_46 = tpu.memref_squeeze %dma_start3A_45 : memref<1x!tpu.dma_semaphore, #tpu.memory_space<semaphore_mem>> -> memref<!tpu.dma_semaphore, #tpu.memory_space<semaphore_mem>>
    tpu.enqueue_indirect_dma source(%dma_start3A_44 : memref<10112x16xf32, #tpu.memory_space<vmem_shared>>) target(%dma_start3A_38 : memref<128x16xf32, #tpu.memory_space<vmem>>) offsets(%dma_start3A_41 : memref<128xi32, #tpu.memory_space<vmem>>) semaphore(%dma_start3A_46 : memref<!tpu.dma_semaphore, #tpu.memory_space<semaphore_mem>>)
    %dma_start3A_47 = arith.constant 2 : i32
    %dma_start3A_48 = arith.constant 2 : i32
    %dma_start3A_49 = arith.constant 2 : i32
    %dma_start3A_50 = arith.constant 0 : i32
    %dma_start3A_51 = arith.constant 0 : i32
    %dma_start3A_52 = tpu.memref_slice %arg9[%dma_start3A_48, %dma_start3A_50, %dma_start3A_51] : memref<8x128x16xf32, #tpu.memory_space<vmem>> -> memref<1x128x16xf32, #tpu.memory_space<vmem>>
    %dma_start3A_53 = tpu.memref_squeeze %dma_start3A_52 : memref<1x128x16xf32, #tpu.memory_space<vmem>> -> memref<128x16xf32, #tpu.memory_space<vmem>>
    %dma_start3A_54 = arith.constant 0 : i32
    %dma_start3A_55 = tpu.memref_slice %arg7[%dma_start3A_47, %dma_start3A_54] : memref<160x128xi32, #tpu.memory_space<vmem>> -> memref<1x128xi32, #tpu.memory_space<vmem>>
    %dma_start3A_56 = tpu.memref_squeeze %dma_start3A_55 : memref<1x128xi32, #tpu.memory_space<vmem>> -> memref<128xi32, #tpu.memory_space<vmem>>
    %dma_start3A_57 = arith.constant 0 : i32
    %dma_start3A_58 = arith.constant 0 : i32
    %dma_start3A_59 = tpu.memref_slice %arg11[%dma_start3A_57, %dma_start3A_58] : memref<10112x16xf32, #tpu.memory_space<vmem_shared>> -> memref<10112x16xf32, #tpu.memory_space<vmem_shared>>
    %dma_start3A_60 = tpu.memref_slice %arg14[%dma_start3A_49] : memref<8x!tpu.dma_semaphore, #tpu.memory_space<semaphore_mem>> -> memref<1x!tpu.dma_semaphore, #tpu.memory_space<semaphore_mem>>
    %dma_start3A_61 = tpu.memref_squeeze %dma_start3A_60 : memref<1x!tpu.dma_semaphore, #tpu.memory_space<semaphore_mem>> -> memref<!tpu.dma_semaphore, #tpu.memory_space<semaphore_mem>>
    tpu.enqueue_indirect_dma source(%dma_start3A_59 : memref<10112x16xf32, #tpu.memory_space<vmem_shared>>) target(%dma_start3A_53 : memref<128x16xf32, #tpu.memory_space<vmem>>) offsets(%dma_start3A_56 : memref<128xi32, #tpu.memory_space<vmem>>) semaphore(%dma_start3A_61 : memref<!tpu.dma_semaphore, #tpu.memory_space<semaphore_mem>>)
    %dma_start3A_62 = arith.constant 3 : i32
    %dma_start3A_63 = arith.constant 3 : i32
    %dma_start3A_64 = arith.constant 3 : i32
    %dma_start3A_65 = arith.constant 0 : i32
    %dma_start3A_66 = arith.constant 0 : i32
    %dma_start3A_67 = tpu.memref_slice %arg9[%dma_start3A_63, %dma_start3A_65, %dma_start3A_66] : memref<8x128x16xf32, #tpu.memory_space<vmem>> -> memref<1x128x16xf32, #tpu.memory_space<vmem>>
    %dma_start3A_68 = tpu.memref_squeeze %dma_start3A_67 : memref<1x128x16xf32, #tpu.memory_space<vmem>> -> memref<128x16xf32, #tpu.memory_space<vmem>>
    %dma_start3A_69 = arith.constant 0 : i32
    %dma_start3A_70 = tpu.memref_slice %arg7[%dma_start3A_62, %dma_start3A_69] : memref<160x128xi32, #tpu.memory_space<vmem>> -> memref<1x128xi32, #tpu.memory_space<vmem>>
    %dma_start3A_71 = tpu.memref_squeeze %dma_start3A_70 : memref<1x128xi32, #tpu.memory_space<vmem>> -> memref<128xi32, #tpu.memory_space<vmem>>
    %dma_start3A_72 = arith.constant 0 : i32
    %dma_start3A_73 = arith.constant 0 : i32
    %dma_start3A_74 = tpu.memref_slice %arg11[%dma_start3A_72, %dma_start3A_73] : memref<10112x16xf32, #tpu.memory_space<vmem_shared>> -> memref<10112x16xf32, #tpu.memory_space<vmem_shared>>
    %dma_start3A_75 = tpu.memref_slice %arg14[%dma_start3A_64] : memref<8x!tpu.dma_semaphore, #tpu.memory_space<semaphore_mem>> -> memref<1x!tpu.dma_semaphore, #tpu.memory_space<semaphore_mem>>
    %dma_start3A_76 = tpu.memref_squeeze %dma_start3A_75 : memref<1x!tpu.dma_semaphore, #tpu.memory_space<semaphore_mem>> -> memref<!tpu.dma_semaphore, #tpu.memory_space<semaphore_mem>>
    tpu.enqueue_indirect_dma source(%dma_start3A_74 : memref<10112x16xf32, #tpu.memory_space<vmem_shared>>) target(%dma_start3A_68 : memref<128x16xf32, #tpu.memory_space<vmem>>) offsets(%dma_start3A_71 : memref<128xi32, #tpu.memory_space<vmem>>) semaphore(%dma_start3A_76 : memref<!tpu.dma_semaphore, #tpu.memory_space<semaphore_mem>>)
    %dma_start3A_77 = arith.constant 4 : i32
    %dma_start3A_78 = arith.constant 4 : i32
    %dma_start3A_79 = arith.constant 4 : i32
    %dma_start3A_80 = arith.constant 0 : i32
    %dma_start3A_81 = arith.constant 0 : i32
    %dma_start3A_82 = tpu.memref_slice %arg9[%dma_start3A_78, %dma_start3A_80, %dma_start3A_81] : memref<8x128x16xf32, #tpu.memory_space<vmem>> -> memref<1x128x16xf32, #tpu.memory_space<vmem>>
    %dma_start3A_83 = tpu.memref_squeeze %dma_start3A_82 : memref<1x128x16xf32, #tpu.memory_space<vmem>> -> memref<128x16xf32, #tpu.memory_space<vmem>>
    %dma_start3A_84 = arith.constant 0 : i32
    %dma_start3A_85 = tpu.memref_slice %arg7[%dma_start3A_77, %dma_start3A_84] : memref<160x128xi32, #tpu.memory_space<vmem>> -> memref<1x128xi32, #tpu.memory_space<vmem>>
    %dma_start3A_86 = tpu.memref_squeeze %dma_start3A_85 : memref<1x128xi32, #tpu.memory_space<vmem>> -> memref<128xi32, #tpu.memory_space<vmem>>
    %dma_start3A_87 = arith.constant 0 : i32
    %dma_start3A_88 = arith.constant 0 : i32
    %dma_start3A_89 = tpu.memref_slice %arg11[%dma_start3A_87, %dma_start3A_88] : memref<10112x16xf32, #tpu.memory_space<vmem_shared>> -> memref<10112x16xf32, #tpu.memory_space<vmem_shared>>
    %dma_start3A_90 = tpu.memref_slice %arg14[%dma_start3A_79] : memref<8x!tpu.dma_semaphore, #tpu.memory_space<semaphore_mem>> -> memref<1x!tpu.dma_semaphore, #tpu.memory_space<semaphore_mem>>
    %dma_start3A_91 = tpu.memref_squeeze %dma_start3A_90 : memref<1x!tpu.dma_semaphore, #tpu.memory_space<semaphore_mem>> -> memref<!tpu.dma_semaphore, #tpu.memory_space<semaphore_mem>>
    tpu.enqueue_indirect_dma source(%dma_start3A_89 : memref<10112x16xf32, #tpu.memory_space<vmem_shared>>) target(%dma_start3A_83 : memref<128x16xf32, #tpu.memory_space<vmem>>) offsets(%dma_start3A_86 : memref<128xi32, #tpu.memory_space<vmem>>) semaphore(%dma_start3A_91 : memref<!tpu.dma_semaphore, #tpu.memory_space<semaphore_mem>>)
    %dma_start3A_92 = arith.constant 5 : i32
    %dma_start3A_93 = arith.constant 5 : i32
    %dma_start3A_94 = arith.constant 5 : i32
    %dma_start3A_95 = arith.constant 0 : i32
    %dma_start3A_96 = arith.constant 0 : i32
    %dma_start3A_97 = tpu.memref_slice %arg9[%dma_start3A_93, %dma_start3A_95, %dma_start3A_96] : memref<8x128x16xf32, #tpu.memory_space<vmem>> -> memref<1x128x16xf32, #tpu.memory_space<vmem>>
    %dma_start3A_98 = tpu.memref_squeeze %dma_start3A_97 : memref<1x128x16xf32, #tpu.memory_space<vmem>> -> memref<128x16xf32, #tpu.memory_space<vmem>>
    %dma_start3A_99 = arith.constant 0 : i32
    %dma_start3A_100 = tpu.memref_slice %arg7[%dma_start3A_92, %dma_start3A_99] : memref<160x128xi32, #tpu.memory_space<vmem>> -> memref<1x128xi32, #tpu.memory_space<vmem>>
    %dma_start3A_101 = tpu.memref_squeeze %dma_start3A_100 : memref<1x128xi32, #tpu.memory_space<vmem>> -> memref<128xi32, #tpu.memory_space<vmem>>
    %dma_start3A_102 = arith.constant 0 : i32
    %dma_start3A_103 = arith.constant 0 : i32
    %dma_start3A_104 = tpu.memref_slice %arg11[%dma_start3A_102, %dma_start3A_103] : memref<10112x16xf32, #tpu.memory_space<vmem_shared>> -> memref<10112x16xf32, #tpu.memory_space<vmem_shared>>
    %dma_start3A_105 = tpu.memref_slice %arg14[%dma_start3A_94] : memref<8x!tpu.dma_semaphore, #tpu.memory_space<semaphore_mem>> -> memref<1x!tpu.dma_semaphore, #tpu.memory_space<semaphore_mem>>
    %dma_start3A_106 = tpu.memref_squeeze %dma_start3A_105 : memref<1x!tpu.dma_semaphore, #tpu.memory_space<semaphore_mem>> -> memref<!tpu.dma_semaphore, #tpu.memory_space<semaphore_mem>>
    tpu.enqueue_indirect_dma source(%dma_start3A_104 : memref<10112x16xf32, #tpu.memory_space<vmem_shared>>) target(%dma_start3A_98 : memref<128x16xf32, #tpu.memory_space<vmem>>) offsets(%dma_start3A_101 : memref<128xi32, #tpu.memory_space<vmem>>) semaphore(%dma_start3A_106 : memref<!tpu.dma_semaphore, #tpu.memory_space<semaphore_mem>>)
    %dma_start3A_107 = arith.constant 6 : i32
    %dma_start3A_108 = arith.constant 6 : i32
    %dma_start3A_109 = arith.constant 6 : i32
    %dma_start3A_110 = arith.constant 0 : i32
    %dma_start3A_111 = arith.constant 0 : i32
    %dma_start3A_112 = tpu.memref_slice %arg9[%dma_start3A_108, %dma_start3A_110, %dma_start3A_111] : memref<8x128x16xf32, #tpu.memory_space<vmem>> -> memref<1x128x16xf32, #tpu.memory_space<vmem>>
    %dma_start3A_113 = tpu.memref_squeeze %dma_start3A_112 : memref<1x128x16xf32, #tpu.memory_space<vmem>> -> memref<128x16xf32, #tpu.memory_space<vmem>>
    %dma_start3A_114 = arith.constant 0 : i32
    %dma_start3A_115 = tpu.memref_slice %arg7[%dma_start3A_107, %dma_start3A_114] : memref<160x128xi32, #tpu.memory_space<vmem>> -> memref<1x128xi32, #tpu.memory_space<vmem>>
    %dma_start3A_116 = tpu.memref_squeeze %dma_start3A_115 : memref<1x128xi32, #tpu.memory_space<vmem>> -> memref<128xi32, #tpu.memory_space<vmem>>
    %dma_start3A_117 = arith.constant 0 : i32
    %dma_start3A_118 = arith.constant 0 : i32
    %dma_start3A_119 = tpu.memref_slice %arg11[%dma_start3A_117, %dma_start3A_118] : memref<10112x16xf32, #tpu.memory_space<vmem_shared>> -> memref<10112x16xf32, #tpu.memory_space<vmem_shared>>
    %dma_start3A_120 = tpu.memref_slice %arg14[%dma_start3A_109] : memref<8x!tpu.dma_semaphore, #tpu.memory_space<semaphore_mem>> -> memref<1x!tpu.dma_semaphore, #tpu.memory_space<semaphore_mem>>
    %dma_start3A_121 = tpu.memref_squeeze %dma_start3A_120 : memref<1x!tpu.dma_semaphore, #tpu.memory_space<semaphore_mem>> -> memref<!tpu.dma_semaphore, #tpu.memory_space<semaphore_mem>>
    tpu.enqueue_indirect_dma source(%dma_start3A_119 : memref<10112x16xf32, #tpu.memory_space<vmem_shared>>) target(%dma_start3A_113 : memref<128x16xf32, #tpu.memory_space<vmem>>) offsets(%dma_start3A_116 : memref<128xi32, #tpu.memory_space<vmem>>) semaphore(%dma_start3A_121 : memref<!tpu.dma_semaphore, #tpu.memory_space<semaphore_mem>>)
    %dma_start3A_122 = arith.constant 7 : i32
    %dma_start3A_123 = arith.constant 7 : i32
    %dma_start3A_124 = arith.constant 7 : i32
    %dma_start3A_125 = arith.constant 0 : i32
    %dma_start3A_126 = arith.constant 0 : i32
    %dma_start3A_127 = tpu.memref_slice %arg9[%dma_start3A_123, %dma_start3A_125, %dma_start3A_126] : memref<8x128x16xf32, #tpu.memory_space<vmem>> -> memref<1x128x16xf32, #tpu.memory_space<vmem>>
    %dma_start3A_128 = tpu.memref_squeeze %dma_start3A_127 : memref<1x128x16xf32, #tpu.memory_space<vmem>> -> memref<128x16xf32, #tpu.memory_space<vmem>>
    %dma_start3A_129 = arith.constant 0 : i32
    %dma_start3A_130 = tpu.memref_slice %arg7[%dma_start3A_122, %dma_start3A_129] : memref<160x128xi32, #tpu.memory_space<vmem>> -> memref<1x128xi32, #tpu.memory_space<vmem>>
    %dma_start3A_131 = tpu.memref_squeeze %dma_start3A_130 : memref<1x128xi32, #tpu.memory_space<vmem>> -> memref<128xi32, #tpu.memory_space<vmem>>
    %dma_start3A_132 = arith.constant 0 : i32
    %dma_start3A_133 = arith.constant 0 : i32
    %dma_start3A_134 = tpu.memref_slice %arg11[%dma_start3A_132, %dma_start3A_133] : memref<10112x16xf32, #tpu.memory_space<vmem_shared>> -> memref<10112x16xf32, #tpu.memory_space<vmem_shared>>
    %dma_start3A_135 = tpu.memref_slice %arg14[%dma_start3A_124] : memref<8x!tpu.dma_semaphore, #tpu.memory_space<semaphore_mem>> -> memref<1x!tpu.dma_semaphore, #tpu.memory_space<semaphore_mem>>
    %dma_start3A_136 = tpu.memref_squeeze %dma_start3A_135 : memref<1x!tpu.dma_semaphore, #tpu.memory_space<semaphore_mem>> -> memref<!tpu.dma_semaphore, #tpu.memory_space<semaphore_mem>>
    tpu.enqueue_indirect_dma source(%dma_start3A_134 : memref<10112x16xf32, #tpu.memory_space<vmem_shared>>) target(%dma_start3A_128 : memref<128x16xf32, #tpu.memory_space<vmem>>) offsets(%dma_start3A_131 : memref<128xi32, #tpu.memory_space<vmem>>) semaphore(%dma_start3A_136 : memref<!tpu.dma_semaphore, #tpu.memory_space<semaphore_mem>>)
    %scan3A = arith.constant 0 : i32
    %scan3A_137 = arith.constant 0 : i32
    %scan3A_138 = arith.constant 20 : i32
    %scan3A_139 = arith.addi %scan3A_137, %scan3A_138 : i32
    %scan3A_140 = arith.constant 1 : i32
    scf.for %scan3A_143 = %scan3A_137 to %scan3A_139 step %scan3A_140  : i32 {
      %mul3A_144 = arith.constant 8 : i32
      %mul3A_145 = arith.muli %scan3A_143, %mul3A_144 : i32
      %add3A_146 = arith.constant 0 : i32
      %add3A_147 = arith.addi %mul3A_145, %add3A_146 : i32
      %dma_wait3A_148 = arith.constant 0 : i32
      %dma_wait3A_149 = arith.constant 0 : i32
      %dma_wait3A_150 = arith.constant 0 : i32
      %dma_wait3A_151 = arith.constant 0 : i32
      %dma_wait3A_152 = tpu.memref_slice %arg9[%dma_wait3A_148, %dma_wait3A_150, %dma_wait3A_151] : memref<8x128x16xf32, #tpu.memory_space<vmem>> -> memref<1x128x16xf32, #tpu.memory_space<vmem>>
      %dma_wait3A_153 = tpu.memref_squeeze %dma_wait3A_152 : memref<1x128x16xf32, #tpu.memory_space<vmem>> -> memref<128x16xf32, #tpu.memory_space<vmem>>
      %dma_wait3A_154 = arith.constant 0 : i32
      %dma_wait3A_155 = tpu.memref_slice %arg7[%add3A_147, %dma_wait3A_154] : memref<160x128xi32, #tpu.memory_space<vmem>> -> memref<1x128xi32, #tpu.memory_space<vmem>>
      %dma_wait3A_156 = tpu.memref_squeeze %dma_wait3A_155 : memref<1x128xi32, #tpu.memory_space<vmem>> -> memref<128xi32, #tpu.memory_space<vmem>>
      %dma_wait3A_157 = arith.constant 0 : i32
      %dma_wait3A_158 = arith.constant 0 : i32
      %dma_wait3A_159 = tpu.memref_slice %arg11[%dma_wait3A_157, %dma_wait3A_158] : memref<10112x16xf32, #tpu.memory_space<vmem_shared>> -> memref<10112x16xf32, #tpu.memory_space<vmem_shared>>
      %dma_wait3A_160 = tpu.memref_slice %arg14[%dma_wait3A_149] : memref<8x!tpu.dma_semaphore, #tpu.memory_space<semaphore_mem>> -> memref<1x!tpu.dma_semaphore, #tpu.memory_space<semaphore_mem>>
      %dma_wait3A_161 = tpu.memref_squeeze %dma_wait3A_160 : memref<1x!tpu.dma_semaphore, #tpu.memory_space<semaphore_mem>> -> memref<!tpu.dma_semaphore, #tpu.memory_space<semaphore_mem>>
      tpu.wait_indirect_dma semaphore(%dma_wait3A_161 : memref<!tpu.dma_semaphore, #tpu.memory_space<semaphore_mem>>) src(%dma_wait3A_159 : memref<10112x16xf32, #tpu.memory_space<vmem_shared>>) dst(%dma_wait3A_153 : memref<128x16xf32, #tpu.memory_space<vmem>>)
      %dma_start3A_162 = arith.constant 0 : i32
      %dma_start3A_163 = arith.constant 0 : i32
      %dma_start3A_164 = arith.constant 0 : i32
      %dma_start3A_165 = arith.constant 0 : i32
      %dma_start3A_166 = tpu.memref_slice %arg9[%dma_start3A_162, %dma_start3A_164, %dma_start3A_165] : memref<8x128x16xf32, #tpu.memory_space<vmem>> -> memref<1x128x16xf32, #tpu.memory_space<vmem>>
      %dma_start3A_167 = tpu.memref_squeeze %dma_start3A_166 : memref<1x128x16xf32, #tpu.memory_space<vmem>> -> memref<128x16xf32, #tpu.memory_space<vmem>>
      %dma_start3A_168 = arith.constant 0 : i32
      %dma_start3A_169 = tpu.memref_slice %arg8[%add3A_147, %dma_start3A_168] : memref<160x128xi32, #tpu.memory_space<vmem>> -> memref<1x128xi32, #tpu.memory_space<vmem>>
      %dma_start3A_170 = tpu.memref_squeeze %dma_start3A_169 : memref<1x128xi32, #tpu.memory_space<vmem>> -> memref<128xi32, #tpu.memory_space<vmem>>
      %dma_start3A_171 = arith.constant 0 : i32
      %dma_start3A_172 = arith.constant 0 : i32
      %dma_start3A_173 = tpu.memref_slice %arg10[%dma_start3A_171, %dma_start3A_172] : memref<10112x16xf32, #tpu.memory_space<vmem_shared>> -> memref<10112x16xf32, #tpu.memory_space<vmem_shared>>
      %dma_start3A_174 = tpu.memref_slice %arg15[%dma_start3A_163] : memref<8x!tpu.dma_semaphore, #tpu.memory_space<semaphore_mem>> -> memref<1x!tpu.dma_semaphore, #tpu.memory_space<semaphore_mem>>
      %dma_start3A_175 = tpu.memref_squeeze %dma_start3A_174 : memref<1x!tpu.dma_semaphore, #tpu.memory_space<semaphore_mem>> -> memref<!tpu.dma_semaphore, #tpu.memory_space<semaphore_mem>>
      tpu.enqueue_indirect_dma source(%dma_start3A_167 : memref<128x16xf32, #tpu.memory_space<vmem>>) target(%dma_start3A_173 : memref<10112x16xf32, #tpu.memory_space<vmem_shared>>) offsets(%dma_start3A_170 : memref<128xi32, #tpu.memory_space<vmem>>) semaphore(%dma_start3A_175 : memref<!tpu.dma_semaphore, #tpu.memory_space<semaphore_mem>>) {add = true}
      %dma_wait3A_176 = arith.constant 0 : i32
      %dma_wait3A_177 = arith.constant 0 : i32
      %dma_wait3A_178 = arith.constant 0 : i32
      %dma_wait3A_179 = arith.constant 0 : i32
      %dma_wait3A_180 = tpu.memref_slice %arg9[%dma_wait3A_176, %dma_wait3A_178, %dma_wait3A_179] : memref<8x128x16xf32, #tpu.memory_space<vmem>> -> memref<1x128x16xf32, #tpu.memory_space<vmem>>
      %dma_wait3A_181 = tpu.memref_squeeze %dma_wait3A_180 : memref<1x128x16xf32, #tpu.memory_space<vmem>> -> memref<128x16xf32, #tpu.memory_space<vmem>>
      %dma_wait3A_182 = arith.constant 0 : i32
      %dma_wait3A_183 = tpu.memref_slice %arg8[%add3A_147, %dma_wait3A_182] : memref<160x128xi32, #tpu.memory_space<vmem>> -> memref<1x128xi32, #tpu.memory_space<vmem>>
      %dma_wait3A_184 = tpu.memref_squeeze %dma_wait3A_183 : memref<1x128xi32, #tpu.memory_space<vmem>> -> memref<128xi32, #tpu.memory_space<vmem>>
      %dma_wait3A_185 = arith.constant 0 : i32
      %dma_wait3A_186 = arith.constant 0 : i32
      %dma_wait3A_187 = tpu.memref_slice %arg10[%dma_wait3A_185, %dma_wait3A_186] : memref<10112x16xf32, #tpu.memory_space<vmem_shared>> -> memref<10112x16xf32, #tpu.memory_space<vmem_shared>>
      %dma_wait3A_188 = tpu.memref_slice %arg15[%dma_wait3A_177] : memref<8x!tpu.dma_semaphore, #tpu.memory_space<semaphore_mem>> -> memref<1x!tpu.dma_semaphore, #tpu.memory_space<semaphore_mem>>
      %dma_wait3A_189 = tpu.memref_squeeze %dma_wait3A_188 : memref<1x!tpu.dma_semaphore, #tpu.memory_space<semaphore_mem>> -> memref<!tpu.dma_semaphore, #tpu.memory_space<semaphore_mem>>
      tpu.wait_indirect_dma semaphore(%dma_wait3A_189 : memref<!tpu.dma_semaphore, #tpu.memory_space<semaphore_mem>>) src(%dma_wait3A_181 : memref<128x16xf32, #tpu.memory_space<vmem>>) dst(%dma_wait3A_187 : memref<10112x16xf32, #tpu.memory_space<vmem_shared>>)
      %add3A_190 = arith.constant 8 : i32
      %add3A_191 = arith.addi %add3A_147, %add3A_190 : i32
      %lt3A = arith.constant 160 : i32
      %lt3A_192 = arith.cmpi slt, %add3A_191, %lt3A : i32
      %convert_element_type3A = arith.extui %lt3A_192 : i1 to i32
      %cond3A = arith.constant 0 : i32
      %cond3A_193 = arith.cmpi ne, %convert_element_type3A, %cond3A : i32
      scf.if %cond3A_193 {
        %add3A_565 = arith.constant 8 : i32
        %add3A_566 = arith.addi %add3A_147, %add3A_565 : i32
        %dma_start3A_567 = arith.constant 0 : i32
        %dma_start3A_568 = arith.constant 0 : i32
        %dma_start3A_569 = arith.constant 0 : i32
        %dma_start3A_570 = arith.constant 0 : i32
        %dma_start3A_571 = tpu.memref_slice %arg9[%dma_start3A_567, %dma_start3A_569, %dma_start3A_570] : memref<8x128x16xf32, #tpu.memory_space<vmem>> -> memref<1x128x16xf32, #tpu.memory_space<vmem>>
        %dma_start3A_572 = tpu.memref_squeeze %dma_start3A_571 : memref<1x128x16xf32, #tpu.memory_space<vmem>> -> memref<128x16xf32, #tpu.memory_space<vmem>>
        %dma_start3A_573 = arith.constant 0 : i32
        %dma_start3A_574 = tpu.memref_slice %arg7[%add3A_566, %dma_start3A_573] : memref<160x128xi32, #tpu.memory_space<vmem>> -> memref<1x128xi32, #tpu.memory_space<vmem>>
        %dma_start3A_575 = tpu.memref_squeeze %dma_start3A_574 : memref<1x128xi32, #tpu.memory_space<vmem>> -> memref<128xi32, #tpu.memory_space<vmem>>
        %dma_start3A_576 = arith.constant 0 : i32
        %dma_start3A_577 = arith.constant 0 : i32
        %dma_start3A_578 = tpu.memref_slice %arg11[%dma_start3A_576, %dma_start3A_577] : memref<10112x16xf32, #tpu.memory_space<vmem_shared>> -> memref<10112x16xf32, #tpu.memory_space<vmem_shared>>
        %dma_start3A_579 = tpu.memref_slice %arg14[%dma_start3A_568] : memref<8x!tpu.dma_semaphore, #tpu.memory_space<semaphore_mem>> -> memref<1x!tpu.dma_semaphore, #tpu.memory_space<semaphore_mem>>
        %dma_start3A_580 = tpu.memref_squeeze %dma_start3A_579 : memref<1x!tpu.dma_semaphore, #tpu.memory_space<semaphore_mem>> -> memref<!tpu.dma_semaphore, #tpu.memory_space<semaphore_mem>>
        tpu.enqueue_indirect_dma source(%dma_start3A_578 : memref<10112x16xf32, #tpu.memory_space<vmem_shared>>) target(%dma_start3A_572 : memref<128x16xf32, #tpu.memory_space<vmem>>) offsets(%dma_start3A_575 : memref<128xi32, #tpu.memory_space<vmem>>) semaphore(%dma_start3A_580 : memref<!tpu.dma_semaphore, #tpu.memory_space<semaphore_mem>>)
      } else {
      }
      %mul3A_194 = arith.constant 8 : i32
      %mul3A_195 = arith.muli %scan3A_143, %mul3A_194 : i32
      %add3A_196 = arith.constant 1 : i32
      %add3A_197 = arith.addi %mul3A_195, %add3A_196 : i32
      %dma_wait3A_198 = arith.constant 1 : i32
      %dma_wait3A_199 = arith.constant 1 : i32
      %dma_wait3A_200 = arith.constant 0 : i32
      %dma_wait3A_201 = arith.constant 0 : i32
      %dma_wait3A_202 = tpu.memref_slice %arg9[%dma_wait3A_198, %dma_wait3A_200, %dma_wait3A_201] : memref<8x128x16xf32, #tpu.memory_space<vmem>> -> memref<1x128x16xf32, #tpu.memory_space<vmem>>
      %dma_wait3A_203 = tpu.memref_squeeze %dma_wait3A_202 : memref<1x128x16xf32, #tpu.memory_space<vmem>> -> memref<128x16xf32, #tpu.memory_space<vmem>>
      %dma_wait3A_204 = arith.constant 0 : i32
      %dma_wait3A_205 = tpu.memref_slice %arg7[%add3A_197, %dma_wait3A_204] : memref<160x128xi32, #tpu.memory_space<vmem>> -> memref<1x128xi32, #tpu.memory_space<vmem>>
      %dma_wait3A_206 = tpu.memref_squeeze %dma_wait3A_205 : memref<1x128xi32, #tpu.memory_space<vmem>> -> memref<128xi32, #tpu.memory_space<vmem>>
      %dma_wait3A_207 = arith.constant 0 : i32
      %dma_wait3A_208 = arith.constant 0 : i32
      %dma_wait3A_209 = tpu.memref_slice %arg11[%dma_wait3A_207, %dma_wait3A_208] : memref<10112x16xf32, #tpu.memory_space<vmem_shared>> -> memref<10112x16xf32, #tpu.memory_space<vmem_shared>>
      %dma_wait3A_210 = tpu.memref_slice %arg14[%dma_wait3A_199] : memref<8x!tpu.dma_semaphore, #tpu.memory_space<semaphore_mem>> -> memref<1x!tpu.dma_semaphore, #tpu.memory_space<semaphore_mem>>
      %dma_wait3A_211 = tpu.memref_squeeze %dma_wait3A_210 : memref<1x!tpu.dma_semaphore, #tpu.memory_space<semaphore_mem>> -> memref<!tpu.dma_semaphore, #tpu.memory_space<semaphore_mem>>
      tpu.wait_indirect_dma semaphore(%dma_wait3A_211 : memref<!tpu.dma_semaphore, #tpu.memory_space<semaphore_mem>>) src(%dma_wait3A_209 : memref<10112x16xf32, #tpu.memory_space<vmem_shared>>) dst(%dma_wait3A_203 : memref<128x16xf32, #tpu.memory_space<vmem>>)
      %dma_start3A_212 = arith.constant 1 : i32
      %dma_start3A_213 = arith.constant 1 : i32
      %dma_start3A_214 = arith.constant 0 : i32
      %dma_start3A_215 = arith.constant 0 : i32
      %dma_start3A_216 = tpu.memref_slice %arg9[%dma_start3A_212, %dma_start3A_214, %dma_start3A_215] : memref<8x128x16xf32, #tpu.memory_space<vmem>> -> memref<1x128x16xf32, #tpu.memory_space<vmem>>
      %dma_start3A_217 = tpu.memref_squeeze %dma_start3A_216 : memref<1x128x16xf32, #tpu.memory_space<vmem>> -> memref<128x16xf32, #tpu.memory_space<vmem>>
      %dma_start3A_218 = arith.constant 0 : i32
      %dma_start3A_219 = tpu.memref_slice %arg8[%add3A_197, %dma_start3A_218] : memref<160x128xi32, #tpu.memory_space<vmem>> -> memref<1x128xi32, #tpu.memory_space<vmem>>
      %dma_start3A_220 = tpu.memref_squeeze %dma_start3A_219 : memref<1x128xi32, #tpu.memory_space<vmem>> -> memref<128xi32, #tpu.memory_space<vmem>>
      %dma_start3A_221 = arith.constant 0 : i32
      %dma_start3A_222 = arith.constant 0 : i32
      %dma_start3A_223 = tpu.memref_slice %arg10[%dma_start3A_221, %dma_start3A_222] : memref<10112x16xf32, #tpu.memory_space<vmem_shared>> -> memref<10112x16xf32, #tpu.memory_space<vmem_shared>>
      %dma_start3A_224 = tpu.memref_slice %arg15[%dma_start3A_213] : memref<8x!tpu.dma_semaphore, #tpu.memory_space<semaphore_mem>> -> memref<1x!tpu.dma_semaphore, #tpu.memory_space<semaphore_mem>>
      %dma_start3A_225 = tpu.memref_squeeze %dma_start3A_224 : memref<1x!tpu.dma_semaphore, #tpu.memory_space<semaphore_mem>> -> memref<!tpu.dma_semaphore, #tpu.memory_space<semaphore_mem>>
      tpu.enqueue_indirect_dma source(%dma_start3A_217 : memref<128x16xf32, #tpu.memory_space<vmem>>) target(%dma_start3A_223 : memref<10112x16xf32, #tpu.memory_space<vmem_shared>>) offsets(%dma_start3A_220 : memref<128xi32, #tpu.memory_space<vmem>>) semaphore(%dma_start3A_225 : memref<!tpu.dma_semaphore, #tpu.memory_space<semaphore_mem>>) {add = true}
      %dma_wait3A_226 = arith.constant 1 : i32
      %dma_wait3A_227 = arith.constant 1 : i32
      %dma_wait3A_228 = arith.constant 0 : i32
      %dma_wait3A_229 = arith.constant 0 : i32
      %dma_wait3A_230 = tpu.memref_slice %arg9[%dma_wait3A_226, %dma_wait3A_228, %dma_wait3A_229] : memref<8x128x16xf32, #tpu.memory_space<vmem>> -> memref<1x128x16xf32, #tpu.memory_space<vmem>>
      %dma_wait3A_231 = tpu.memref_squeeze %dma_wait3A_230 : memref<1x128x16xf32, #tpu.memory_space<vmem>> -> memref<128x16xf32, #tpu.memory_space<vmem>>
      %dma_wait3A_232 = arith.constant 0 : i32
      %dma_wait3A_233 = tpu.memref_slice %arg8[%add3A_197, %dma_wait3A_232] : memref<160x128xi32, #tpu.memory_space<vmem>> -> memref<1x128xi32, #tpu.memory_space<vmem>>
      %dma_wait3A_234 = tpu.memref_squeeze %dma_wait3A_233 : memref<1x128xi32, #tpu.memory_space<vmem>> -> memref<128xi32, #tpu.memory_space<vmem>>
      %dma_wait3A_235 = arith.constant 0 : i32
      %dma_wait3A_236 = arith.constant 0 : i32
      %dma_wait3A_237 = tpu.memref_slice %arg10[%dma_wait3A_235, %dma_wait3A_236] : memref<10112x16xf32, #tpu.memory_space<vmem_shared>> -> memref<10112x16xf32, #tpu.memory_space<vmem_shared>>
      %dma_wait3A_238 = tpu.memref_slice %arg15[%dma_wait3A_227] : memref<8x!tpu.dma_semaphore, #tpu.memory_space<semaphore_mem>> -> memref<1x!tpu.dma_semaphore, #tpu.memory_space<semaphore_mem>>
      %dma_wait3A_239 = tpu.memref_squeeze %dma_wait3A_238 : memref<1x!tpu.dma_semaphore, #tpu.memory_space<semaphore_mem>> -> memref<!tpu.dma_semaphore, #tpu.memory_space<semaphore_mem>>
      tpu.wait_indirect_dma semaphore(%dma_wait3A_239 : memref<!tpu.dma_semaphore, #tpu.memory_space<semaphore_mem>>) src(%dma_wait3A_231 : memref<128x16xf32, #tpu.memory_space<vmem>>) dst(%dma_wait3A_237 : memref<10112x16xf32, #tpu.memory_space<vmem_shared>>)
      %add3A_240 = arith.constant 8 : i32
      %add3A_241 = arith.addi %add3A_197, %add3A_240 : i32
      %lt3A_242 = arith.constant 160 : i32
      %lt3A_243 = arith.cmpi slt, %add3A_241, %lt3A_242 : i32
      %convert_element_type3A_244 = arith.extui %lt3A_243 : i1 to i32
      %cond3A_245 = arith.constant 0 : i32
      %cond3A_246 = arith.cmpi ne, %convert_element_type3A_244, %cond3A_245 : i32
      scf.if %cond3A_246 {
        %add3A_565 = arith.constant 8 : i32
        %add3A_566 = arith.addi %add3A_197, %add3A_565 : i32
        %dma_start3A_567 = arith.constant 1 : i32
        %dma_start3A_568 = arith.constant 1 : i32
        %dma_start3A_569 = arith.constant 0 : i32
        %dma_start3A_570 = arith.constant 0 : i32
        %dma_start3A_571 = tpu.memref_slice %arg9[%dma_start3A_567, %dma_start3A_569, %dma_start3A_570] : memref<8x128x16xf32, #tpu.memory_space<vmem>> -> memref<1x128x16xf32, #tpu.memory_space<vmem>>
        %dma_start3A_572 = tpu.memref_squeeze %dma_start3A_571 : memref<1x128x16xf32, #tpu.memory_space<vmem>> -> memref<128x16xf32, #tpu.memory_space<vmem>>
        %dma_start3A_573 = arith.constant 0 : i32
        %dma_start3A_574 = tpu.memref_slice %arg7[%add3A_566, %dma_start3A_573] : memref<160x128xi32, #tpu.memory_space<vmem>> -> memref<1x128xi32, #tpu.memory_space<vmem>>
        %dma_start3A_575 = tpu.memref_squeeze %dma_start3A_574 : memref<1x128xi32, #tpu.memory_space<vmem>> -> memref<128xi32, #tpu.memory_space<vmem>>
        %dma_start3A_576 = arith.constant 0 : i32
        %dma_start3A_577 = arith.constant 0 : i32
        %dma_start3A_578 = tpu.memref_slice %arg11[%dma_start3A_576, %dma_start3A_577] : memref<10112x16xf32, #tpu.memory_space<vmem_shared>> -> memref<10112x16xf32, #tpu.memory_space<vmem_shared>>
        %dma_start3A_579 = tpu.memref_slice %arg14[%dma_start3A_568] : memref<8x!tpu.dma_semaphore, #tpu.memory_space<semaphore_mem>> -> memref<1x!tpu.dma_semaphore, #tpu.memory_space<semaphore_mem>>
        %dma_start3A_580 = tpu.memref_squeeze %dma_start3A_579 : memref<1x!tpu.dma_semaphore, #tpu.memory_space<semaphore_mem>> -> memref<!tpu.dma_semaphore, #tpu.memory_space<semaphore_mem>>
        tpu.enqueue_indirect_dma source(%dma_start3A_578 : memref<10112x16xf32, #tpu.memory_space<vmem_shared>>) target(%dma_start3A_572 : memref<128x16xf32, #tpu.memory_space<vmem>>) offsets(%dma_start3A_575 : memref<128xi32, #tpu.memory_space<vmem>>) semaphore(%dma_start3A_580 : memref<!tpu.dma_semaphore, #tpu.memory_space<semaphore_mem>>)
      } else {
      }
      %mul3A_247 = arith.constant 8 : i32
      %mul3A_248 = arith.muli %scan3A_143, %mul3A_247 : i32
      %add3A_249 = arith.constant 2 : i32
      %add3A_250 = arith.addi %mul3A_248, %add3A_249 : i32
      %dma_wait3A_251 = arith.constant 2 : i32
      %dma_wait3A_252 = arith.constant 2 : i32
      %dma_wait3A_253 = arith.constant 0 : i32
      %dma_wait3A_254 = arith.constant 0 : i32
      %dma_wait3A_255 = tpu.memref_slice %arg9[%dma_wait3A_251, %dma_wait3A_253, %dma_wait3A_254] : memref<8x128x16xf32, #tpu.memory_space<vmem>> -> memref<1x128x16xf32, #tpu.memory_space<vmem>>
      %dma_wait3A_256 = tpu.memref_squeeze %dma_wait3A_255 : memref<1x128x16xf32, #tpu.memory_space<vmem>> -> memref<128x16xf32, #tpu.memory_space<vmem>>
      %dma_wait3A_257 = arith.constant 0 : i32
      %dma_wait3A_258 = tpu.memref_slice %arg7[%add3A_250, %dma_wait3A_257] : memref<160x128xi32, #tpu.memory_space<vmem>> -> memref<1x128xi32, #tpu.memory_space<vmem>>
      %dma_wait3A_259 = tpu.memref_squeeze %dma_wait3A_258 : memref<1x128xi32, #tpu.memory_space<vmem>> -> memref<128xi32, #tpu.memory_space<vmem>>
      %dma_wait3A_260 = arith.constant 0 : i32
      %dma_wait3A_261 = arith.constant 0 : i32
      %dma_wait3A_262 = tpu.memref_slice %arg11[%dma_wait3A_260, %dma_wait3A_261] : memref<10112x16xf32, #tpu.memory_space<vmem_shared>> -> memref<10112x16xf32, #tpu.memory_space<vmem_shared>>
      %dma_wait3A_263 = tpu.memref_slice %arg14[%dma_wait3A_252] : memref<8x!tpu.dma_semaphore, #tpu.memory_space<semaphore_mem>> -> memref<1x!tpu.dma_semaphore, #tpu.memory_space<semaphore_mem>>
      %dma_wait3A_264 = tpu.memref_squeeze %dma_wait3A_263 : memref<1x!tpu.dma_semaphore, #tpu.memory_space<semaphore_mem>> -> memref<!tpu.dma_semaphore, #tpu.memory_space<semaphore_mem>>
      tpu.wait_indirect_dma semaphore(%dma_wait3A_264 : memref<!tpu.dma_semaphore, #tpu.memory_space<semaphore_mem>>) src(%dma_wait3A_262 : memref<10112x16xf32, #tpu.memory_space<vmem_shared>>) dst(%dma_wait3A_256 : memref<128x16xf32, #tpu.memory_space<vmem>>)
      %dma_start3A_265 = arith.constant 2 : i32
      %dma_start3A_266 = arith.constant 2 : i32
      %dma_start3A_267 = arith.constant 0 : i32
      %dma_start3A_268 = arith.constant 0 : i32
      %dma_start3A_269 = tpu.memref_slice %arg9[%dma_start3A_265, %dma_start3A_267, %dma_start3A_268] : memref<8x128x16xf32, #tpu.memory_space<vmem>> -> memref<1x128x16xf32, #tpu.memory_space<vmem>>
      %dma_start3A_270 = tpu.memref_squeeze %dma_start3A_269 : memref<1x128x16xf32, #tpu.memory_space<vmem>> -> memref<128x16xf32, #tpu.memory_space<vmem>>
      %dma_start3A_271 = arith.constant 0 : i32
      %dma_start3A_272 = tpu.memref_slice %arg8[%add3A_250, %dma_start3A_271] : memref<160x128xi32, #tpu.memory_space<vmem>> -> memref<1x128xi32, #tpu.memory_space<vmem>>
      %dma_start3A_273 = tpu.memref_squeeze %dma_start3A_272 : memref<1x128xi32, #tpu.memory_space<vmem>> -> memref<128xi32, #tpu.memory_space<vmem>>
      %dma_start3A_274 = arith.constant 0 : i32
      %dma_start3A_275 = arith.constant 0 : i32
      %dma_start3A_276 = tpu.memref_slice %arg10[%dma_start3A_274, %dma_start3A_275] : memref<10112x16xf32, #tpu.memory_space<vmem_shared>> -> memref<10112x16xf32, #tpu.memory_space<vmem_shared>>
      %dma_start3A_277 = tpu.memref_slice %arg15[%dma_start3A_266] : memref<8x!tpu.dma_semaphore, #tpu.memory_space<semaphore_mem>> -> memref<1x!tpu.dma_semaphore, #tpu.memory_space<semaphore_mem>>
      %dma_start3A_278 = tpu.memref_squeeze %dma_start3A_277 : memref<1x!tpu.dma_semaphore, #tpu.memory_space<semaphore_mem>> -> memref<!tpu.dma_semaphore, #tpu.memory_space<semaphore_mem>>
      tpu.enqueue_indirect_dma source(%dma_start3A_270 : memref<128x16xf32, #tpu.memory_space<vmem>>) target(%dma_start3A_276 : memref<10112x16xf32, #tpu.memory_space<vmem_shared>>) offsets(%dma_start3A_273 : memref<128xi32, #tpu.memory_space<vmem>>) semaphore(%dma_start3A_278 : memref<!tpu.dma_semaphore, #tpu.memory_space<semaphore_mem>>) {add = true}
      %dma_wait3A_279 = arith.constant 2 : i32
      %dma_wait3A_280 = arith.constant 2 : i32
      %dma_wait3A_281 = arith.constant 0 : i32
      %dma_wait3A_282 = arith.constant 0 : i32
      %dma_wait3A_283 = tpu.memref_slice %arg9[%dma_wait3A_279, %dma_wait3A_281, %dma_wait3A_282] : memref<8x128x16xf32, #tpu.memory_space<vmem>> -> memref<1x128x16xf32, #tpu.memory_space<vmem>>
      %dma_wait3A_284 = tpu.memref_squeeze %dma_wait3A_283 : memref<1x128x16xf32, #tpu.memory_space<vmem>> -> memref<128x16xf32, #tpu.memory_space<vmem>>
      %dma_wait3A_285 = arith.constant 0 : i32
      %dma_wait3A_286 = tpu.memref_slice %arg8[%add3A_250, %dma_wait3A_285] : memref<160x128xi32, #tpu.memory_space<vmem>> -> memref<1x128xi32, #tpu.memory_space<vmem>>
      %dma_wait3A_287 = tpu.memref_squeeze %dma_wait3A_286 : memref<1x128xi32, #tpu.memory_space<vmem>> -> memref<128xi32, #tpu.memory_space<vmem>>
      %dma_wait3A_288 = arith.constant 0 : i32
      %dma_wait3A_289 = arith.constant 0 : i32
      %dma_wait3A_290 = tpu.memref_slice %arg10[%dma_wait3A_288, %dma_wait3A_289] : memref<10112x16xf32, #tpu.memory_space<vmem_shared>> -> memref<10112x16xf32, #tpu.memory_space<vmem_shared>>
      %dma_wait3A_291 = tpu.memref_slice %arg15[%dma_wait3A_280] : memref<8x!tpu.dma_semaphore, #tpu.memory_space<semaphore_mem>> -> memref<1x!tpu.dma_semaphore, #tpu.memory_space<semaphore_mem>>
      %dma_wait3A_292 = tpu.memref_squeeze %dma_wait3A_291 : memref<1x!tpu.dma_semaphore, #tpu.memory_space<semaphore_mem>> -> memref<!tpu.dma_semaphore, #tpu.memory_space<semaphore_mem>>
      tpu.wait_indirect_dma semaphore(%dma_wait3A_292 : memref<!tpu.dma_semaphore, #tpu.memory_space<semaphore_mem>>) src(%dma_wait3A_284 : memref<128x16xf32, #tpu.memory_space<vmem>>) dst(%dma_wait3A_290 : memref<10112x16xf32, #tpu.memory_space<vmem_shared>>)
      %add3A_293 = arith.constant 8 : i32
      %add3A_294 = arith.addi %add3A_250, %add3A_293 : i32
      %lt3A_295 = arith.constant 160 : i32
      %lt3A_296 = arith.cmpi slt, %add3A_294, %lt3A_295 : i32
      %convert_element_type3A_297 = arith.extui %lt3A_296 : i1 to i32
      %cond3A_298 = arith.constant 0 : i32
      %cond3A_299 = arith.cmpi ne, %convert_element_type3A_297, %cond3A_298 : i32
      scf.if %cond3A_299 {
        %add3A_565 = arith.constant 8 : i32
        %add3A_566 = arith.addi %add3A_250, %add3A_565 : i32
        %dma_start3A_567 = arith.constant 2 : i32
        %dma_start3A_568 = arith.constant 2 : i32
        %dma_start3A_569 = arith.constant 0 : i32
        %dma_start3A_570 = arith.constant 0 : i32
        %dma_start3A_571 = tpu.memref_slice %arg9[%dma_start3A_567, %dma_start3A_569, %dma_start3A_570] : memref<8x128x16xf32, #tpu.memory_space<vmem>> -> memref<1x128x16xf32, #tpu.memory_space<vmem>>
        %dma_start3A_572 = tpu.memref_squeeze %dma_start3A_571 : memref<1x128x16xf32, #tpu.memory_space<vmem>> -> memref<128x16xf32, #tpu.memory_space<vmem>>
        %dma_start3A_573 = arith.constant 0 : i32
        %dma_start3A_574 = tpu.memref_slice %arg7[%add3A_566, %dma_start3A_573] : memref<160x128xi32, #tpu.memory_space<vmem>> -> memref<1x128xi32, #tpu.memory_space<vmem>>
        %dma_start3A_575 = tpu.memref_squeeze %dma_start3A_574 : memref<1x128xi32, #tpu.memory_space<vmem>> -> memref<128xi32, #tpu.memory_space<vmem>>
        %dma_start3A_576 = arith.constant 0 : i32
        %dma_start3A_577 = arith.constant 0 : i32
        %dma_start3A_578 = tpu.memref_slice %arg11[%dma_start3A_576, %dma_start3A_577] : memref<10112x16xf32, #tpu.memory_space<vmem_shared>> -> memref<10112x16xf32, #tpu.memory_space<vmem_shared>>
        %dma_start3A_579 = tpu.memref_slice %arg14[%dma_start3A_568] : memref<8x!tpu.dma_semaphore, #tpu.memory_space<semaphore_mem>> -> memref<1x!tpu.dma_semaphore, #tpu.memory_space<semaphore_mem>>
        %dma_start3A_580 = tpu.memref_squeeze %dma_start3A_579 : memref<1x!tpu.dma_semaphore, #tpu.memory_space<semaphore_mem>> -> memref<!tpu.dma_semaphore, #tpu.memory_space<semaphore_mem>>
        tpu.enqueue_indirect_dma source(%dma_start3A_578 : memref<10112x16xf32, #tpu.memory_space<vmem_shared>>) target(%dma_start3A_572 : memref<128x16xf32, #tpu.memory_space<vmem>>) offsets(%dma_start3A_575 : memref<128xi32, #tpu.memory_space<vmem>>) semaphore(%dma_start3A_580 : memref<!tpu.dma_semaphore, #tpu.memory_space<semaphore_mem>>)
      } else {
      }
      %mul3A_300 = arith.constant 8 : i32
      %mul3A_301 = arith.muli %scan3A_143, %mul3A_300 : i32
      %add3A_302 = arith.constant 3 : i32
      %add3A_303 = arith.addi %mul3A_301, %add3A_302 : i32
      %dma_wait3A_304 = arith.constant 3 : i32
      %dma_wait3A_305 = arith.constant 3 : i32
      %dma_wait3A_306 = arith.constant 0 : i32
      %dma_wait3A_307 = arith.constant 0 : i32
      %dma_wait3A_308 = tpu.memref_slice %arg9[%dma_wait3A_304, %dma_wait3A_306, %dma_wait3A_307] : memref<8x128x16xf32, #tpu.memory_space<vmem>> -> memref<1x128x16xf32, #tpu.memory_space<vmem>>
      %dma_wait3A_309 = tpu.memref_squeeze %dma_wait3A_308 : memref<1x128x16xf32, #tpu.memory_space<vmem>> -> memref<128x16xf32, #tpu.memory_space<vmem>>
      %dma_wait3A_310 = arith.constant 0 : i32
      %dma_wait3A_311 = tpu.memref_slice %arg7[%add3A_303, %dma_wait3A_310] : memref<160x128xi32, #tpu.memory_space<vmem>> -> memref<1x128xi32, #tpu.memory_space<vmem>>
      %dma_wait3A_312 = tpu.memref_squeeze %dma_wait3A_311 : memref<1x128xi32, #tpu.memory_space<vmem>> -> memref<128xi32, #tpu.memory_space<vmem>>
      %dma_wait3A_313 = arith.constant 0 : i32
      %dma_wait3A_314 = arith.constant 0 : i32
      %dma_wait3A_315 = tpu.memref_slice %arg11[%dma_wait3A_313, %dma_wait3A_314] : memref<10112x16xf32, #tpu.memory_space<vmem_shared>> -> memref<10112x16xf32, #tpu.memory_space<vmem_shared>>
      %dma_wait3A_316 = tpu.memref_slice %arg14[%dma_wait3A_305] : memref<8x!tpu.dma_semaphore, #tpu.memory_space<semaphore_mem>> -> memref<1x!tpu.dma_semaphore, #tpu.memory_space<semaphore_mem>>
      %dma_wait3A_317 = tpu.memref_squeeze %dma_wait3A_316 : memref<1x!tpu.dma_semaphore, #tpu.memory_space<semaphore_mem>> -> memref<!tpu.dma_semaphore, #tpu.memory_space<semaphore_mem>>
      tpu.wait_indirect_dma semaphore(%dma_wait3A_317 : memref<!tpu.dma_semaphore, #tpu.memory_space<semaphore_mem>>) src(%dma_wait3A_315 : memref<10112x16xf32, #tpu.memory_space<vmem_shared>>) dst(%dma_wait3A_309 : memref<128x16xf32, #tpu.memory_space<vmem>>)
      %dma_start3A_318 = arith.constant 3 : i32
      %dma_start3A_319 = arith.constant 3 : i32
      %dma_start3A_320 = arith.constant 0 : i32
      %dma_start3A_321 = arith.constant 0 : i32
      %dma_start3A_322 = tpu.memref_slice %arg9[%dma_start3A_318, %dma_start3A_320, %dma_start3A_321] : memref<8x128x16xf32, #tpu.memory_space<vmem>> -> memref<1x128x16xf32, #tpu.memory_space<vmem>>
      %dma_start3A_323 = tpu.memref_squeeze %dma_start3A_322 : memref<1x128x16xf32, #tpu.memory_space<vmem>> -> memref<128x16xf32, #tpu.memory_space<vmem>>
      %dma_start3A_324 = arith.constant 0 : i32
      %dma_start3A_325 = tpu.memref_slice %arg8[%add3A_303, %dma_start3A_324] : memref<160x128xi32, #tpu.memory_space<vmem>> -> memref<1x128xi32, #tpu.memory_space<vmem>>
      %dma_start3A_326 = tpu.memref_squeeze %dma_start3A_325 : memref<1x128xi32, #tpu.memory_space<vmem>> -> memref<128xi32, #tpu.memory_space<vmem>>
      %dma_start3A_327 = arith.constant 0 : i32
      %dma_start3A_328 = arith.constant 0 : i32
      %dma_start3A_329 = tpu.memref_slice %arg10[%dma_start3A_327, %dma_start3A_328] : memref<10112x16xf32, #tpu.memory_space<vmem_shared>> -> memref<10112x16xf32, #tpu.memory_space<vmem_shared>>
      %dma_start3A_330 = tpu.memref_slice %arg15[%dma_start3A_319] : memref<8x!tpu.dma_semaphore, #tpu.memory_space<semaphore_mem>> -> memref<1x!tpu.dma_semaphore, #tpu.memory_space<semaphore_mem>>
      %dma_start3A_331 = tpu.memref_squeeze %dma_start3A_330 : memref<1x!tpu.dma_semaphore, #tpu.memory_space<semaphore_mem>> -> memref<!tpu.dma_semaphore, #tpu.memory_space<semaphore_mem>>
      tpu.enqueue_indirect_dma source(%dma_start3A_323 : memref<128x16xf32, #tpu.memory_space<vmem>>) target(%dma_start3A_329 : memref<10112x16xf32, #tpu.memory_space<vmem_shared>>) offsets(%dma_start3A_326 : memref<128xi32, #tpu.memory_space<vmem>>) semaphore(%dma_start3A_331 : memref<!tpu.dma_semaphore, #tpu.memory_space<semaphore_mem>>) {add = true}
      %dma_wait3A_332 = arith.constant 3 : i32
      %dma_wait3A_333 = arith.constant 3 : i32
      %dma_wait3A_334 = arith.constant 0 : i32
      %dma_wait3A_335 = arith.constant 0 : i32
      %dma_wait3A_336 = tpu.memref_slice %arg9[%dma_wait3A_332, %dma_wait3A_334, %dma_wait3A_335] : memref<8x128x16xf32, #tpu.memory_space<vmem>> -> memref<1x128x16xf32, #tpu.memory_space<vmem>>
      %dma_wait3A_337 = tpu.memref_squeeze %dma_wait3A_336 : memref<1x128x16xf32, #tpu.memory_space<vmem>> -> memref<128x16xf32, #tpu.memory_space<vmem>>
      %dma_wait3A_338 = arith.constant 0 : i32
      %dma_wait3A_339 = tpu.memref_slice %arg8[%add3A_303, %dma_wait3A_338] : memref<160x128xi32, #tpu.memory_space<vmem>> -> memref<1x128xi32, #tpu.memory_space<vmem>>
      %dma_wait3A_340 = tpu.memref_squeeze %dma_wait3A_339 : memref<1x128xi32, #tpu.memory_space<vmem>> -> memref<128xi32, #tpu.memory_space<vmem>>
      %dma_wait3A_341 = arith.constant 0 : i32
      %dma_wait3A_342 = arith.constant 0 : i32
      %dma_wait3A_343 = tpu.memref_slice %arg10[%dma_wait3A_341, %dma_wait3A_342] : memref<10112x16xf32, #tpu.memory_space<vmem_shared>> -> memref<10112x16xf32, #tpu.memory_space<vmem_shared>>
      %dma_wait3A_344 = tpu.memref_slice %arg15[%dma_wait3A_333] : memref<8x!tpu.dma_semaphore, #tpu.memory_space<semaphore_mem>> -> memref<1x!tpu.dma_semaphore, #tpu.memory_space<semaphore_mem>>
      %dma_wait3A_345 = tpu.memref_squeeze %dma_wait3A_344 : memref<1x!tpu.dma_semaphore, #tpu.memory_space<semaphore_mem>> -> memref<!tpu.dma_semaphore, #tpu.memory_space<semaphore_mem>>
      tpu.wait_indirect_dma semaphore(%dma_wait3A_345 : memref<!tpu.dma_semaphore, #tpu.memory_space<semaphore_mem>>) src(%dma_wait3A_337 : memref<128x16xf32, #tpu.memory_space<vmem>>) dst(%dma_wait3A_343 : memref<10112x16xf32, #tpu.memory_space<vmem_shared>>)
      %add3A_346 = arith.constant 8 : i32
      %add3A_347 = arith.addi %add3A_303, %add3A_346 : i32
      %lt3A_348 = arith.constant 160 : i32
      %lt3A_349 = arith.cmpi slt, %add3A_347, %lt3A_348 : i32
      %convert_element_type3A_350 = arith.extui %lt3A_349 : i1 to i32
      %cond3A_351 = arith.constant 0 : i32
      %cond3A_352 = arith.cmpi ne, %convert_element_type3A_350, %cond3A_351 : i32
      scf.if %cond3A_352 {
        %add3A_565 = arith.constant 8 : i32
        %add3A_566 = arith.addi %add3A_303, %add3A_565 : i32
        %dma_start3A_567 = arith.constant 3 : i32
        %dma_start3A_568 = arith.constant 3 : i32
        %dma_start3A_569 = arith.constant 0 : i32
        %dma_start3A_570 = arith.constant 0 : i32
        %dma_start3A_571 = tpu.memref_slice %arg9[%dma_start3A_567, %dma_start3A_569, %dma_start3A_570] : memref<8x128x16xf32, #tpu.memory_space<vmem>> -> memref<1x128x16xf32, #tpu.memory_space<vmem>>
        %dma_start3A_572 = tpu.memref_squeeze %dma_start3A_571 : memref<1x128x16xf32, #tpu.memory_space<vmem>> -> memref<128x16xf32, #tpu.memory_space<vmem>>
        %dma_start3A_573 = arith.constant 0 : i32
        %dma_start3A_574 = tpu.memref_slice %arg7[%add3A_566, %dma_start3A_573] : memref<160x128xi32, #tpu.memory_space<vmem>> -> memref<1x128xi32, #tpu.memory_space<vmem>>
        %dma_start3A_575 = tpu.memref_squeeze %dma_start3A_574 : memref<1x128xi32, #tpu.memory_space<vmem>> -> memref<128xi32, #tpu.memory_space<vmem>>
        %dma_start3A_576 = arith.constant 0 : i32
        %dma_start3A_577 = arith.constant 0 : i32
        %dma_start3A_578 = tpu.memref_slice %arg11[%dma_start3A_576, %dma_start3A_577] : memref<10112x16xf32, #tpu.memory_space<vmem_shared>> -> memref<10112x16xf32, #tpu.memory_space<vmem_shared>>
        %dma_start3A_579 = tpu.memref_slice %arg14[%dma_start3A_568] : memref<8x!tpu.dma_semaphore, #tpu.memory_space<semaphore_mem>> -> memref<1x!tpu.dma_semaphore, #tpu.memory_space<semaphore_mem>>
        %dma_start3A_580 = tpu.memref_squeeze %dma_start3A_579 : memref<1x!tpu.dma_semaphore, #tpu.memory_space<semaphore_mem>> -> memref<!tpu.dma_semaphore, #tpu.memory_space<semaphore_mem>>
        tpu.enqueue_indirect_dma source(%dma_start3A_578 : memref<10112x16xf32, #tpu.memory_space<vmem_shared>>) target(%dma_start3A_572 : memref<128x16xf32, #tpu.memory_space<vmem>>) offsets(%dma_start3A_575 : memref<128xi32, #tpu.memory_space<vmem>>) semaphore(%dma_start3A_580 : memref<!tpu.dma_semaphore, #tpu.memory_space<semaphore_mem>>)
      } else {
      }
      %mul3A_353 = arith.constant 8 : i32
      %mul3A_354 = arith.muli %scan3A_143, %mul3A_353 : i32
      %add3A_355 = arith.constant 4 : i32
      %add3A_356 = arith.addi %mul3A_354, %add3A_355 : i32
      %dma_wait3A_357 = arith.constant 4 : i32
      %dma_wait3A_358 = arith.constant 4 : i32
      %dma_wait3A_359 = arith.constant 0 : i32
      %dma_wait3A_360 = arith.constant 0 : i32
      %dma_wait3A_361 = tpu.memref_slice %arg9[%dma_wait3A_357, %dma_wait3A_359, %dma_wait3A_360] : memref<8x128x16xf32, #tpu.memory_space<vmem>> -> memref<1x128x16xf32, #tpu.memory_space<vmem>>
      %dma_wait3A_362 = tpu.memref_squeeze %dma_wait3A_361 : memref<1x128x16xf32, #tpu.memory_space<vmem>> -> memref<128x16xf32, #tpu.memory_space<vmem>>
      %dma_wait3A_363 = arith.constant 0 : i32
      %dma_wait3A_364 = tpu.memref_slice %arg7[%add3A_356, %dma_wait3A_363] : memref<160x128xi32, #tpu.memory_space<vmem>> -> memref<1x128xi32, #tpu.memory_space<vmem>>
      %dma_wait3A_365 = tpu.memref_squeeze %dma_wait3A_364 : memref<1x128xi32, #tpu.memory_space<vmem>> -> memref<128xi32, #tpu.memory_space<vmem>>
      %dma_wait3A_366 = arith.constant 0 : i32
      %dma_wait3A_367 = arith.constant 0 : i32
      %dma_wait3A_368 = tpu.memref_slice %arg11[%dma_wait3A_366, %dma_wait3A_367] : memref<10112x16xf32, #tpu.memory_space<vmem_shared>> -> memref<10112x16xf32, #tpu.memory_space<vmem_shared>>
      %dma_wait3A_369 = tpu.memref_slice %arg14[%dma_wait3A_358] : memref<8x!tpu.dma_semaphore, #tpu.memory_space<semaphore_mem>> -> memref<1x!tpu.dma_semaphore, #tpu.memory_space<semaphore_mem>>
      %dma_wait3A_370 = tpu.memref_squeeze %dma_wait3A_369 : memref<1x!tpu.dma_semaphore, #tpu.memory_space<semaphore_mem>> -> memref<!tpu.dma_semaphore, #tpu.memory_space<semaphore_mem>>
      tpu.wait_indirect_dma semaphore(%dma_wait3A_370 : memref<!tpu.dma_semaphore, #tpu.memory_space<semaphore_mem>>) src(%dma_wait3A_368 : memref<10112x16xf32, #tpu.memory_space<vmem_shared>>) dst(%dma_wait3A_362 : memref<128x16xf32, #tpu.memory_space<vmem>>)
      %dma_start3A_371 = arith.constant 4 : i32
      %dma_start3A_372 = arith.constant 4 : i32
      %dma_start3A_373 = arith.constant 0 : i32
      %dma_start3A_374 = arith.constant 0 : i32
      %dma_start3A_375 = tpu.memref_slice %arg9[%dma_start3A_371, %dma_start3A_373, %dma_start3A_374] : memref<8x128x16xf32, #tpu.memory_space<vmem>> -> memref<1x128x16xf32, #tpu.memory_space<vmem>>
      %dma_start3A_376 = tpu.memref_squeeze %dma_start3A_375 : memref<1x128x16xf32, #tpu.memory_space<vmem>> -> memref<128x16xf32, #tpu.memory_space<vmem>>
      %dma_start3A_377 = arith.constant 0 : i32
      %dma_start3A_378 = tpu.memref_slice %arg8[%add3A_356, %dma_start3A_377] : memref<160x128xi32, #tpu.memory_space<vmem>> -> memref<1x128xi32, #tpu.memory_space<vmem>>
      %dma_start3A_379 = tpu.memref_squeeze %dma_start3A_378 : memref<1x128xi32, #tpu.memory_space<vmem>> -> memref<128xi32, #tpu.memory_space<vmem>>
      %dma_start3A_380 = arith.constant 0 : i32
      %dma_start3A_381 = arith.constant 0 : i32
      %dma_start3A_382 = tpu.memref_slice %arg10[%dma_start3A_380, %dma_start3A_381] : memref<10112x16xf32, #tpu.memory_space<vmem_shared>> -> memref<10112x16xf32, #tpu.memory_space<vmem_shared>>
      %dma_start3A_383 = tpu.memref_slice %arg15[%dma_start3A_372] : memref<8x!tpu.dma_semaphore, #tpu.memory_space<semaphore_mem>> -> memref<1x!tpu.dma_semaphore, #tpu.memory_space<semaphore_mem>>
      %dma_start3A_384 = tpu.memref_squeeze %dma_start3A_383 : memref<1x!tpu.dma_semaphore, #tpu.memory_space<semaphore_mem>> -> memref<!tpu.dma_semaphore, #tpu.memory_space<semaphore_mem>>
      tpu.enqueue_indirect_dma source(%dma_start3A_376 : memref<128x16xf32, #tpu.memory_space<vmem>>) target(%dma_start3A_382 : memref<10112x16xf32, #tpu.memory_space<vmem_shared>>) offsets(%dma_start3A_379 : memref<128xi32, #tpu.memory_space<vmem>>) semaphore(%dma_start3A_384 : memref<!tpu.dma_semaphore, #tpu.memory_space<semaphore_mem>>) {add = true}
      %dma_wait3A_385 = arith.constant 4 : i32
      %dma_wait3A_386 = arith.constant 4 : i32
      %dma_wait3A_387 = arith.constant 0 : i32
      %dma_wait3A_388 = arith.constant 0 : i32
      %dma_wait3A_389 = tpu.memref_slice %arg9[%dma_wait3A_385, %dma_wait3A_387, %dma_wait3A_388] : memref<8x128x16xf32, #tpu.memory_space<vmem>> -> memref<1x128x16xf32, #tpu.memory_space<vmem>>
      %dma_wait3A_390 = tpu.memref_squeeze %dma_wait3A_389 : memref<1x128x16xf32, #tpu.memory_space<vmem>> -> memref<128x16xf32, #tpu.memory_space<vmem>>
      %dma_wait3A_391 = arith.constant 0 : i32
      %dma_wait3A_392 = tpu.memref_slice %arg8[%add3A_356, %dma_wait3A_391] : memref<160x128xi32, #tpu.memory_space<vmem>> -> memref<1x128xi32, #tpu.memory_space<vmem>>
      %dma_wait3A_393 = tpu.memref_squeeze %dma_wait3A_392 : memref<1x128xi32, #tpu.memory_space<vmem>> -> memref<128xi32, #tpu.memory_space<vmem>>
      %dma_wait3A_394 = arith.constant 0 : i32
      %dma_wait3A_395 = arith.constant 0 : i32
      %dma_wait3A_396 = tpu.memref_slice %arg10[%dma_wait3A_394, %dma_wait3A_395] : memref<10112x16xf32, #tpu.memory_space<vmem_shared>> -> memref<10112x16xf32, #tpu.memory_space<vmem_shared>>
      %dma_wait3A_397 = tpu.memref_slice %arg15[%dma_wait3A_386] : memref<8x!tpu.dma_semaphore, #tpu.memory_space<semaphore_mem>> -> memref<1x!tpu.dma_semaphore, #tpu.memory_space<semaphore_mem>>
      %dma_wait3A_398 = tpu.memref_squeeze %dma_wait3A_397 : memref<1x!tpu.dma_semaphore, #tpu.memory_space<semaphore_mem>> -> memref<!tpu.dma_semaphore, #tpu.memory_space<semaphore_mem>>
      tpu.wait_indirect_dma semaphore(%dma_wait3A_398 : memref<!tpu.dma_semaphore, #tpu.memory_space<semaphore_mem>>) src(%dma_wait3A_390 : memref<128x16xf32, #tpu.memory_space<vmem>>) dst(%dma_wait3A_396 : memref<10112x16xf32, #tpu.memory_space<vmem_shared>>)
      %add3A_399 = arith.constant 8 : i32
      %add3A_400 = arith.addi %add3A_356, %add3A_399 : i32
      %lt3A_401 = arith.constant 160 : i32
      %lt3A_402 = arith.cmpi slt, %add3A_400, %lt3A_401 : i32
      %convert_element_type3A_403 = arith.extui %lt3A_402 : i1 to i32
      %cond3A_404 = arith.constant 0 : i32
      %cond3A_405 = arith.cmpi ne, %convert_element_type3A_403, %cond3A_404 : i32
      scf.if %cond3A_405 {
        %add3A_565 = arith.constant 8 : i32
        %add3A_566 = arith.addi %add3A_356, %add3A_565 : i32
        %dma_start3A_567 = arith.constant 4 : i32
        %dma_start3A_568 = arith.constant 4 : i32
        %dma_start3A_569 = arith.constant 0 : i32
        %dma_start3A_570 = arith.constant 0 : i32
        %dma_start3A_571 = tpu.memref_slice %arg9[%dma_start3A_567, %dma_start3A_569, %dma_start3A_570] : memref<8x128x16xf32, #tpu.memory_space<vmem>> -> memref<1x128x16xf32, #tpu.memory_space<vmem>>
        %dma_start3A_572 = tpu.memref_squeeze %dma_start3A_571 : memref<1x128x16xf32, #tpu.memory_space<vmem>> -> memref<128x16xf32, #tpu.memory_space<vmem>>
        %dma_start3A_573 = arith.constant 0 : i32
        %dma_start3A_574 = tpu.memref_slice %arg7[%add3A_566, %dma_start3A_573] : memref<160x128xi32, #tpu.memory_space<vmem>> -> memref<1x128xi32, #tpu.memory_space<vmem>>
        %dma_start3A_575 = tpu.memref_squeeze %dma_start3A_574 : memref<1x128xi32, #tpu.memory_space<vmem>> -> memref<128xi32, #tpu.memory_space<vmem>>
        %dma_start3A_576 = arith.constant 0 : i32
        %dma_start3A_577 = arith.constant 0 : i32
        %dma_start3A_578 = tpu.memref_slice %arg11[%dma_start3A_576, %dma_start3A_577] : memref<10112x16xf32, #tpu.memory_space<vmem_shared>> -> memref<10112x16xf32, #tpu.memory_space<vmem_shared>>
        %dma_start3A_579 = tpu.memref_slice %arg14[%dma_start3A_568] : memref<8x!tpu.dma_semaphore, #tpu.memory_space<semaphore_mem>> -> memref<1x!tpu.dma_semaphore, #tpu.memory_space<semaphore_mem>>
        %dma_start3A_580 = tpu.memref_squeeze %dma_start3A_579 : memref<1x!tpu.dma_semaphore, #tpu.memory_space<semaphore_mem>> -> memref<!tpu.dma_semaphore, #tpu.memory_space<semaphore_mem>>
        tpu.enqueue_indirect_dma source(%dma_start3A_578 : memref<10112x16xf32, #tpu.memory_space<vmem_shared>>) target(%dma_start3A_572 : memref<128x16xf32, #tpu.memory_space<vmem>>) offsets(%dma_start3A_575 : memref<128xi32, #tpu.memory_space<vmem>>) semaphore(%dma_start3A_580 : memref<!tpu.dma_semaphore, #tpu.memory_space<semaphore_mem>>)
      } else {
      }
      %mul3A_406 = arith.constant 8 : i32
      %mul3A_407 = arith.muli %scan3A_143, %mul3A_406 : i32
      %add3A_408 = arith.constant 5 : i32
      %add3A_409 = arith.addi %mul3A_407, %add3A_408 : i32
      %dma_wait3A_410 = arith.constant 5 : i32
      %dma_wait3A_411 = arith.constant 5 : i32
      %dma_wait3A_412 = arith.constant 0 : i32
      %dma_wait3A_413 = arith.constant 0 : i32
      %dma_wait3A_414 = tpu.memref_slice %arg9[%dma_wait3A_410, %dma_wait3A_412, %dma_wait3A_413] : memref<8x128x16xf32, #tpu.memory_space<vmem>> -> memref<1x128x16xf32, #tpu.memory_space<vmem>>
      %dma_wait3A_415 = tpu.memref_squeeze %dma_wait3A_414 : memref<1x128x16xf32, #tpu.memory_space<vmem>> -> memref<128x16xf32, #tpu.memory_space<vmem>>
      %dma_wait3A_416 = arith.constant 0 : i32
      %dma_wait3A_417 = tpu.memref_slice %arg7[%add3A_409, %dma_wait3A_416] : memref<160x128xi32, #tpu.memory_space<vmem>> -> memref<1x128xi32, #tpu.memory_space<vmem>>
      %dma_wait3A_418 = tpu.memref_squeeze %dma_wait3A_417 : memref<1x128xi32, #tpu.memory_space<vmem>> -> memref<128xi32, #tpu.memory_space<vmem>>
      %dma_wait3A_419 = arith.constant 0 : i32
      %dma_wait3A_420 = arith.constant 0 : i32
      %dma_wait3A_421 = tpu.memref_slice %arg11[%dma_wait3A_419, %dma_wait3A_420] : memref<10112x16xf32, #tpu.memory_space<vmem_shared>> -> memref<10112x16xf32, #tpu.memory_space<vmem_shared>>
      %dma_wait3A_422 = tpu.memref_slice %arg14[%dma_wait3A_411] : memref<8x!tpu.dma_semaphore, #tpu.memory_space<semaphore_mem>> -> memref<1x!tpu.dma_semaphore, #tpu.memory_space<semaphore_mem>>
      %dma_wait3A_423 = tpu.memref_squeeze %dma_wait3A_422 : memref<1x!tpu.dma_semaphore, #tpu.memory_space<semaphore_mem>> -> memref<!tpu.dma_semaphore, #tpu.memory_space<semaphore_mem>>
      tpu.wait_indirect_dma semaphore(%dma_wait3A_423 : memref<!tpu.dma_semaphore, #tpu.memory_space<semaphore_mem>>) src(%dma_wait3A_421 : memref<10112x16xf32, #tpu.memory_space<vmem_shared>>) dst(%dma_wait3A_415 : memref<128x16xf32, #tpu.memory_space<vmem>>)
      %dma_start3A_424 = arith.constant 5 : i32
      %dma_start3A_425 = arith.constant 5 : i32
      %dma_start3A_426 = arith.constant 0 : i32
      %dma_start3A_427 = arith.constant 0 : i32
      %dma_start3A_428 = tpu.memref_slice %arg9[%dma_start3A_424, %dma_start3A_426, %dma_start3A_427] : memref<8x128x16xf32, #tpu.memory_space<vmem>> -> memref<1x128x16xf32, #tpu.memory_space<vmem>>
      %dma_start3A_429 = tpu.memref_squeeze %dma_start3A_428 : memref<1x128x16xf32, #tpu.memory_space<vmem>> -> memref<128x16xf32, #tpu.memory_space<vmem>>
      %dma_start3A_430 = arith.constant 0 : i32
      %dma_start3A_431 = tpu.memref_slice %arg8[%add3A_409, %dma_start3A_430] : memref<160x128xi32, #tpu.memory_space<vmem>> -> memref<1x128xi32, #tpu.memory_space<vmem>>
      %dma_start3A_432 = tpu.memref_squeeze %dma_start3A_431 : memref<1x128xi32, #tpu.memory_space<vmem>> -> memref<128xi32, #tpu.memory_space<vmem>>
      %dma_start3A_433 = arith.constant 0 : i32
      %dma_start3A_434 = arith.constant 0 : i32
      %dma_start3A_435 = tpu.memref_slice %arg10[%dma_start3A_433, %dma_start3A_434] : memref<10112x16xf32, #tpu.memory_space<vmem_shared>> -> memref<10112x16xf32, #tpu.memory_space<vmem_shared>>
      %dma_start3A_436 = tpu.memref_slice %arg15[%dma_start3A_425] : memref<8x!tpu.dma_semaphore, #tpu.memory_space<semaphore_mem>> -> memref<1x!tpu.dma_semaphore, #tpu.memory_space<semaphore_mem>>
      %dma_start3A_437 = tpu.memref_squeeze %dma_start3A_436 : memref<1x!tpu.dma_semaphore, #tpu.memory_space<semaphore_mem>> -> memref<!tpu.dma_semaphore, #tpu.memory_space<semaphore_mem>>
      tpu.enqueue_indirect_dma source(%dma_start3A_429 : memref<128x16xf32, #tpu.memory_space<vmem>>) target(%dma_start3A_435 : memref<10112x16xf32, #tpu.memory_space<vmem_shared>>) offsets(%dma_start3A_432 : memref<128xi32, #tpu.memory_space<vmem>>) semaphore(%dma_start3A_437 : memref<!tpu.dma_semaphore, #tpu.memory_space<semaphore_mem>>) {add = true}
      %dma_wait3A_438 = arith.constant 5 : i32
      %dma_wait3A_439 = arith.constant 5 : i32
      %dma_wait3A_440 = arith.constant 0 : i32
      %dma_wait3A_441 = arith.constant 0 : i32
      %dma_wait3A_442 = tpu.memref_slice %arg9[%dma_wait3A_438, %dma_wait3A_440, %dma_wait3A_441] : memref<8x128x16xf32, #tpu.memory_space<vmem>> -> memref<1x128x16xf32, #tpu.memory_space<vmem>>
      %dma_wait3A_443 = tpu.memref_squeeze %dma_wait3A_442 : memref<1x128x16xf32, #tpu.memory_space<vmem>> -> memref<128x16xf32, #tpu.memory_space<vmem>>
      %dma_wait3A_444 = arith.constant 0 : i32
      %dma_wait3A_445 = tpu.memref_slice %arg8[%add3A_409, %dma_wait3A_444] : memref<160x128xi32, #tpu.memory_space<vmem>> -> memref<1x128xi32, #tpu.memory_space<vmem>>
      %dma_wait3A_446 = tpu.memref_squeeze %dma_wait3A_445 : memref<1x128xi32, #tpu.memory_space<vmem>> -> memref<128xi32, #tpu.memory_space<vmem>>
      %dma_wait3A_447 = arith.constant 0 : i32
      %dma_wait3A_448 = arith.constant 0 : i32
      %dma_wait3A_449 = tpu.memref_slice %arg10[%dma_wait3A_447, %dma_wait3A_448] : memref<10112x16xf32, #tpu.memory_space<vmem_shared>> -> memref<10112x16xf32, #tpu.memory_space<vmem_shared>>
      %dma_wait3A_450 = tpu.memref_slice %arg15[%dma_wait3A_439] : memref<8x!tpu.dma_semaphore, #tpu.memory_space<semaphore_mem>> -> memref<1x!tpu.dma_semaphore, #tpu.memory_space<semaphore_mem>>
      %dma_wait3A_451 = tpu.memref_squeeze %dma_wait3A_450 : memref<1x!tpu.dma_semaphore, #tpu.memory_space<semaphore_mem>> -> memref<!tpu.dma_semaphore, #tpu.memory_space<semaphore_mem>>
      tpu.wait_indirect_dma semaphore(%dma_wait3A_451 : memref<!tpu.dma_semaphore, #tpu.memory_space<semaphore_mem>>) src(%dma_wait3A_443 : memref<128x16xf32, #tpu.memory_space<vmem>>) dst(%dma_wait3A_449 : memref<10112x16xf32, #tpu.memory_space<vmem_shared>>)
      %add3A_452 = arith.constant 8 : i32
      %add3A_453 = arith.addi %add3A_409, %add3A_452 : i32
      %lt3A_454 = arith.constant 160 : i32
      %lt3A_455 = arith.cmpi slt, %add3A_453, %lt3A_454 : i32
      %convert_element_type3A_456 = arith.extui %lt3A_455 : i1 to i32
      %cond3A_457 = arith.constant 0 : i32
      %cond3A_458 = arith.cmpi ne, %convert_element_type3A_456, %cond3A_457 : i32
      scf.if %cond3A_458 {
        %add3A_565 = arith.constant 8 : i32
        %add3A_566 = arith.addi %add3A_409, %add3A_565 : i32
        %dma_start3A_567 = arith.constant 5 : i32
        %dma_start3A_568 = arith.constant 5 : i32
        %dma_start3A_569 = arith.constant 0 : i32
        %dma_start3A_570 = arith.constant 0 : i32
        %dma_start3A_571 = tpu.memref_slice %arg9[%dma_start3A_567, %dma_start3A_569, %dma_start3A_570] : memref<8x128x16xf32, #tpu.memory_space<vmem>> -> memref<1x128x16xf32, #tpu.memory_space<vmem>>
        %dma_start3A_572 = tpu.memref_squeeze %dma_start3A_571 : memref<1x128x16xf32, #tpu.memory_space<vmem>> -> memref<128x16xf32, #tpu.memory_space<vmem>>
        %dma_start3A_573 = arith.constant 0 : i32
        %dma_start3A_574 = tpu.memref_slice %arg7[%add3A_566, %dma_start3A_573] : memref<160x128xi32, #tpu.memory_space<vmem>> -> memref<1x128xi32, #tpu.memory_space<vmem>>
        %dma_start3A_575 = tpu.memref_squeeze %dma_start3A_574 : memref<1x128xi32, #tpu.memory_space<vmem>> -> memref<128xi32, #tpu.memory_space<vmem>>
        %dma_start3A_576 = arith.constant 0 : i32
        %dma_start3A_577 = arith.constant 0 : i32
        %dma_start3A_578 = tpu.memref_slice %arg11[%dma_start3A_576, %dma_start3A_577] : memref<10112x16xf32, #tpu.memory_space<vmem_shared>> -> memref<10112x16xf32, #tpu.memory_space<vmem_shared>>
        %dma_start3A_579 = tpu.memref_slice %arg14[%dma_start3A_568] : memref<8x!tpu.dma_semaphore, #tpu.memory_space<semaphore_mem>> -> memref<1x!tpu.dma_semaphore, #tpu.memory_space<semaphore_mem>>
        %dma_start3A_580 = tpu.memref_squeeze %dma_start3A_579 : memref<1x!tpu.dma_semaphore, #tpu.memory_space<semaphore_mem>> -> memref<!tpu.dma_semaphore, #tpu.memory_space<semaphore_mem>>
        tpu.enqueue_indirect_dma source(%dma_start3A_578 : memref<10112x16xf32, #tpu.memory_space<vmem_shared>>) target(%dma_start3A_572 : memref<128x16xf32, #tpu.memory_space<vmem>>) offsets(%dma_start3A_575 : memref<128xi32, #tpu.memory_space<vmem>>) semaphore(%dma_start3A_580 : memref<!tpu.dma_semaphore, #tpu.memory_space<semaphore_mem>>)
      } else {
      }
      %mul3A_459 = arith.constant 8 : i32
      %mul3A_460 = arith.muli %scan3A_143, %mul3A_459 : i32
      %add3A_461 = arith.constant 6 : i32
      %add3A_462 = arith.addi %mul3A_460, %add3A_461 : i32
      %dma_wait3A_463 = arith.constant 6 : i32
      %dma_wait3A_464 = arith.constant 6 : i32
      %dma_wait3A_465 = arith.constant 0 : i32
      %dma_wait3A_466 = arith.constant 0 : i32
      %dma_wait3A_467 = tpu.memref_slice %arg9[%dma_wait3A_463, %dma_wait3A_465, %dma_wait3A_466] : memref<8x128x16xf32, #tpu.memory_space<vmem>> -> memref<1x128x16xf32, #tpu.memory_space<vmem>>
      %dma_wait3A_468 = tpu.memref_squeeze %dma_wait3A_467 : memref<1x128x16xf32, #tpu.memory_space<vmem>> -> memref<128x16xf32, #tpu.memory_space<vmem>>
      %dma_wait3A_469 = arith.constant 0 : i32
      %dma_wait3A_470 = tpu.memref_slice %arg7[%add3A_462, %dma_wait3A_469] : memref<160x128xi32, #tpu.memory_space<vmem>> -> memref<1x128xi32, #tpu.memory_space<vmem>>
      %dma_wait3A_471 = tpu.memref_squeeze %dma_wait3A_470 : memref<1x128xi32, #tpu.memory_space<vmem>> -> memref<128xi32, #tpu.memory_space<vmem>>
      %dma_wait3A_472 = arith.constant 0 : i32
      %dma_wait3A_473 = arith.constant 0 : i32
      %dma_wait3A_474 = tpu.memref_slice %arg11[%dma_wait3A_472, %dma_wait3A_473] : memref<10112x16xf32, #tpu.memory_space<vmem_shared>> -> memref<10112x16xf32, #tpu.memory_space<vmem_shared>>
      %dma_wait3A_475 = tpu.memref_slice %arg14[%dma_wait3A_464] : memref<8x!tpu.dma_semaphore, #tpu.memory_space<semaphore_mem>> -> memref<1x!tpu.dma_semaphore, #tpu.memory_space<semaphore_mem>>
      %dma_wait3A_476 = tpu.memref_squeeze %dma_wait3A_475 : memref<1x!tpu.dma_semaphore, #tpu.memory_space<semaphore_mem>> -> memref<!tpu.dma_semaphore, #tpu.memory_space<semaphore_mem>>
      tpu.wait_indirect_dma semaphore(%dma_wait3A_476 : memref<!tpu.dma_semaphore, #tpu.memory_space<semaphore_mem>>) src(%dma_wait3A_474 : memref<10112x16xf32, #tpu.memory_space<vmem_shared>>) dst(%dma_wait3A_468 : memref<128x16xf32, #tpu.memory_space<vmem>>)
      %dma_start3A_477 = arith.constant 6 : i32
      %dma_start3A_478 = arith.constant 6 : i32
      %dma_start3A_479 = arith.constant 0 : i32
      %dma_start3A_480 = arith.constant 0 : i32
      %dma_start3A_481 = tpu.memref_slice %arg9[%dma_start3A_477, %dma_start3A_479, %dma_start3A_480] : memref<8x128x16xf32, #tpu.memory_space<vmem>> -> memref<1x128x16xf32, #tpu.memory_space<vmem>>
      %dma_start3A_482 = tpu.memref_squeeze %dma_start3A_481 : memref<1x128x16xf32, #tpu.memory_space<vmem>> -> memref<128x16xf32, #tpu.memory_space<vmem>>
      %dma_start3A_483 = arith.constant 0 : i32
      %dma_start3A_484 = tpu.memref_slice %arg8[%add3A_462, %dma_start3A_483] : memref<160x128xi32, #tpu.memory_space<vmem>> -> memref<1x128xi32, #tpu.memory_space<vmem>>
      %dma_start3A_485 = tpu.memref_squeeze %dma_start3A_484 : memref<1x128xi32, #tpu.memory_space<vmem>> -> memref<128xi32, #tpu.memory_space<vmem>>
      %dma_start3A_486 = arith.constant 0 : i32
      %dma_start3A_487 = arith.constant 0 : i32
      %dma_start3A_488 = tpu.memref_slice %arg10[%dma_start3A_486, %dma_start3A_487] : memref<10112x16xf32, #tpu.memory_space<vmem_shared>> -> memref<10112x16xf32, #tpu.memory_space<vmem_shared>>
      %dma_start3A_489 = tpu.memref_slice %arg15[%dma_start3A_478] : memref<8x!tpu.dma_semaphore, #tpu.memory_space<semaphore_mem>> -> memref<1x!tpu.dma_semaphore, #tpu.memory_space<semaphore_mem>>
      %dma_start3A_490 = tpu.memref_squeeze %dma_start3A_489 : memref<1x!tpu.dma_semaphore, #tpu.memory_space<semaphore_mem>> -> memref<!tpu.dma_semaphore, #tpu.memory_space<semaphore_mem>>
      tpu.enqueue_indirect_dma source(%dma_start3A_482 : memref<128x16xf32, #tpu.memory_space<vmem>>) target(%dma_start3A_488 : memref<10112x16xf32, #tpu.memory_space<vmem_shared>>) offsets(%dma_start3A_485 : memref<128xi32, #tpu.memory_space<vmem>>) semaphore(%dma_start3A_490 : memref<!tpu.dma_semaphore, #tpu.memory_space<semaphore_mem>>) {add = true}
      %dma_wait3A_491 = arith.constant 6 : i32
      %dma_wait3A_492 = arith.constant 6 : i32
      %dma_wait3A_493 = arith.constant 0 : i32
      %dma_wait3A_494 = arith.constant 0 : i32
      %dma_wait3A_495 = tpu.memref_slice %arg9[%dma_wait3A_491, %dma_wait3A_493, %dma_wait3A_494] : memref<8x128x16xf32, #tpu.memory_space<vmem>> -> memref<1x128x16xf32, #tpu.memory_space<vmem>>
      %dma_wait3A_496 = tpu.memref_squeeze %dma_wait3A_495 : memref<1x128x16xf32, #tpu.memory_space<vmem>> -> memref<128x16xf32, #tpu.memory_space<vmem>>
      %dma_wait3A_497 = arith.constant 0 : i32
      %dma_wait3A_498 = tpu.memref_slice %arg8[%add3A_462, %dma_wait3A_497] : memref<160x128xi32, #tpu.memory_space<vmem>> -> memref<1x128xi32, #tpu.memory_space<vmem>>
      %dma_wait3A_499 = tpu.memref_squeeze %dma_wait3A_498 : memref<1x128xi32, #tpu.memory_space<vmem>> -> memref<128xi32, #tpu.memory_space<vmem>>
      %dma_wait3A_500 = arith.constant 0 : i32
      %dma_wait3A_501 = arith.constant 0 : i32
      %dma_wait3A_502 = tpu.memref_slice %arg10[%dma_wait3A_500, %dma_wait3A_501] : memref<10112x16xf32, #tpu.memory_space<vmem_shared>> -> memref<10112x16xf32, #tpu.memory_space<vmem_shared>>
      %dma_wait3A_503 = tpu.memref_slice %arg15[%dma_wait3A_492] : memref<8x!tpu.dma_semaphore, #tpu.memory_space<semaphore_mem>> -> memref<1x!tpu.dma_semaphore, #tpu.memory_space<semaphore_mem>>
      %dma_wait3A_504 = tpu.memref_squeeze %dma_wait3A_503 : memref<1x!tpu.dma_semaphore, #tpu.memory_space<semaphore_mem>> -> memref<!tpu.dma_semaphore, #tpu.memory_space<semaphore_mem>>
      tpu.wait_indirect_dma semaphore(%dma_wait3A_504 : memref<!tpu.dma_semaphore, #tpu.memory_space<semaphore_mem>>) src(%dma_wait3A_496 : memref<128x16xf32, #tpu.memory_space<vmem>>) dst(%dma_wait3A_502 : memref<10112x16xf32, #tpu.memory_space<vmem_shared>>)
      %add3A_505 = arith.constant 8 : i32
      %add3A_506 = arith.addi %add3A_462, %add3A_505 : i32
      %lt3A_507 = arith.constant 160 : i32
      %lt3A_508 = arith.cmpi slt, %add3A_506, %lt3A_507 : i32
      %convert_element_type3A_509 = arith.extui %lt3A_508 : i1 to i32
      %cond3A_510 = arith.constant 0 : i32
      %cond3A_511 = arith.cmpi ne, %convert_element_type3A_509, %cond3A_510 : i32
      scf.if %cond3A_511 {
        %add3A_565 = arith.constant 8 : i32
        %add3A_566 = arith.addi %add3A_462, %add3A_565 : i32
        %dma_start3A_567 = arith.constant 6 : i32
        %dma_start3A_568 = arith.constant 6 : i32
        %dma_start3A_569 = arith.constant 0 : i32
        %dma_start3A_570 = arith.constant 0 : i32
        %dma_start3A_571 = tpu.memref_slice %arg9[%dma_start3A_567, %dma_start3A_569, %dma_start3A_570] : memref<8x128x16xf32, #tpu.memory_space<vmem>> -> memref<1x128x16xf32, #tpu.memory_space<vmem>>
        %dma_start3A_572 = tpu.memref_squeeze %dma_start3A_571 : memref<1x128x16xf32, #tpu.memory_space<vmem>> -> memref<128x16xf32, #tpu.memory_space<vmem>>
        %dma_start3A_573 = arith.constant 0 : i32
        %dma_start3A_574 = tpu.memref_slice %arg7[%add3A_566, %dma_start3A_573] : memref<160x128xi32, #tpu.memory_space<vmem>> -> memref<1x128xi32, #tpu.memory_space<vmem>>
        %dma_start3A_575 = tpu.memref_squeeze %dma_start3A_574 : memref<1x128xi32, #tpu.memory_space<vmem>> -> memref<128xi32, #tpu.memory_space<vmem>>
        %dma_start3A_576 = arith.constant 0 : i32
        %dma_start3A_577 = arith.constant 0 : i32
        %dma_start3A_578 = tpu.memref_slice %arg11[%dma_start3A_576, %dma_start3A_577] : memref<10112x16xf32, #tpu.memory_space<vmem_shared>> -> memref<10112x16xf32, #tpu.memory_space<vmem_shared>>
        %dma_start3A_579 = tpu.memref_slice %arg14[%dma_start3A_568] : memref<8x!tpu.dma_semaphore, #tpu.memory_space<semaphore_mem>> -> memref<1x!tpu.dma_semaphore, #tpu.memory_space<semaphore_mem>>
        %dma_start3A_580 = tpu.memref_squeeze %dma_start3A_579 : memref<1x!tpu.dma_semaphore, #tpu.memory_space<semaphore_mem>> -> memref<!tpu.dma_semaphore, #tpu.memory_space<semaphore_mem>>
        tpu.enqueue_indirect_dma source(%dma_start3A_578 : memref<10112x16xf32, #tpu.memory_space<vmem_shared>>) target(%dma_start3A_572 : memref<128x16xf32, #tpu.memory_space<vmem>>) offsets(%dma_start3A_575 : memref<128xi32, #tpu.memory_space<vmem>>) semaphore(%dma_start3A_580 : memref<!tpu.dma_semaphore, #tpu.memory_space<semaphore_mem>>)
      } else {
      }
      %mul3A_512 = arith.constant 8 : i32
      %mul3A_513 = arith.muli %scan3A_143, %mul3A_512 : i32
      %add3A_514 = arith.constant 7 : i32
      %add3A_515 = arith.addi %mul3A_513, %add3A_514 : i32
      %dma_wait3A_516 = arith.constant 7 : i32
      %dma_wait3A_517 = arith.constant 7 : i32
      %dma_wait3A_518 = arith.constant 0 : i32
      %dma_wait3A_519 = arith.constant 0 : i32
      %dma_wait3A_520 = tpu.memref_slice %arg9[%dma_wait3A_516, %dma_wait3A_518, %dma_wait3A_519] : memref<8x128x16xf32, #tpu.memory_space<vmem>> -> memref<1x128x16xf32, #tpu.memory_space<vmem>>
      %dma_wait3A_521 = tpu.memref_squeeze %dma_wait3A_520 : memref<1x128x16xf32, #tpu.memory_space<vmem>> -> memref<128x16xf32, #tpu.memory_space<vmem>>
      %dma_wait3A_522 = arith.constant 0 : i32
      %dma_wait3A_523 = tpu.memref_slice %arg7[%add3A_515, %dma_wait3A_522] : memref<160x128xi32, #tpu.memory_space<vmem>> -> memref<1x128xi32, #tpu.memory_space<vmem>>
      %dma_wait3A_524 = tpu.memref_squeeze %dma_wait3A_523 : memref<1x128xi32, #tpu.memory_space<vmem>> -> memref<128xi32, #tpu.memory_space<vmem>>
      %dma_wait3A_525 = arith.constant 0 : i32
      %dma_wait3A_526 = arith.constant 0 : i32
      %dma_wait3A_527 = tpu.memref_slice %arg11[%dma_wait3A_525, %dma_wait3A_526] : memref<10112x16xf32, #tpu.memory_space<vmem_shared>> -> memref<10112x16xf32, #tpu.memory_space<vmem_shared>>
      %dma_wait3A_528 = tpu.memref_slice %arg14[%dma_wait3A_517] : memref<8x!tpu.dma_semaphore, #tpu.memory_space<semaphore_mem>> -> memref<1x!tpu.dma_semaphore, #tpu.memory_space<semaphore_mem>>
      %dma_wait3A_529 = tpu.memref_squeeze %dma_wait3A_528 : memref<1x!tpu.dma_semaphore, #tpu.memory_space<semaphore_mem>> -> memref<!tpu.dma_semaphore, #tpu.memory_space<semaphore_mem>>
      tpu.wait_indirect_dma semaphore(%dma_wait3A_529 : memref<!tpu.dma_semaphore, #tpu.memory_space<semaphore_mem>>) src(%dma_wait3A_527 : memref<10112x16xf32, #tpu.memory_space<vmem_shared>>) dst(%dma_wait3A_521 : memref<128x16xf32, #tpu.memory_space<vmem>>)
      %dma_start3A_530 = arith.constant 7 : i32
      %dma_start3A_531 = arith.constant 7 : i32
      %dma_start3A_532 = arith.constant 0 : i32
      %dma_start3A_533 = arith.constant 0 : i32
      %dma_start3A_534 = tpu.memref_slice %arg9[%dma_start3A_530, %dma_start3A_532, %dma_start3A_533] : memref<8x128x16xf32, #tpu.memory_space<vmem>> -> memref<1x128x16xf32, #tpu.memory_space<vmem>>
      %dma_start3A_535 = tpu.memref_squeeze %dma_start3A_534 : memref<1x128x16xf32, #tpu.memory_space<vmem>> -> memref<128x16xf32, #tpu.memory_space<vmem>>
      %dma_start3A_536 = arith.constant 0 : i32
      %dma_start3A_537 = tpu.memref_slice %arg8[%add3A_515, %dma_start3A_536] : memref<160x128xi32, #tpu.memory_space<vmem>> -> memref<1x128xi32, #tpu.memory_space<vmem>>
      %dma_start3A_538 = tpu.memref_squeeze %dma_start3A_537 : memref<1x128xi32, #tpu.memory_space<vmem>> -> memref<128xi32, #tpu.memory_space<vmem>>
      %dma_start3A_539 = arith.constant 0 : i32
      %dma_start3A_540 = arith.constant 0 : i32
      %dma_start3A_541 = tpu.memref_slice %arg10[%dma_start3A_539, %dma_start3A_540] : memref<10112x16xf32, #tpu.memory_space<vmem_shared>> -> memref<10112x16xf32, #tpu.memory_space<vmem_shared>>
      %dma_start3A_542 = tpu.memref_slice %arg15[%dma_start3A_531] : memref<8x!tpu.dma_semaphore, #tpu.memory_space<semaphore_mem>> -> memref<1x!tpu.dma_semaphore, #tpu.memory_space<semaphore_mem>>
      %dma_start3A_543 = tpu.memref_squeeze %dma_start3A_542 : memref<1x!tpu.dma_semaphore, #tpu.memory_space<semaphore_mem>> -> memref<!tpu.dma_semaphore, #tpu.memory_space<semaphore_mem>>
      tpu.enqueue_indirect_dma source(%dma_start3A_535 : memref<128x16xf32, #tpu.memory_space<vmem>>) target(%dma_start3A_541 : memref<10112x16xf32, #tpu.memory_space<vmem_shared>>) offsets(%dma_start3A_538 : memref<128xi32, #tpu.memory_space<vmem>>) semaphore(%dma_start3A_543 : memref<!tpu.dma_semaphore, #tpu.memory_space<semaphore_mem>>) {add = true}
      %dma_wait3A_544 = arith.constant 7 : i32
      %dma_wait3A_545 = arith.constant 7 : i32
      %dma_wait3A_546 = arith.constant 0 : i32
      %dma_wait3A_547 = arith.constant 0 : i32
      %dma_wait3A_548 = tpu.memref_slice %arg9[%dma_wait3A_544, %dma_wait3A_546, %dma_wait3A_547] : memref<8x128x16xf32, #tpu.memory_space<vmem>> -> memref<1x128x16xf32, #tpu.memory_space<vmem>>
      %dma_wait3A_549 = tpu.memref_squeeze %dma_wait3A_548 : memref<1x128x16xf32, #tpu.memory_space<vmem>> -> memref<128x16xf32, #tpu.memory_space<vmem>>
      %dma_wait3A_550 = arith.constant 0 : i32
      %dma_wait3A_551 = tpu.memref_slice %arg8[%add3A_515, %dma_wait3A_550] : memref<160x128xi32, #tpu.memory_space<vmem>> -> memref<1x128xi32, #tpu.memory_space<vmem>>
      %dma_wait3A_552 = tpu.memref_squeeze %dma_wait3A_551 : memref<1x128xi32, #tpu.memory_space<vmem>> -> memref<128xi32, #tpu.memory_space<vmem>>
      %dma_wait3A_553 = arith.constant 0 : i32
      %dma_wait3A_554 = arith.constant 0 : i32
      %dma_wait3A_555 = tpu.memref_slice %arg10[%dma_wait3A_553, %dma_wait3A_554] : memref<10112x16xf32, #tpu.memory_space<vmem_shared>> -> memref<10112x16xf32, #tpu.memory_space<vmem_shared>>
      %dma_wait3A_556 = tpu.memref_slice %arg15[%dma_wait3A_545] : memref<8x!tpu.dma_semaphore, #tpu.memory_space<semaphore_mem>> -> memref<1x!tpu.dma_semaphore, #tpu.memory_space<semaphore_mem>>
      %dma_wait3A_557 = tpu.memref_squeeze %dma_wait3A_556 : memref<1x!tpu.dma_semaphore, #tpu.memory_space<semaphore_mem>> -> memref<!tpu.dma_semaphore, #tpu.memory_space<semaphore_mem>>
      tpu.wait_indirect_dma semaphore(%dma_wait3A_557 : memref<!tpu.dma_semaphore, #tpu.memory_space<semaphore_mem>>) src(%dma_wait3A_549 : memref<128x16xf32, #tpu.memory_space<vmem>>) dst(%dma_wait3A_555 : memref<10112x16xf32, #tpu.memory_space<vmem_shared>>)
      %add3A_558 = arith.constant 8 : i32
      %add3A_559 = arith.addi %add3A_515, %add3A_558 : i32
      %lt3A_560 = arith.constant 160 : i32
      %lt3A_561 = arith.cmpi slt, %add3A_559, %lt3A_560 : i32
      %convert_element_type3A_562 = arith.extui %lt3A_561 : i1 to i32
      %cond3A_563 = arith.constant 0 : i32
      %cond3A_564 = arith.cmpi ne, %convert_element_type3A_562, %cond3A_563 : i32
      scf.if %cond3A_564 {
        %add3A_565 = arith.constant 8 : i32
        %add3A_566 = arith.addi %add3A_515, %add3A_565 : i32
        %dma_start3A_567 = arith.constant 7 : i32
        %dma_start3A_568 = arith.constant 7 : i32
        %dma_start3A_569 = arith.constant 0 : i32
        %dma_start3A_570 = arith.constant 0 : i32
        %dma_start3A_571 = tpu.memref_slice %arg9[%dma_start3A_567, %dma_start3A_569, %dma_start3A_570] : memref<8x128x16xf32, #tpu.memory_space<vmem>> -> memref<1x128x16xf32, #tpu.memory_space<vmem>>
        %dma_start3A_572 = tpu.memref_squeeze %dma_start3A_571 : memref<1x128x16xf32, #tpu.memory_space<vmem>> -> memref<128x16xf32, #tpu.memory_space<vmem>>
        %dma_start3A_573 = arith.constant 0 : i32
        %dma_start3A_574 = tpu.memref_slice %arg7[%add3A_566, %dma_start3A_573] : memref<160x128xi32, #tpu.memory_space<vmem>> -> memref<1x128xi32, #tpu.memory_space<vmem>>
        %dma_start3A_575 = tpu.memref_squeeze %dma_start3A_574 : memref<1x128xi32, #tpu.memory_space<vmem>> -> memref<128xi32, #tpu.memory_space<vmem>>
        %dma_start3A_576 = arith.constant 0 : i32
        %dma_start3A_577 = arith.constant 0 : i32
        %dma_start3A_578 = tpu.memref_slice %arg11[%dma_start3A_576, %dma_start3A_577] : memref<10112x16xf32, #tpu.memory_space<vmem_shared>> -> memref<10112x16xf32, #tpu.memory_space<vmem_shared>>
        %dma_start3A_579 = tpu.memref_slice %arg14[%dma_start3A_568] : memref<8x!tpu.dma_semaphore, #tpu.memory_space<semaphore_mem>> -> memref<1x!tpu.dma_semaphore, #tpu.memory_space<semaphore_mem>>
        %dma_start3A_580 = tpu.memref_squeeze %dma_start3A_579 : memref<1x!tpu.dma_semaphore, #tpu.memory_space<semaphore_mem>> -> memref<!tpu.dma_semaphore, #tpu.memory_space<semaphore_mem>>
        tpu.enqueue_indirect_dma source(%dma_start3A_578 : memref<10112x16xf32, #tpu.memory_space<vmem_shared>>) target(%dma_start3A_572 : memref<128x16xf32, #tpu.memory_space<vmem>>) offsets(%dma_start3A_575 : memref<128xi32, #tpu.memory_space<vmem>>) semaphore(%dma_start3A_580 : memref<!tpu.dma_semaphore, #tpu.memory_space<semaphore_mem>>)
      } else {
      }
    }
    %scan3A_141 = arith.constant 20 : i32
    %barrier3A_142 = arith.constant 0 : index
    tpu.barrier barrier_id(%barrier3A_142)
    "tpu.region"() ({
      %run_scoped3A = tpu.sem_alloc : memref<!tpu.dma_semaphore, #tpu.memory_space<semaphore_mem>>
      %dma_start3A_143 = arith.constant 0 : i32
      %dma_start3A_144 = tpu.memref_slice %arg6[%arg0, %mul3A_2, %dma_start3A_143] : memref<2x10112x16xf32, #tpu.memory_space<hbm>> -> memref<1x632x16xf32, #tpu.memory_space<hbm>>
      %dma_start3A_145 = tpu.memref_squeeze %dma_start3A_144 : memref<1x632x16xf32, #tpu.memory_space<hbm>> -> memref<632x16xf32, #tpu.memory_space<hbm>>
      %dma_start3A_146 = arith.constant 0 : i32
      %dma_start3A_147 = tpu.memref_slice %arg10[%mul3A_2, %dma_start3A_146] : memref<10112x16xf32, #tpu.memory_space<vmem_shared>> -> memref<632x16xf32, #tpu.memory_space<vmem_shared>>
      tpu.enqueue_dma source(%dma_start3A_147 : memref<632x16xf32, #tpu.memory_space<vmem_shared>>) target(%dma_start3A_145 : memref<632x16xf32, #tpu.memory_space<hbm>>) target_semaphore(%run_scoped3A : memref<!tpu.dma_semaphore, #tpu.memory_space<semaphore_mem>>)
      %dma_wait3A_148 = arith.constant 0 : i32
      %dma_wait3A_149 = tpu.memref_slice %arg6[%arg0, %mul3A_2, %dma_wait3A_148] : memref<2x10112x16xf32, #tpu.memory_space<hbm>> -> memref<1x632x16xf32, #tpu.memory_space<hbm>>
      %dma_wait3A_150 = tpu.memref_squeeze %dma_wait3A_149 : memref<1x632x16xf32, #tpu.memory_space<hbm>> -> memref<632x16xf32, #tpu.memory_space<hbm>>
      %dma_wait3A_151 = arith.constant 0 : i32
      %dma_wait3A_152 = tpu.memref_slice %arg10[%mul3A_2, %dma_wait3A_151] : memref<10112x16xf32, #tpu.memory_space<vmem_shared>> -> memref<632x16xf32, #tpu.memory_space<vmem_shared>>
      tpu.wait_dma2 semaphore(%run_scoped3A : memref<!tpu.dma_semaphore, #tpu.memory_space<semaphore_mem>>) src(%dma_wait3A_152 : memref<632x16xf32, #tpu.memory_space<vmem_shared>>) dst(%dma_wait3A_150 : memref<632x16xf32, #tpu.memory_space<hbm>>)
      tpu.yield
    }) : () -> ()
    return
  }
}

#map = affine_map<(d0, d1) -> (0, 0)>
#map1 = affine_map<(d0, d1) -> (0, 0, 0)>
module attributes {stable_mosaic.version = 14 : i64} {
  func.func @_segment_sum_body(%arg0: i32, %arg1: i32, %arg2: memref<10112x16xf32, #tpu.memory_space<hbm>>, %arg3: memref<32x160x128xi32, #tpu.memory_space<hbm>>, %arg4: memref<32x160x128xi32, #tpu.memory_space<hbm>>, %arg5: memref<10112x16xf32, #tpu.memory_space<hbm>>, %arg6: memref<2x10112x16xf32, #tpu.memory_space<hbm>>, %arg7: memref<160x128xi32, #tpu.memory_space<vmem>>, %arg8: memref<160x128xi32, #tpu.memory_space<vmem>>, %arg9: memref<8x128x16xf32, #tpu.memory_space<vmem>>, %arg10: memref<10112x16xf32, #tpu.memory_space<vmem_shared>>, %arg11: memref<10112x16xf32, #tpu.memory_space<vmem_shared>>, %arg12: memref<!tpu.dma_semaphore, #tpu.memory_space<semaphore_mem>>, %arg13: memref<!tpu.dma_semaphore, #tpu.memory_space<semaphore_mem>>, %arg14: memref<8x!tpu.dma_semaphore, #tpu.memory_space<semaphore_mem>>, %arg15: memref<8x!tpu.dma_semaphore, #tpu.memory_space<semaphore_mem>>) attributes {dimension_semantics = [#tpu.dimension_semantics<core_parallel>, #tpu.dimension_semantics<subcore_parallel>], iteration_bounds = array<i64: 2, 16>, scalar_prefetch = 0 : i64, scratch_operands = 9 : i64, tpu.core_type = #tpu.core_type<sc_vector_subcore>, window_params = [{transform_indices = #map}, {transform_indices = #map1}, {transform_indices = #map1}, {transform_indices = #map}, {transform_indices = #map1}]} {
    %mul3A = arith.constant 2 : i32
    %mul3A_0 = arith.muli %arg1, %mul3A : i32
    %add3A = arith.addi %mul3A_0, %arg0 : i32
    %mul3A_1 = arith.constant 632 : i32
    %mul3A_2 = arith.muli %arg1, %mul3A_1 : i32
    %dma_start3A = arith.constant 0 : i32
    %dma_start3A_3 = tpu.memref_slice %arg11[%mul3A_2, %dma_start3A] : memref<10112x16xf32, #tpu.memory_space<vmem_shared>> -> memref<632x16xf32, #tpu.memory_space<vmem_shared>>
    %dma_start3A_4 = arith.constant 0 : i32
    %dma_start3A_5 = tpu.memref_slice %arg2[%mul3A_2, %dma_start3A_4] : memref<10112x16xf32, #tpu.memory_space<hbm>> -> memref<632x16xf32, #tpu.memory_space<hbm>>
    tpu.enqueue_dma source(%dma_start3A_5 : memref<632x16xf32, #tpu.memory_space<hbm>>) target(%dma_start3A_3 : memref<632x16xf32, #tpu.memory_space<vmem_shared>>) target_semaphore(%arg13 : memref<!tpu.dma_semaphore, #tpu.memory_space<semaphore_mem>>)
    %dma_start3A_6 = arith.constant 0 : i32
    %dma_start3A_7 = tpu.memref_slice %arg10[%mul3A_2, %dma_start3A_6] : memref<10112x16xf32, #tpu.memory_space<vmem_shared>> -> memref<632x16xf32, #tpu.memory_space<vmem_shared>>
    %dma_start3A_8 = arith.constant 0 : i32
    %dma_start3A_9 = tpu.memref_slice %arg5[%mul3A_2, %dma_start3A_8] : memref<10112x16xf32, #tpu.memory_space<hbm>> -> memref<632x16xf32, #tpu.memory_space<hbm>>
    tpu.enqueue_dma source(%dma_start3A_9 : memref<632x16xf32, #tpu.memory_space<hbm>>) target(%dma_start3A_7 : memref<632x16xf32, #tpu.memory_space<vmem_shared>>) target_semaphore(%arg12 : memref<!tpu.dma_semaphore, #tpu.memory_space<semaphore_mem>>)
    "tpu.region"() ({
      %run_scoped3A = tpu.sem_alloc : memref<!tpu.dma_semaphore, #tpu.memory_space<semaphore_mem>>
      %dma_start3A_143 = arith.constant 0 : i32
      %dma_start3A_144 = arith.constant 0 : i32
      %dma_start3A_145 = tpu.memref_slice %arg3[%add3A, %dma_start3A_143, %dma_start3A_144] : memref<32x160x128xi32, #tpu.memory_space<hbm>> -> memref<1x160x128xi32, #tpu.memory_space<hbm>>
      %dma_start3A_146 = tpu.memref_squeeze %dma_start3A_145 : memref<1x160x128xi32, #tpu.memory_space<hbm>> -> memref<160x128xi32, #tpu.memory_space<hbm>>
      %dma_start3A_147 = arith.constant 0 : i32
      %dma_start3A_148 = arith.constant 0 : i32
      %dma_start3A_149 = tpu.memref_slice %arg3[%add3A, %dma_start3A_147, %dma_start3A_148] : memref<32x160x128xi32, #tpu.memory_space<hbm>> -> memref<1x160x128xi32, #tpu.memory_space<hbm>>
      %dma_start3A_150 = tpu.memref_squeeze %dma_start3A_149 : memref<1x160x128xi32, #tpu.memory_space<hbm>> -> memref<160x128xi32, #tpu.memory_space<hbm>>
      tpu.enqueue_dma source(%dma_start3A_150 : memref<160x128xi32, #tpu.memory_space<hbm>>) target(%arg7 : memref<160x128xi32, #tpu.memory_space<vmem>>) target_semaphore(%run_scoped3A : memref<!tpu.dma_semaphore, #tpu.memory_space<semaphore_mem>>)
      %dma_wait3A_151 = arith.constant 0 : i32
      %dma_wait3A_152 = arith.constant 0 : i32
      %dma_wait3A_153 = tpu.memref_slice %arg3[%add3A, %dma_wait3A_151, %dma_wait3A_152] : memref<32x160x128xi32, #tpu.memory_space<hbm>> -> memref<1x160x128xi32, #tpu.memory_space<hbm>>
      %dma_wait3A_154 = tpu.memref_squeeze %dma_wait3A_153 : memref<1x160x128xi32, #tpu.memory_space<hbm>> -> memref<160x128xi32, #tpu.memory_space<hbm>>
      %dma_wait3A_155 = arith.constant 0 : i32
      %dma_wait3A_156 = arith.constant 0 : i32
      %dma_wait3A_157 = tpu.memref_slice %arg3[%add3A, %dma_wait3A_155, %dma_wait3A_156] : memref<32x160x128xi32, #tpu.memory_space<hbm>> -> memref<1x160x128xi32, #tpu.memory_space<hbm>>
      %dma_wait3A_158 = tpu.memref_squeeze %dma_wait3A_157 : memref<1x160x128xi32, #tpu.memory_space<hbm>> -> memref<160x128xi32, #tpu.memory_space<hbm>>
      tpu.wait_dma2 semaphore(%run_scoped3A : memref<!tpu.dma_semaphore, #tpu.memory_space<semaphore_mem>>) src(%dma_wait3A_158 : memref<160x128xi32, #tpu.memory_space<hbm>>) dst(%arg7 : memref<160x128xi32, #tpu.memory_space<vmem>>)
      tpu.yield
    }) : () -> ()
    "tpu.region"() ({
      %run_scoped3A = tpu.sem_alloc : memref<!tpu.dma_semaphore, #tpu.memory_space<semaphore_mem>>
      %dma_start3A_143 = arith.constant 0 : i32
      %dma_start3A_144 = arith.constant 0 : i32
      %dma_start3A_145 = tpu.memref_slice %arg4[%add3A, %dma_start3A_143, %dma_start3A_144] : memref<32x160x128xi32, #tpu.memory_space<hbm>> -> memref<1x160x128xi32, #tpu.memory_space<hbm>>
      %dma_start3A_146 = tpu.memref_squeeze %dma_start3A_145 : memref<1x160x128xi32, #tpu.memory_space<hbm>> -> memref<160x128xi32, #tpu.memory_space<hbm>>
      %dma_start3A_147 = arith.constant 0 : i32
      %dma_start3A_148 = arith.constant 0 : i32
      %dma_start3A_149 = tpu.memref_slice %arg4[%add3A, %dma_start3A_147, %dma_start3A_148] : memref<32x160x128xi32, #tpu.memory_space<hbm>> -> memref<1x160x128xi32, #tpu.memory_space<hbm>>
      %dma_start3A_150 = tpu.memref_squeeze %dma_start3A_149 : memref<1x160x128xi32, #tpu.memory_space<hbm>> -> memref<160x128xi32, #tpu.memory_space<hbm>>
      tpu.enqueue_dma source(%dma_start3A_150 : memref<160x128xi32, #tpu.memory_space<hbm>>) target(%arg8 : memref<160x128xi32, #tpu.memory_space<vmem>>) target_semaphore(%run_scoped3A : memref<!tpu.dma_semaphore, #tpu.memory_space<semaphore_mem>>)
      %dma_wait3A_151 = arith.constant 0 : i32
      %dma_wait3A_152 = arith.constant 0 : i32
      %dma_wait3A_153 = tpu.memref_slice %arg4[%add3A, %dma_wait3A_151, %dma_wait3A_152] : memref<32x160x128xi32, #tpu.memory_space<hbm>> -> memref<1x160x128xi32, #tpu.memory_space<hbm>>
      %dma_wait3A_154 = tpu.memref_squeeze %dma_wait3A_153 : memref<1x160x128xi32, #tpu.memory_space<hbm>> -> memref<160x128xi32, #tpu.memory_space<hbm>>
      %dma_wait3A_155 = arith.constant 0 : i32
      %dma_wait3A_156 = arith.constant 0 : i32
      %dma_wait3A_157 = tpu.memref_slice %arg4[%add3A, %dma_wait3A_155, %dma_wait3A_156] : memref<32x160x128xi32, #tpu.memory_space<hbm>> -> memref<1x160x128xi32, #tpu.memory_space<hbm>>
      %dma_wait3A_158 = tpu.memref_squeeze %dma_wait3A_157 : memref<1x160x128xi32, #tpu.memory_space<hbm>> -> memref<160x128xi32, #tpu.memory_space<hbm>>
      tpu.wait_dma2 semaphore(%run_scoped3A : memref<!tpu.dma_semaphore, #tpu.memory_space<semaphore_mem>>) src(%dma_wait3A_158 : memref<160x128xi32, #tpu.memory_space<hbm>>) dst(%arg8 : memref<160x128xi32, #tpu.memory_space<vmem>>)
      tpu.yield
    }) : () -> ()
    %dma_wait3A = arith.constant 0 : i32
    %dma_wait3A_10 = tpu.memref_slice %arg11[%mul3A_2, %dma_wait3A] : memref<10112x16xf32, #tpu.memory_space<vmem_shared>> -> memref<632x16xf32, #tpu.memory_space<vmem_shared>>
    %dma_wait3A_11 = arith.constant 0 : i32
    %dma_wait3A_12 = tpu.memref_slice %arg2[%mul3A_2, %dma_wait3A_11] : memref<10112x16xf32, #tpu.memory_space<hbm>> -> memref<632x16xf32, #tpu.memory_space<hbm>>
    tpu.wait_dma2 semaphore(%arg13 : memref<!tpu.dma_semaphore, #tpu.memory_space<semaphore_mem>>) src(%dma_wait3A_12 : memref<632x16xf32, #tpu.memory_space<hbm>>) dst(%dma_wait3A_10 : memref<632x16xf32, #tpu.memory_space<vmem_shared>>)
    %dma_wait3A_13 = arith.constant 0 : i32
    %dma_wait3A_14 = tpu.memref_slice %arg10[%mul3A_2, %dma_wait3A_13] : memref<10112x16xf32, #tpu.memory_space<vmem_shared>> -> memref<632x16xf32, #tpu.memory_space<vmem_shared>>
    %dma_wait3A_15 = arith.constant 0 : i32
    %dma_wait3A_16 = tpu.memref_slice %arg5[%mul3A_2, %dma_wait3A_15] : memref<10112x16xf32, #tpu.memory_space<hbm>> -> memref<632x16xf32, #tpu.memory_space<hbm>>
    tpu.wait_dma2 semaphore(%arg12 : memref<!tpu.dma_semaphore, #tpu.memory_space<semaphore_mem>>) src(%dma_wait3A_16 : memref<632x16xf32, #tpu.memory_space<hbm>>) dst(%dma_wait3A_14 : memref<632x16xf32, #tpu.memory_space<vmem_shared>>)
    %barrier3A = arith.constant 0 : index
    tpu.barrier barrier_id(%barrier3A)
    %dma_start3A_17 = arith.constant 0 : i32
    %dma_start3A_18 = arith.constant 0 : i32
    %dma_start3A_19 = arith.constant 0 : i32
    %dma_start3A_20 = arith.constant 0 : i32
    %dma_start3A_21 = arith.constant 0 : i32
    %dma_start3A_22 = tpu.memref_slice %arg9[%dma_start3A_18, %dma_start3A_20, %dma_start3A_21] : memref<8x128x16xf32, #tpu.memory_space<vmem>> -> memref<1x128x16xf32, #tpu.memory_space<vmem>>
    %dma_start3A_23 = tpu.memref_squeeze %dma_start3A_22 : memref<1x128x16xf32, #tpu.memory_space<vmem>> -> memref<128x16xf32, #tpu.memory_space<vmem>>
    %dma_start3A_24 = arith.constant 0 : i32
    %dma_start3A_25 = tpu.memref_slice %arg7[%dma_start3A_17, %dma_start3A_24] : memref<160x128xi32, #tpu.memory_space<vmem>> -> memref<1x128xi32, #tpu.memory_space<vmem>>
    %dma_start3A_26 = tpu.memref_squeeze %dma_start3A_25 : memref<1x128xi32, #tpu.memory_space<vmem>> -> memref<128xi32, #tpu.memory_space<vmem>>
    %dma_start3A_27 = arith.constant 0 : i32
    %dma_start3A_28 = arith.constant 0 : i32
    %dma_start3A_29 = tpu.memref_slice %arg11[%dma_start3A_27, %dma_start3A_28] : memref<10112x16xf32, #tpu.memory_space<vmem_shared>> -> memref<10112x16xf32, #tpu.memory_space<vmem_shared>>
    %dma_start3A_30 = tpu.memref_slice %arg14[%dma_start3A_19] : memref<8x!tpu.dma_semaphore, #tpu.memory_space<semaphore_mem>> -> memref<1x!tpu.dma_semaphore, #tpu.memory_space<semaphore_mem>>
    %dma_start3A_31 = tpu.memref_squeeze %dma_start3A_30 : memref<1x!tpu.dma_semaphore, #tpu.memory_space<semaphore_mem>> -> memref<!tpu.dma_semaphore, #tpu.memory_space<semaphore_mem>>
    tpu.enqueue_indirect_dma source(%dma_start3A_29 : memref<10112x16xf32, #tpu.memory_space<vmem_shared>>) target(%dma_start3A_23 : memref<128x16xf32, #tpu.memory_space<vmem>>) offsets(%dma_start3A_26 : memref<128xi32, #tpu.memory_space<vmem>>) semaphore(%dma_start3A_31 : memref<!tpu.dma_semaphore, #tpu.memory_space<semaphore_mem>>)
    %dma_start3A_32 = arith.constant 1 : i32
    %dma_start3A_33 = arith.constant 1 : i32
    %dma_start3A_34 = arith.constant 1 : i32
    %dma_start3A_35 = arith.constant 0 : i32
    %dma_start3A_36 = arith.constant 0 : i32
    %dma_start3A_37 = tpu.memref_slice %arg9[%dma_start3A_33, %dma_start3A_35, %dma_start3A_36] : memref<8x128x16xf32, #tpu.memory_space<vmem>> -> memref<1x128x16xf32, #tpu.memory_space<vmem>>
    %dma_start3A_38 = tpu.memref_squeeze %dma_start3A_37 : memref<1x128x16xf32, #tpu.memory_space<vmem>> -> memref<128x16xf32, #tpu.memory_space<vmem>>
    %dma_start3A_39 = arith.constant 0 : i32
    %dma_start3A_40 = tpu.memref_slice %arg7[%dma_start3A_32, %dma_start3A_39] : memref<160x128xi32, #tpu.memory_space<vmem>> -> memref<1x128xi32, #tpu.memory_space<vmem>>
    %dma_start3A_41 = tpu.memref_squeeze %dma_start3A_40 : memref<1x128xi32, #tpu.memory_space<vmem>> -> memref<128xi32, #tpu.memory_space<vmem>>
    %dma_start3A_42 = arith.constant 0 : i32
    %dma_start3A_43 = arith.constant 0 : i32
    %dma_start3A_44 = tpu.memref_slice %arg11[%dma_start3A_42, %dma_start3A_43] : memref<10112x16xf32, #tpu.memory_space<vmem_shared>> -> memref<10112x16xf32, #tpu.memory_space<vmem_shared>>
    %dma_start3A_45 = tpu.memref_slice %arg14[%dma_start3A_34] : memref<8x!tpu.dma_semaphore, #tpu.memory_space<semaphore_mem>> -> memref<1x!tpu.dma_semaphore, #tpu.memory_space<semaphore_mem>>
    %dma_start3A_46 = tpu.memref_squeeze %dma_start3A_45 : memref<1x!tpu.dma_semaphore, #tpu.memory_space<semaphore_mem>> -> memref<!tpu.dma_semaphore, #tpu.memory_space<semaphore_mem>>
    tpu.enqueue_indirect_dma source(%dma_start3A_44 : memref<10112x16xf32, #tpu.memory_space<vmem_shared>>) target(%dma_start3A_38 : memref<128x16xf32, #tpu.memory_space<vmem>>) offsets(%dma_start3A_41 : memref<128xi32, #tpu.memory_space<vmem>>) semaphore(%dma_start3A_46 : memref<!tpu.dma_semaphore, #tpu.memory_space<semaphore_mem>>)
    %dma_start3A_47 = arith.constant 2 : i32
    %dma_start3A_48 = arith.constant 2 : i32
    %dma_start3A_49 = arith.constant 2 : i32
    %dma_start3A_50 = arith.constant 0 : i32
    %dma_start3A_51 = arith.constant 0 : i32
    %dma_start3A_52 = tpu.memref_slice %arg9[%dma_start3A_48, %dma_start3A_50, %dma_start3A_51] : memref<8x128x16xf32, #tpu.memory_space<vmem>> -> memref<1x128x16xf32, #tpu.memory_space<vmem>>
    %dma_start3A_53 = tpu.memref_squeeze %dma_start3A_52 : memref<1x128x16xf32, #tpu.memory_space<vmem>> -> memref<128x16xf32, #tpu.memory_space<vmem>>
    %dma_start3A_54 = arith.constant 0 : i32
    %dma_start3A_55 = tpu.memref_slice %arg7[%dma_start3A_47, %dma_start3A_54] : memref<160x128xi32, #tpu.memory_space<vmem>> -> memref<1x128xi32, #tpu.memory_space<vmem>>
    %dma_start3A_56 = tpu.memref_squeeze %dma_start3A_55 : memref<1x128xi32, #tpu.memory_space<vmem>> -> memref<128xi32, #tpu.memory_space<vmem>>
    %dma_start3A_57 = arith.constant 0 : i32
    %dma_start3A_58 = arith.constant 0 : i32
    %dma_start3A_59 = tpu.memref_slice %arg11[%dma_start3A_57, %dma_start3A_58] : memref<10112x16xf32, #tpu.memory_space<vmem_shared>> -> memref<10112x16xf32, #tpu.memory_space<vmem_shared>>
    %dma_start3A_60 = tpu.memref_slice %arg14[%dma_start3A_49] : memref<8x!tpu.dma_semaphore, #tpu.memory_space<semaphore_mem>> -> memref<1x!tpu.dma_semaphore, #tpu.memory_space<semaphore_mem>>
    %dma_start3A_61 = tpu.memref_squeeze %dma_start3A_60 : memref<1x!tpu.dma_semaphore, #tpu.memory_space<semaphore_mem>> -> memref<!tpu.dma_semaphore, #tpu.memory_space<semaphore_mem>>
    tpu.enqueue_indirect_dma source(%dma_start3A_59 : memref<10112x16xf32, #tpu.memory_space<vmem_shared>>) target(%dma_start3A_53 : memref<128x16xf32, #tpu.memory_space<vmem>>) offsets(%dma_start3A_56 : memref<128xi32, #tpu.memory_space<vmem>>) semaphore(%dma_start3A_61 : memref<!tpu.dma_semaphore, #tpu.memory_space<semaphore_mem>>)
    %dma_start3A_62 = arith.constant 3 : i32
    %dma_start3A_63 = arith.constant 3 : i32
    %dma_start3A_64 = arith.constant 3 : i32
    %dma_start3A_65 = arith.constant 0 : i32
    %dma_start3A_66 = arith.constant 0 : i32
    %dma_start3A_67 = tpu.memref_slice %arg9[%dma_start3A_63, %dma_start3A_65, %dma_start3A_66] : memref<8x128x16xf32, #tpu.memory_space<vmem>> -> memref<1x128x16xf32, #tpu.memory_space<vmem>>
    %dma_start3A_68 = tpu.memref_squeeze %dma_start3A_67 : memref<1x128x16xf32, #tpu.memory_space<vmem>> -> memref<128x16xf32, #tpu.memory_space<vmem>>
    %dma_start3A_69 = arith.constant 0 : i32
    %dma_start3A_70 = tpu.memref_slice %arg7[%dma_start3A_62, %dma_start3A_69] : memref<160x128xi32, #tpu.memory_space<vmem>> -> memref<1x128xi32, #tpu.memory_space<vmem>>
    %dma_start3A_71 = tpu.memref_squeeze %dma_start3A_70 : memref<1x128xi32, #tpu.memory_space<vmem>> -> memref<128xi32, #tpu.memory_space<vmem>>
    %dma_start3A_72 = arith.constant 0 : i32
    %dma_start3A_73 = arith.constant 0 : i32
    %dma_start3A_74 = tpu.memref_slice %arg11[%dma_start3A_72, %dma_start3A_73] : memref<10112x16xf32, #tpu.memory_space<vmem_shared>> -> memref<10112x16xf32, #tpu.memory_space<vmem_shared>>
    %dma_start3A_75 = tpu.memref_slice %arg14[%dma_start3A_64] : memref<8x!tpu.dma_semaphore, #tpu.memory_space<semaphore_mem>> -> memref<1x!tpu.dma_semaphore, #tpu.memory_space<semaphore_mem>>
    %dma_start3A_76 = tpu.memref_squeeze %dma_start3A_75 : memref<1x!tpu.dma_semaphore, #tpu.memory_space<semaphore_mem>> -> memref<!tpu.dma_semaphore, #tpu.memory_space<semaphore_mem>>
    tpu.enqueue_indirect_dma source(%dma_start3A_74 : memref<10112x16xf32, #tpu.memory_space<vmem_shared>>) target(%dma_start3A_68 : memref<128x16xf32, #tpu.memory_space<vmem>>) offsets(%dma_start3A_71 : memref<128xi32, #tpu.memory_space<vmem>>) semaphore(%dma_start3A_76 : memref<!tpu.dma_semaphore, #tpu.memory_space<semaphore_mem>>)
    %dma_start3A_77 = arith.constant 4 : i32
    %dma_start3A_78 = arith.constant 4 : i32
    %dma_start3A_79 = arith.constant 4 : i32
    %dma_start3A_80 = arith.constant 0 : i32
    %dma_start3A_81 = arith.constant 0 : i32
    %dma_start3A_82 = tpu.memref_slice %arg9[%dma_start3A_78, %dma_start3A_80, %dma_start3A_81] : memref<8x128x16xf32, #tpu.memory_space<vmem>> -> memref<1x128x16xf32, #tpu.memory_space<vmem>>
    %dma_start3A_83 = tpu.memref_squeeze %dma_start3A_82 : memref<1x128x16xf32, #tpu.memory_space<vmem>> -> memref<128x16xf32, #tpu.memory_space<vmem>>
    %dma_start3A_84 = arith.constant 0 : i32
    %dma_start3A_85 = tpu.memref_slice %arg7[%dma_start3A_77, %dma_start3A_84] : memref<160x128xi32, #tpu.memory_space<vmem>> -> memref<1x128xi32, #tpu.memory_space<vmem>>
    %dma_start3A_86 = tpu.memref_squeeze %dma_start3A_85 : memref<1x128xi32, #tpu.memory_space<vmem>> -> memref<128xi32, #tpu.memory_space<vmem>>
    %dma_start3A_87 = arith.constant 0 : i32
    %dma_start3A_88 = arith.constant 0 : i32
    %dma_start3A_89 = tpu.memref_slice %arg11[%dma_start3A_87, %dma_start3A_88] : memref<10112x16xf32, #tpu.memory_space<vmem_shared>> -> memref<10112x16xf32, #tpu.memory_space<vmem_shared>>
    %dma_start3A_90 = tpu.memref_slice %arg14[%dma_start3A_79] : memref<8x!tpu.dma_semaphore, #tpu.memory_space<semaphore_mem>> -> memref<1x!tpu.dma_semaphore, #tpu.memory_space<semaphore_mem>>
    %dma_start3A_91 = tpu.memref_squeeze %dma_start3A_90 : memref<1x!tpu.dma_semaphore, #tpu.memory_space<semaphore_mem>> -> memref<!tpu.dma_semaphore, #tpu.memory_space<semaphore_mem>>
    tpu.enqueue_indirect_dma source(%dma_start3A_89 : memref<10112x16xf32, #tpu.memory_space<vmem_shared>>) target(%dma_start3A_83 : memref<128x16xf32, #tpu.memory_space<vmem>>) offsets(%dma_start3A_86 : memref<128xi32, #tpu.memory_space<vmem>>) semaphore(%dma_start3A_91 : memref<!tpu.dma_semaphore, #tpu.memory_space<semaphore_mem>>)
    %dma_start3A_92 = arith.constant 5 : i32
    %dma_start3A_93 = arith.constant 5 : i32
    %dma_start3A_94 = arith.constant 5 : i32
    %dma_start3A_95 = arith.constant 0 : i32
    %dma_start3A_96 = arith.constant 0 : i32
    %dma_start3A_97 = tpu.memref_slice %arg9[%dma_start3A_93, %dma_start3A_95, %dma_start3A_96] : memref<8x128x16xf32, #tpu.memory_space<vmem>> -> memref<1x128x16xf32, #tpu.memory_space<vmem>>
    %dma_start3A_98 = tpu.memref_squeeze %dma_start3A_97 : memref<1x128x16xf32, #tpu.memory_space<vmem>> -> memref<128x16xf32, #tpu.memory_space<vmem>>
    %dma_start3A_99 = arith.constant 0 : i32
    %dma_start3A_100 = tpu.memref_slice %arg7[%dma_start3A_92, %dma_start3A_99] : memref<160x128xi32, #tpu.memory_space<vmem>> -> memref<1x128xi32, #tpu.memory_space<vmem>>
    %dma_start3A_101 = tpu.memref_squeeze %dma_start3A_100 : memref<1x128xi32, #tpu.memory_space<vmem>> -> memref<128xi32, #tpu.memory_space<vmem>>
    %dma_start3A_102 = arith.constant 0 : i32
    %dma_start3A_103 = arith.constant 0 : i32
    %dma_start3A_104 = tpu.memref_slice %arg11[%dma_start3A_102, %dma_start3A_103] : memref<10112x16xf32, #tpu.memory_space<vmem_shared>> -> memref<10112x16xf32, #tpu.memory_space<vmem_shared>>
    %dma_start3A_105 = tpu.memref_slice %arg14[%dma_start3A_94] : memref<8x!tpu.dma_semaphore, #tpu.memory_space<semaphore_mem>> -> memref<1x!tpu.dma_semaphore, #tpu.memory_space<semaphore_mem>>
    %dma_start3A_106 = tpu.memref_squeeze %dma_start3A_105 : memref<1x!tpu.dma_semaphore, #tpu.memory_space<semaphore_mem>> -> memref<!tpu.dma_semaphore, #tpu.memory_space<semaphore_mem>>
    tpu.enqueue_indirect_dma source(%dma_start3A_104 : memref<10112x16xf32, #tpu.memory_space<vmem_shared>>) target(%dma_start3A_98 : memref<128x16xf32, #tpu.memory_space<vmem>>) offsets(%dma_start3A_101 : memref<128xi32, #tpu.memory_space<vmem>>) semaphore(%dma_start3A_106 : memref<!tpu.dma_semaphore, #tpu.memory_space<semaphore_mem>>)
    %dma_start3A_107 = arith.constant 6 : i32
    %dma_start3A_108 = arith.constant 6 : i32
    %dma_start3A_109 = arith.constant 6 : i32
    %dma_start3A_110 = arith.constant 0 : i32
    %dma_start3A_111 = arith.constant 0 : i32
    %dma_start3A_112 = tpu.memref_slice %arg9[%dma_start3A_108, %dma_start3A_110, %dma_start3A_111] : memref<8x128x16xf32, #tpu.memory_space<vmem>> -> memref<1x128x16xf32, #tpu.memory_space<vmem>>
    %dma_start3A_113 = tpu.memref_squeeze %dma_start3A_112 : memref<1x128x16xf32, #tpu.memory_space<vmem>> -> memref<128x16xf32, #tpu.memory_space<vmem>>
    %dma_start3A_114 = arith.constant 0 : i32
    %dma_start3A_115 = tpu.memref_slice %arg7[%dma_start3A_107, %dma_start3A_114] : memref<160x128xi32, #tpu.memory_space<vmem>> -> memref<1x128xi32, #tpu.memory_space<vmem>>
    %dma_start3A_116 = tpu.memref_squeeze %dma_start3A_115 : memref<1x128xi32, #tpu.memory_space<vmem>> -> memref<128xi32, #tpu.memory_space<vmem>>
    %dma_start3A_117 = arith.constant 0 : i32
    %dma_start3A_118 = arith.constant 0 : i32
    %dma_start3A_119 = tpu.memref_slice %arg11[%dma_start3A_117, %dma_start3A_118] : memref<10112x16xf32, #tpu.memory_space<vmem_shared>> -> memref<10112x16xf32, #tpu.memory_space<vmem_shared>>
    %dma_start3A_120 = tpu.memref_slice %arg14[%dma_start3A_109] : memref<8x!tpu.dma_semaphore, #tpu.memory_space<semaphore_mem>> -> memref<1x!tpu.dma_semaphore, #tpu.memory_space<semaphore_mem>>
    %dma_start3A_121 = tpu.memref_squeeze %dma_start3A_120 : memref<1x!tpu.dma_semaphore, #tpu.memory_space<semaphore_mem>> -> memref<!tpu.dma_semaphore, #tpu.memory_space<semaphore_mem>>
    tpu.enqueue_indirect_dma source(%dma_start3A_119 : memref<10112x16xf32, #tpu.memory_space<vmem_shared>>) target(%dma_start3A_113 : memref<128x16xf32, #tpu.memory_space<vmem>>) offsets(%dma_start3A_116 : memref<128xi32, #tpu.memory_space<vmem>>) semaphore(%dma_start3A_121 : memref<!tpu.dma_semaphore, #tpu.memory_space<semaphore_mem>>)
    %dma_start3A_122 = arith.constant 7 : i32
    %dma_start3A_123 = arith.constant 7 : i32
    %dma_start3A_124 = arith.constant 7 : i32
    %dma_start3A_125 = arith.constant 0 : i32
    %dma_start3A_126 = arith.constant 0 : i32
    %dma_start3A_127 = tpu.memref_slice %arg9[%dma_start3A_123, %dma_start3A_125, %dma_start3A_126] : memref<8x128x16xf32, #tpu.memory_space<vmem>> -> memref<1x128x16xf32, #tpu.memory_space<vmem>>
    %dma_start3A_128 = tpu.memref_squeeze %dma_start3A_127 : memref<1x128x16xf32, #tpu.memory_space<vmem>> -> memref<128x16xf32, #tpu.memory_space<vmem>>
    %dma_start3A_129 = arith.constant 0 : i32
    %dma_start3A_130 = tpu.memref_slice %arg7[%dma_start3A_122, %dma_start3A_129] : memref<160x128xi32, #tpu.memory_space<vmem>> -> memref<1x128xi32, #tpu.memory_space<vmem>>
    %dma_start3A_131 = tpu.memref_squeeze %dma_start3A_130 : memref<1x128xi32, #tpu.memory_space<vmem>> -> memref<128xi32, #tpu.memory_space<vmem>>
    %dma_start3A_132 = arith.constant 0 : i32
    %dma_start3A_133 = arith.constant 0 : i32
    %dma_start3A_134 = tpu.memref_slice %arg11[%dma_start3A_132, %dma_start3A_133] : memref<10112x16xf32, #tpu.memory_space<vmem_shared>> -> memref<10112x16xf32, #tpu.memory_space<vmem_shared>>
    %dma_start3A_135 = tpu.memref_slice %arg14[%dma_start3A_124] : memref<8x!tpu.dma_semaphore, #tpu.memory_space<semaphore_mem>> -> memref<1x!tpu.dma_semaphore, #tpu.memory_space<semaphore_mem>>
    %dma_start3A_136 = tpu.memref_squeeze %dma_start3A_135 : memref<1x!tpu.dma_semaphore, #tpu.memory_space<semaphore_mem>> -> memref<!tpu.dma_semaphore, #tpu.memory_space<semaphore_mem>>
    tpu.enqueue_indirect_dma source(%dma_start3A_134 : memref<10112x16xf32, #tpu.memory_space<vmem_shared>>) target(%dma_start3A_128 : memref<128x16xf32, #tpu.memory_space<vmem>>) offsets(%dma_start3A_131 : memref<128xi32, #tpu.memory_space<vmem>>) semaphore(%dma_start3A_136 : memref<!tpu.dma_semaphore, #tpu.memory_space<semaphore_mem>>)
    %scan3A = arith.constant 0 : i32
    %scan3A_137 = arith.constant 0 : i32
    %scan3A_138 = arith.constant 20 : i32
    %scan3A_139 = arith.addi %scan3A_137, %scan3A_138 : i32
    %scan3A_140 = arith.constant 1 : i32
    scf.for %scan3A_143 = %scan3A_137 to %scan3A_139 step %scan3A_140  : i32 {
      %mul3A_144 = arith.constant 8 : i32
      %mul3A_145 = arith.muli %scan3A_143, %mul3A_144 : i32
      %add3A_146 = arith.constant 0 : i32
      %add3A_147 = arith.addi %mul3A_145, %add3A_146 : i32
      %dma_wait3A_148 = arith.constant 0 : i32
      %dma_wait3A_149 = arith.constant 0 : i32
      %dma_wait3A_150 = arith.constant 0 : i32
      %dma_wait3A_151 = arith.constant 0 : i32
      %dma_wait3A_152 = tpu.memref_slice %arg9[%dma_wait3A_148, %dma_wait3A_150, %dma_wait3A_151] : memref<8x128x16xf32, #tpu.memory_space<vmem>> -> memref<1x128x16xf32, #tpu.memory_space<vmem>>
      %dma_wait3A_153 = tpu.memref_squeeze %dma_wait3A_152 : memref<1x128x16xf32, #tpu.memory_space<vmem>> -> memref<128x16xf32, #tpu.memory_space<vmem>>
      %dma_wait3A_154 = arith.constant 0 : i32
      %dma_wait3A_155 = tpu.memref_slice %arg7[%add3A_147, %dma_wait3A_154] : memref<160x128xi32, #tpu.memory_space<vmem>> -> memref<1x128xi32, #tpu.memory_space<vmem>>
      %dma_wait3A_156 = tpu.memref_squeeze %dma_wait3A_155 : memref<1x128xi32, #tpu.memory_space<vmem>> -> memref<128xi32, #tpu.memory_space<vmem>>
      %dma_wait3A_157 = arith.constant 0 : i32
      %dma_wait3A_158 = arith.constant 0 : i32
      %dma_wait3A_159 = tpu.memref_slice %arg11[%dma_wait3A_157, %dma_wait3A_158] : memref<10112x16xf32, #tpu.memory_space<vmem_shared>> -> memref<10112x16xf32, #tpu.memory_space<vmem_shared>>
      %dma_wait3A_160 = tpu.memref_slice %arg14[%dma_wait3A_149] : memref<8x!tpu.dma_semaphore, #tpu.memory_space<semaphore_mem>> -> memref<1x!tpu.dma_semaphore, #tpu.memory_space<semaphore_mem>>
      %dma_wait3A_161 = tpu.memref_squeeze %dma_wait3A_160 : memref<1x!tpu.dma_semaphore, #tpu.memory_space<semaphore_mem>> -> memref<!tpu.dma_semaphore, #tpu.memory_space<semaphore_mem>>
      tpu.wait_indirect_dma semaphore(%dma_wait3A_161 : memref<!tpu.dma_semaphore, #tpu.memory_space<semaphore_mem>>) src(%dma_wait3A_159 : memref<10112x16xf32, #tpu.memory_space<vmem_shared>>) dst(%dma_wait3A_153 : memref<128x16xf32, #tpu.memory_space<vmem>>)
      %dma_start3A_162 = arith.constant 0 : i32
      %dma_start3A_163 = arith.constant 0 : i32
      %dma_start3A_164 = arith.constant 0 : i32
      %dma_start3A_165 = arith.constant 0 : i32
      %dma_start3A_166 = tpu.memref_slice %arg9[%dma_start3A_162, %dma_start3A_164, %dma_start3A_165] : memref<8x128x16xf32, #tpu.memory_space<vmem>> -> memref<1x128x16xf32, #tpu.memory_space<vmem>>
      %dma_start3A_167 = tpu.memref_squeeze %dma_start3A_166 : memref<1x128x16xf32, #tpu.memory_space<vmem>> -> memref<128x16xf32, #tpu.memory_space<vmem>>
      %dma_start3A_168 = arith.constant 0 : i32
      %dma_start3A_169 = tpu.memref_slice %arg8[%add3A_147, %dma_start3A_168] : memref<160x128xi32, #tpu.memory_space<vmem>> -> memref<1x128xi32, #tpu.memory_space<vmem>>
      %dma_start3A_170 = tpu.memref_squeeze %dma_start3A_169 : memref<1x128xi32, #tpu.memory_space<vmem>> -> memref<128xi32, #tpu.memory_space<vmem>>
      %dma_start3A_171 = arith.constant 0 : i32
      %dma_start3A_172 = arith.constant 0 : i32
      %dma_start3A_173 = tpu.memref_slice %arg10[%dma_start3A_171, %dma_start3A_172] : memref<10112x16xf32, #tpu.memory_space<vmem_shared>> -> memref<10112x16xf32, #tpu.memory_space<vmem_shared>>
      %dma_start3A_174 = tpu.memref_slice %arg15[%dma_start3A_163] : memref<8x!tpu.dma_semaphore, #tpu.memory_space<semaphore_mem>> -> memref<1x!tpu.dma_semaphore, #tpu.memory_space<semaphore_mem>>
      %dma_start3A_175 = tpu.memref_squeeze %dma_start3A_174 : memref<1x!tpu.dma_semaphore, #tpu.memory_space<semaphore_mem>> -> memref<!tpu.dma_semaphore, #tpu.memory_space<semaphore_mem>>
      tpu.enqueue_indirect_dma source(%dma_start3A_167 : memref<128x16xf32, #tpu.memory_space<vmem>>) target(%dma_start3A_173 : memref<10112x16xf32, #tpu.memory_space<vmem_shared>>) offsets(%dma_start3A_170 : memref<128xi32, #tpu.memory_space<vmem>>) semaphore(%dma_start3A_175 : memref<!tpu.dma_semaphore, #tpu.memory_space<semaphore_mem>>) {add = true}
      %dma_wait3A_176 = arith.constant 0 : i32
      %dma_wait3A_177 = arith.constant 0 : i32
      %dma_wait3A_178 = arith.constant 0 : i32
      %dma_wait3A_179 = arith.constant 0 : i32
      %dma_wait3A_180 = tpu.memref_slice %arg9[%dma_wait3A_176, %dma_wait3A_178, %dma_wait3A_179] : memref<8x128x16xf32, #tpu.memory_space<vmem>> -> memref<1x128x16xf32, #tpu.memory_space<vmem>>
      %dma_wait3A_181 = tpu.memref_squeeze %dma_wait3A_180 : memref<1x128x16xf32, #tpu.memory_space<vmem>> -> memref<128x16xf32, #tpu.memory_space<vmem>>
      %dma_wait3A_182 = arith.constant 0 : i32
      %dma_wait3A_183 = tpu.memref_slice %arg8[%add3A_147, %dma_wait3A_182] : memref<160x128xi32, #tpu.memory_space<vmem>> -> memref<1x128xi32, #tpu.memory_space<vmem>>
      %dma_wait3A_184 = tpu.memref_squeeze %dma_wait3A_183 : memref<1x128xi32, #tpu.memory_space<vmem>> -> memref<128xi32, #tpu.memory_space<vmem>>
      %dma_wait3A_185 = arith.constant 0 : i32
      %dma_wait3A_186 = arith.constant 0 : i32
      %dma_wait3A_187 = tpu.memref_slice %arg10[%dma_wait3A_185, %dma_wait3A_186] : memref<10112x16xf32, #tpu.memory_space<vmem_shared>> -> memref<10112x16xf32, #tpu.memory_space<vmem_shared>>
      %dma_wait3A_188 = tpu.memref_slice %arg15[%dma_wait3A_177] : memref<8x!tpu.dma_semaphore, #tpu.memory_space<semaphore_mem>> -> memref<1x!tpu.dma_semaphore, #tpu.memory_space<semaphore_mem>>
      %dma_wait3A_189 = tpu.memref_squeeze %dma_wait3A_188 : memref<1x!tpu.dma_semaphore, #tpu.memory_space<semaphore_mem>> -> memref<!tpu.dma_semaphore, #tpu.memory_space<semaphore_mem>>
      tpu.wait_indirect_dma semaphore(%dma_wait3A_189 : memref<!tpu.dma_semaphore, #tpu.memory_space<semaphore_mem>>) src(%dma_wait3A_181 : memref<128x16xf32, #tpu.memory_space<vmem>>) dst(%dma_wait3A_187 : memref<10112x16xf32, #tpu.memory_space<vmem_shared>>)
      %add3A_190 = arith.constant 8 : i32
      %add3A_191 = arith.addi %add3A_147, %add3A_190 : i32
      %lt3A = arith.constant 160 : i32
      %lt3A_192 = arith.cmpi slt, %add3A_191, %lt3A : i32
      %convert_element_type3A = arith.extui %lt3A_192 : i1 to i32
      %cond3A = arith.constant 0 : i32
      %cond3A_193 = arith.cmpi ne, %convert_element_type3A, %cond3A : i32
      scf.if %cond3A_193 {
        %add3A_565 = arith.constant 8 : i32
        %add3A_566 = arith.addi %add3A_147, %add3A_565 : i32
        %dma_start3A_567 = arith.constant 0 : i32
        %dma_start3A_568 = arith.constant 0 : i32
        %dma_start3A_569 = arith.constant 0 : i32
        %dma_start3A_570 = arith.constant 0 : i32
        %dma_start3A_571 = tpu.memref_slice %arg9[%dma_start3A_567, %dma_start3A_569, %dma_start3A_570] : memref<8x128x16xf32, #tpu.memory_space<vmem>> -> memref<1x128x16xf32, #tpu.memory_space<vmem>>
        %dma_start3A_572 = tpu.memref_squeeze %dma_start3A_571 : memref<1x128x16xf32, #tpu.memory_space<vmem>> -> memref<128x16xf32, #tpu.memory_space<vmem>>
        %dma_start3A_573 = arith.constant 0 : i32
        %dma_start3A_574 = tpu.memref_slice %arg7[%add3A_566, %dma_start3A_573] : memref<160x128xi32, #tpu.memory_space<vmem>> -> memref<1x128xi32, #tpu.memory_space<vmem>>
        %dma_start3A_575 = tpu.memref_squeeze %dma_start3A_574 : memref<1x128xi32, #tpu.memory_space<vmem>> -> memref<128xi32, #tpu.memory_space<vmem>>
        %dma_start3A_576 = arith.constant 0 : i32
        %dma_start3A_577 = arith.constant 0 : i32
        %dma_start3A_578 = tpu.memref_slice %arg11[%dma_start3A_576, %dma_start3A_577] : memref<10112x16xf32, #tpu.memory_space<vmem_shared>> -> memref<10112x16xf32, #tpu.memory_space<vmem_shared>>
        %dma_start3A_579 = tpu.memref_slice %arg14[%dma_start3A_568] : memref<8x!tpu.dma_semaphore, #tpu.memory_space<semaphore_mem>> -> memref<1x!tpu.dma_semaphore, #tpu.memory_space<semaphore_mem>>
        %dma_start3A_580 = tpu.memref_squeeze %dma_start3A_579 : memref<1x!tpu.dma_semaphore, #tpu.memory_space<semaphore_mem>> -> memref<!tpu.dma_semaphore, #tpu.memory_space<semaphore_mem>>
        tpu.enqueue_indirect_dma source(%dma_start3A_578 : memref<10112x16xf32, #tpu.memory_space<vmem_shared>>) target(%dma_start3A_572 : memref<128x16xf32, #tpu.memory_space<vmem>>) offsets(%dma_start3A_575 : memref<128xi32, #tpu.memory_space<vmem>>) semaphore(%dma_start3A_580 : memref<!tpu.dma_semaphore, #tpu.memory_space<semaphore_mem>>)
      } else {
      }
      %mul3A_194 = arith.constant 8 : i32
      %mul3A_195 = arith.muli %scan3A_143, %mul3A_194 : i32
      %add3A_196 = arith.constant 1 : i32
      %add3A_197 = arith.addi %mul3A_195, %add3A_196 : i32
      %dma_wait3A_198 = arith.constant 1 : i32
      %dma_wait3A_199 = arith.constant 1 : i32
      %dma_wait3A_200 = arith.constant 0 : i32
      %dma_wait3A_201 = arith.constant 0 : i32
      %dma_wait3A_202 = tpu.memref_slice %arg9[%dma_wait3A_198, %dma_wait3A_200, %dma_wait3A_201] : memref<8x128x16xf32, #tpu.memory_space<vmem>> -> memref<1x128x16xf32, #tpu.memory_space<vmem>>
      %dma_wait3A_203 = tpu.memref_squeeze %dma_wait3A_202 : memref<1x128x16xf32, #tpu.memory_space<vmem>> -> memref<128x16xf32, #tpu.memory_space<vmem>>
      %dma_wait3A_204 = arith.constant 0 : i32
      %dma_wait3A_205 = tpu.memref_slice %arg7[%add3A_197, %dma_wait3A_204] : memref<160x128xi32, #tpu.memory_space<vmem>> -> memref<1x128xi32, #tpu.memory_space<vmem>>
      %dma_wait3A_206 = tpu.memref_squeeze %dma_wait3A_205 : memref<1x128xi32, #tpu.memory_space<vmem>> -> memref<128xi32, #tpu.memory_space<vmem>>
      %dma_wait3A_207 = arith.constant 0 : i32
      %dma_wait3A_208 = arith.constant 0 : i32
      %dma_wait3A_209 = tpu.memref_slice %arg11[%dma_wait3A_207, %dma_wait3A_208] : memref<10112x16xf32, #tpu.memory_space<vmem_shared>> -> memref<10112x16xf32, #tpu.memory_space<vmem_shared>>
      %dma_wait3A_210 = tpu.memref_slice %arg14[%dma_wait3A_199] : memref<8x!tpu.dma_semaphore, #tpu.memory_space<semaphore_mem>> -> memref<1x!tpu.dma_semaphore, #tpu.memory_space<semaphore_mem>>
      %dma_wait3A_211 = tpu.memref_squeeze %dma_wait3A_210 : memref<1x!tpu.dma_semaphore, #tpu.memory_space<semaphore_mem>> -> memref<!tpu.dma_semaphore, #tpu.memory_space<semaphore_mem>>
      tpu.wait_indirect_dma semaphore(%dma_wait3A_211 : memref<!tpu.dma_semaphore, #tpu.memory_space<semaphore_mem>>) src(%dma_wait3A_209 : memref<10112x16xf32, #tpu.memory_space<vmem_shared>>) dst(%dma_wait3A_203 : memref<128x16xf32, #tpu.memory_space<vmem>>)
      %dma_start3A_212 = arith.constant 1 : i32
      %dma_start3A_213 = arith.constant 1 : i32
      %dma_start3A_214 = arith.constant 0 : i32
      %dma_start3A_215 = arith.constant 0 : i32
      %dma_start3A_216 = tpu.memref_slice %arg9[%dma_start3A_212, %dma_start3A_214, %dma_start3A_215] : memref<8x128x16xf32, #tpu.memory_space<vmem>> -> memref<1x128x16xf32, #tpu.memory_space<vmem>>
      %dma_start3A_217 = tpu.memref_squeeze %dma_start3A_216 : memref<1x128x16xf32, #tpu.memory_space<vmem>> -> memref<128x16xf32, #tpu.memory_space<vmem>>
      %dma_start3A_218 = arith.constant 0 : i32
      %dma_start3A_219 = tpu.memref_slice %arg8[%add3A_197, %dma_start3A_218] : memref<160x128xi32, #tpu.memory_space<vmem>> -> memref<1x128xi32, #tpu.memory_space<vmem>>
      %dma_start3A_220 = tpu.memref_squeeze %dma_start3A_219 : memref<1x128xi32, #tpu.memory_space<vmem>> -> memref<128xi32, #tpu.memory_space<vmem>>
      %dma_start3A_221 = arith.constant 0 : i32
      %dma_start3A_222 = arith.constant 0 : i32
      %dma_start3A_223 = tpu.memref_slice %arg10[%dma_start3A_221, %dma_start3A_222] : memref<10112x16xf32, #tpu.memory_space<vmem_shared>> -> memref<10112x16xf32, #tpu.memory_space<vmem_shared>>
      %dma_start3A_224 = tpu.memref_slice %arg15[%dma_start3A_213] : memref<8x!tpu.dma_semaphore, #tpu.memory_space<semaphore_mem>> -> memref<1x!tpu.dma_semaphore, #tpu.memory_space<semaphore_mem>>
      %dma_start3A_225 = tpu.memref_squeeze %dma_start3A_224 : memref<1x!tpu.dma_semaphore, #tpu.memory_space<semaphore_mem>> -> memref<!tpu.dma_semaphore, #tpu.memory_space<semaphore_mem>>
      tpu.enqueue_indirect_dma source(%dma_start3A_217 : memref<128x16xf32, #tpu.memory_space<vmem>>) target(%dma_start3A_223 : memref<10112x16xf32, #tpu.memory_space<vmem_shared>>) offsets(%dma_start3A_220 : memref<128xi32, #tpu.memory_space<vmem>>) semaphore(%dma_start3A_225 : memref<!tpu.dma_semaphore, #tpu.memory_space<semaphore_mem>>) {add = true}
      %dma_wait3A_226 = arith.constant 1 : i32
      %dma_wait3A_227 = arith.constant 1 : i32
      %dma_wait3A_228 = arith.constant 0 : i32
      %dma_wait3A_229 = arith.constant 0 : i32
      %dma_wait3A_230 = tpu.memref_slice %arg9[%dma_wait3A_226, %dma_wait3A_228, %dma_wait3A_229] : memref<8x128x16xf32, #tpu.memory_space<vmem>> -> memref<1x128x16xf32, #tpu.memory_space<vmem>>
      %dma_wait3A_231 = tpu.memref_squeeze %dma_wait3A_230 : memref<1x128x16xf32, #tpu.memory_space<vmem>> -> memref<128x16xf32, #tpu.memory_space<vmem>>
      %dma_wait3A_232 = arith.constant 0 : i32
      %dma_wait3A_233 = tpu.memref_slice %arg8[%add3A_197, %dma_wait3A_232] : memref<160x128xi32, #tpu.memory_space<vmem>> -> memref<1x128xi32, #tpu.memory_space<vmem>>
      %dma_wait3A_234 = tpu.memref_squeeze %dma_wait3A_233 : memref<1x128xi32, #tpu.memory_space<vmem>> -> memref<128xi32, #tpu.memory_space<vmem>>
      %dma_wait3A_235 = arith.constant 0 : i32
      %dma_wait3A_236 = arith.constant 0 : i32
      %dma_wait3A_237 = tpu.memref_slice %arg10[%dma_wait3A_235, %dma_wait3A_236] : memref<10112x16xf32, #tpu.memory_space<vmem_shared>> -> memref<10112x16xf32, #tpu.memory_space<vmem_shared>>
      %dma_wait3A_238 = tpu.memref_slice %arg15[%dma_wait3A_227] : memref<8x!tpu.dma_semaphore, #tpu.memory_space<semaphore_mem>> -> memref<1x!tpu.dma_semaphore, #tpu.memory_space<semaphore_mem>>
      %dma_wait3A_239 = tpu.memref_squeeze %dma_wait3A_238 : memref<1x!tpu.dma_semaphore, #tpu.memory_space<semaphore_mem>> -> memref<!tpu.dma_semaphore, #tpu.memory_space<semaphore_mem>>
      tpu.wait_indirect_dma semaphore(%dma_wait3A_239 : memref<!tpu.dma_semaphore, #tpu.memory_space<semaphore_mem>>) src(%dma_wait3A_231 : memref<128x16xf32, #tpu.memory_space<vmem>>) dst(%dma_wait3A_237 : memref<10112x16xf32, #tpu.memory_space<vmem_shared>>)
      %add3A_240 = arith.constant 8 : i32
      %add3A_241 = arith.addi %add3A_197, %add3A_240 : i32
      %lt3A_242 = arith.constant 160 : i32
      %lt3A_243 = arith.cmpi slt, %add3A_241, %lt3A_242 : i32
      %convert_element_type3A_244 = arith.extui %lt3A_243 : i1 to i32
      %cond3A_245 = arith.constant 0 : i32
      %cond3A_246 = arith.cmpi ne, %convert_element_type3A_244, %cond3A_245 : i32
      scf.if %cond3A_246 {
        %add3A_565 = arith.constant 8 : i32
        %add3A_566 = arith.addi %add3A_197, %add3A_565 : i32
        %dma_start3A_567 = arith.constant 1 : i32
        %dma_start3A_568 = arith.constant 1 : i32
        %dma_start3A_569 = arith.constant 0 : i32
        %dma_start3A_570 = arith.constant 0 : i32
        %dma_start3A_571 = tpu.memref_slice %arg9[%dma_start3A_567, %dma_start3A_569, %dma_start3A_570] : memref<8x128x16xf32, #tpu.memory_space<vmem>> -> memref<1x128x16xf32, #tpu.memory_space<vmem>>
        %dma_start3A_572 = tpu.memref_squeeze %dma_start3A_571 : memref<1x128x16xf32, #tpu.memory_space<vmem>> -> memref<128x16xf32, #tpu.memory_space<vmem>>
        %dma_start3A_573 = arith.constant 0 : i32
        %dma_start3A_574 = tpu.memref_slice %arg7[%add3A_566, %dma_start3A_573] : memref<160x128xi32, #tpu.memory_space<vmem>> -> memref<1x128xi32, #tpu.memory_space<vmem>>
        %dma_start3A_575 = tpu.memref_squeeze %dma_start3A_574 : memref<1x128xi32, #tpu.memory_space<vmem>> -> memref<128xi32, #tpu.memory_space<vmem>>
        %dma_start3A_576 = arith.constant 0 : i32
        %dma_start3A_577 = arith.constant 0 : i32
        %dma_start3A_578 = tpu.memref_slice %arg11[%dma_start3A_576, %dma_start3A_577] : memref<10112x16xf32, #tpu.memory_space<vmem_shared>> -> memref<10112x16xf32, #tpu.memory_space<vmem_shared>>
        %dma_start3A_579 = tpu.memref_slice %arg14[%dma_start3A_568] : memref<8x!tpu.dma_semaphore, #tpu.memory_space<semaphore_mem>> -> memref<1x!tpu.dma_semaphore, #tpu.memory_space<semaphore_mem>>
        %dma_start3A_580 = tpu.memref_squeeze %dma_start3A_579 : memref<1x!tpu.dma_semaphore, #tpu.memory_space<semaphore_mem>> -> memref<!tpu.dma_semaphore, #tpu.memory_space<semaphore_mem>>
        tpu.enqueue_indirect_dma source(%dma_start3A_578 : memref<10112x16xf32, #tpu.memory_space<vmem_shared>>) target(%dma_start3A_572 : memref<128x16xf32, #tpu.memory_space<vmem>>) offsets(%dma_start3A_575 : memref<128xi32, #tpu.memory_space<vmem>>) semaphore(%dma_start3A_580 : memref<!tpu.dma_semaphore, #tpu.memory_space<semaphore_mem>>)
      } else {
      }
      %mul3A_247 = arith.constant 8 : i32
      %mul3A_248 = arith.muli %scan3A_143, %mul3A_247 : i32
      %add3A_249 = arith.constant 2 : i32
      %add3A_250 = arith.addi %mul3A_248, %add3A_249 : i32
      %dma_wait3A_251 = arith.constant 2 : i32
      %dma_wait3A_252 = arith.constant 2 : i32
      %dma_wait3A_253 = arith.constant 0 : i32
      %dma_wait3A_254 = arith.constant 0 : i32
      %dma_wait3A_255 = tpu.memref_slice %arg9[%dma_wait3A_251, %dma_wait3A_253, %dma_wait3A_254] : memref<8x128x16xf32, #tpu.memory_space<vmem>> -> memref<1x128x16xf32, #tpu.memory_space<vmem>>
      %dma_wait3A_256 = tpu.memref_squeeze %dma_wait3A_255 : memref<1x128x16xf32, #tpu.memory_space<vmem>> -> memref<128x16xf32, #tpu.memory_space<vmem>>
      %dma_wait3A_257 = arith.constant 0 : i32
      %dma_wait3A_258 = tpu.memref_slice %arg7[%add3A_250, %dma_wait3A_257] : memref<160x128xi32, #tpu.memory_space<vmem>> -> memref<1x128xi32, #tpu.memory_space<vmem>>
      %dma_wait3A_259 = tpu.memref_squeeze %dma_wait3A_258 : memref<1x128xi32, #tpu.memory_space<vmem>> -> memref<128xi32, #tpu.memory_space<vmem>>
      %dma_wait3A_260 = arith.constant 0 : i32
      %dma_wait3A_261 = arith.constant 0 : i32
      %dma_wait3A_262 = tpu.memref_slice %arg11[%dma_wait3A_260, %dma_wait3A_261] : memref<10112x16xf32, #tpu.memory_space<vmem_shared>> -> memref<10112x16xf32, #tpu.memory_space<vmem_shared>>
      %dma_wait3A_263 = tpu.memref_slice %arg14[%dma_wait3A_252] : memref<8x!tpu.dma_semaphore, #tpu.memory_space<semaphore_mem>> -> memref<1x!tpu.dma_semaphore, #tpu.memory_space<semaphore_mem>>
      %dma_wait3A_264 = tpu.memref_squeeze %dma_wait3A_263 : memref<1x!tpu.dma_semaphore, #tpu.memory_space<semaphore_mem>> -> memref<!tpu.dma_semaphore, #tpu.memory_space<semaphore_mem>>
      tpu.wait_indirect_dma semaphore(%dma_wait3A_264 : memref<!tpu.dma_semaphore, #tpu.memory_space<semaphore_mem>>) src(%dma_wait3A_262 : memref<10112x16xf32, #tpu.memory_space<vmem_shared>>) dst(%dma_wait3A_256 : memref<128x16xf32, #tpu.memory_space<vmem>>)
      %dma_start3A_265 = arith.constant 2 : i32
      %dma_start3A_266 = arith.constant 2 : i32
      %dma_start3A_267 = arith.constant 0 : i32
      %dma_start3A_268 = arith.constant 0 : i32
      %dma_start3A_269 = tpu.memref_slice %arg9[%dma_start3A_265, %dma_start3A_267, %dma_start3A_268] : memref<8x128x16xf32, #tpu.memory_space<vmem>> -> memref<1x128x16xf32, #tpu.memory_space<vmem>>
      %dma_start3A_270 = tpu.memref_squeeze %dma_start3A_269 : memref<1x128x16xf32, #tpu.memory_space<vmem>> -> memref<128x16xf32, #tpu.memory_space<vmem>>
      %dma_start3A_271 = arith.constant 0 : i32
      %dma_start3A_272 = tpu.memref_slice %arg8[%add3A_250, %dma_start3A_271] : memref<160x128xi32, #tpu.memory_space<vmem>> -> memref<1x128xi32, #tpu.memory_space<vmem>>
      %dma_start3A_273 = tpu.memref_squeeze %dma_start3A_272 : memref<1x128xi32, #tpu.memory_space<vmem>> -> memref<128xi32, #tpu.memory_space<vmem>>
      %dma_start3A_274 = arith.constant 0 : i32
      %dma_start3A_275 = arith.constant 0 : i32
      %dma_start3A_276 = tpu.memref_slice %arg10[%dma_start3A_274, %dma_start3A_275] : memref<10112x16xf32, #tpu.memory_space<vmem_shared>> -> memref<10112x16xf32, #tpu.memory_space<vmem_shared>>
      %dma_start3A_277 = tpu.memref_slice %arg15[%dma_start3A_266] : memref<8x!tpu.dma_semaphore, #tpu.memory_space<semaphore_mem>> -> memref<1x!tpu.dma_semaphore, #tpu.memory_space<semaphore_mem>>
      %dma_start3A_278 = tpu.memref_squeeze %dma_start3A_277 : memref<1x!tpu.dma_semaphore, #tpu.memory_space<semaphore_mem>> -> memref<!tpu.dma_semaphore, #tpu.memory_space<semaphore_mem>>
      tpu.enqueue_indirect_dma source(%dma_start3A_270 : memref<128x16xf32, #tpu.memory_space<vmem>>) target(%dma_start3A_276 : memref<10112x16xf32, #tpu.memory_space<vmem_shared>>) offsets(%dma_start3A_273 : memref<128xi32, #tpu.memory_space<vmem>>) semaphore(%dma_start3A_278 : memref<!tpu.dma_semaphore, #tpu.memory_space<semaphore_mem>>) {add = true}
      %dma_wait3A_279 = arith.constant 2 : i32
      %dma_wait3A_280 = arith.constant 2 : i32
      %dma_wait3A_281 = arith.constant 0 : i32
      %dma_wait3A_282 = arith.constant 0 : i32
      %dma_wait3A_283 = tpu.memref_slice %arg9[%dma_wait3A_279, %dma_wait3A_281, %dma_wait3A_282] : memref<8x128x16xf32, #tpu.memory_space<vmem>> -> memref<1x128x16xf32, #tpu.memory_space<vmem>>
      %dma_wait3A_284 = tpu.memref_squeeze %dma_wait3A_283 : memref<1x128x16xf32, #tpu.memory_space<vmem>> -> memref<128x16xf32, #tpu.memory_space<vmem>>
      %dma_wait3A_285 = arith.constant 0 : i32
      %dma_wait3A_286 = tpu.memref_slice %arg8[%add3A_250, %dma_wait3A_285] : memref<160x128xi32, #tpu.memory_space<vmem>> -> memref<1x128xi32, #tpu.memory_space<vmem>>
      %dma_wait3A_287 = tpu.memref_squeeze %dma_wait3A_286 : memref<1x128xi32, #tpu.memory_space<vmem>> -> memref<128xi32, #tpu.memory_space<vmem>>
      %dma_wait3A_288 = arith.constant 0 : i32
      %dma_wait3A_289 = arith.constant 0 : i32
      %dma_wait3A_290 = tpu.memref_slice %arg10[%dma_wait3A_288, %dma_wait3A_289] : memref<10112x16xf32, #tpu.memory_space<vmem_shared>> -> memref<10112x16xf32, #tpu.memory_space<vmem_shared>>
      %dma_wait3A_291 = tpu.memref_slice %arg15[%dma_wait3A_280] : memref<8x!tpu.dma_semaphore, #tpu.memory_space<semaphore_mem>> -> memref<1x!tpu.dma_semaphore, #tpu.memory_space<semaphore_mem>>
      %dma_wait3A_292 = tpu.memref_squeeze %dma_wait3A_291 : memref<1x!tpu.dma_semaphore, #tpu.memory_space<semaphore_mem>> -> memref<!tpu.dma_semaphore, #tpu.memory_space<semaphore_mem>>
      tpu.wait_indirect_dma semaphore(%dma_wait3A_292 : memref<!tpu.dma_semaphore, #tpu.memory_space<semaphore_mem>>) src(%dma_wait3A_284 : memref<128x16xf32, #tpu.memory_space<vmem>>) dst(%dma_wait3A_290 : memref<10112x16xf32, #tpu.memory_space<vmem_shared>>)
      %add3A_293 = arith.constant 8 : i32
      %add3A_294 = arith.addi %add3A_250, %add3A_293 : i32
      %lt3A_295 = arith.constant 160 : i32
      %lt3A_296 = arith.cmpi slt, %add3A_294, %lt3A_295 : i32
      %convert_element_type3A_297 = arith.extui %lt3A_296 : i1 to i32
      %cond3A_298 = arith.constant 0 : i32
      %cond3A_299 = arith.cmpi ne, %convert_element_type3A_297, %cond3A_298 : i32
      scf.if %cond3A_299 {
        %add3A_565 = arith.constant 8 : i32
        %add3A_566 = arith.addi %add3A_250, %add3A_565 : i32
        %dma_start3A_567 = arith.constant 2 : i32
        %dma_start3A_568 = arith.constant 2 : i32
        %dma_start3A_569 = arith.constant 0 : i32
        %dma_start3A_570 = arith.constant 0 : i32
        %dma_start3A_571 = tpu.memref_slice %arg9[%dma_start3A_567, %dma_start3A_569, %dma_start3A_570] : memref<8x128x16xf32, #tpu.memory_space<vmem>> -> memref<1x128x16xf32, #tpu.memory_space<vmem>>
        %dma_start3A_572 = tpu.memref_squeeze %dma_start3A_571 : memref<1x128x16xf32, #tpu.memory_space<vmem>> -> memref<128x16xf32, #tpu.memory_space<vmem>>
        %dma_start3A_573 = arith.constant 0 : i32
        %dma_start3A_574 = tpu.memref_slice %arg7[%add3A_566, %dma_start3A_573] : memref<160x128xi32, #tpu.memory_space<vmem>> -> memref<1x128xi32, #tpu.memory_space<vmem>>
        %dma_start3A_575 = tpu.memref_squeeze %dma_start3A_574 : memref<1x128xi32, #tpu.memory_space<vmem>> -> memref<128xi32, #tpu.memory_space<vmem>>
        %dma_start3A_576 = arith.constant 0 : i32
        %dma_start3A_577 = arith.constant 0 : i32
        %dma_start3A_578 = tpu.memref_slice %arg11[%dma_start3A_576, %dma_start3A_577] : memref<10112x16xf32, #tpu.memory_space<vmem_shared>> -> memref<10112x16xf32, #tpu.memory_space<vmem_shared>>
        %dma_start3A_579 = tpu.memref_slice %arg14[%dma_start3A_568] : memref<8x!tpu.dma_semaphore, #tpu.memory_space<semaphore_mem>> -> memref<1x!tpu.dma_semaphore, #tpu.memory_space<semaphore_mem>>
        %dma_start3A_580 = tpu.memref_squeeze %dma_start3A_579 : memref<1x!tpu.dma_semaphore, #tpu.memory_space<semaphore_mem>> -> memref<!tpu.dma_semaphore, #tpu.memory_space<semaphore_mem>>
        tpu.enqueue_indirect_dma source(%dma_start3A_578 : memref<10112x16xf32, #tpu.memory_space<vmem_shared>>) target(%dma_start3A_572 : memref<128x16xf32, #tpu.memory_space<vmem>>) offsets(%dma_start3A_575 : memref<128xi32, #tpu.memory_space<vmem>>) semaphore(%dma_start3A_580 : memref<!tpu.dma_semaphore, #tpu.memory_space<semaphore_mem>>)
      } else {
      }
      %mul3A_300 = arith.constant 8 : i32
      %mul3A_301 = arith.muli %scan3A_143, %mul3A_300 : i32
      %add3A_302 = arith.constant 3 : i32
      %add3A_303 = arith.addi %mul3A_301, %add3A_302 : i32
      %dma_wait3A_304 = arith.constant 3 : i32
      %dma_wait3A_305 = arith.constant 3 : i32
      %dma_wait3A_306 = arith.constant 0 : i32
      %dma_wait3A_307 = arith.constant 0 : i32
      %dma_wait3A_308 = tpu.memref_slice %arg9[%dma_wait3A_304, %dma_wait3A_306, %dma_wait3A_307] : memref<8x128x16xf32, #tpu.memory_space<vmem>> -> memref<1x128x16xf32, #tpu.memory_space<vmem>>
      %dma_wait3A_309 = tpu.memref_squeeze %dma_wait3A_308 : memref<1x128x16xf32, #tpu.memory_space<vmem>> -> memref<128x16xf32, #tpu.memory_space<vmem>>
      %dma_wait3A_310 = arith.constant 0 : i32
      %dma_wait3A_311 = tpu.memref_slice %arg7[%add3A_303, %dma_wait3A_310] : memref<160x128xi32, #tpu.memory_space<vmem>> -> memref<1x128xi32, #tpu.memory_space<vmem>>
      %dma_wait3A_312 = tpu.memref_squeeze %dma_wait3A_311 : memref<1x128xi32, #tpu.memory_space<vmem>> -> memref<128xi32, #tpu.memory_space<vmem>>
      %dma_wait3A_313 = arith.constant 0 : i32
      %dma_wait3A_314 = arith.constant 0 : i32
      %dma_wait3A_315 = tpu.memref_slice %arg11[%dma_wait3A_313, %dma_wait3A_314] : memref<10112x16xf32, #tpu.memory_space<vmem_shared>> -> memref<10112x16xf32, #tpu.memory_space<vmem_shared>>
      %dma_wait3A_316 = tpu.memref_slice %arg14[%dma_wait3A_305] : memref<8x!tpu.dma_semaphore, #tpu.memory_space<semaphore_mem>> -> memref<1x!tpu.dma_semaphore, #tpu.memory_space<semaphore_mem>>
      %dma_wait3A_317 = tpu.memref_squeeze %dma_wait3A_316 : memref<1x!tpu.dma_semaphore, #tpu.memory_space<semaphore_mem>> -> memref<!tpu.dma_semaphore, #tpu.memory_space<semaphore_mem>>
      tpu.wait_indirect_dma semaphore(%dma_wait3A_317 : memref<!tpu.dma_semaphore, #tpu.memory_space<semaphore_mem>>) src(%dma_wait3A_315 : memref<10112x16xf32, #tpu.memory_space<vmem_shared>>) dst(%dma_wait3A_309 : memref<128x16xf32, #tpu.memory_space<vmem>>)
      %dma_start3A_318 = arith.constant 3 : i32
      %dma_start3A_319 = arith.constant 3 : i32
      %dma_start3A_320 = arith.constant 0 : i32
      %dma_start3A_321 = arith.constant 0 : i32
      %dma_start3A_322 = tpu.memref_slice %arg9[%dma_start3A_318, %dma_start3A_320, %dma_start3A_321] : memref<8x128x16xf32, #tpu.memory_space<vmem>> -> memref<1x128x16xf32, #tpu.memory_space<vmem>>
      %dma_start3A_323 = tpu.memref_squeeze %dma_start3A_322 : memref<1x128x16xf32, #tpu.memory_space<vmem>> -> memref<128x16xf32, #tpu.memory_space<vmem>>
      %dma_start3A_324 = arith.constant 0 : i32
      %dma_start3A_325 = tpu.memref_slice %arg8[%add3A_303, %dma_start3A_324] : memref<160x128xi32, #tpu.memory_space<vmem>> -> memref<1x128xi32, #tpu.memory_space<vmem>>
      %dma_start3A_326 = tpu.memref_squeeze %dma_start3A_325 : memref<1x128xi32, #tpu.memory_space<vmem>> -> memref<128xi32, #tpu.memory_space<vmem>>
      %dma_start3A_327 = arith.constant 0 : i32
      %dma_start3A_328 = arith.constant 0 : i32
      %dma_start3A_329 = tpu.memref_slice %arg10[%dma_start3A_327, %dma_start3A_328] : memref<10112x16xf32, #tpu.memory_space<vmem_shared>> -> memref<10112x16xf32, #tpu.memory_space<vmem_shared>>
      %dma_start3A_330 = tpu.memref_slice %arg15[%dma_start3A_319] : memref<8x!tpu.dma_semaphore, #tpu.memory_space<semaphore_mem>> -> memref<1x!tpu.dma_semaphore, #tpu.memory_space<semaphore_mem>>
      %dma_start3A_331 = tpu.memref_squeeze %dma_start3A_330 : memref<1x!tpu.dma_semaphore, #tpu.memory_space<semaphore_mem>> -> memref<!tpu.dma_semaphore, #tpu.memory_space<semaphore_mem>>
      tpu.enqueue_indirect_dma source(%dma_start3A_323 : memref<128x16xf32, #tpu.memory_space<vmem>>) target(%dma_start3A_329 : memref<10112x16xf32, #tpu.memory_space<vmem_shared>>) offsets(%dma_start3A_326 : memref<128xi32, #tpu.memory_space<vmem>>) semaphore(%dma_start3A_331 : memref<!tpu.dma_semaphore, #tpu.memory_space<semaphore_mem>>) {add = true}
      %dma_wait3A_332 = arith.constant 3 : i32
      %dma_wait3A_333 = arith.constant 3 : i32
      %dma_wait3A_334 = arith.constant 0 : i32
      %dma_wait3A_335 = arith.constant 0 : i32
      %dma_wait3A_336 = tpu.memref_slice %arg9[%dma_wait3A_332, %dma_wait3A_334, %dma_wait3A_335] : memref<8x128x16xf32, #tpu.memory_space<vmem>> -> memref<1x128x16xf32, #tpu.memory_space<vmem>>
      %dma_wait3A_337 = tpu.memref_squeeze %dma_wait3A_336 : memref<1x128x16xf32, #tpu.memory_space<vmem>> -> memref<128x16xf32, #tpu.memory_space<vmem>>
      %dma_wait3A_338 = arith.constant 0 : i32
      %dma_wait3A_339 = tpu.memref_slice %arg8[%add3A_303, %dma_wait3A_338] : memref<160x128xi32, #tpu.memory_space<vmem>> -> memref<1x128xi32, #tpu.memory_space<vmem>>
      %dma_wait3A_340 = tpu.memref_squeeze %dma_wait3A_339 : memref<1x128xi32, #tpu.memory_space<vmem>> -> memref<128xi32, #tpu.memory_space<vmem>>
      %dma_wait3A_341 = arith.constant 0 : i32
      %dma_wait3A_342 = arith.constant 0 : i32
      %dma_wait3A_343 = tpu.memref_slice %arg10[%dma_wait3A_341, %dma_wait3A_342] : memref<10112x16xf32, #tpu.memory_space<vmem_shared>> -> memref<10112x16xf32, #tpu.memory_space<vmem_shared>>
      %dma_wait3A_344 = tpu.memref_slice %arg15[%dma_wait3A_333] : memref<8x!tpu.dma_semaphore, #tpu.memory_space<semaphore_mem>> -> memref<1x!tpu.dma_semaphore, #tpu.memory_space<semaphore_mem>>
      %dma_wait3A_345 = tpu.memref_squeeze %dma_wait3A_344 : memref<1x!tpu.dma_semaphore, #tpu.memory_space<semaphore_mem>> -> memref<!tpu.dma_semaphore, #tpu.memory_space<semaphore_mem>>
      tpu.wait_indirect_dma semaphore(%dma_wait3A_345 : memref<!tpu.dma_semaphore, #tpu.memory_space<semaphore_mem>>) src(%dma_wait3A_337 : memref<128x16xf32, #tpu.memory_space<vmem>>) dst(%dma_wait3A_343 : memref<10112x16xf32, #tpu.memory_space<vmem_shared>>)
      %add3A_346 = arith.constant 8 : i32
      %add3A_347 = arith.addi %add3A_303, %add3A_346 : i32
      %lt3A_348 = arith.constant 160 : i32
      %lt3A_349 = arith.cmpi slt, %add3A_347, %lt3A_348 : i32
      %convert_element_type3A_350 = arith.extui %lt3A_349 : i1 to i32
      %cond3A_351 = arith.constant 0 : i32
      %cond3A_352 = arith.cmpi ne, %convert_element_type3A_350, %cond3A_351 : i32
      scf.if %cond3A_352 {
        %add3A_565 = arith.constant 8 : i32
        %add3A_566 = arith.addi %add3A_303, %add3A_565 : i32
        %dma_start3A_567 = arith.constant 3 : i32
        %dma_start3A_568 = arith.constant 3 : i32
        %dma_start3A_569 = arith.constant 0 : i32
        %dma_start3A_570 = arith.constant 0 : i32
        %dma_start3A_571 = tpu.memref_slice %arg9[%dma_start3A_567, %dma_start3A_569, %dma_start3A_570] : memref<8x128x16xf32, #tpu.memory_space<vmem>> -> memref<1x128x16xf32, #tpu.memory_space<vmem>>
        %dma_start3A_572 = tpu.memref_squeeze %dma_start3A_571 : memref<1x128x16xf32, #tpu.memory_space<vmem>> -> memref<128x16xf32, #tpu.memory_space<vmem>>
        %dma_start3A_573 = arith.constant 0 : i32
        %dma_start3A_574 = tpu.memref_slice %arg7[%add3A_566, %dma_start3A_573] : memref<160x128xi32, #tpu.memory_space<vmem>> -> memref<1x128xi32, #tpu.memory_space<vmem>>
        %dma_start3A_575 = tpu.memref_squeeze %dma_start3A_574 : memref<1x128xi32, #tpu.memory_space<vmem>> -> memref<128xi32, #tpu.memory_space<vmem>>
        %dma_start3A_576 = arith.constant 0 : i32
        %dma_start3A_577 = arith.constant 0 : i32
        %dma_start3A_578 = tpu.memref_slice %arg11[%dma_start3A_576, %dma_start3A_577] : memref<10112x16xf32, #tpu.memory_space<vmem_shared>> -> memref<10112x16xf32, #tpu.memory_space<vmem_shared>>
        %dma_start3A_579 = tpu.memref_slice %arg14[%dma_start3A_568] : memref<8x!tpu.dma_semaphore, #tpu.memory_space<semaphore_mem>> -> memref<1x!tpu.dma_semaphore, #tpu.memory_space<semaphore_mem>>
        %dma_start3A_580 = tpu.memref_squeeze %dma_start3A_579 : memref<1x!tpu.dma_semaphore, #tpu.memory_space<semaphore_mem>> -> memref<!tpu.dma_semaphore, #tpu.memory_space<semaphore_mem>>
        tpu.enqueue_indirect_dma source(%dma_start3A_578 : memref<10112x16xf32, #tpu.memory_space<vmem_shared>>) target(%dma_start3A_572 : memref<128x16xf32, #tpu.memory_space<vmem>>) offsets(%dma_start3A_575 : memref<128xi32, #tpu.memory_space<vmem>>) semaphore(%dma_start3A_580 : memref<!tpu.dma_semaphore, #tpu.memory_space<semaphore_mem>>)
      } else {
      }
      %mul3A_353 = arith.constant 8 : i32
      %mul3A_354 = arith.muli %scan3A_143, %mul3A_353 : i32
      %add3A_355 = arith.constant 4 : i32
      %add3A_356 = arith.addi %mul3A_354, %add3A_355 : i32
      %dma_wait3A_357 = arith.constant 4 : i32
      %dma_wait3A_358 = arith.constant 4 : i32
      %dma_wait3A_359 = arith.constant 0 : i32
      %dma_wait3A_360 = arith.constant 0 : i32
      %dma_wait3A_361 = tpu.memref_slice %arg9[%dma_wait3A_357, %dma_wait3A_359, %dma_wait3A_360] : memref<8x128x16xf32, #tpu.memory_space<vmem>> -> memref<1x128x16xf32, #tpu.memory_space<vmem>>
      %dma_wait3A_362 = tpu.memref_squeeze %dma_wait3A_361 : memref<1x128x16xf32, #tpu.memory_space<vmem>> -> memref<128x16xf32, #tpu.memory_space<vmem>>
      %dma_wait3A_363 = arith.constant 0 : i32
      %dma_wait3A_364 = tpu.memref_slice %arg7[%add3A_356, %dma_wait3A_363] : memref<160x128xi32, #tpu.memory_space<vmem>> -> memref<1x128xi32, #tpu.memory_space<vmem>>
      %dma_wait3A_365 = tpu.memref_squeeze %dma_wait3A_364 : memref<1x128xi32, #tpu.memory_space<vmem>> -> memref<128xi32, #tpu.memory_space<vmem>>
      %dma_wait3A_366 = arith.constant 0 : i32
      %dma_wait3A_367 = arith.constant 0 : i32
      %dma_wait3A_368 = tpu.memref_slice %arg11[%dma_wait3A_366, %dma_wait3A_367] : memref<10112x16xf32, #tpu.memory_space<vmem_shared>> -> memref<10112x16xf32, #tpu.memory_space<vmem_shared>>
      %dma_wait3A_369 = tpu.memref_slice %arg14[%dma_wait3A_358] : memref<8x!tpu.dma_semaphore, #tpu.memory_space<semaphore_mem>> -> memref<1x!tpu.dma_semaphore, #tpu.memory_space<semaphore_mem>>
      %dma_wait3A_370 = tpu.memref_squeeze %dma_wait3A_369 : memref<1x!tpu.dma_semaphore, #tpu.memory_space<semaphore_mem>> -> memref<!tpu.dma_semaphore, #tpu.memory_space<semaphore_mem>>
      tpu.wait_indirect_dma semaphore(%dma_wait3A_370 : memref<!tpu.dma_semaphore, #tpu.memory_space<semaphore_mem>>) src(%dma_wait3A_368 : memref<10112x16xf32, #tpu.memory_space<vmem_shared>>) dst(%dma_wait3A_362 : memref<128x16xf32, #tpu.memory_space<vmem>>)
      %dma_start3A_371 = arith.constant 4 : i32
      %dma_start3A_372 = arith.constant 4 : i32
      %dma_start3A_373 = arith.constant 0 : i32
      %dma_start3A_374 = arith.constant 0 : i32
      %dma_start3A_375 = tpu.memref_slice %arg9[%dma_start3A_371, %dma_start3A_373, %dma_start3A_374] : memref<8x128x16xf32, #tpu.memory_space<vmem>> -> memref<1x128x16xf32, #tpu.memory_space<vmem>>
      %dma_start3A_376 = tpu.memref_squeeze %dma_start3A_375 : memref<1x128x16xf32, #tpu.memory_space<vmem>> -> memref<128x16xf32, #tpu.memory_space<vmem>>
      %dma_start3A_377 = arith.constant 0 : i32
      %dma_start3A_378 = tpu.memref_slice %arg8[%add3A_356, %dma_start3A_377] : memref<160x128xi32, #tpu.memory_space<vmem>> -> memref<1x128xi32, #tpu.memory_space<vmem>>
      %dma_start3A_379 = tpu.memref_squeeze %dma_start3A_378 : memref<1x128xi32, #tpu.memory_space<vmem>> -> memref<128xi32, #tpu.memory_space<vmem>>
      %dma_start3A_380 = arith.constant 0 : i32
      %dma_start3A_381 = arith.constant 0 : i32
      %dma_start3A_382 = tpu.memref_slice %arg10[%dma_start3A_380, %dma_start3A_381] : memref<10112x16xf32, #tpu.memory_space<vmem_shared>> -> memref<10112x16xf32, #tpu.memory_space<vmem_shared>>
      %dma_start3A_383 = tpu.memref_slice %arg15[%dma_start3A_372] : memref<8x!tpu.dma_semaphore, #tpu.memory_space<semaphore_mem>> -> memref<1x!tpu.dma_semaphore, #tpu.memory_space<semaphore_mem>>
      %dma_start3A_384 = tpu.memref_squeeze %dma_start3A_383 : memref<1x!tpu.dma_semaphore, #tpu.memory_space<semaphore_mem>> -> memref<!tpu.dma_semaphore, #tpu.memory_space<semaphore_mem>>
      tpu.enqueue_indirect_dma source(%dma_start3A_376 : memref<128x16xf32, #tpu.memory_space<vmem>>) target(%dma_start3A_382 : memref<10112x16xf32, #tpu.memory_space<vmem_shared>>) offsets(%dma_start3A_379 : memref<128xi32, #tpu.memory_space<vmem>>) semaphore(%dma_start3A_384 : memref<!tpu.dma_semaphore, #tpu.memory_space<semaphore_mem>>) {add = true}
      %dma_wait3A_385 = arith.constant 4 : i32
      %dma_wait3A_386 = arith.constant 4 : i32
      %dma_wait3A_387 = arith.constant 0 : i32
      %dma_wait3A_388 = arith.constant 0 : i32
      %dma_wait3A_389 = tpu.memref_slice %arg9[%dma_wait3A_385, %dma_wait3A_387, %dma_wait3A_388] : memref<8x128x16xf32, #tpu.memory_space<vmem>> -> memref<1x128x16xf32, #tpu.memory_space<vmem>>
      %dma_wait3A_390 = tpu.memref_squeeze %dma_wait3A_389 : memref<1x128x16xf32, #tpu.memory_space<vmem>> -> memref<128x16xf32, #tpu.memory_space<vmem>>
      %dma_wait3A_391 = arith.constant 0 : i32
      %dma_wait3A_392 = tpu.memref_slice %arg8[%add3A_356, %dma_wait3A_391] : memref<160x128xi32, #tpu.memory_space<vmem>> -> memref<1x128xi32, #tpu.memory_space<vmem>>
      %dma_wait3A_393 = tpu.memref_squeeze %dma_wait3A_392 : memref<1x128xi32, #tpu.memory_space<vmem>> -> memref<128xi32, #tpu.memory_space<vmem>>
      %dma_wait3A_394 = arith.constant 0 : i32
      %dma_wait3A_395 = arith.constant 0 : i32
      %dma_wait3A_396 = tpu.memref_slice %arg10[%dma_wait3A_394, %dma_wait3A_395] : memref<10112x16xf32, #tpu.memory_space<vmem_shared>> -> memref<10112x16xf32, #tpu.memory_space<vmem_shared>>
      %dma_wait3A_397 = tpu.memref_slice %arg15[%dma_wait3A_386] : memref<8x!tpu.dma_semaphore, #tpu.memory_space<semaphore_mem>> -> memref<1x!tpu.dma_semaphore, #tpu.memory_space<semaphore_mem>>
      %dma_wait3A_398 = tpu.memref_squeeze %dma_wait3A_397 : memref<1x!tpu.dma_semaphore, #tpu.memory_space<semaphore_mem>> -> memref<!tpu.dma_semaphore, #tpu.memory_space<semaphore_mem>>
      tpu.wait_indirect_dma semaphore(%dma_wait3A_398 : memref<!tpu.dma_semaphore, #tpu.memory_space<semaphore_mem>>) src(%dma_wait3A_390 : memref<128x16xf32, #tpu.memory_space<vmem>>) dst(%dma_wait3A_396 : memref<10112x16xf32, #tpu.memory_space<vmem_shared>>)
      %add3A_399 = arith.constant 8 : i32
      %add3A_400 = arith.addi %add3A_356, %add3A_399 : i32
      %lt3A_401 = arith.constant 160 : i32
      %lt3A_402 = arith.cmpi slt, %add3A_400, %lt3A_401 : i32
      %convert_element_type3A_403 = arith.extui %lt3A_402 : i1 to i32
      %cond3A_404 = arith.constant 0 : i32
      %cond3A_405 = arith.cmpi ne, %convert_element_type3A_403, %cond3A_404 : i32
      scf.if %cond3A_405 {
        %add3A_565 = arith.constant 8 : i32
        %add3A_566 = arith.addi %add3A_356, %add3A_565 : i32
        %dma_start3A_567 = arith.constant 4 : i32
        %dma_start3A_568 = arith.constant 4 : i32
        %dma_start3A_569 = arith.constant 0 : i32
        %dma_start3A_570 = arith.constant 0 : i32
        %dma_start3A_571 = tpu.memref_slice %arg9[%dma_start3A_567, %dma_start3A_569, %dma_start3A_570] : memref<8x128x16xf32, #tpu.memory_space<vmem>> -> memref<1x128x16xf32, #tpu.memory_space<vmem>>
        %dma_start3A_572 = tpu.memref_squeeze %dma_start3A_571 : memref<1x128x16xf32, #tpu.memory_space<vmem>> -> memref<128x16xf32, #tpu.memory_space<vmem>>
        %dma_start3A_573 = arith.constant 0 : i32
        %dma_start3A_574 = tpu.memref_slice %arg7[%add3A_566, %dma_start3A_573] : memref<160x128xi32, #tpu.memory_space<vmem>> -> memref<1x128xi32, #tpu.memory_space<vmem>>
        %dma_start3A_575 = tpu.memref_squeeze %dma_start3A_574 : memref<1x128xi32, #tpu.memory_space<vmem>> -> memref<128xi32, #tpu.memory_space<vmem>>
        %dma_start3A_576 = arith.constant 0 : i32
        %dma_start3A_577 = arith.constant 0 : i32
        %dma_start3A_578 = tpu.memref_slice %arg11[%dma_start3A_576, %dma_start3A_577] : memref<10112x16xf32, #tpu.memory_space<vmem_shared>> -> memref<10112x16xf32, #tpu.memory_space<vmem_shared>>
        %dma_start3A_579 = tpu.memref_slice %arg14[%dma_start3A_568] : memref<8x!tpu.dma_semaphore, #tpu.memory_space<semaphore_mem>> -> memref<1x!tpu.dma_semaphore, #tpu.memory_space<semaphore_mem>>
        %dma_start3A_580 = tpu.memref_squeeze %dma_start3A_579 : memref<1x!tpu.dma_semaphore, #tpu.memory_space<semaphore_mem>> -> memref<!tpu.dma_semaphore, #tpu.memory_space<semaphore_mem>>
        tpu.enqueue_indirect_dma source(%dma_start3A_578 : memref<10112x16xf32, #tpu.memory_space<vmem_shared>>) target(%dma_start3A_572 : memref<128x16xf32, #tpu.memory_space<vmem>>) offsets(%dma_start3A_575 : memref<128xi32, #tpu.memory_space<vmem>>) semaphore(%dma_start3A_580 : memref<!tpu.dma_semaphore, #tpu.memory_space<semaphore_mem>>)
      } else {
      }
      %mul3A_406 = arith.constant 8 : i32
      %mul3A_407 = arith.muli %scan3A_143, %mul3A_406 : i32
      %add3A_408 = arith.constant 5 : i32
      %add3A_409 = arith.addi %mul3A_407, %add3A_408 : i32
      %dma_wait3A_410 = arith.constant 5 : i32
      %dma_wait3A_411 = arith.constant 5 : i32
      %dma_wait3A_412 = arith.constant 0 : i32
      %dma_wait3A_413 = arith.constant 0 : i32
      %dma_wait3A_414 = tpu.memref_slice %arg9[%dma_wait3A_410, %dma_wait3A_412, %dma_wait3A_413] : memref<8x128x16xf32, #tpu.memory_space<vmem>> -> memref<1x128x16xf32, #tpu.memory_space<vmem>>
      %dma_wait3A_415 = tpu.memref_squeeze %dma_wait3A_414 : memref<1x128x16xf32, #tpu.memory_space<vmem>> -> memref<128x16xf32, #tpu.memory_space<vmem>>
      %dma_wait3A_416 = arith.constant 0 : i32
      %dma_wait3A_417 = tpu.memref_slice %arg7[%add3A_409, %dma_wait3A_416] : memref<160x128xi32, #tpu.memory_space<vmem>> -> memref<1x128xi32, #tpu.memory_space<vmem>>
      %dma_wait3A_418 = tpu.memref_squeeze %dma_wait3A_417 : memref<1x128xi32, #tpu.memory_space<vmem>> -> memref<128xi32, #tpu.memory_space<vmem>>
      %dma_wait3A_419 = arith.constant 0 : i32
      %dma_wait3A_420 = arith.constant 0 : i32
      %dma_wait3A_421 = tpu.memref_slice %arg11[%dma_wait3A_419, %dma_wait3A_420] : memref<10112x16xf32, #tpu.memory_space<vmem_shared>> -> memref<10112x16xf32, #tpu.memory_space<vmem_shared>>
      %dma_wait3A_422 = tpu.memref_slice %arg14[%dma_wait3A_411] : memref<8x!tpu.dma_semaphore, #tpu.memory_space<semaphore_mem>> -> memref<1x!tpu.dma_semaphore, #tpu.memory_space<semaphore_mem>>
      %dma_wait3A_423 = tpu.memref_squeeze %dma_wait3A_422 : memref<1x!tpu.dma_semaphore, #tpu.memory_space<semaphore_mem>> -> memref<!tpu.dma_semaphore, #tpu.memory_space<semaphore_mem>>
      tpu.wait_indirect_dma semaphore(%dma_wait3A_423 : memref<!tpu.dma_semaphore, #tpu.memory_space<semaphore_mem>>) src(%dma_wait3A_421 : memref<10112x16xf32, #tpu.memory_space<vmem_shared>>) dst(%dma_wait3A_415 : memref<128x16xf32, #tpu.memory_space<vmem>>)
      %dma_start3A_424 = arith.constant 5 : i32
      %dma_start3A_425 = arith.constant 5 : i32
      %dma_start3A_426 = arith.constant 0 : i32
      %dma_start3A_427 = arith.constant 0 : i32
      %dma_start3A_428 = tpu.memref_slice %arg9[%dma_start3A_424, %dma_start3A_426, %dma_start3A_427] : memref<8x128x16xf32, #tpu.memory_space<vmem>> -> memref<1x128x16xf32, #tpu.memory_space<vmem>>
      %dma_start3A_429 = tpu.memref_squeeze %dma_start3A_428 : memref<1x128x16xf32, #tpu.memory_space<vmem>> -> memref<128x16xf32, #tpu.memory_space<vmem>>
      %dma_start3A_430 = arith.constant 0 : i32
      %dma_start3A_431 = tpu.memref_slice %arg8[%add3A_409, %dma_start3A_430] : memref<160x128xi32, #tpu.memory_space<vmem>> -> memref<1x128xi32, #tpu.memory_space<vmem>>
      %dma_start3A_432 = tpu.memref_squeeze %dma_start3A_431 : memref<1x128xi32, #tpu.memory_space<vmem>> -> memref<128xi32, #tpu.memory_space<vmem>>
      %dma_start3A_433 = arith.constant 0 : i32
      %dma_start3A_434 = arith.constant 0 : i32
      %dma_start3A_435 = tpu.memref_slice %arg10[%dma_start3A_433, %dma_start3A_434] : memref<10112x16xf32, #tpu.memory_space<vmem_shared>> -> memref<10112x16xf32, #tpu.memory_space<vmem_shared>>
      %dma_start3A_436 = tpu.memref_slice %arg15[%dma_start3A_425] : memref<8x!tpu.dma_semaphore, #tpu.memory_space<semaphore_mem>> -> memref<1x!tpu.dma_semaphore, #tpu.memory_space<semaphore_mem>>
      %dma_start3A_437 = tpu.memref_squeeze %dma_start3A_436 : memref<1x!tpu.dma_semaphore, #tpu.memory_space<semaphore_mem>> -> memref<!tpu.dma_semaphore, #tpu.memory_space<semaphore_mem>>
      tpu.enqueue_indirect_dma source(%dma_start3A_429 : memref<128x16xf32, #tpu.memory_space<vmem>>) target(%dma_start3A_435 : memref<10112x16xf32, #tpu.memory_space<vmem_shared>>) offsets(%dma_start3A_432 : memref<128xi32, #tpu.memory_space<vmem>>) semaphore(%dma_start3A_437 : memref<!tpu.dma_semaphore, #tpu.memory_space<semaphore_mem>>) {add = true}
      %dma_wait3A_438 = arith.constant 5 : i32
      %dma_wait3A_439 = arith.constant 5 : i32
      %dma_wait3A_440 = arith.constant 0 : i32
      %dma_wait3A_441 = arith.constant 0 : i32
      %dma_wait3A_442 = tpu.memref_slice %arg9[%dma_wait3A_438, %dma_wait3A_440, %dma_wait3A_441] : memref<8x128x16xf32, #tpu.memory_space<vmem>> -> memref<1x128x16xf32, #tpu.memory_space<vmem>>
      %dma_wait3A_443 = tpu.memref_squeeze %dma_wait3A_442 : memref<1x128x16xf32, #tpu.memory_space<vmem>> -> memref<128x16xf32, #tpu.memory_space<vmem>>
      %dma_wait3A_444 = arith.constant 0 : i32
      %dma_wait3A_445 = tpu.memref_slice %arg8[%add3A_409, %dma_wait3A_444] : memref<160x128xi32, #tpu.memory_space<vmem>> -> memref<1x128xi32, #tpu.memory_space<vmem>>
      %dma_wait3A_446 = tpu.memref_squeeze %dma_wait3A_445 : memref<1x128xi32, #tpu.memory_space<vmem>> -> memref<128xi32, #tpu.memory_space<vmem>>
      %dma_wait3A_447 = arith.constant 0 : i32
      %dma_wait3A_448 = arith.constant 0 : i32
      %dma_wait3A_449 = tpu.memref_slice %arg10[%dma_wait3A_447, %dma_wait3A_448] : memref<10112x16xf32, #tpu.memory_space<vmem_shared>> -> memref<10112x16xf32, #tpu.memory_space<vmem_shared>>
      %dma_wait3A_450 = tpu.memref_slice %arg15[%dma_wait3A_439] : memref<8x!tpu.dma_semaphore, #tpu.memory_space<semaphore_mem>> -> memref<1x!tpu.dma_semaphore, #tpu.memory_space<semaphore_mem>>
      %dma_wait3A_451 = tpu.memref_squeeze %dma_wait3A_450 : memref<1x!tpu.dma_semaphore, #tpu.memory_space<semaphore_mem>> -> memref<!tpu.dma_semaphore, #tpu.memory_space<semaphore_mem>>
      tpu.wait_indirect_dma semaphore(%dma_wait3A_451 : memref<!tpu.dma_semaphore, #tpu.memory_space<semaphore_mem>>) src(%dma_wait3A_443 : memref<128x16xf32, #tpu.memory_space<vmem>>) dst(%dma_wait3A_449 : memref<10112x16xf32, #tpu.memory_space<vmem_shared>>)
      %add3A_452 = arith.constant 8 : i32
      %add3A_453 = arith.addi %add3A_409, %add3A_452 : i32
      %lt3A_454 = arith.constant 160 : i32
      %lt3A_455 = arith.cmpi slt, %add3A_453, %lt3A_454 : i32
      %convert_element_type3A_456 = arith.extui %lt3A_455 : i1 to i32
      %cond3A_457 = arith.constant 0 : i32
      %cond3A_458 = arith.cmpi ne, %convert_element_type3A_456, %cond3A_457 : i32
      scf.if %cond3A_458 {
        %add3A_565 = arith.constant 8 : i32
        %add3A_566 = arith.addi %add3A_409, %add3A_565 : i32
        %dma_start3A_567 = arith.constant 5 : i32
        %dma_start3A_568 = arith.constant 5 : i32
        %dma_start3A_569 = arith.constant 0 : i32
        %dma_start3A_570 = arith.constant 0 : i32
        %dma_start3A_571 = tpu.memref_slice %arg9[%dma_start3A_567, %dma_start3A_569, %dma_start3A_570] : memref<8x128x16xf32, #tpu.memory_space<vmem>> -> memref<1x128x16xf32, #tpu.memory_space<vmem>>
        %dma_start3A_572 = tpu.memref_squeeze %dma_start3A_571 : memref<1x128x16xf32, #tpu.memory_space<vmem>> -> memref<128x16xf32, #tpu.memory_space<vmem>>
        %dma_start3A_573 = arith.constant 0 : i32
        %dma_start3A_574 = tpu.memref_slice %arg7[%add3A_566, %dma_start3A_573] : memref<160x128xi32, #tpu.memory_space<vmem>> -> memref<1x128xi32, #tpu.memory_space<vmem>>
        %dma_start3A_575 = tpu.memref_squeeze %dma_start3A_574 : memref<1x128xi32, #tpu.memory_space<vmem>> -> memref<128xi32, #tpu.memory_space<vmem>>
        %dma_start3A_576 = arith.constant 0 : i32
        %dma_start3A_577 = arith.constant 0 : i32
        %dma_start3A_578 = tpu.memref_slice %arg11[%dma_start3A_576, %dma_start3A_577] : memref<10112x16xf32, #tpu.memory_space<vmem_shared>> -> memref<10112x16xf32, #tpu.memory_space<vmem_shared>>
        %dma_start3A_579 = tpu.memref_slice %arg14[%dma_start3A_568] : memref<8x!tpu.dma_semaphore, #tpu.memory_space<semaphore_mem>> -> memref<1x!tpu.dma_semaphore, #tpu.memory_space<semaphore_mem>>
        %dma_start3A_580 = tpu.memref_squeeze %dma_start3A_579 : memref<1x!tpu.dma_semaphore, #tpu.memory_space<semaphore_mem>> -> memref<!tpu.dma_semaphore, #tpu.memory_space<semaphore_mem>>
        tpu.enqueue_indirect_dma source(%dma_start3A_578 : memref<10112x16xf32, #tpu.memory_space<vmem_shared>>) target(%dma_start3A_572 : memref<128x16xf32, #tpu.memory_space<vmem>>) offsets(%dma_start3A_575 : memref<128xi32, #tpu.memory_space<vmem>>) semaphore(%dma_start3A_580 : memref<!tpu.dma_semaphore, #tpu.memory_space<semaphore_mem>>)
      } else {
      }
      %mul3A_459 = arith.constant 8 : i32
      %mul3A_460 = arith.muli %scan3A_143, %mul3A_459 : i32
      %add3A_461 = arith.constant 6 : i32
      %add3A_462 = arith.addi %mul3A_460, %add3A_461 : i32
      %dma_wait3A_463 = arith.constant 6 : i32
      %dma_wait3A_464 = arith.constant 6 : i32
      %dma_wait3A_465 = arith.constant 0 : i32
      %dma_wait3A_466 = arith.constant 0 : i32
      %dma_wait3A_467 = tpu.memref_slice %arg9[%dma_wait3A_463, %dma_wait3A_465, %dma_wait3A_466] : memref<8x128x16xf32, #tpu.memory_space<vmem>> -> memref<1x128x16xf32, #tpu.memory_space<vmem>>
      %dma_wait3A_468 = tpu.memref_squeeze %dma_wait3A_467 : memref<1x128x16xf32, #tpu.memory_space<vmem>> -> memref<128x16xf32, #tpu.memory_space<vmem>>
      %dma_wait3A_469 = arith.constant 0 : i32
      %dma_wait3A_470 = tpu.memref_slice %arg7[%add3A_462, %dma_wait3A_469] : memref<160x128xi32, #tpu.memory_space<vmem>> -> memref<1x128xi32, #tpu.memory_space<vmem>>
      %dma_wait3A_471 = tpu.memref_squeeze %dma_wait3A_470 : memref<1x128xi32, #tpu.memory_space<vmem>> -> memref<128xi32, #tpu.memory_space<vmem>>
      %dma_wait3A_472 = arith.constant 0 : i32
      %dma_wait3A_473 = arith.constant 0 : i32
      %dma_wait3A_474 = tpu.memref_slice %arg11[%dma_wait3A_472, %dma_wait3A_473] : memref<10112x16xf32, #tpu.memory_space<vmem_shared>> -> memref<10112x16xf32, #tpu.memory_space<vmem_shared>>
      %dma_wait3A_475 = tpu.memref_slice %arg14[%dma_wait3A_464] : memref<8x!tpu.dma_semaphore, #tpu.memory_space<semaphore_mem>> -> memref<1x!tpu.dma_semaphore, #tpu.memory_space<semaphore_mem>>
      %dma_wait3A_476 = tpu.memref_squeeze %dma_wait3A_475 : memref<1x!tpu.dma_semaphore, #tpu.memory_space<semaphore_mem>> -> memref<!tpu.dma_semaphore, #tpu.memory_space<semaphore_mem>>
      tpu.wait_indirect_dma semaphore(%dma_wait3A_476 : memref<!tpu.dma_semaphore, #tpu.memory_space<semaphore_mem>>) src(%dma_wait3A_474 : memref<10112x16xf32, #tpu.memory_space<vmem_shared>>) dst(%dma_wait3A_468 : memref<128x16xf32, #tpu.memory_space<vmem>>)
      %dma_start3A_477 = arith.constant 6 : i32
      %dma_start3A_478 = arith.constant 6 : i32
      %dma_start3A_479 = arith.constant 0 : i32
      %dma_start3A_480 = arith.constant 0 : i32
      %dma_start3A_481 = tpu.memref_slice %arg9[%dma_start3A_477, %dma_start3A_479, %dma_start3A_480] : memref<8x128x16xf32, #tpu.memory_space<vmem>> -> memref<1x128x16xf32, #tpu.memory_space<vmem>>
      %dma_start3A_482 = tpu.memref_squeeze %dma_start3A_481 : memref<1x128x16xf32, #tpu.memory_space<vmem>> -> memref<128x16xf32, #tpu.memory_space<vmem>>
      %dma_start3A_483 = arith.constant 0 : i32
      %dma_start3A_484 = tpu.memref_slice %arg8[%add3A_462, %dma_start3A_483] : memref<160x128xi32, #tpu.memory_space<vmem>> -> memref<1x128xi32, #tpu.memory_space<vmem>>
      %dma_start3A_485 = tpu.memref_squeeze %dma_start3A_484 : memref<1x128xi32, #tpu.memory_space<vmem>> -> memref<128xi32, #tpu.memory_space<vmem>>
      %dma_start3A_486 = arith.constant 0 : i32
      %dma_start3A_487 = arith.constant 0 : i32
      %dma_start3A_488 = tpu.memref_slice %arg10[%dma_start3A_486, %dma_start3A_487] : memref<10112x16xf32, #tpu.memory_space<vmem_shared>> -> memref<10112x16xf32, #tpu.memory_space<vmem_shared>>
      %dma_start3A_489 = tpu.memref_slice %arg15[%dma_start3A_478] : memref<8x!tpu.dma_semaphore, #tpu.memory_space<semaphore_mem>> -> memref<1x!tpu.dma_semaphore, #tpu.memory_space<semaphore_mem>>
      %dma_start3A_490 = tpu.memref_squeeze %dma_start3A_489 : memref<1x!tpu.dma_semaphore, #tpu.memory_space<semaphore_mem>> -> memref<!tpu.dma_semaphore, #tpu.memory_space<semaphore_mem>>
      tpu.enqueue_indirect_dma source(%dma_start3A_482 : memref<128x16xf32, #tpu.memory_space<vmem>>) target(%dma_start3A_488 : memref<10112x16xf32, #tpu.memory_space<vmem_shared>>) offsets(%dma_start3A_485 : memref<128xi32, #tpu.memory_space<vmem>>) semaphore(%dma_start3A_490 : memref<!tpu.dma_semaphore, #tpu.memory_space<semaphore_mem>>) {add = true}
      %dma_wait3A_491 = arith.constant 6 : i32
      %dma_wait3A_492 = arith.constant 6 : i32
      %dma_wait3A_493 = arith.constant 0 : i32
      %dma_wait3A_494 = arith.constant 0 : i32
      %dma_wait3A_495 = tpu.memref_slice %arg9[%dma_wait3A_491, %dma_wait3A_493, %dma_wait3A_494] : memref<8x128x16xf32, #tpu.memory_space<vmem>> -> memref<1x128x16xf32, #tpu.memory_space<vmem>>
      %dma_wait3A_496 = tpu.memref_squeeze %dma_wait3A_495 : memref<1x128x16xf32, #tpu.memory_space<vmem>> -> memref<128x16xf32, #tpu.memory_space<vmem>>
      %dma_wait3A_497 = arith.constant 0 : i32
      %dma_wait3A_498 = tpu.memref_slice %arg8[%add3A_462, %dma_wait3A_497] : memref<160x128xi32, #tpu.memory_space<vmem>> -> memref<1x128xi32, #tpu.memory_space<vmem>>
      %dma_wait3A_499 = tpu.memref_squeeze %dma_wait3A_498 : memref<1x128xi32, #tpu.memory_space<vmem>> -> memref<128xi32, #tpu.memory_space<vmem>>
      %dma_wait3A_500 = arith.constant 0 : i32
      %dma_wait3A_501 = arith.constant 0 : i32
      %dma_wait3A_502 = tpu.memref_slice %arg10[%dma_wait3A_500, %dma_wait3A_501] : memref<10112x16xf32, #tpu.memory_space<vmem_shared>> -> memref<10112x16xf32, #tpu.memory_space<vmem_shared>>
      %dma_wait3A_503 = tpu.memref_slice %arg15[%dma_wait3A_492] : memref<8x!tpu.dma_semaphore, #tpu.memory_space<semaphore_mem>> -> memref<1x!tpu.dma_semaphore, #tpu.memory_space<semaphore_mem>>
      %dma_wait3A_504 = tpu.memref_squeeze %dma_wait3A_503 : memref<1x!tpu.dma_semaphore, #tpu.memory_space<semaphore_mem>> -> memref<!tpu.dma_semaphore, #tpu.memory_space<semaphore_mem>>
      tpu.wait_indirect_dma semaphore(%dma_wait3A_504 : memref<!tpu.dma_semaphore, #tpu.memory_space<semaphore_mem>>) src(%dma_wait3A_496 : memref<128x16xf32, #tpu.memory_space<vmem>>) dst(%dma_wait3A_502 : memref<10112x16xf32, #tpu.memory_space<vmem_shared>>)
      %add3A_505 = arith.constant 8 : i32
      %add3A_506 = arith.addi %add3A_462, %add3A_505 : i32
      %lt3A_507 = arith.constant 160 : i32
      %lt3A_508 = arith.cmpi slt, %add3A_506, %lt3A_507 : i32
      %convert_element_type3A_509 = arith.extui %lt3A_508 : i1 to i32
      %cond3A_510 = arith.constant 0 : i32
      %cond3A_511 = arith.cmpi ne, %convert_element_type3A_509, %cond3A_510 : i32
      scf.if %cond3A_511 {
        %add3A_565 = arith.constant 8 : i32
        %add3A_566 = arith.addi %add3A_462, %add3A_565 : i32
        %dma_start3A_567 = arith.constant 6 : i32
        %dma_start3A_568 = arith.constant 6 : i32
        %dma_start3A_569 = arith.constant 0 : i32
        %dma_start3A_570 = arith.constant 0 : i32
        %dma_start3A_571 = tpu.memref_slice %arg9[%dma_start3A_567, %dma_start3A_569, %dma_start3A_570] : memref<8x128x16xf32, #tpu.memory_space<vmem>> -> memref<1x128x16xf32, #tpu.memory_space<vmem>>
        %dma_start3A_572 = tpu.memref_squeeze %dma_start3A_571 : memref<1x128x16xf32, #tpu.memory_space<vmem>> -> memref<128x16xf32, #tpu.memory_space<vmem>>
        %dma_start3A_573 = arith.constant 0 : i32
        %dma_start3A_574 = tpu.memref_slice %arg7[%add3A_566, %dma_start3A_573] : memref<160x128xi32, #tpu.memory_space<vmem>> -> memref<1x128xi32, #tpu.memory_space<vmem>>
        %dma_start3A_575 = tpu.memref_squeeze %dma_start3A_574 : memref<1x128xi32, #tpu.memory_space<vmem>> -> memref<128xi32, #tpu.memory_space<vmem>>
        %dma_start3A_576 = arith.constant 0 : i32
        %dma_start3A_577 = arith.constant 0 : i32
        %dma_start3A_578 = tpu.memref_slice %arg11[%dma_start3A_576, %dma_start3A_577] : memref<10112x16xf32, #tpu.memory_space<vmem_shared>> -> memref<10112x16xf32, #tpu.memory_space<vmem_shared>>
        %dma_start3A_579 = tpu.memref_slice %arg14[%dma_start3A_568] : memref<8x!tpu.dma_semaphore, #tpu.memory_space<semaphore_mem>> -> memref<1x!tpu.dma_semaphore, #tpu.memory_space<semaphore_mem>>
        %dma_start3A_580 = tpu.memref_squeeze %dma_start3A_579 : memref<1x!tpu.dma_semaphore, #tpu.memory_space<semaphore_mem>> -> memref<!tpu.dma_semaphore, #tpu.memory_space<semaphore_mem>>
        tpu.enqueue_indirect_dma source(%dma_start3A_578 : memref<10112x16xf32, #tpu.memory_space<vmem_shared>>) target(%dma_start3A_572 : memref<128x16xf32, #tpu.memory_space<vmem>>) offsets(%dma_start3A_575 : memref<128xi32, #tpu.memory_space<vmem>>) semaphore(%dma_start3A_580 : memref<!tpu.dma_semaphore, #tpu.memory_space<semaphore_mem>>)
      } else {
      }
      %mul3A_512 = arith.constant 8 : i32
      %mul3A_513 = arith.muli %scan3A_143, %mul3A_512 : i32
      %add3A_514 = arith.constant 7 : i32
      %add3A_515 = arith.addi %mul3A_513, %add3A_514 : i32
      %dma_wait3A_516 = arith.constant 7 : i32
      %dma_wait3A_517 = arith.constant 7 : i32
      %dma_wait3A_518 = arith.constant 0 : i32
      %dma_wait3A_519 = arith.constant 0 : i32
      %dma_wait3A_520 = tpu.memref_slice %arg9[%dma_wait3A_516, %dma_wait3A_518, %dma_wait3A_519] : memref<8x128x16xf32, #tpu.memory_space<vmem>> -> memref<1x128x16xf32, #tpu.memory_space<vmem>>
      %dma_wait3A_521 = tpu.memref_squeeze %dma_wait3A_520 : memref<1x128x16xf32, #tpu.memory_space<vmem>> -> memref<128x16xf32, #tpu.memory_space<vmem>>
      %dma_wait3A_522 = arith.constant 0 : i32
      %dma_wait3A_523 = tpu.memref_slice %arg7[%add3A_515, %dma_wait3A_522] : memref<160x128xi32, #tpu.memory_space<vmem>> -> memref<1x128xi32, #tpu.memory_space<vmem>>
      %dma_wait3A_524 = tpu.memref_squeeze %dma_wait3A_523 : memref<1x128xi32, #tpu.memory_space<vmem>> -> memref<128xi32, #tpu.memory_space<vmem>>
      %dma_wait3A_525 = arith.constant 0 : i32
      %dma_wait3A_526 = arith.constant 0 : i32
      %dma_wait3A_527 = tpu.memref_slice %arg11[%dma_wait3A_525, %dma_wait3A_526] : memref<10112x16xf32, #tpu.memory_space<vmem_shared>> -> memref<10112x16xf32, #tpu.memory_space<vmem_shared>>
      %dma_wait3A_528 = tpu.memref_slice %arg14[%dma_wait3A_517] : memref<8x!tpu.dma_semaphore, #tpu.memory_space<semaphore_mem>> -> memref<1x!tpu.dma_semaphore, #tpu.memory_space<semaphore_mem>>
      %dma_wait3A_529 = tpu.memref_squeeze %dma_wait3A_528 : memref<1x!tpu.dma_semaphore, #tpu.memory_space<semaphore_mem>> -> memref<!tpu.dma_semaphore, #tpu.memory_space<semaphore_mem>>
      tpu.wait_indirect_dma semaphore(%dma_wait3A_529 : memref<!tpu.dma_semaphore, #tpu.memory_space<semaphore_mem>>) src(%dma_wait3A_527 : memref<10112x16xf32, #tpu.memory_space<vmem_shared>>) dst(%dma_wait3A_521 : memref<128x16xf32, #tpu.memory_space<vmem>>)
      %dma_start3A_530 = arith.constant 7 : i32
      %dma_start3A_531 = arith.constant 7 : i32
      %dma_start3A_532 = arith.constant 0 : i32
      %dma_start3A_533 = arith.constant 0 : i32
      %dma_start3A_534 = tpu.memref_slice %arg9[%dma_start3A_530, %dma_start3A_532, %dma_start3A_533] : memref<8x128x16xf32, #tpu.memory_space<vmem>> -> memref<1x128x16xf32, #tpu.memory_space<vmem>>
      %dma_start3A_535 = tpu.memref_squeeze %dma_start3A_534 : memref<1x128x16xf32, #tpu.memory_space<vmem>> -> memref<128x16xf32, #tpu.memory_space<vmem>>
      %dma_start3A_536 = arith.constant 0 : i32
      %dma_start3A_537 = tpu.memref_slice %arg8[%add3A_515, %dma_start3A_536] : memref<160x128xi32, #tpu.memory_space<vmem>> -> memref<1x128xi32, #tpu.memory_space<vmem>>
      %dma_start3A_538 = tpu.memref_squeeze %dma_start3A_537 : memref<1x128xi32, #tpu.memory_space<vmem>> -> memref<128xi32, #tpu.memory_space<vmem>>
      %dma_start3A_539 = arith.constant 0 : i32
      %dma_start3A_540 = arith.constant 0 : i32
      %dma_start3A_541 = tpu.memref_slice %arg10[%dma_start3A_539, %dma_start3A_540] : memref<10112x16xf32, #tpu.memory_space<vmem_shared>> -> memref<10112x16xf32, #tpu.memory_space<vmem_shared>>
      %dma_start3A_542 = tpu.memref_slice %arg15[%dma_start3A_531] : memref<8x!tpu.dma_semaphore, #tpu.memory_space<semaphore_mem>> -> memref<1x!tpu.dma_semaphore, #tpu.memory_space<semaphore_mem>>
      %dma_start3A_543 = tpu.memref_squeeze %dma_start3A_542 : memref<1x!tpu.dma_semaphore, #tpu.memory_space<semaphore_mem>> -> memref<!tpu.dma_semaphore, #tpu.memory_space<semaphore_mem>>
      tpu.enqueue_indirect_dma source(%dma_start3A_535 : memref<128x16xf32, #tpu.memory_space<vmem>>) target(%dma_start3A_541 : memref<10112x16xf32, #tpu.memory_space<vmem_shared>>) offsets(%dma_start3A_538 : memref<128xi32, #tpu.memory_space<vmem>>) semaphore(%dma_start3A_543 : memref<!tpu.dma_semaphore, #tpu.memory_space<semaphore_mem>>) {add = true}
      %dma_wait3A_544 = arith.constant 7 : i32
      %dma_wait3A_545 = arith.constant 7 : i32
      %dma_wait3A_546 = arith.constant 0 : i32
      %dma_wait3A_547 = arith.constant 0 : i32
      %dma_wait3A_548 = tpu.memref_slice %arg9[%dma_wait3A_544, %dma_wait3A_546, %dma_wait3A_547] : memref<8x128x16xf32, #tpu.memory_space<vmem>> -> memref<1x128x16xf32, #tpu.memory_space<vmem>>
      %dma_wait3A_549 = tpu.memref_squeeze %dma_wait3A_548 : memref<1x128x16xf32, #tpu.memory_space<vmem>> -> memref<128x16xf32, #tpu.memory_space<vmem>>
      %dma_wait3A_550 = arith.constant 0 : i32
      %dma_wait3A_551 = tpu.memref_slice %arg8[%add3A_515, %dma_wait3A_550] : memref<160x128xi32, #tpu.memory_space<vmem>> -> memref<1x128xi32, #tpu.memory_space<vmem>>
      %dma_wait3A_552 = tpu.memref_squeeze %dma_wait3A_551 : memref<1x128xi32, #tpu.memory_space<vmem>> -> memref<128xi32, #tpu.memory_space<vmem>>
      %dma_wait3A_553 = arith.constant 0 : i32
      %dma_wait3A_554 = arith.constant 0 : i32
      %dma_wait3A_555 = tpu.memref_slice %arg10[%dma_wait3A_553, %dma_wait3A_554] : memref<10112x16xf32, #tpu.memory_space<vmem_shared>> -> memref<10112x16xf32, #tpu.memory_space<vmem_shared>>
      %dma_wait3A_556 = tpu.memref_slice %arg15[%dma_wait3A_545] : memref<8x!tpu.dma_semaphore, #tpu.memory_space<semaphore_mem>> -> memref<1x!tpu.dma_semaphore, #tpu.memory_space<semaphore_mem>>
      %dma_wait3A_557 = tpu.memref_squeeze %dma_wait3A_556 : memref<1x!tpu.dma_semaphore, #tpu.memory_space<semaphore_mem>> -> memref<!tpu.dma_semaphore, #tpu.memory_space<semaphore_mem>>
      tpu.wait_indirect_dma semaphore(%dma_wait3A_557 : memref<!tpu.dma_semaphore, #tpu.memory_space<semaphore_mem>>) src(%dma_wait3A_549 : memref<128x16xf32, #tpu.memory_space<vmem>>) dst(%dma_wait3A_555 : memref<10112x16xf32, #tpu.memory_space<vmem_shared>>)
      %add3A_558 = arith.constant 8 : i32
      %add3A_559 = arith.addi %add3A_515, %add3A_558 : i32
      %lt3A_560 = arith.constant 160 : i32
      %lt3A_561 = arith.cmpi slt, %add3A_559, %lt3A_560 : i32
      %convert_element_type3A_562 = arith.extui %lt3A_561 : i1 to i32
      %cond3A_563 = arith.constant 0 : i32
      %cond3A_564 = arith.cmpi ne, %convert_element_type3A_562, %cond3A_563 : i32
      scf.if %cond3A_564 {
        %add3A_565 = arith.constant 8 : i32
        %add3A_566 = arith.addi %add3A_515, %add3A_565 : i32
        %dma_start3A_567 = arith.constant 7 : i32
        %dma_start3A_568 = arith.constant 7 : i32
        %dma_start3A_569 = arith.constant 0 : i32
        %dma_start3A_570 = arith.constant 0 : i32
        %dma_start3A_571 = tpu.memref_slice %arg9[%dma_start3A_567, %dma_start3A_569, %dma_start3A_570] : memref<8x128x16xf32, #tpu.memory_space<vmem>> -> memref<1x128x16xf32, #tpu.memory_space<vmem>>
        %dma_start3A_572 = tpu.memref_squeeze %dma_start3A_571 : memref<1x128x16xf32, #tpu.memory_space<vmem>> -> memref<128x16xf32, #tpu.memory_space<vmem>>
        %dma_start3A_573 = arith.constant 0 : i32
        %dma_start3A_574 = tpu.memref_slice %arg7[%add3A_566, %dma_start3A_573] : memref<160x128xi32, #tpu.memory_space<vmem>> -> memref<1x128xi32, #tpu.memory_space<vmem>>
        %dma_start3A_575 = tpu.memref_squeeze %dma_start3A_574 : memref<1x128xi32, #tpu.memory_space<vmem>> -> memref<128xi32, #tpu.memory_space<vmem>>
        %dma_start3A_576 = arith.constant 0 : i32
        %dma_start3A_577 = arith.constant 0 : i32
        %dma_start3A_578 = tpu.memref_slice %arg11[%dma_start3A_576, %dma_start3A_577] : memref<10112x16xf32, #tpu.memory_space<vmem_shared>> -> memref<10112x16xf32, #tpu.memory_space<vmem_shared>>
        %dma_start3A_579 = tpu.memref_slice %arg14[%dma_start3A_568] : memref<8x!tpu.dma_semaphore, #tpu.memory_space<semaphore_mem>> -> memref<1x!tpu.dma_semaphore, #tpu.memory_space<semaphore_mem>>
        %dma_start3A_580 = tpu.memref_squeeze %dma_start3A_579 : memref<1x!tpu.dma_semaphore, #tpu.memory_space<semaphore_mem>> -> memref<!tpu.dma_semaphore, #tpu.memory_space<semaphore_mem>>
        tpu.enqueue_indirect_dma source(%dma_start3A_578 : memref<10112x16xf32, #tpu.memory_space<vmem_shared>>) target(%dma_start3A_572 : memref<128x16xf32, #tpu.memory_space<vmem>>) offsets(%dma_start3A_575 : memref<128xi32, #tpu.memory_space<vmem>>) semaphore(%dma_start3A_580 : memref<!tpu.dma_semaphore, #tpu.memory_space<semaphore_mem>>)
      } else {
      }
    }
    %scan3A_141 = arith.constant 20 : i32
    %barrier3A_142 = arith.constant 0 : index
    tpu.barrier barrier_id(%barrier3A_142)
    "tpu.region"() ({
      %run_scoped3A = tpu.sem_alloc : memref<!tpu.dma_semaphore, #tpu.memory_space<semaphore_mem>>
      %dma_start3A_143 = arith.constant 0 : i32
      %dma_start3A_144 = tpu.memref_slice %arg6[%arg0, %mul3A_2, %dma_start3A_143] : memref<2x10112x16xf32, #tpu.memory_space<hbm>> -> memref<1x632x16xf32, #tpu.memory_space<hbm>>
      %dma_start3A_145 = tpu.memref_squeeze %dma_start3A_144 : memref<1x632x16xf32, #tpu.memory_space<hbm>> -> memref<632x16xf32, #tpu.memory_space<hbm>>
      %dma_start3A_146 = arith.constant 0 : i32
      %dma_start3A_147 = tpu.memref_slice %arg10[%mul3A_2, %dma_start3A_146] : memref<10112x16xf32, #tpu.memory_space<vmem_shared>> -> memref<632x16xf32, #tpu.memory_space<vmem_shared>>
      tpu.enqueue_dma source(%dma_start3A_147 : memref<632x16xf32, #tpu.memory_space<vmem_shared>>) target(%dma_start3A_145 : memref<632x16xf32, #tpu.memory_space<hbm>>) target_semaphore(%run_scoped3A : memref<!tpu.dma_semaphore, #tpu.memory_space<semaphore_mem>>)
      %dma_wait3A_148 = arith.constant 0 : i32
      %dma_wait3A_149 = tpu.memref_slice %arg6[%arg0, %mul3A_2, %dma_wait3A_148] : memref<2x10112x16xf32, #tpu.memory_space<hbm>> -> memref<1x632x16xf32, #tpu.memory_space<hbm>>
      %dma_wait3A_150 = tpu.memref_squeeze %dma_wait3A_149 : memref<1x632x16xf32, #tpu.memory_space<hbm>> -> memref<632x16xf32, #tpu.memory_space<hbm>>
      %dma_wait3A_151 = arith.constant 0 : i32
      %dma_wait3A_152 = tpu.memref_slice %arg10[%mul3A_2, %dma_wait3A_151] : memref<10112x16xf32, #tpu.memory_space<vmem_shared>> -> memref<632x16xf32, #tpu.memory_space<vmem_shared>>
      tpu.wait_dma2 semaphore(%run_scoped3A : memref<!tpu.dma_semaphore, #tpu.memory_space<semaphore_mem>>) src(%dma_wait3A_152 : memref<632x16xf32, #tpu.memory_space<vmem_shared>>) dst(%dma_wait3A_150 : memref<632x16xf32, #tpu.memory_space<hbm>>)
      tpu.yield
    }) : () -> ()
    return
  }
}

#map = affine_map<(d0, d1) -> (0, 0)>
#map1 = affine_map<(d0, d1) -> (0, 0, 0)>
module attributes {stable_mosaic.version = 14 : i64} {
  func.func @_segment_sum_body(%arg0: i32, %arg1: i32, %arg2: memref<10112x16xf32, #tpu.memory_space<hbm>>, %arg3: memref<32x160x128xi32, #tpu.memory_space<hbm>>, %arg4: memref<32x160x128xi32, #tpu.memory_space<hbm>>, %arg5: memref<10112x16xf32, #tpu.memory_space<hbm>>, %arg6: memref<2x10112x16xf32, #tpu.memory_space<hbm>>, %arg7: memref<160x128xi32, #tpu.memory_space<vmem>>, %arg8: memref<160x128xi32, #tpu.memory_space<vmem>>, %arg9: memref<8x128x16xf32, #tpu.memory_space<vmem>>, %arg10: memref<10112x16xf32, #tpu.memory_space<vmem_shared>>, %arg11: memref<10112x16xf32, #tpu.memory_space<vmem_shared>>, %arg12: memref<!tpu.dma_semaphore, #tpu.memory_space<semaphore_mem>>, %arg13: memref<!tpu.dma_semaphore, #tpu.memory_space<semaphore_mem>>, %arg14: memref<8x!tpu.dma_semaphore, #tpu.memory_space<semaphore_mem>>, %arg15: memref<8x!tpu.dma_semaphore, #tpu.memory_space<semaphore_mem>>) attributes {dimension_semantics = [#tpu.dimension_semantics<core_parallel>, #tpu.dimension_semantics<subcore_parallel>], iteration_bounds = array<i64: 2, 16>, scalar_prefetch = 0 : i64, scratch_operands = 9 : i64, tpu.core_type = #tpu.core_type<sc_vector_subcore>, window_params = [{transform_indices = #map}, {transform_indices = #map1}, {transform_indices = #map1}, {transform_indices = #map}, {transform_indices = #map1}]} {
    %mul3A = arith.constant 2 : i32
    %mul3A_0 = arith.muli %arg1, %mul3A : i32
    %add3A = arith.addi %mul3A_0, %arg0 : i32
    %mul3A_1 = arith.constant 632 : i32
    %mul3A_2 = arith.muli %arg1, %mul3A_1 : i32
    %dma_start3A = arith.constant 0 : i32
    %dma_start3A_3 = tpu.memref_slice %arg11[%mul3A_2, %dma_start3A] : memref<10112x16xf32, #tpu.memory_space<vmem_shared>> -> memref<632x16xf32, #tpu.memory_space<vmem_shared>>
    %dma_start3A_4 = arith.constant 0 : i32
    %dma_start3A_5 = tpu.memref_slice %arg2[%mul3A_2, %dma_start3A_4] : memref<10112x16xf32, #tpu.memory_space<hbm>> -> memref<632x16xf32, #tpu.memory_space<hbm>>
    tpu.enqueue_dma source(%dma_start3A_5 : memref<632x16xf32, #tpu.memory_space<hbm>>) target(%dma_start3A_3 : memref<632x16xf32, #tpu.memory_space<vmem_shared>>) target_semaphore(%arg13 : memref<!tpu.dma_semaphore, #tpu.memory_space<semaphore_mem>>)
    %dma_start3A_6 = arith.constant 0 : i32
    %dma_start3A_7 = tpu.memref_slice %arg10[%mul3A_2, %dma_start3A_6] : memref<10112x16xf32, #tpu.memory_space<vmem_shared>> -> memref<632x16xf32, #tpu.memory_space<vmem_shared>>
    %dma_start3A_8 = arith.constant 0 : i32
    %dma_start3A_9 = tpu.memref_slice %arg5[%mul3A_2, %dma_start3A_8] : memref<10112x16xf32, #tpu.memory_space<hbm>> -> memref<632x16xf32, #tpu.memory_space<hbm>>
    tpu.enqueue_dma source(%dma_start3A_9 : memref<632x16xf32, #tpu.memory_space<hbm>>) target(%dma_start3A_7 : memref<632x16xf32, #tpu.memory_space<vmem_shared>>) target_semaphore(%arg12 : memref<!tpu.dma_semaphore, #tpu.memory_space<semaphore_mem>>)
    "tpu.region"() ({
      %run_scoped3A = tpu.sem_alloc : memref<!tpu.dma_semaphore, #tpu.memory_space<semaphore_mem>>
      %dma_start3A_143 = arith.constant 0 : i32
      %dma_start3A_144 = arith.constant 0 : i32
      %dma_start3A_145 = tpu.memref_slice %arg3[%add3A, %dma_start3A_143, %dma_start3A_144] : memref<32x160x128xi32, #tpu.memory_space<hbm>> -> memref<1x160x128xi32, #tpu.memory_space<hbm>>
      %dma_start3A_146 = tpu.memref_squeeze %dma_start3A_145 : memref<1x160x128xi32, #tpu.memory_space<hbm>> -> memref<160x128xi32, #tpu.memory_space<hbm>>
      %dma_start3A_147 = arith.constant 0 : i32
      %dma_start3A_148 = arith.constant 0 : i32
      %dma_start3A_149 = tpu.memref_slice %arg3[%add3A, %dma_start3A_147, %dma_start3A_148] : memref<32x160x128xi32, #tpu.memory_space<hbm>> -> memref<1x160x128xi32, #tpu.memory_space<hbm>>
      %dma_start3A_150 = tpu.memref_squeeze %dma_start3A_149 : memref<1x160x128xi32, #tpu.memory_space<hbm>> -> memref<160x128xi32, #tpu.memory_space<hbm>>
      tpu.enqueue_dma source(%dma_start3A_150 : memref<160x128xi32, #tpu.memory_space<hbm>>) target(%arg7 : memref<160x128xi32, #tpu.memory_space<vmem>>) target_semaphore(%run_scoped3A : memref<!tpu.dma_semaphore, #tpu.memory_space<semaphore_mem>>)
      %dma_wait3A_151 = arith.constant 0 : i32
      %dma_wait3A_152 = arith.constant 0 : i32
      %dma_wait3A_153 = tpu.memref_slice %arg3[%add3A, %dma_wait3A_151, %dma_wait3A_152] : memref<32x160x128xi32, #tpu.memory_space<hbm>> -> memref<1x160x128xi32, #tpu.memory_space<hbm>>
      %dma_wait3A_154 = tpu.memref_squeeze %dma_wait3A_153 : memref<1x160x128xi32, #tpu.memory_space<hbm>> -> memref<160x128xi32, #tpu.memory_space<hbm>>
      %dma_wait3A_155 = arith.constant 0 : i32
      %dma_wait3A_156 = arith.constant 0 : i32
      %dma_wait3A_157 = tpu.memref_slice %arg3[%add3A, %dma_wait3A_155, %dma_wait3A_156] : memref<32x160x128xi32, #tpu.memory_space<hbm>> -> memref<1x160x128xi32, #tpu.memory_space<hbm>>
      %dma_wait3A_158 = tpu.memref_squeeze %dma_wait3A_157 : memref<1x160x128xi32, #tpu.memory_space<hbm>> -> memref<160x128xi32, #tpu.memory_space<hbm>>
      tpu.wait_dma2 semaphore(%run_scoped3A : memref<!tpu.dma_semaphore, #tpu.memory_space<semaphore_mem>>) src(%dma_wait3A_158 : memref<160x128xi32, #tpu.memory_space<hbm>>) dst(%arg7 : memref<160x128xi32, #tpu.memory_space<vmem>>)
      tpu.yield
    }) : () -> ()
    "tpu.region"() ({
      %run_scoped3A = tpu.sem_alloc : memref<!tpu.dma_semaphore, #tpu.memory_space<semaphore_mem>>
      %dma_start3A_143 = arith.constant 0 : i32
      %dma_start3A_144 = arith.constant 0 : i32
      %dma_start3A_145 = tpu.memref_slice %arg4[%add3A, %dma_start3A_143, %dma_start3A_144] : memref<32x160x128xi32, #tpu.memory_space<hbm>> -> memref<1x160x128xi32, #tpu.memory_space<hbm>>
      %dma_start3A_146 = tpu.memref_squeeze %dma_start3A_145 : memref<1x160x128xi32, #tpu.memory_space<hbm>> -> memref<160x128xi32, #tpu.memory_space<hbm>>
      %dma_start3A_147 = arith.constant 0 : i32
      %dma_start3A_148 = arith.constant 0 : i32
      %dma_start3A_149 = tpu.memref_slice %arg4[%add3A, %dma_start3A_147, %dma_start3A_148] : memref<32x160x128xi32, #tpu.memory_space<hbm>> -> memref<1x160x128xi32, #tpu.memory_space<hbm>>
      %dma_start3A_150 = tpu.memref_squeeze %dma_start3A_149 : memref<1x160x128xi32, #tpu.memory_space<hbm>> -> memref<160x128xi32, #tpu.memory_space<hbm>>
      tpu.enqueue_dma source(%dma_start3A_150 : memref<160x128xi32, #tpu.memory_space<hbm>>) target(%arg8 : memref<160x128xi32, #tpu.memory_space<vmem>>) target_semaphore(%run_scoped3A : memref<!tpu.dma_semaphore, #tpu.memory_space<semaphore_mem>>)
      %dma_wait3A_151 = arith.constant 0 : i32
      %dma_wait3A_152 = arith.constant 0 : i32
      %dma_wait3A_153 = tpu.memref_slice %arg4[%add3A, %dma_wait3A_151, %dma_wait3A_152] : memref<32x160x128xi32, #tpu.memory_space<hbm>> -> memref<1x160x128xi32, #tpu.memory_space<hbm>>
      %dma_wait3A_154 = tpu.memref_squeeze %dma_wait3A_153 : memref<1x160x128xi32, #tpu.memory_space<hbm>> -> memref<160x128xi32, #tpu.memory_space<hbm>>
      %dma_wait3A_155 = arith.constant 0 : i32
      %dma_wait3A_156 = arith.constant 0 : i32
      %dma_wait3A_157 = tpu.memref_slice %arg4[%add3A, %dma_wait3A_155, %dma_wait3A_156] : memref<32x160x128xi32, #tpu.memory_space<hbm>> -> memref<1x160x128xi32, #tpu.memory_space<hbm>>
      %dma_wait3A_158 = tpu.memref_squeeze %dma_wait3A_157 : memref<1x160x128xi32, #tpu.memory_space<hbm>> -> memref<160x128xi32, #tpu.memory_space<hbm>>
      tpu.wait_dma2 semaphore(%run_scoped3A : memref<!tpu.dma_semaphore, #tpu.memory_space<semaphore_mem>>) src(%dma_wait3A_158 : memref<160x128xi32, #tpu.memory_space<hbm>>) dst(%arg8 : memref<160x128xi32, #tpu.memory_space<vmem>>)
      tpu.yield
    }) : () -> ()
    %dma_wait3A = arith.constant 0 : i32
    %dma_wait3A_10 = tpu.memref_slice %arg11[%mul3A_2, %dma_wait3A] : memref<10112x16xf32, #tpu.memory_space<vmem_shared>> -> memref<632x16xf32, #tpu.memory_space<vmem_shared>>
    %dma_wait3A_11 = arith.constant 0 : i32
    %dma_wait3A_12 = tpu.memref_slice %arg2[%mul3A_2, %dma_wait3A_11] : memref<10112x16xf32, #tpu.memory_space<hbm>> -> memref<632x16xf32, #tpu.memory_space<hbm>>
    tpu.wait_dma2 semaphore(%arg13 : memref<!tpu.dma_semaphore, #tpu.memory_space<semaphore_mem>>) src(%dma_wait3A_12 : memref<632x16xf32, #tpu.memory_space<hbm>>) dst(%dma_wait3A_10 : memref<632x16xf32, #tpu.memory_space<vmem_shared>>)
    %dma_wait3A_13 = arith.constant 0 : i32
    %dma_wait3A_14 = tpu.memref_slice %arg10[%mul3A_2, %dma_wait3A_13] : memref<10112x16xf32, #tpu.memory_space<vmem_shared>> -> memref<632x16xf32, #tpu.memory_space<vmem_shared>>
    %dma_wait3A_15 = arith.constant 0 : i32
    %dma_wait3A_16 = tpu.memref_slice %arg5[%mul3A_2, %dma_wait3A_15] : memref<10112x16xf32, #tpu.memory_space<hbm>> -> memref<632x16xf32, #tpu.memory_space<hbm>>
    tpu.wait_dma2 semaphore(%arg12 : memref<!tpu.dma_semaphore, #tpu.memory_space<semaphore_mem>>) src(%dma_wait3A_16 : memref<632x16xf32, #tpu.memory_space<hbm>>) dst(%dma_wait3A_14 : memref<632x16xf32, #tpu.memory_space<vmem_shared>>)
    %barrier3A = arith.constant 0 : index
    tpu.barrier barrier_id(%barrier3A)
    %dma_start3A_17 = arith.constant 0 : i32
    %dma_start3A_18 = arith.constant 0 : i32
    %dma_start3A_19 = arith.constant 0 : i32
    %dma_start3A_20 = arith.constant 0 : i32
    %dma_start3A_21 = arith.constant 0 : i32
    %dma_start3A_22 = tpu.memref_slice %arg9[%dma_start3A_18, %dma_start3A_20, %dma_start3A_21] : memref<8x128x16xf32, #tpu.memory_space<vmem>> -> memref<1x128x16xf32, #tpu.memory_space<vmem>>
    %dma_start3A_23 = tpu.memref_squeeze %dma_start3A_22 : memref<1x128x16xf32, #tpu.memory_space<vmem>> -> memref<128x16xf32, #tpu.memory_space<vmem>>
    %dma_start3A_24 = arith.constant 0 : i32
    %dma_start3A_25 = tpu.memref_slice %arg7[%dma_start3A_17, %dma_start3A_24] : memref<160x128xi32, #tpu.memory_space<vmem>> -> memref<1x128xi32, #tpu.memory_space<vmem>>
    %dma_start3A_26 = tpu.memref_squeeze %dma_start3A_25 : memref<1x128xi32, #tpu.memory_space<vmem>> -> memref<128xi32, #tpu.memory_space<vmem>>
    %dma_start3A_27 = arith.constant 0 : i32
    %dma_start3A_28 = arith.constant 0 : i32
    %dma_start3A_29 = tpu.memref_slice %arg11[%dma_start3A_27, %dma_start3A_28] : memref<10112x16xf32, #tpu.memory_space<vmem_shared>> -> memref<10112x16xf32, #tpu.memory_space<vmem_shared>>
    %dma_start3A_30 = tpu.memref_slice %arg14[%dma_start3A_19] : memref<8x!tpu.dma_semaphore, #tpu.memory_space<semaphore_mem>> -> memref<1x!tpu.dma_semaphore, #tpu.memory_space<semaphore_mem>>
    %dma_start3A_31 = tpu.memref_squeeze %dma_start3A_30 : memref<1x!tpu.dma_semaphore, #tpu.memory_space<semaphore_mem>> -> memref<!tpu.dma_semaphore, #tpu.memory_space<semaphore_mem>>
    tpu.enqueue_indirect_dma source(%dma_start3A_29 : memref<10112x16xf32, #tpu.memory_space<vmem_shared>>) target(%dma_start3A_23 : memref<128x16xf32, #tpu.memory_space<vmem>>) offsets(%dma_start3A_26 : memref<128xi32, #tpu.memory_space<vmem>>) semaphore(%dma_start3A_31 : memref<!tpu.dma_semaphore, #tpu.memory_space<semaphore_mem>>)
    %dma_start3A_32 = arith.constant 1 : i32
    %dma_start3A_33 = arith.constant 1 : i32
    %dma_start3A_34 = arith.constant 1 : i32
    %dma_start3A_35 = arith.constant 0 : i32
    %dma_start3A_36 = arith.constant 0 : i32
    %dma_start3A_37 = tpu.memref_slice %arg9[%dma_start3A_33, %dma_start3A_35, %dma_start3A_36] : memref<8x128x16xf32, #tpu.memory_space<vmem>> -> memref<1x128x16xf32, #tpu.memory_space<vmem>>
    %dma_start3A_38 = tpu.memref_squeeze %dma_start3A_37 : memref<1x128x16xf32, #tpu.memory_space<vmem>> -> memref<128x16xf32, #tpu.memory_space<vmem>>
    %dma_start3A_39 = arith.constant 0 : i32
    %dma_start3A_40 = tpu.memref_slice %arg7[%dma_start3A_32, %dma_start3A_39] : memref<160x128xi32, #tpu.memory_space<vmem>> -> memref<1x128xi32, #tpu.memory_space<vmem>>
    %dma_start3A_41 = tpu.memref_squeeze %dma_start3A_40 : memref<1x128xi32, #tpu.memory_space<vmem>> -> memref<128xi32, #tpu.memory_space<vmem>>
    %dma_start3A_42 = arith.constant 0 : i32
    %dma_start3A_43 = arith.constant 0 : i32
    %dma_start3A_44 = tpu.memref_slice %arg11[%dma_start3A_42, %dma_start3A_43] : memref<10112x16xf32, #tpu.memory_space<vmem_shared>> -> memref<10112x16xf32, #tpu.memory_space<vmem_shared>>
    %dma_start3A_45 = tpu.memref_slice %arg14[%dma_start3A_34] : memref<8x!tpu.dma_semaphore, #tpu.memory_space<semaphore_mem>> -> memref<1x!tpu.dma_semaphore, #tpu.memory_space<semaphore_mem>>
    %dma_start3A_46 = tpu.memref_squeeze %dma_start3A_45 : memref<1x!tpu.dma_semaphore, #tpu.memory_space<semaphore_mem>> -> memref<!tpu.dma_semaphore, #tpu.memory_space<semaphore_mem>>
    tpu.enqueue_indirect_dma source(%dma_start3A_44 : memref<10112x16xf32, #tpu.memory_space<vmem_shared>>) target(%dma_start3A_38 : memref<128x16xf32, #tpu.memory_space<vmem>>) offsets(%dma_start3A_41 : memref<128xi32, #tpu.memory_space<vmem>>) semaphore(%dma_start3A_46 : memref<!tpu.dma_semaphore, #tpu.memory_space<semaphore_mem>>)
    %dma_start3A_47 = arith.constant 2 : i32
    %dma_start3A_48 = arith.constant 2 : i32
    %dma_start3A_49 = arith.constant 2 : i32
    %dma_start3A_50 = arith.constant 0 : i32
    %dma_start3A_51 = arith.constant 0 : i32
    %dma_start3A_52 = tpu.memref_slice %arg9[%dma_start3A_48, %dma_start3A_50, %dma_start3A_51] : memref<8x128x16xf32, #tpu.memory_space<vmem>> -> memref<1x128x16xf32, #tpu.memory_space<vmem>>
    %dma_start3A_53 = tpu.memref_squeeze %dma_start3A_52 : memref<1x128x16xf32, #tpu.memory_space<vmem>> -> memref<128x16xf32, #tpu.memory_space<vmem>>
    %dma_start3A_54 = arith.constant 0 : i32
    %dma_start3A_55 = tpu.memref_slice %arg7[%dma_start3A_47, %dma_start3A_54] : memref<160x128xi32, #tpu.memory_space<vmem>> -> memref<1x128xi32, #tpu.memory_space<vmem>>
    %dma_start3A_56 = tpu.memref_squeeze %dma_start3A_55 : memref<1x128xi32, #tpu.memory_space<vmem>> -> memref<128xi32, #tpu.memory_space<vmem>>
    %dma_start3A_57 = arith.constant 0 : i32
    %dma_start3A_58 = arith.constant 0 : i32
    %dma_start3A_59 = tpu.memref_slice %arg11[%dma_start3A_57, %dma_start3A_58] : memref<10112x16xf32, #tpu.memory_space<vmem_shared>> -> memref<10112x16xf32, #tpu.memory_space<vmem_shared>>
    %dma_start3A_60 = tpu.memref_slice %arg14[%dma_start3A_49] : memref<8x!tpu.dma_semaphore, #tpu.memory_space<semaphore_mem>> -> memref<1x!tpu.dma_semaphore, #tpu.memory_space<semaphore_mem>>
    %dma_start3A_61 = tpu.memref_squeeze %dma_start3A_60 : memref<1x!tpu.dma_semaphore, #tpu.memory_space<semaphore_mem>> -> memref<!tpu.dma_semaphore, #tpu.memory_space<semaphore_mem>>
    tpu.enqueue_indirect_dma source(%dma_start3A_59 : memref<10112x16xf32, #tpu.memory_space<vmem_shared>>) target(%dma_start3A_53 : memref<128x16xf32, #tpu.memory_space<vmem>>) offsets(%dma_start3A_56 : memref<128xi32, #tpu.memory_space<vmem>>) semaphore(%dma_start3A_61 : memref<!tpu.dma_semaphore, #tpu.memory_space<semaphore_mem>>)
    %dma_start3A_62 = arith.constant 3 : i32
    %dma_start3A_63 = arith.constant 3 : i32
    %dma_start3A_64 = arith.constant 3 : i32
    %dma_start3A_65 = arith.constant 0 : i32
    %dma_start3A_66 = arith.constant 0 : i32
    %dma_start3A_67 = tpu.memref_slice %arg9[%dma_start3A_63, %dma_start3A_65, %dma_start3A_66] : memref<8x128x16xf32, #tpu.memory_space<vmem>> -> memref<1x128x16xf32, #tpu.memory_space<vmem>>
    %dma_start3A_68 = tpu.memref_squeeze %dma_start3A_67 : memref<1x128x16xf32, #tpu.memory_space<vmem>> -> memref<128x16xf32, #tpu.memory_space<vmem>>
    %dma_start3A_69 = arith.constant 0 : i32
    %dma_start3A_70 = tpu.memref_slice %arg7[%dma_start3A_62, %dma_start3A_69] : memref<160x128xi32, #tpu.memory_space<vmem>> -> memref<1x128xi32, #tpu.memory_space<vmem>>
    %dma_start3A_71 = tpu.memref_squeeze %dma_start3A_70 : memref<1x128xi32, #tpu.memory_space<vmem>> -> memref<128xi32, #tpu.memory_space<vmem>>
    %dma_start3A_72 = arith.constant 0 : i32
    %dma_start3A_73 = arith.constant 0 : i32
    %dma_start3A_74 = tpu.memref_slice %arg11[%dma_start3A_72, %dma_start3A_73] : memref<10112x16xf32, #tpu.memory_space<vmem_shared>> -> memref<10112x16xf32, #tpu.memory_space<vmem_shared>>
    %dma_start3A_75 = tpu.memref_slice %arg14[%dma_start3A_64] : memref<8x!tpu.dma_semaphore, #tpu.memory_space<semaphore_mem>> -> memref<1x!tpu.dma_semaphore, #tpu.memory_space<semaphore_mem>>
    %dma_start3A_76 = tpu.memref_squeeze %dma_start3A_75 : memref<1x!tpu.dma_semaphore, #tpu.memory_space<semaphore_mem>> -> memref<!tpu.dma_semaphore, #tpu.memory_space<semaphore_mem>>
    tpu.enqueue_indirect_dma source(%dma_start3A_74 : memref<10112x16xf32, #tpu.memory_space<vmem_shared>>) target(%dma_start3A_68 : memref<128x16xf32, #tpu.memory_space<vmem>>) offsets(%dma_start3A_71 : memref<128xi32, #tpu.memory_space<vmem>>) semaphore(%dma_start3A_76 : memref<!tpu.dma_semaphore, #tpu.memory_space<semaphore_mem>>)
    %dma_start3A_77 = arith.constant 4 : i32
    %dma_start3A_78 = arith.constant 4 : i32
    %dma_start3A_79 = arith.constant 4 : i32
    %dma_start3A_80 = arith.constant 0 : i32
    %dma_start3A_81 = arith.constant 0 : i32
    %dma_start3A_82 = tpu.memref_slice %arg9[%dma_start3A_78, %dma_start3A_80, %dma_start3A_81] : memref<8x128x16xf32, #tpu.memory_space<vmem>> -> memref<1x128x16xf32, #tpu.memory_space<vmem>>
    %dma_start3A_83 = tpu.memref_squeeze %dma_start3A_82 : memref<1x128x16xf32, #tpu.memory_space<vmem>> -> memref<128x16xf32, #tpu.memory_space<vmem>>
    %dma_start3A_84 = arith.constant 0 : i32
    %dma_start3A_85 = tpu.memref_slice %arg7[%dma_start3A_77, %dma_start3A_84] : memref<160x128xi32, #tpu.memory_space<vmem>> -> memref<1x128xi32, #tpu.memory_space<vmem>>
    %dma_start3A_86 = tpu.memref_squeeze %dma_start3A_85 : memref<1x128xi32, #tpu.memory_space<vmem>> -> memref<128xi32, #tpu.memory_space<vmem>>
    %dma_start3A_87 = arith.constant 0 : i32
    %dma_start3A_88 = arith.constant 0 : i32
    %dma_start3A_89 = tpu.memref_slice %arg11[%dma_start3A_87, %dma_start3A_88] : memref<10112x16xf32, #tpu.memory_space<vmem_shared>> -> memref<10112x16xf32, #tpu.memory_space<vmem_shared>>
    %dma_start3A_90 = tpu.memref_slice %arg14[%dma_start3A_79] : memref<8x!tpu.dma_semaphore, #tpu.memory_space<semaphore_mem>> -> memref<1x!tpu.dma_semaphore, #tpu.memory_space<semaphore_mem>>
    %dma_start3A_91 = tpu.memref_squeeze %dma_start3A_90 : memref<1x!tpu.dma_semaphore, #tpu.memory_space<semaphore_mem>> -> memref<!tpu.dma_semaphore, #tpu.memory_space<semaphore_mem>>
    tpu.enqueue_indirect_dma source(%dma_start3A_89 : memref<10112x16xf32, #tpu.memory_space<vmem_shared>>) target(%dma_start3A_83 : memref<128x16xf32, #tpu.memory_space<vmem>>) offsets(%dma_start3A_86 : memref<128xi32, #tpu.memory_space<vmem>>) semaphore(%dma_start3A_91 : memref<!tpu.dma_semaphore, #tpu.memory_space<semaphore_mem>>)
    %dma_start3A_92 = arith.constant 5 : i32
    %dma_start3A_93 = arith.constant 5 : i32
    %dma_start3A_94 = arith.constant 5 : i32
    %dma_start3A_95 = arith.constant 0 : i32
    %dma_start3A_96 = arith.constant 0 : i32
    %dma_start3A_97 = tpu.memref_slice %arg9[%dma_start3A_93, %dma_start3A_95, %dma_start3A_96] : memref<8x128x16xf32, #tpu.memory_space<vmem>> -> memref<1x128x16xf32, #tpu.memory_space<vmem>>
    %dma_start3A_98 = tpu.memref_squeeze %dma_start3A_97 : memref<1x128x16xf32, #tpu.memory_space<vmem>> -> memref<128x16xf32, #tpu.memory_space<vmem>>
    %dma_start3A_99 = arith.constant 0 : i32
    %dma_start3A_100 = tpu.memref_slice %arg7[%dma_start3A_92, %dma_start3A_99] : memref<160x128xi32, #tpu.memory_space<vmem>> -> memref<1x128xi32, #tpu.memory_space<vmem>>
    %dma_start3A_101 = tpu.memref_squeeze %dma_start3A_100 : memref<1x128xi32, #tpu.memory_space<vmem>> -> memref<128xi32, #tpu.memory_space<vmem>>
    %dma_start3A_102 = arith.constant 0 : i32
    %dma_start3A_103 = arith.constant 0 : i32
    %dma_start3A_104 = tpu.memref_slice %arg11[%dma_start3A_102, %dma_start3A_103] : memref<10112x16xf32, #tpu.memory_space<vmem_shared>> -> memref<10112x16xf32, #tpu.memory_space<vmem_shared>>
    %dma_start3A_105 = tpu.memref_slice %arg14[%dma_start3A_94] : memref<8x!tpu.dma_semaphore, #tpu.memory_space<semaphore_mem>> -> memref<1x!tpu.dma_semaphore, #tpu.memory_space<semaphore_mem>>
    %dma_start3A_106 = tpu.memref_squeeze %dma_start3A_105 : memref<1x!tpu.dma_semaphore, #tpu.memory_space<semaphore_mem>> -> memref<!tpu.dma_semaphore, #tpu.memory_space<semaphore_mem>>
    tpu.enqueue_indirect_dma source(%dma_start3A_104 : memref<10112x16xf32, #tpu.memory_space<vmem_shared>>) target(%dma_start3A_98 : memref<128x16xf32, #tpu.memory_space<vmem>>) offsets(%dma_start3A_101 : memref<128xi32, #tpu.memory_space<vmem>>) semaphore(%dma_start3A_106 : memref<!tpu.dma_semaphore, #tpu.memory_space<semaphore_mem>>)
    %dma_start3A_107 = arith.constant 6 : i32
    %dma_start3A_108 = arith.constant 6 : i32
    %dma_start3A_109 = arith.constant 6 : i32
    %dma_start3A_110 = arith.constant 0 : i32
    %dma_start3A_111 = arith.constant 0 : i32
    %dma_start3A_112 = tpu.memref_slice %arg9[%dma_start3A_108, %dma_start3A_110, %dma_start3A_111] : memref<8x128x16xf32, #tpu.memory_space<vmem>> -> memref<1x128x16xf32, #tpu.memory_space<vmem>>
    %dma_start3A_113 = tpu.memref_squeeze %dma_start3A_112 : memref<1x128x16xf32, #tpu.memory_space<vmem>> -> memref<128x16xf32, #tpu.memory_space<vmem>>
    %dma_start3A_114 = arith.constant 0 : i32
    %dma_start3A_115 = tpu.memref_slice %arg7[%dma_start3A_107, %dma_start3A_114] : memref<160x128xi32, #tpu.memory_space<vmem>> -> memref<1x128xi32, #tpu.memory_space<vmem>>
    %dma_start3A_116 = tpu.memref_squeeze %dma_start3A_115 : memref<1x128xi32, #tpu.memory_space<vmem>> -> memref<128xi32, #tpu.memory_space<vmem>>
    %dma_start3A_117 = arith.constant 0 : i32
    %dma_start3A_118 = arith.constant 0 : i32
    %dma_start3A_119 = tpu.memref_slice %arg11[%dma_start3A_117, %dma_start3A_118] : memref<10112x16xf32, #tpu.memory_space<vmem_shared>> -> memref<10112x16xf32, #tpu.memory_space<vmem_shared>>
    %dma_start3A_120 = tpu.memref_slice %arg14[%dma_start3A_109] : memref<8x!tpu.dma_semaphore, #tpu.memory_space<semaphore_mem>> -> memref<1x!tpu.dma_semaphore, #tpu.memory_space<semaphore_mem>>
    %dma_start3A_121 = tpu.memref_squeeze %dma_start3A_120 : memref<1x!tpu.dma_semaphore, #tpu.memory_space<semaphore_mem>> -> memref<!tpu.dma_semaphore, #tpu.memory_space<semaphore_mem>>
    tpu.enqueue_indirect_dma source(%dma_start3A_119 : memref<10112x16xf32, #tpu.memory_space<vmem_shared>>) target(%dma_start3A_113 : memref<128x16xf32, #tpu.memory_space<vmem>>) offsets(%dma_start3A_116 : memref<128xi32, #tpu.memory_space<vmem>>) semaphore(%dma_start3A_121 : memref<!tpu.dma_semaphore, #tpu.memory_space<semaphore_mem>>)
    %dma_start3A_122 = arith.constant 7 : i32
    %dma_start3A_123 = arith.constant 7 : i32
    %dma_start3A_124 = arith.constant 7 : i32
    %dma_start3A_125 = arith.constant 0 : i32
    %dma_start3A_126 = arith.constant 0 : i32
    %dma_start3A_127 = tpu.memref_slice %arg9[%dma_start3A_123, %dma_start3A_125, %dma_start3A_126] : memref<8x128x16xf32, #tpu.memory_space<vmem>> -> memref<1x128x16xf32, #tpu.memory_space<vmem>>
    %dma_start3A_128 = tpu.memref_squeeze %dma_start3A_127 : memref<1x128x16xf32, #tpu.memory_space<vmem>> -> memref<128x16xf32, #tpu.memory_space<vmem>>
    %dma_start3A_129 = arith.constant 0 : i32
    %dma_start3A_130 = tpu.memref_slice %arg7[%dma_start3A_122, %dma_start3A_129] : memref<160x128xi32, #tpu.memory_space<vmem>> -> memref<1x128xi32, #tpu.memory_space<vmem>>
    %dma_start3A_131 = tpu.memref_squeeze %dma_start3A_130 : memref<1x128xi32, #tpu.memory_space<vmem>> -> memref<128xi32, #tpu.memory_space<vmem>>
    %dma_start3A_132 = arith.constant 0 : i32
    %dma_start3A_133 = arith.constant 0 : i32
    %dma_start3A_134 = tpu.memref_slice %arg11[%dma_start3A_132, %dma_start3A_133] : memref<10112x16xf32, #tpu.memory_space<vmem_shared>> -> memref<10112x16xf32, #tpu.memory_space<vmem_shared>>
    %dma_start3A_135 = tpu.memref_slice %arg14[%dma_start3A_124] : memref<8x!tpu.dma_semaphore, #tpu.memory_space<semaphore_mem>> -> memref<1x!tpu.dma_semaphore, #tpu.memory_space<semaphore_mem>>
    %dma_start3A_136 = tpu.memref_squeeze %dma_start3A_135 : memref<1x!tpu.dma_semaphore, #tpu.memory_space<semaphore_mem>> -> memref<!tpu.dma_semaphore, #tpu.memory_space<semaphore_mem>>
    tpu.enqueue_indirect_dma source(%dma_start3A_134 : memref<10112x16xf32, #tpu.memory_space<vmem_shared>>) target(%dma_start3A_128 : memref<128x16xf32, #tpu.memory_space<vmem>>) offsets(%dma_start3A_131 : memref<128xi32, #tpu.memory_space<vmem>>) semaphore(%dma_start3A_136 : memref<!tpu.dma_semaphore, #tpu.memory_space<semaphore_mem>>)
    %scan3A = arith.constant 0 : i32
    %scan3A_137 = arith.constant 0 : i32
    %scan3A_138 = arith.constant 20 : i32
    %scan3A_139 = arith.addi %scan3A_137, %scan3A_138 : i32
    %scan3A_140 = arith.constant 1 : i32
    scf.for %scan3A_143 = %scan3A_137 to %scan3A_139 step %scan3A_140  : i32 {
      %mul3A_144 = arith.constant 8 : i32
      %mul3A_145 = arith.muli %scan3A_143, %mul3A_144 : i32
      %add3A_146 = arith.constant 0 : i32
      %add3A_147 = arith.addi %mul3A_145, %add3A_146 : i32
      %dma_wait3A_148 = arith.constant 0 : i32
      %dma_wait3A_149 = arith.constant 0 : i32
      %dma_wait3A_150 = arith.constant 0 : i32
      %dma_wait3A_151 = arith.constant 0 : i32
      %dma_wait3A_152 = tpu.memref_slice %arg9[%dma_wait3A_148, %dma_wait3A_150, %dma_wait3A_151] : memref<8x128x16xf32, #tpu.memory_space<vmem>> -> memref<1x128x16xf32, #tpu.memory_space<vmem>>
      %dma_wait3A_153 = tpu.memref_squeeze %dma_wait3A_152 : memref<1x128x16xf32, #tpu.memory_space<vmem>> -> memref<128x16xf32, #tpu.memory_space<vmem>>
      %dma_wait3A_154 = arith.constant 0 : i32
      %dma_wait3A_155 = tpu.memref_slice %arg7[%add3A_147, %dma_wait3A_154] : memref<160x128xi32, #tpu.memory_space<vmem>> -> memref<1x128xi32, #tpu.memory_space<vmem>>
      %dma_wait3A_156 = tpu.memref_squeeze %dma_wait3A_155 : memref<1x128xi32, #tpu.memory_space<vmem>> -> memref<128xi32, #tpu.memory_space<vmem>>
      %dma_wait3A_157 = arith.constant 0 : i32
      %dma_wait3A_158 = arith.constant 0 : i32
      %dma_wait3A_159 = tpu.memref_slice %arg11[%dma_wait3A_157, %dma_wait3A_158] : memref<10112x16xf32, #tpu.memory_space<vmem_shared>> -> memref<10112x16xf32, #tpu.memory_space<vmem_shared>>
      %dma_wait3A_160 = tpu.memref_slice %arg14[%dma_wait3A_149] : memref<8x!tpu.dma_semaphore, #tpu.memory_space<semaphore_mem>> -> memref<1x!tpu.dma_semaphore, #tpu.memory_space<semaphore_mem>>
      %dma_wait3A_161 = tpu.memref_squeeze %dma_wait3A_160 : memref<1x!tpu.dma_semaphore, #tpu.memory_space<semaphore_mem>> -> memref<!tpu.dma_semaphore, #tpu.memory_space<semaphore_mem>>
      tpu.wait_indirect_dma semaphore(%dma_wait3A_161 : memref<!tpu.dma_semaphore, #tpu.memory_space<semaphore_mem>>) src(%dma_wait3A_159 : memref<10112x16xf32, #tpu.memory_space<vmem_shared>>) dst(%dma_wait3A_153 : memref<128x16xf32, #tpu.memory_space<vmem>>)
      %dma_start3A_162 = arith.constant 0 : i32
      %dma_start3A_163 = arith.constant 0 : i32
      %dma_start3A_164 = arith.constant 0 : i32
      %dma_start3A_165 = arith.constant 0 : i32
      %dma_start3A_166 = tpu.memref_slice %arg9[%dma_start3A_162, %dma_start3A_164, %dma_start3A_165] : memref<8x128x16xf32, #tpu.memory_space<vmem>> -> memref<1x128x16xf32, #tpu.memory_space<vmem>>
      %dma_start3A_167 = tpu.memref_squeeze %dma_start3A_166 : memref<1x128x16xf32, #tpu.memory_space<vmem>> -> memref<128x16xf32, #tpu.memory_space<vmem>>
      %dma_start3A_168 = arith.constant 0 : i32
      %dma_start3A_169 = tpu.memref_slice %arg8[%add3A_147, %dma_start3A_168] : memref<160x128xi32, #tpu.memory_space<vmem>> -> memref<1x128xi32, #tpu.memory_space<vmem>>
      %dma_start3A_170 = tpu.memref_squeeze %dma_start3A_169 : memref<1x128xi32, #tpu.memory_space<vmem>> -> memref<128xi32, #tpu.memory_space<vmem>>
      %dma_start3A_171 = arith.constant 0 : i32
      %dma_start3A_172 = arith.constant 0 : i32
      %dma_start3A_173 = tpu.memref_slice %arg10[%dma_start3A_171, %dma_start3A_172] : memref<10112x16xf32, #tpu.memory_space<vmem_shared>> -> memref<10112x16xf32, #tpu.memory_space<vmem_shared>>
      %dma_start3A_174 = tpu.memref_slice %arg15[%dma_start3A_163] : memref<8x!tpu.dma_semaphore, #tpu.memory_space<semaphore_mem>> -> memref<1x!tpu.dma_semaphore, #tpu.memory_space<semaphore_mem>>
      %dma_start3A_175 = tpu.memref_squeeze %dma_start3A_174 : memref<1x!tpu.dma_semaphore, #tpu.memory_space<semaphore_mem>> -> memref<!tpu.dma_semaphore, #tpu.memory_space<semaphore_mem>>
      tpu.enqueue_indirect_dma source(%dma_start3A_167 : memref<128x16xf32, #tpu.memory_space<vmem>>) target(%dma_start3A_173 : memref<10112x16xf32, #tpu.memory_space<vmem_shared>>) offsets(%dma_start3A_170 : memref<128xi32, #tpu.memory_space<vmem>>) semaphore(%dma_start3A_175 : memref<!tpu.dma_semaphore, #tpu.memory_space<semaphore_mem>>) {add = true}
      %dma_wait3A_176 = arith.constant 0 : i32
      %dma_wait3A_177 = arith.constant 0 : i32
      %dma_wait3A_178 = arith.constant 0 : i32
      %dma_wait3A_179 = arith.constant 0 : i32
      %dma_wait3A_180 = tpu.memref_slice %arg9[%dma_wait3A_176, %dma_wait3A_178, %dma_wait3A_179] : memref<8x128x16xf32, #tpu.memory_space<vmem>> -> memref<1x128x16xf32, #tpu.memory_space<vmem>>
      %dma_wait3A_181 = tpu.memref_squeeze %dma_wait3A_180 : memref<1x128x16xf32, #tpu.memory_space<vmem>> -> memref<128x16xf32, #tpu.memory_space<vmem>>
      %dma_wait3A_182 = arith.constant 0 : i32
      %dma_wait3A_183 = tpu.memref_slice %arg8[%add3A_147, %dma_wait3A_182] : memref<160x128xi32, #tpu.memory_space<vmem>> -> memref<1x128xi32, #tpu.memory_space<vmem>>
      %dma_wait3A_184 = tpu.memref_squeeze %dma_wait3A_183 : memref<1x128xi32, #tpu.memory_space<vmem>> -> memref<128xi32, #tpu.memory_space<vmem>>
      %dma_wait3A_185 = arith.constant 0 : i32
      %dma_wait3A_186 = arith.constant 0 : i32
      %dma_wait3A_187 = tpu.memref_slice %arg10[%dma_wait3A_185, %dma_wait3A_186] : memref<10112x16xf32, #tpu.memory_space<vmem_shared>> -> memref<10112x16xf32, #tpu.memory_space<vmem_shared>>
      %dma_wait3A_188 = tpu.memref_slice %arg15[%dma_wait3A_177] : memref<8x!tpu.dma_semaphore, #tpu.memory_space<semaphore_mem>> -> memref<1x!tpu.dma_semaphore, #tpu.memory_space<semaphore_mem>>
      %dma_wait3A_189 = tpu.memref_squeeze %dma_wait3A_188 : memref<1x!tpu.dma_semaphore, #tpu.memory_space<semaphore_mem>> -> memref<!tpu.dma_semaphore, #tpu.memory_space<semaphore_mem>>
      tpu.wait_indirect_dma semaphore(%dma_wait3A_189 : memref<!tpu.dma_semaphore, #tpu.memory_space<semaphore_mem>>) src(%dma_wait3A_181 : memref<128x16xf32, #tpu.memory_space<vmem>>) dst(%dma_wait3A_187 : memref<10112x16xf32, #tpu.memory_space<vmem_shared>>)
      %add3A_190 = arith.constant 8 : i32
      %add3A_191 = arith.addi %add3A_147, %add3A_190 : i32
      %lt3A = arith.constant 160 : i32
      %lt3A_192 = arith.cmpi slt, %add3A_191, %lt3A : i32
      %convert_element_type3A = arith.extui %lt3A_192 : i1 to i32
      %cond3A = arith.constant 0 : i32
      %cond3A_193 = arith.cmpi ne, %convert_element_type3A, %cond3A : i32
      scf.if %cond3A_193 {
        %add3A_565 = arith.constant 8 : i32
        %add3A_566 = arith.addi %add3A_147, %add3A_565 : i32
        %dma_start3A_567 = arith.constant 0 : i32
        %dma_start3A_568 = arith.constant 0 : i32
        %dma_start3A_569 = arith.constant 0 : i32
        %dma_start3A_570 = arith.constant 0 : i32
        %dma_start3A_571 = tpu.memref_slice %arg9[%dma_start3A_567, %dma_start3A_569, %dma_start3A_570] : memref<8x128x16xf32, #tpu.memory_space<vmem>> -> memref<1x128x16xf32, #tpu.memory_space<vmem>>
        %dma_start3A_572 = tpu.memref_squeeze %dma_start3A_571 : memref<1x128x16xf32, #tpu.memory_space<vmem>> -> memref<128x16xf32, #tpu.memory_space<vmem>>
        %dma_start3A_573 = arith.constant 0 : i32
        %dma_start3A_574 = tpu.memref_slice %arg7[%add3A_566, %dma_start3A_573] : memref<160x128xi32, #tpu.memory_space<vmem>> -> memref<1x128xi32, #tpu.memory_space<vmem>>
        %dma_start3A_575 = tpu.memref_squeeze %dma_start3A_574 : memref<1x128xi32, #tpu.memory_space<vmem>> -> memref<128xi32, #tpu.memory_space<vmem>>
        %dma_start3A_576 = arith.constant 0 : i32
        %dma_start3A_577 = arith.constant 0 : i32
        %dma_start3A_578 = tpu.memref_slice %arg11[%dma_start3A_576, %dma_start3A_577] : memref<10112x16xf32, #tpu.memory_space<vmem_shared>> -> memref<10112x16xf32, #tpu.memory_space<vmem_shared>>
        %dma_start3A_579 = tpu.memref_slice %arg14[%dma_start3A_568] : memref<8x!tpu.dma_semaphore, #tpu.memory_space<semaphore_mem>> -> memref<1x!tpu.dma_semaphore, #tpu.memory_space<semaphore_mem>>
        %dma_start3A_580 = tpu.memref_squeeze %dma_start3A_579 : memref<1x!tpu.dma_semaphore, #tpu.memory_space<semaphore_mem>> -> memref<!tpu.dma_semaphore, #tpu.memory_space<semaphore_mem>>
        tpu.enqueue_indirect_dma source(%dma_start3A_578 : memref<10112x16xf32, #tpu.memory_space<vmem_shared>>) target(%dma_start3A_572 : memref<128x16xf32, #tpu.memory_space<vmem>>) offsets(%dma_start3A_575 : memref<128xi32, #tpu.memory_space<vmem>>) semaphore(%dma_start3A_580 : memref<!tpu.dma_semaphore, #tpu.memory_space<semaphore_mem>>)
      } else {
      }
      %mul3A_194 = arith.constant 8 : i32
      %mul3A_195 = arith.muli %scan3A_143, %mul3A_194 : i32
      %add3A_196 = arith.constant 1 : i32
      %add3A_197 = arith.addi %mul3A_195, %add3A_196 : i32
      %dma_wait3A_198 = arith.constant 1 : i32
      %dma_wait3A_199 = arith.constant 1 : i32
      %dma_wait3A_200 = arith.constant 0 : i32
      %dma_wait3A_201 = arith.constant 0 : i32
      %dma_wait3A_202 = tpu.memref_slice %arg9[%dma_wait3A_198, %dma_wait3A_200, %dma_wait3A_201] : memref<8x128x16xf32, #tpu.memory_space<vmem>> -> memref<1x128x16xf32, #tpu.memory_space<vmem>>
      %dma_wait3A_203 = tpu.memref_squeeze %dma_wait3A_202 : memref<1x128x16xf32, #tpu.memory_space<vmem>> -> memref<128x16xf32, #tpu.memory_space<vmem>>
      %dma_wait3A_204 = arith.constant 0 : i32
      %dma_wait3A_205 = tpu.memref_slice %arg7[%add3A_197, %dma_wait3A_204] : memref<160x128xi32, #tpu.memory_space<vmem>> -> memref<1x128xi32, #tpu.memory_space<vmem>>
      %dma_wait3A_206 = tpu.memref_squeeze %dma_wait3A_205 : memref<1x128xi32, #tpu.memory_space<vmem>> -> memref<128xi32, #tpu.memory_space<vmem>>
      %dma_wait3A_207 = arith.constant 0 : i32
      %dma_wait3A_208 = arith.constant 0 : i32
      %dma_wait3A_209 = tpu.memref_slice %arg11[%dma_wait3A_207, %dma_wait3A_208] : memref<10112x16xf32, #tpu.memory_space<vmem_shared>> -> memref<10112x16xf32, #tpu.memory_space<vmem_shared>>
      %dma_wait3A_210 = tpu.memref_slice %arg14[%dma_wait3A_199] : memref<8x!tpu.dma_semaphore, #tpu.memory_space<semaphore_mem>> -> memref<1x!tpu.dma_semaphore, #tpu.memory_space<semaphore_mem>>
      %dma_wait3A_211 = tpu.memref_squeeze %dma_wait3A_210 : memref<1x!tpu.dma_semaphore, #tpu.memory_space<semaphore_mem>> -> memref<!tpu.dma_semaphore, #tpu.memory_space<semaphore_mem>>
      tpu.wait_indirect_dma semaphore(%dma_wait3A_211 : memref<!tpu.dma_semaphore, #tpu.memory_space<semaphore_mem>>) src(%dma_wait3A_209 : memref<10112x16xf32, #tpu.memory_space<vmem_shared>>) dst(%dma_wait3A_203 : memref<128x16xf32, #tpu.memory_space<vmem>>)
      %dma_start3A_212 = arith.constant 1 : i32
      %dma_start3A_213 = arith.constant 1 : i32
      %dma_start3A_214 = arith.constant 0 : i32
      %dma_start3A_215 = arith.constant 0 : i32
      %dma_start3A_216 = tpu.memref_slice %arg9[%dma_start3A_212, %dma_start3A_214, %dma_start3A_215] : memref<8x128x16xf32, #tpu.memory_space<vmem>> -> memref<1x128x16xf32, #tpu.memory_space<vmem>>
      %dma_start3A_217 = tpu.memref_squeeze %dma_start3A_216 : memref<1x128x16xf32, #tpu.memory_space<vmem>> -> memref<128x16xf32, #tpu.memory_space<vmem>>
      %dma_start3A_218 = arith.constant 0 : i32
      %dma_start3A_219 = tpu.memref_slice %arg8[%add3A_197, %dma_start3A_218] : memref<160x128xi32, #tpu.memory_space<vmem>> -> memref<1x128xi32, #tpu.memory_space<vmem>>
      %dma_start3A_220 = tpu.memref_squeeze %dma_start3A_219 : memref<1x128xi32, #tpu.memory_space<vmem>> -> memref<128xi32, #tpu.memory_space<vmem>>
      %dma_start3A_221 = arith.constant 0 : i32
      %dma_start3A_222 = arith.constant 0 : i32
      %dma_start3A_223 = tpu.memref_slice %arg10[%dma_start3A_221, %dma_start3A_222] : memref<10112x16xf32, #tpu.memory_space<vmem_shared>> -> memref<10112x16xf32, #tpu.memory_space<vmem_shared>>
      %dma_start3A_224 = tpu.memref_slice %arg15[%dma_start3A_213] : memref<8x!tpu.dma_semaphore, #tpu.memory_space<semaphore_mem>> -> memref<1x!tpu.dma_semaphore, #tpu.memory_space<semaphore_mem>>
      %dma_start3A_225 = tpu.memref_squeeze %dma_start3A_224 : memref<1x!tpu.dma_semaphore, #tpu.memory_space<semaphore_mem>> -> memref<!tpu.dma_semaphore, #tpu.memory_space<semaphore_mem>>
      tpu.enqueue_indirect_dma source(%dma_start3A_217 : memref<128x16xf32, #tpu.memory_space<vmem>>) target(%dma_start3A_223 : memref<10112x16xf32, #tpu.memory_space<vmem_shared>>) offsets(%dma_start3A_220 : memref<128xi32, #tpu.memory_space<vmem>>) semaphore(%dma_start3A_225 : memref<!tpu.dma_semaphore, #tpu.memory_space<semaphore_mem>>) {add = true}
      %dma_wait3A_226 = arith.constant 1 : i32
      %dma_wait3A_227 = arith.constant 1 : i32
      %dma_wait3A_228 = arith.constant 0 : i32
      %dma_wait3A_229 = arith.constant 0 : i32
      %dma_wait3A_230 = tpu.memref_slice %arg9[%dma_wait3A_226, %dma_wait3A_228, %dma_wait3A_229] : memref<8x128x16xf32, #tpu.memory_space<vmem>> -> memref<1x128x16xf32, #tpu.memory_space<vmem>>
      %dma_wait3A_231 = tpu.memref_squeeze %dma_wait3A_230 : memref<1x128x16xf32, #tpu.memory_space<vmem>> -> memref<128x16xf32, #tpu.memory_space<vmem>>
      %dma_wait3A_232 = arith.constant 0 : i32
      %dma_wait3A_233 = tpu.memref_slice %arg8[%add3A_197, %dma_wait3A_232] : memref<160x128xi32, #tpu.memory_space<vmem>> -> memref<1x128xi32, #tpu.memory_space<vmem>>
      %dma_wait3A_234 = tpu.memref_squeeze %dma_wait3A_233 : memref<1x128xi32, #tpu.memory_space<vmem>> -> memref<128xi32, #tpu.memory_space<vmem>>
      %dma_wait3A_235 = arith.constant 0 : i32
      %dma_wait3A_236 = arith.constant 0 : i32
      %dma_wait3A_237 = tpu.memref_slice %arg10[%dma_wait3A_235, %dma_wait3A_236] : memref<10112x16xf32, #tpu.memory_space<vmem_shared>> -> memref<10112x16xf32, #tpu.memory_space<vmem_shared>>
      %dma_wait3A_238 = tpu.memref_slice %arg15[%dma_wait3A_227] : memref<8x!tpu.dma_semaphore, #tpu.memory_space<semaphore_mem>> -> memref<1x!tpu.dma_semaphore, #tpu.memory_space<semaphore_mem>>
      %dma_wait3A_239 = tpu.memref_squeeze %dma_wait3A_238 : memref<1x!tpu.dma_semaphore, #tpu.memory_space<semaphore_mem>> -> memref<!tpu.dma_semaphore, #tpu.memory_space<semaphore_mem>>
      tpu.wait_indirect_dma semaphore(%dma_wait3A_239 : memref<!tpu.dma_semaphore, #tpu.memory_space<semaphore_mem>>) src(%dma_wait3A_231 : memref<128x16xf32, #tpu.memory_space<vmem>>) dst(%dma_wait3A_237 : memref<10112x16xf32, #tpu.memory_space<vmem_shared>>)
      %add3A_240 = arith.constant 8 : i32
      %add3A_241 = arith.addi %add3A_197, %add3A_240 : i32
      %lt3A_242 = arith.constant 160 : i32
      %lt3A_243 = arith.cmpi slt, %add3A_241, %lt3A_242 : i32
      %convert_element_type3A_244 = arith.extui %lt3A_243 : i1 to i32
      %cond3A_245 = arith.constant 0 : i32
      %cond3A_246 = arith.cmpi ne, %convert_element_type3A_244, %cond3A_245 : i32
      scf.if %cond3A_246 {
        %add3A_565 = arith.constant 8 : i32
        %add3A_566 = arith.addi %add3A_197, %add3A_565 : i32
        %dma_start3A_567 = arith.constant 1 : i32
        %dma_start3A_568 = arith.constant 1 : i32
        %dma_start3A_569 = arith.constant 0 : i32
        %dma_start3A_570 = arith.constant 0 : i32
        %dma_start3A_571 = tpu.memref_slice %arg9[%dma_start3A_567, %dma_start3A_569, %dma_start3A_570] : memref<8x128x16xf32, #tpu.memory_space<vmem>> -> memref<1x128x16xf32, #tpu.memory_space<vmem>>
        %dma_start3A_572 = tpu.memref_squeeze %dma_start3A_571 : memref<1x128x16xf32, #tpu.memory_space<vmem>> -> memref<128x16xf32, #tpu.memory_space<vmem>>
        %dma_start3A_573 = arith.constant 0 : i32
        %dma_start3A_574 = tpu.memref_slice %arg7[%add3A_566, %dma_start3A_573] : memref<160x128xi32, #tpu.memory_space<vmem>> -> memref<1x128xi32, #tpu.memory_space<vmem>>
        %dma_start3A_575 = tpu.memref_squeeze %dma_start3A_574 : memref<1x128xi32, #tpu.memory_space<vmem>> -> memref<128xi32, #tpu.memory_space<vmem>>
        %dma_start3A_576 = arith.constant 0 : i32
        %dma_start3A_577 = arith.constant 0 : i32
        %dma_start3A_578 = tpu.memref_slice %arg11[%dma_start3A_576, %dma_start3A_577] : memref<10112x16xf32, #tpu.memory_space<vmem_shared>> -> memref<10112x16xf32, #tpu.memory_space<vmem_shared>>
        %dma_start3A_579 = tpu.memref_slice %arg14[%dma_start3A_568] : memref<8x!tpu.dma_semaphore, #tpu.memory_space<semaphore_mem>> -> memref<1x!tpu.dma_semaphore, #tpu.memory_space<semaphore_mem>>
        %dma_start3A_580 = tpu.memref_squeeze %dma_start3A_579 : memref<1x!tpu.dma_semaphore, #tpu.memory_space<semaphore_mem>> -> memref<!tpu.dma_semaphore, #tpu.memory_space<semaphore_mem>>
        tpu.enqueue_indirect_dma source(%dma_start3A_578 : memref<10112x16xf32, #tpu.memory_space<vmem_shared>>) target(%dma_start3A_572 : memref<128x16xf32, #tpu.memory_space<vmem>>) offsets(%dma_start3A_575 : memref<128xi32, #tpu.memory_space<vmem>>) semaphore(%dma_start3A_580 : memref<!tpu.dma_semaphore, #tpu.memory_space<semaphore_mem>>)
      } else {
      }
      %mul3A_247 = arith.constant 8 : i32
      %mul3A_248 = arith.muli %scan3A_143, %mul3A_247 : i32
      %add3A_249 = arith.constant 2 : i32
      %add3A_250 = arith.addi %mul3A_248, %add3A_249 : i32
      %dma_wait3A_251 = arith.constant 2 : i32
      %dma_wait3A_252 = arith.constant 2 : i32
      %dma_wait3A_253 = arith.constant 0 : i32
      %dma_wait3A_254 = arith.constant 0 : i32
      %dma_wait3A_255 = tpu.memref_slice %arg9[%dma_wait3A_251, %dma_wait3A_253, %dma_wait3A_254] : memref<8x128x16xf32, #tpu.memory_space<vmem>> -> memref<1x128x16xf32, #tpu.memory_space<vmem>>
      %dma_wait3A_256 = tpu.memref_squeeze %dma_wait3A_255 : memref<1x128x16xf32, #tpu.memory_space<vmem>> -> memref<128x16xf32, #tpu.memory_space<vmem>>
      %dma_wait3A_257 = arith.constant 0 : i32
      %dma_wait3A_258 = tpu.memref_slice %arg7[%add3A_250, %dma_wait3A_257] : memref<160x128xi32, #tpu.memory_space<vmem>> -> memref<1x128xi32, #tpu.memory_space<vmem>>
      %dma_wait3A_259 = tpu.memref_squeeze %dma_wait3A_258 : memref<1x128xi32, #tpu.memory_space<vmem>> -> memref<128xi32, #tpu.memory_space<vmem>>
      %dma_wait3A_260 = arith.constant 0 : i32
      %dma_wait3A_261 = arith.constant 0 : i32
      %dma_wait3A_262 = tpu.memref_slice %arg11[%dma_wait3A_260, %dma_wait3A_261] : memref<10112x16xf32, #tpu.memory_space<vmem_shared>> -> memref<10112x16xf32, #tpu.memory_space<vmem_shared>>
      %dma_wait3A_263 = tpu.memref_slice %arg14[%dma_wait3A_252] : memref<8x!tpu.dma_semaphore, #tpu.memory_space<semaphore_mem>> -> memref<1x!tpu.dma_semaphore, #tpu.memory_space<semaphore_mem>>
      %dma_wait3A_264 = tpu.memref_squeeze %dma_wait3A_263 : memref<1x!tpu.dma_semaphore, #tpu.memory_space<semaphore_mem>> -> memref<!tpu.dma_semaphore, #tpu.memory_space<semaphore_mem>>
      tpu.wait_indirect_dma semaphore(%dma_wait3A_264 : memref<!tpu.dma_semaphore, #tpu.memory_space<semaphore_mem>>) src(%dma_wait3A_262 : memref<10112x16xf32, #tpu.memory_space<vmem_shared>>) dst(%dma_wait3A_256 : memref<128x16xf32, #tpu.memory_space<vmem>>)
      %dma_start3A_265 = arith.constant 2 : i32
      %dma_start3A_266 = arith.constant 2 : i32
      %dma_start3A_267 = arith.constant 0 : i32
      %dma_start3A_268 = arith.constant 0 : i32
      %dma_start3A_269 = tpu.memref_slice %arg9[%dma_start3A_265, %dma_start3A_267, %dma_start3A_268] : memref<8x128x16xf32, #tpu.memory_space<vmem>> -> memref<1x128x16xf32, #tpu.memory_space<vmem>>
      %dma_start3A_270 = tpu.memref_squeeze %dma_start3A_269 : memref<1x128x16xf32, #tpu.memory_space<vmem>> -> memref<128x16xf32, #tpu.memory_space<vmem>>
      %dma_start3A_271 = arith.constant 0 : i32
      %dma_start3A_272 = tpu.memref_slice %arg8[%add3A_250, %dma_start3A_271] : memref<160x128xi32, #tpu.memory_space<vmem>> -> memref<1x128xi32, #tpu.memory_space<vmem>>
      %dma_start3A_273 = tpu.memref_squeeze %dma_start3A_272 : memref<1x128xi32, #tpu.memory_space<vmem>> -> memref<128xi32, #tpu.memory_space<vmem>>
      %dma_start3A_274 = arith.constant 0 : i32
      %dma_start3A_275 = arith.constant 0 : i32
      %dma_start3A_276 = tpu.memref_slice %arg10[%dma_start3A_274, %dma_start3A_275] : memref<10112x16xf32, #tpu.memory_space<vmem_shared>> -> memref<10112x16xf32, #tpu.memory_space<vmem_shared>>
      %dma_start3A_277 = tpu.memref_slice %arg15[%dma_start3A_266] : memref<8x!tpu.dma_semaphore, #tpu.memory_space<semaphore_mem>> -> memref<1x!tpu.dma_semaphore, #tpu.memory_space<semaphore_mem>>
      %dma_start3A_278 = tpu.memref_squeeze %dma_start3A_277 : memref<1x!tpu.dma_semaphore, #tpu.memory_space<semaphore_mem>> -> memref<!tpu.dma_semaphore, #tpu.memory_space<semaphore_mem>>
      tpu.enqueue_indirect_dma source(%dma_start3A_270 : memref<128x16xf32, #tpu.memory_space<vmem>>) target(%dma_start3A_276 : memref<10112x16xf32, #tpu.memory_space<vmem_shared>>) offsets(%dma_start3A_273 : memref<128xi32, #tpu.memory_space<vmem>>) semaphore(%dma_start3A_278 : memref<!tpu.dma_semaphore, #tpu.memory_space<semaphore_mem>>) {add = true}
      %dma_wait3A_279 = arith.constant 2 : i32
      %dma_wait3A_280 = arith.constant 2 : i32
      %dma_wait3A_281 = arith.constant 0 : i32
      %dma_wait3A_282 = arith.constant 0 : i32
      %dma_wait3A_283 = tpu.memref_slice %arg9[%dma_wait3A_279, %dma_wait3A_281, %dma_wait3A_282] : memref<8x128x16xf32, #tpu.memory_space<vmem>> -> memref<1x128x16xf32, #tpu.memory_space<vmem>>
      %dma_wait3A_284 = tpu.memref_squeeze %dma_wait3A_283 : memref<1x128x16xf32, #tpu.memory_space<vmem>> -> memref<128x16xf32, #tpu.memory_space<vmem>>
      %dma_wait3A_285 = arith.constant 0 : i32
      %dma_wait3A_286 = tpu.memref_slice %arg8[%add3A_250, %dma_wait3A_285] : memref<160x128xi32, #tpu.memory_space<vmem>> -> memref<1x128xi32, #tpu.memory_space<vmem>>
      %dma_wait3A_287 = tpu.memref_squeeze %dma_wait3A_286 : memref<1x128xi32, #tpu.memory_space<vmem>> -> memref<128xi32, #tpu.memory_space<vmem>>
      %dma_wait3A_288 = arith.constant 0 : i32
      %dma_wait3A_289 = arith.constant 0 : i32
      %dma_wait3A_290 = tpu.memref_slice %arg10[%dma_wait3A_288, %dma_wait3A_289] : memref<10112x16xf32, #tpu.memory_space<vmem_shared>> -> memref<10112x16xf32, #tpu.memory_space<vmem_shared>>
      %dma_wait3A_291 = tpu.memref_slice %arg15[%dma_wait3A_280] : memref<8x!tpu.dma_semaphore, #tpu.memory_space<semaphore_mem>> -> memref<1x!tpu.dma_semaphore, #tpu.memory_space<semaphore_mem>>
      %dma_wait3A_292 = tpu.memref_squeeze %dma_wait3A_291 : memref<1x!tpu.dma_semaphore, #tpu.memory_space<semaphore_mem>> -> memref<!tpu.dma_semaphore, #tpu.memory_space<semaphore_mem>>
      tpu.wait_indirect_dma semaphore(%dma_wait3A_292 : memref<!tpu.dma_semaphore, #tpu.memory_space<semaphore_mem>>) src(%dma_wait3A_284 : memref<128x16xf32, #tpu.memory_space<vmem>>) dst(%dma_wait3A_290 : memref<10112x16xf32, #tpu.memory_space<vmem_shared>>)
      %add3A_293 = arith.constant 8 : i32
      %add3A_294 = arith.addi %add3A_250, %add3A_293 : i32
      %lt3A_295 = arith.constant 160 : i32
      %lt3A_296 = arith.cmpi slt, %add3A_294, %lt3A_295 : i32
      %convert_element_type3A_297 = arith.extui %lt3A_296 : i1 to i32
      %cond3A_298 = arith.constant 0 : i32
      %cond3A_299 = arith.cmpi ne, %convert_element_type3A_297, %cond3A_298 : i32
      scf.if %cond3A_299 {
        %add3A_565 = arith.constant 8 : i32
        %add3A_566 = arith.addi %add3A_250, %add3A_565 : i32
        %dma_start3A_567 = arith.constant 2 : i32
        %dma_start3A_568 = arith.constant 2 : i32
        %dma_start3A_569 = arith.constant 0 : i32
        %dma_start3A_570 = arith.constant 0 : i32
        %dma_start3A_571 = tpu.memref_slice %arg9[%dma_start3A_567, %dma_start3A_569, %dma_start3A_570] : memref<8x128x16xf32, #tpu.memory_space<vmem>> -> memref<1x128x16xf32, #tpu.memory_space<vmem>>
        %dma_start3A_572 = tpu.memref_squeeze %dma_start3A_571 : memref<1x128x16xf32, #tpu.memory_space<vmem>> -> memref<128x16xf32, #tpu.memory_space<vmem>>
        %dma_start3A_573 = arith.constant 0 : i32
        %dma_start3A_574 = tpu.memref_slice %arg7[%add3A_566, %dma_start3A_573] : memref<160x128xi32, #tpu.memory_space<vmem>> -> memref<1x128xi32, #tpu.memory_space<vmem>>
        %dma_start3A_575 = tpu.memref_squeeze %dma_start3A_574 : memref<1x128xi32, #tpu.memory_space<vmem>> -> memref<128xi32, #tpu.memory_space<vmem>>
        %dma_start3A_576 = arith.constant 0 : i32
        %dma_start3A_577 = arith.constant 0 : i32
        %dma_start3A_578 = tpu.memref_slice %arg11[%dma_start3A_576, %dma_start3A_577] : memref<10112x16xf32, #tpu.memory_space<vmem_shared>> -> memref<10112x16xf32, #tpu.memory_space<vmem_shared>>
        %dma_start3A_579 = tpu.memref_slice %arg14[%dma_start3A_568] : memref<8x!tpu.dma_semaphore, #tpu.memory_space<semaphore_mem>> -> memref<1x!tpu.dma_semaphore, #tpu.memory_space<semaphore_mem>>
        %dma_start3A_580 = tpu.memref_squeeze %dma_start3A_579 : memref<1x!tpu.dma_semaphore, #tpu.memory_space<semaphore_mem>> -> memref<!tpu.dma_semaphore, #tpu.memory_space<semaphore_mem>>
        tpu.enqueue_indirect_dma source(%dma_start3A_578 : memref<10112x16xf32, #tpu.memory_space<vmem_shared>>) target(%dma_start3A_572 : memref<128x16xf32, #tpu.memory_space<vmem>>) offsets(%dma_start3A_575 : memref<128xi32, #tpu.memory_space<vmem>>) semaphore(%dma_start3A_580 : memref<!tpu.dma_semaphore, #tpu.memory_space<semaphore_mem>>)
      } else {
      }
      %mul3A_300 = arith.constant 8 : i32
      %mul3A_301 = arith.muli %scan3A_143, %mul3A_300 : i32
      %add3A_302 = arith.constant 3 : i32
      %add3A_303 = arith.addi %mul3A_301, %add3A_302 : i32
      %dma_wait3A_304 = arith.constant 3 : i32
      %dma_wait3A_305 = arith.constant 3 : i32
      %dma_wait3A_306 = arith.constant 0 : i32
      %dma_wait3A_307 = arith.constant 0 : i32
      %dma_wait3A_308 = tpu.memref_slice %arg9[%dma_wait3A_304, %dma_wait3A_306, %dma_wait3A_307] : memref<8x128x16xf32, #tpu.memory_space<vmem>> -> memref<1x128x16xf32, #tpu.memory_space<vmem>>
      %dma_wait3A_309 = tpu.memref_squeeze %dma_wait3A_308 : memref<1x128x16xf32, #tpu.memory_space<vmem>> -> memref<128x16xf32, #tpu.memory_space<vmem>>
      %dma_wait3A_310 = arith.constant 0 : i32
      %dma_wait3A_311 = tpu.memref_slice %arg7[%add3A_303, %dma_wait3A_310] : memref<160x128xi32, #tpu.memory_space<vmem>> -> memref<1x128xi32, #tpu.memory_space<vmem>>
      %dma_wait3A_312 = tpu.memref_squeeze %dma_wait3A_311 : memref<1x128xi32, #tpu.memory_space<vmem>> -> memref<128xi32, #tpu.memory_space<vmem>>
      %dma_wait3A_313 = arith.constant 0 : i32
      %dma_wait3A_314 = arith.constant 0 : i32
      %dma_wait3A_315 = tpu.memref_slice %arg11[%dma_wait3A_313, %dma_wait3A_314] : memref<10112x16xf32, #tpu.memory_space<vmem_shared>> -> memref<10112x16xf32, #tpu.memory_space<vmem_shared>>
      %dma_wait3A_316 = tpu.memref_slice %arg14[%dma_wait3A_305] : memref<8x!tpu.dma_semaphore, #tpu.memory_space<semaphore_mem>> -> memref<1x!tpu.dma_semaphore, #tpu.memory_space<semaphore_mem>>
      %dma_wait3A_317 = tpu.memref_squeeze %dma_wait3A_316 : memref<1x!tpu.dma_semaphore, #tpu.memory_space<semaphore_mem>> -> memref<!tpu.dma_semaphore, #tpu.memory_space<semaphore_mem>>
      tpu.wait_indirect_dma semaphore(%dma_wait3A_317 : memref<!tpu.dma_semaphore, #tpu.memory_space<semaphore_mem>>) src(%dma_wait3A_315 : memref<10112x16xf32, #tpu.memory_space<vmem_shared>>) dst(%dma_wait3A_309 : memref<128x16xf32, #tpu.memory_space<vmem>>)
      %dma_start3A_318 = arith.constant 3 : i32
      %dma_start3A_319 = arith.constant 3 : i32
      %dma_start3A_320 = arith.constant 0 : i32
      %dma_start3A_321 = arith.constant 0 : i32
      %dma_start3A_322 = tpu.memref_slice %arg9[%dma_start3A_318, %dma_start3A_320, %dma_start3A_321] : memref<8x128x16xf32, #tpu.memory_space<vmem>> -> memref<1x128x16xf32, #tpu.memory_space<vmem>>
      %dma_start3A_323 = tpu.memref_squeeze %dma_start3A_322 : memref<1x128x16xf32, #tpu.memory_space<vmem>> -> memref<128x16xf32, #tpu.memory_space<vmem>>
      %dma_start3A_324 = arith.constant 0 : i32
      %dma_start3A_325 = tpu.memref_slice %arg8[%add3A_303, %dma_start3A_324] : memref<160x128xi32, #tpu.memory_space<vmem>> -> memref<1x128xi32, #tpu.memory_space<vmem>>
      %dma_start3A_326 = tpu.memref_squeeze %dma_start3A_325 : memref<1x128xi32, #tpu.memory_space<vmem>> -> memref<128xi32, #tpu.memory_space<vmem>>
      %dma_start3A_327 = arith.constant 0 : i32
      %dma_start3A_328 = arith.constant 0 : i32
      %dma_start3A_329 = tpu.memref_slice %arg10[%dma_start3A_327, %dma_start3A_328] : memref<10112x16xf32, #tpu.memory_space<vmem_shared>> -> memref<10112x16xf32, #tpu.memory_space<vmem_shared>>
      %dma_start3A_330 = tpu.memref_slice %arg15[%dma_start3A_319] : memref<8x!tpu.dma_semaphore, #tpu.memory_space<semaphore_mem>> -> memref<1x!tpu.dma_semaphore, #tpu.memory_space<semaphore_mem>>
      %dma_start3A_331 = tpu.memref_squeeze %dma_start3A_330 : memref<1x!tpu.dma_semaphore, #tpu.memory_space<semaphore_mem>> -> memref<!tpu.dma_semaphore, #tpu.memory_space<semaphore_mem>>
      tpu.enqueue_indirect_dma source(%dma_start3A_323 : memref<128x16xf32, #tpu.memory_space<vmem>>) target(%dma_start3A_329 : memref<10112x16xf32, #tpu.memory_space<vmem_shared>>) offsets(%dma_start3A_326 : memref<128xi32, #tpu.memory_space<vmem>>) semaphore(%dma_start3A_331 : memref<!tpu.dma_semaphore, #tpu.memory_space<semaphore_mem>>) {add = true}
      %dma_wait3A_332 = arith.constant 3 : i32
      %dma_wait3A_333 = arith.constant 3 : i32
      %dma_wait3A_334 = arith.constant 0 : i32
      %dma_wait3A_335 = arith.constant 0 : i32
      %dma_wait3A_336 = tpu.memref_slice %arg9[%dma_wait3A_332, %dma_wait3A_334, %dma_wait3A_335] : memref<8x128x16xf32, #tpu.memory_space<vmem>> -> memref<1x128x16xf32, #tpu.memory_space<vmem>>
      %dma_wait3A_337 = tpu.memref_squeeze %dma_wait3A_336 : memref<1x128x16xf32, #tpu.memory_space<vmem>> -> memref<128x16xf32, #tpu.memory_space<vmem>>
      %dma_wait3A_338 = arith.constant 0 : i32
      %dma_wait3A_339 = tpu.memref_slice %arg8[%add3A_303, %dma_wait3A_338] : memref<160x128xi32, #tpu.memory_space<vmem>> -> memref<1x128xi32, #tpu.memory_space<vmem>>
      %dma_wait3A_340 = tpu.memref_squeeze %dma_wait3A_339 : memref<1x128xi32, #tpu.memory_space<vmem>> -> memref<128xi32, #tpu.memory_space<vmem>>
      %dma_wait3A_341 = arith.constant 0 : i32
      %dma_wait3A_342 = arith.constant 0 : i32
      %dma_wait3A_343 = tpu.memref_slice %arg10[%dma_wait3A_341, %dma_wait3A_342] : memref<10112x16xf32, #tpu.memory_space<vmem_shared>> -> memref<10112x16xf32, #tpu.memory_space<vmem_shared>>
      %dma_wait3A_344 = tpu.memref_slice %arg15[%dma_wait3A_333] : memref<8x!tpu.dma_semaphore, #tpu.memory_space<semaphore_mem>> -> memref<1x!tpu.dma_semaphore, #tpu.memory_space<semaphore_mem>>
      %dma_wait3A_345 = tpu.memref_squeeze %dma_wait3A_344 : memref<1x!tpu.dma_semaphore, #tpu.memory_space<semaphore_mem>> -> memref<!tpu.dma_semaphore, #tpu.memory_space<semaphore_mem>>
      tpu.wait_indirect_dma semaphore(%dma_wait3A_345 : memref<!tpu.dma_semaphore, #tpu.memory_space<semaphore_mem>>) src(%dma_wait3A_337 : memref<128x16xf32, #tpu.memory_space<vmem>>) dst(%dma_wait3A_343 : memref<10112x16xf32, #tpu.memory_space<vmem_shared>>)
      %add3A_346 = arith.constant 8 : i32
      %add3A_347 = arith.addi %add3A_303, %add3A_346 : i32
      %lt3A_348 = arith.constant 160 : i32
      %lt3A_349 = arith.cmpi slt, %add3A_347, %lt3A_348 : i32
      %convert_element_type3A_350 = arith.extui %lt3A_349 : i1 to i32
      %cond3A_351 = arith.constant 0 : i32
      %cond3A_352 = arith.cmpi ne, %convert_element_type3A_350, %cond3A_351 : i32
      scf.if %cond3A_352 {
        %add3A_565 = arith.constant 8 : i32
        %add3A_566 = arith.addi %add3A_303, %add3A_565 : i32
        %dma_start3A_567 = arith.constant 3 : i32
        %dma_start3A_568 = arith.constant 3 : i32
        %dma_start3A_569 = arith.constant 0 : i32
        %dma_start3A_570 = arith.constant 0 : i32
        %dma_start3A_571 = tpu.memref_slice %arg9[%dma_start3A_567, %dma_start3A_569, %dma_start3A_570] : memref<8x128x16xf32, #tpu.memory_space<vmem>> -> memref<1x128x16xf32, #tpu.memory_space<vmem>>
        %dma_start3A_572 = tpu.memref_squeeze %dma_start3A_571 : memref<1x128x16xf32, #tpu.memory_space<vmem>> -> memref<128x16xf32, #tpu.memory_space<vmem>>
        %dma_start3A_573 = arith.constant 0 : i32
        %dma_start3A_574 = tpu.memref_slice %arg7[%add3A_566, %dma_start3A_573] : memref<160x128xi32, #tpu.memory_space<vmem>> -> memref<1x128xi32, #tpu.memory_space<vmem>>
        %dma_start3A_575 = tpu.memref_squeeze %dma_start3A_574 : memref<1x128xi32, #tpu.memory_space<vmem>> -> memref<128xi32, #tpu.memory_space<vmem>>
        %dma_start3A_576 = arith.constant 0 : i32
        %dma_start3A_577 = arith.constant 0 : i32
        %dma_start3A_578 = tpu.memref_slice %arg11[%dma_start3A_576, %dma_start3A_577] : memref<10112x16xf32, #tpu.memory_space<vmem_shared>> -> memref<10112x16xf32, #tpu.memory_space<vmem_shared>>
        %dma_start3A_579 = tpu.memref_slice %arg14[%dma_start3A_568] : memref<8x!tpu.dma_semaphore, #tpu.memory_space<semaphore_mem>> -> memref<1x!tpu.dma_semaphore, #tpu.memory_space<semaphore_mem>>
        %dma_start3A_580 = tpu.memref_squeeze %dma_start3A_579 : memref<1x!tpu.dma_semaphore, #tpu.memory_space<semaphore_mem>> -> memref<!tpu.dma_semaphore, #tpu.memory_space<semaphore_mem>>
        tpu.enqueue_indirect_dma source(%dma_start3A_578 : memref<10112x16xf32, #tpu.memory_space<vmem_shared>>) target(%dma_start3A_572 : memref<128x16xf32, #tpu.memory_space<vmem>>) offsets(%dma_start3A_575 : memref<128xi32, #tpu.memory_space<vmem>>) semaphore(%dma_start3A_580 : memref<!tpu.dma_semaphore, #tpu.memory_space<semaphore_mem>>)
      } else {
      }
      %mul3A_353 = arith.constant 8 : i32
      %mul3A_354 = arith.muli %scan3A_143, %mul3A_353 : i32
      %add3A_355 = arith.constant 4 : i32
      %add3A_356 = arith.addi %mul3A_354, %add3A_355 : i32
      %dma_wait3A_357 = arith.constant 4 : i32
      %dma_wait3A_358 = arith.constant 4 : i32
      %dma_wait3A_359 = arith.constant 0 : i32
      %dma_wait3A_360 = arith.constant 0 : i32
      %dma_wait3A_361 = tpu.memref_slice %arg9[%dma_wait3A_357, %dma_wait3A_359, %dma_wait3A_360] : memref<8x128x16xf32, #tpu.memory_space<vmem>> -> memref<1x128x16xf32, #tpu.memory_space<vmem>>
      %dma_wait3A_362 = tpu.memref_squeeze %dma_wait3A_361 : memref<1x128x16xf32, #tpu.memory_space<vmem>> -> memref<128x16xf32, #tpu.memory_space<vmem>>
      %dma_wait3A_363 = arith.constant 0 : i32
      %dma_wait3A_364 = tpu.memref_slice %arg7[%add3A_356, %dma_wait3A_363] : memref<160x128xi32, #tpu.memory_space<vmem>> -> memref<1x128xi32, #tpu.memory_space<vmem>>
      %dma_wait3A_365 = tpu.memref_squeeze %dma_wait3A_364 : memref<1x128xi32, #tpu.memory_space<vmem>> -> memref<128xi32, #tpu.memory_space<vmem>>
      %dma_wait3A_366 = arith.constant 0 : i32
      %dma_wait3A_367 = arith.constant 0 : i32
      %dma_wait3A_368 = tpu.memref_slice %arg11[%dma_wait3A_366, %dma_wait3A_367] : memref<10112x16xf32, #tpu.memory_space<vmem_shared>> -> memref<10112x16xf32, #tpu.memory_space<vmem_shared>>
      %dma_wait3A_369 = tpu.memref_slice %arg14[%dma_wait3A_358] : memref<8x!tpu.dma_semaphore, #tpu.memory_space<semaphore_mem>> -> memref<1x!tpu.dma_semaphore, #tpu.memory_space<semaphore_mem>>
      %dma_wait3A_370 = tpu.memref_squeeze %dma_wait3A_369 : memref<1x!tpu.dma_semaphore, #tpu.memory_space<semaphore_mem>> -> memref<!tpu.dma_semaphore, #tpu.memory_space<semaphore_mem>>
      tpu.wait_indirect_dma semaphore(%dma_wait3A_370 : memref<!tpu.dma_semaphore, #tpu.memory_space<semaphore_mem>>) src(%dma_wait3A_368 : memref<10112x16xf32, #tpu.memory_space<vmem_shared>>) dst(%dma_wait3A_362 : memref<128x16xf32, #tpu.memory_space<vmem>>)
      %dma_start3A_371 = arith.constant 4 : i32
      %dma_start3A_372 = arith.constant 4 : i32
      %dma_start3A_373 = arith.constant 0 : i32
      %dma_start3A_374 = arith.constant 0 : i32
      %dma_start3A_375 = tpu.memref_slice %arg9[%dma_start3A_371, %dma_start3A_373, %dma_start3A_374] : memref<8x128x16xf32, #tpu.memory_space<vmem>> -> memref<1x128x16xf32, #tpu.memory_space<vmem>>
      %dma_start3A_376 = tpu.memref_squeeze %dma_start3A_375 : memref<1x128x16xf32, #tpu.memory_space<vmem>> -> memref<128x16xf32, #tpu.memory_space<vmem>>
      %dma_start3A_377 = arith.constant 0 : i32
      %dma_start3A_378 = tpu.memref_slice %arg8[%add3A_356, %dma_start3A_377] : memref<160x128xi32, #tpu.memory_space<vmem>> -> memref<1x128xi32, #tpu.memory_space<vmem>>
      %dma_start3A_379 = tpu.memref_squeeze %dma_start3A_378 : memref<1x128xi32, #tpu.memory_space<vmem>> -> memref<128xi32, #tpu.memory_space<vmem>>
      %dma_start3A_380 = arith.constant 0 : i32
      %dma_start3A_381 = arith.constant 0 : i32
      %dma_start3A_382 = tpu.memref_slice %arg10[%dma_start3A_380, %dma_start3A_381] : memref<10112x16xf32, #tpu.memory_space<vmem_shared>> -> memref<10112x16xf32, #tpu.memory_space<vmem_shared>>
      %dma_start3A_383 = tpu.memref_slice %arg15[%dma_start3A_372] : memref<8x!tpu.dma_semaphore, #tpu.memory_space<semaphore_mem>> -> memref<1x!tpu.dma_semaphore, #tpu.memory_space<semaphore_mem>>
      %dma_start3A_384 = tpu.memref_squeeze %dma_start3A_383 : memref<1x!tpu.dma_semaphore, #tpu.memory_space<semaphore_mem>> -> memref<!tpu.dma_semaphore, #tpu.memory_space<semaphore_mem>>
      tpu.enqueue_indirect_dma source(%dma_start3A_376 : memref<128x16xf32, #tpu.memory_space<vmem>>) target(%dma_start3A_382 : memref<10112x16xf32, #tpu.memory_space<vmem_shared>>) offsets(%dma_start3A_379 : memref<128xi32, #tpu.memory_space<vmem>>) semaphore(%dma_start3A_384 : memref<!tpu.dma_semaphore, #tpu.memory_space<semaphore_mem>>) {add = true}
      %dma_wait3A_385 = arith.constant 4 : i32
      %dma_wait3A_386 = arith.constant 4 : i32
      %dma_wait3A_387 = arith.constant 0 : i32
      %dma_wait3A_388 = arith.constant 0 : i32
      %dma_wait3A_389 = tpu.memref_slice %arg9[%dma_wait3A_385, %dma_wait3A_387, %dma_wait3A_388] : memref<8x128x16xf32, #tpu.memory_space<vmem>> -> memref<1x128x16xf32, #tpu.memory_space<vmem>>
      %dma_wait3A_390 = tpu.memref_squeeze %dma_wait3A_389 : memref<1x128x16xf32, #tpu.memory_space<vmem>> -> memref<128x16xf32, #tpu.memory_space<vmem>>
      %dma_wait3A_391 = arith.constant 0 : i32
      %dma_wait3A_392 = tpu.memref_slice %arg8[%add3A_356, %dma_wait3A_391] : memref<160x128xi32, #tpu.memory_space<vmem>> -> memref<1x128xi32, #tpu.memory_space<vmem>>
      %dma_wait3A_393 = tpu.memref_squeeze %dma_wait3A_392 : memref<1x128xi32, #tpu.memory_space<vmem>> -> memref<128xi32, #tpu.memory_space<vmem>>
      %dma_wait3A_394 = arith.constant 0 : i32
      %dma_wait3A_395 = arith.constant 0 : i32
      %dma_wait3A_396 = tpu.memref_slice %arg10[%dma_wait3A_394, %dma_wait3A_395] : memref<10112x16xf32, #tpu.memory_space<vmem_shared>> -> memref<10112x16xf32, #tpu.memory_space<vmem_shared>>
      %dma_wait3A_397 = tpu.memref_slice %arg15[%dma_wait3A_386] : memref<8x!tpu.dma_semaphore, #tpu.memory_space<semaphore_mem>> -> memref<1x!tpu.dma_semaphore, #tpu.memory_space<semaphore_mem>>
      %dma_wait3A_398 = tpu.memref_squeeze %dma_wait3A_397 : memref<1x!tpu.dma_semaphore, #tpu.memory_space<semaphore_mem>> -> memref<!tpu.dma_semaphore, #tpu.memory_space<semaphore_mem>>
      tpu.wait_indirect_dma semaphore(%dma_wait3A_398 : memref<!tpu.dma_semaphore, #tpu.memory_space<semaphore_mem>>) src(%dma_wait3A_390 : memref<128x16xf32, #tpu.memory_space<vmem>>) dst(%dma_wait3A_396 : memref<10112x16xf32, #tpu.memory_space<vmem_shared>>)
      %add3A_399 = arith.constant 8 : i32
      %add3A_400 = arith.addi %add3A_356, %add3A_399 : i32
      %lt3A_401 = arith.constant 160 : i32
      %lt3A_402 = arith.cmpi slt, %add3A_400, %lt3A_401 : i32
      %convert_element_type3A_403 = arith.extui %lt3A_402 : i1 to i32
      %cond3A_404 = arith.constant 0 : i32
      %cond3A_405 = arith.cmpi ne, %convert_element_type3A_403, %cond3A_404 : i32
      scf.if %cond3A_405 {
        %add3A_565 = arith.constant 8 : i32
        %add3A_566 = arith.addi %add3A_356, %add3A_565 : i32
        %dma_start3A_567 = arith.constant 4 : i32
        %dma_start3A_568 = arith.constant 4 : i32
        %dma_start3A_569 = arith.constant 0 : i32
        %dma_start3A_570 = arith.constant 0 : i32
        %dma_start3A_571 = tpu.memref_slice %arg9[%dma_start3A_567, %dma_start3A_569, %dma_start3A_570] : memref<8x128x16xf32, #tpu.memory_space<vmem>> -> memref<1x128x16xf32, #tpu.memory_space<vmem>>
        %dma_start3A_572 = tpu.memref_squeeze %dma_start3A_571 : memref<1x128x16xf32, #tpu.memory_space<vmem>> -> memref<128x16xf32, #tpu.memory_space<vmem>>
        %dma_start3A_573 = arith.constant 0 : i32
        %dma_start3A_574 = tpu.memref_slice %arg7[%add3A_566, %dma_start3A_573] : memref<160x128xi32, #tpu.memory_space<vmem>> -> memref<1x128xi32, #tpu.memory_space<vmem>>
        %dma_start3A_575 = tpu.memref_squeeze %dma_start3A_574 : memref<1x128xi32, #tpu.memory_space<vmem>> -> memref<128xi32, #tpu.memory_space<vmem>>
        %dma_start3A_576 = arith.constant 0 : i32
        %dma_start3A_577 = arith.constant 0 : i32
        %dma_start3A_578 = tpu.memref_slice %arg11[%dma_start3A_576, %dma_start3A_577] : memref<10112x16xf32, #tpu.memory_space<vmem_shared>> -> memref<10112x16xf32, #tpu.memory_space<vmem_shared>>
        %dma_start3A_579 = tpu.memref_slice %arg14[%dma_start3A_568] : memref<8x!tpu.dma_semaphore, #tpu.memory_space<semaphore_mem>> -> memref<1x!tpu.dma_semaphore, #tpu.memory_space<semaphore_mem>>
        %dma_start3A_580 = tpu.memref_squeeze %dma_start3A_579 : memref<1x!tpu.dma_semaphore, #tpu.memory_space<semaphore_mem>> -> memref<!tpu.dma_semaphore, #tpu.memory_space<semaphore_mem>>
        tpu.enqueue_indirect_dma source(%dma_start3A_578 : memref<10112x16xf32, #tpu.memory_space<vmem_shared>>) target(%dma_start3A_572 : memref<128x16xf32, #tpu.memory_space<vmem>>) offsets(%dma_start3A_575 : memref<128xi32, #tpu.memory_space<vmem>>) semaphore(%dma_start3A_580 : memref<!tpu.dma_semaphore, #tpu.memory_space<semaphore_mem>>)
      } else {
      }
      %mul3A_406 = arith.constant 8 : i32
      %mul3A_407 = arith.muli %scan3A_143, %mul3A_406 : i32
      %add3A_408 = arith.constant 5 : i32
      %add3A_409 = arith.addi %mul3A_407, %add3A_408 : i32
      %dma_wait3A_410 = arith.constant 5 : i32
      %dma_wait3A_411 = arith.constant 5 : i32
      %dma_wait3A_412 = arith.constant 0 : i32
      %dma_wait3A_413 = arith.constant 0 : i32
      %dma_wait3A_414 = tpu.memref_slice %arg9[%dma_wait3A_410, %dma_wait3A_412, %dma_wait3A_413] : memref<8x128x16xf32, #tpu.memory_space<vmem>> -> memref<1x128x16xf32, #tpu.memory_space<vmem>>
      %dma_wait3A_415 = tpu.memref_squeeze %dma_wait3A_414 : memref<1x128x16xf32, #tpu.memory_space<vmem>> -> memref<128x16xf32, #tpu.memory_space<vmem>>
      %dma_wait3A_416 = arith.constant 0 : i32
      %dma_wait3A_417 = tpu.memref_slice %arg7[%add3A_409, %dma_wait3A_416] : memref<160x128xi32, #tpu.memory_space<vmem>> -> memref<1x128xi32, #tpu.memory_space<vmem>>
      %dma_wait3A_418 = tpu.memref_squeeze %dma_wait3A_417 : memref<1x128xi32, #tpu.memory_space<vmem>> -> memref<128xi32, #tpu.memory_space<vmem>>
      %dma_wait3A_419 = arith.constant 0 : i32
      %dma_wait3A_420 = arith.constant 0 : i32
      %dma_wait3A_421 = tpu.memref_slice %arg11[%dma_wait3A_419, %dma_wait3A_420] : memref<10112x16xf32, #tpu.memory_space<vmem_shared>> -> memref<10112x16xf32, #tpu.memory_space<vmem_shared>>
      %dma_wait3A_422 = tpu.memref_slice %arg14[%dma_wait3A_411] : memref<8x!tpu.dma_semaphore, #tpu.memory_space<semaphore_mem>> -> memref<1x!tpu.dma_semaphore, #tpu.memory_space<semaphore_mem>>
      %dma_wait3A_423 = tpu.memref_squeeze %dma_wait3A_422 : memref<1x!tpu.dma_semaphore, #tpu.memory_space<semaphore_mem>> -> memref<!tpu.dma_semaphore, #tpu.memory_space<semaphore_mem>>
      tpu.wait_indirect_dma semaphore(%dma_wait3A_423 : memref<!tpu.dma_semaphore, #tpu.memory_space<semaphore_mem>>) src(%dma_wait3A_421 : memref<10112x16xf32, #tpu.memory_space<vmem_shared>>) dst(%dma_wait3A_415 : memref<128x16xf32, #tpu.memory_space<vmem>>)
      %dma_start3A_424 = arith.constant 5 : i32
      %dma_start3A_425 = arith.constant 5 : i32
      %dma_start3A_426 = arith.constant 0 : i32
      %dma_start3A_427 = arith.constant 0 : i32
      %dma_start3A_428 = tpu.memref_slice %arg9[%dma_start3A_424, %dma_start3A_426, %dma_start3A_427] : memref<8x128x16xf32, #tpu.memory_space<vmem>> -> memref<1x128x16xf32, #tpu.memory_space<vmem>>
      %dma_start3A_429 = tpu.memref_squeeze %dma_start3A_428 : memref<1x128x16xf32, #tpu.memory_space<vmem>> -> memref<128x16xf32, #tpu.memory_space<vmem>>
      %dma_start3A_430 = arith.constant 0 : i32
      %dma_start3A_431 = tpu.memref_slice %arg8[%add3A_409, %dma_start3A_430] : memref<160x128xi32, #tpu.memory_space<vmem>> -> memref<1x128xi32, #tpu.memory_space<vmem>>
      %dma_start3A_432 = tpu.memref_squeeze %dma_start3A_431 : memref<1x128xi32, #tpu.memory_space<vmem>> -> memref<128xi32, #tpu.memory_space<vmem>>
      %dma_start3A_433 = arith.constant 0 : i32
      %dma_start3A_434 = arith.constant 0 : i32
      %dma_start3A_435 = tpu.memref_slice %arg10[%dma_start3A_433, %dma_start3A_434] : memref<10112x16xf32, #tpu.memory_space<vmem_shared>> -> memref<10112x16xf32, #tpu.memory_space<vmem_shared>>
      %dma_start3A_436 = tpu.memref_slice %arg15[%dma_start3A_425] : memref<8x!tpu.dma_semaphore, #tpu.memory_space<semaphore_mem>> -> memref<1x!tpu.dma_semaphore, #tpu.memory_space<semaphore_mem>>
      %dma_start3A_437 = tpu.memref_squeeze %dma_start3A_436 : memref<1x!tpu.dma_semaphore, #tpu.memory_space<semaphore_mem>> -> memref<!tpu.dma_semaphore, #tpu.memory_space<semaphore_mem>>
      tpu.enqueue_indirect_dma source(%dma_start3A_429 : memref<128x16xf32, #tpu.memory_space<vmem>>) target(%dma_start3A_435 : memref<10112x16xf32, #tpu.memory_space<vmem_shared>>) offsets(%dma_start3A_432 : memref<128xi32, #tpu.memory_space<vmem>>) semaphore(%dma_start3A_437 : memref<!tpu.dma_semaphore, #tpu.memory_space<semaphore_mem>>) {add = true}
      %dma_wait3A_438 = arith.constant 5 : i32
      %dma_wait3A_439 = arith.constant 5 : i32
      %dma_wait3A_440 = arith.constant 0 : i32
      %dma_wait3A_441 = arith.constant 0 : i32
      %dma_wait3A_442 = tpu.memref_slice %arg9[%dma_wait3A_438, %dma_wait3A_440, %dma_wait3A_441] : memref<8x128x16xf32, #tpu.memory_space<vmem>> -> memref<1x128x16xf32, #tpu.memory_space<vmem>>
      %dma_wait3A_443 = tpu.memref_squeeze %dma_wait3A_442 : memref<1x128x16xf32, #tpu.memory_space<vmem>> -> memref<128x16xf32, #tpu.memory_space<vmem>>
      %dma_wait3A_444 = arith.constant 0 : i32
      %dma_wait3A_445 = tpu.memref_slice %arg8[%add3A_409, %dma_wait3A_444] : memref<160x128xi32, #tpu.memory_space<vmem>> -> memref<1x128xi32, #tpu.memory_space<vmem>>
      %dma_wait3A_446 = tpu.memref_squeeze %dma_wait3A_445 : memref<1x128xi32, #tpu.memory_space<vmem>> -> memref<128xi32, #tpu.memory_space<vmem>>
      %dma_wait3A_447 = arith.constant 0 : i32
      %dma_wait3A_448 = arith.constant 0 : i32
      %dma_wait3A_449 = tpu.memref_slice %arg10[%dma_wait3A_447, %dma_wait3A_448] : memref<10112x16xf32, #tpu.memory_space<vmem_shared>> -> memref<10112x16xf32, #tpu.memory_space<vmem_shared>>
      %dma_wait3A_450 = tpu.memref_slice %arg15[%dma_wait3A_439] : memref<8x!tpu.dma_semaphore, #tpu.memory_space<semaphore_mem>> -> memref<1x!tpu.dma_semaphore, #tpu.memory_space<semaphore_mem>>
      %dma_wait3A_451 = tpu.memref_squeeze %dma_wait3A_450 : memref<1x!tpu.dma_semaphore, #tpu.memory_space<semaphore_mem>> -> memref<!tpu.dma_semaphore, #tpu.memory_space<semaphore_mem>>
      tpu.wait_indirect_dma semaphore(%dma_wait3A_451 : memref<!tpu.dma_semaphore, #tpu.memory_space<semaphore_mem>>) src(%dma_wait3A_443 : memref<128x16xf32, #tpu.memory_space<vmem>>) dst(%dma_wait3A_449 : memref<10112x16xf32, #tpu.memory_space<vmem_shared>>)
      %add3A_452 = arith.constant 8 : i32
      %add3A_453 = arith.addi %add3A_409, %add3A_452 : i32
      %lt3A_454 = arith.constant 160 : i32
      %lt3A_455 = arith.cmpi slt, %add3A_453, %lt3A_454 : i32
      %convert_element_type3A_456 = arith.extui %lt3A_455 : i1 to i32
      %cond3A_457 = arith.constant 0 : i32
      %cond3A_458 = arith.cmpi ne, %convert_element_type3A_456, %cond3A_457 : i32
      scf.if %cond3A_458 {
        %add3A_565 = arith.constant 8 : i32
        %add3A_566 = arith.addi %add3A_409, %add3A_565 : i32
        %dma_start3A_567 = arith.constant 5 : i32
        %dma_start3A_568 = arith.constant 5 : i32
        %dma_start3A_569 = arith.constant 0 : i32
        %dma_start3A_570 = arith.constant 0 : i32
        %dma_start3A_571 = tpu.memref_slice %arg9[%dma_start3A_567, %dma_start3A_569, %dma_start3A_570] : memref<8x128x16xf32, #tpu.memory_space<vmem>> -> memref<1x128x16xf32, #tpu.memory_space<vmem>>
        %dma_start3A_572 = tpu.memref_squeeze %dma_start3A_571 : memref<1x128x16xf32, #tpu.memory_space<vmem>> -> memref<128x16xf32, #tpu.memory_space<vmem>>
        %dma_start3A_573 = arith.constant 0 : i32
        %dma_start3A_574 = tpu.memref_slice %arg7[%add3A_566, %dma_start3A_573] : memref<160x128xi32, #tpu.memory_space<vmem>> -> memref<1x128xi32, #tpu.memory_space<vmem>>
        %dma_start3A_575 = tpu.memref_squeeze %dma_start3A_574 : memref<1x128xi32, #tpu.memory_space<vmem>> -> memref<128xi32, #tpu.memory_space<vmem>>
        %dma_start3A_576 = arith.constant 0 : i32
        %dma_start3A_577 = arith.constant 0 : i32
        %dma_start3A_578 = tpu.memref_slice %arg11[%dma_start3A_576, %dma_start3A_577] : memref<10112x16xf32, #tpu.memory_space<vmem_shared>> -> memref<10112x16xf32, #tpu.memory_space<vmem_shared>>
        %dma_start3A_579 = tpu.memref_slice %arg14[%dma_start3A_568] : memref<8x!tpu.dma_semaphore, #tpu.memory_space<semaphore_mem>> -> memref<1x!tpu.dma_semaphore, #tpu.memory_space<semaphore_mem>>
        %dma_start3A_580 = tpu.memref_squeeze %dma_start3A_579 : memref<1x!tpu.dma_semaphore, #tpu.memory_space<semaphore_mem>> -> memref<!tpu.dma_semaphore, #tpu.memory_space<semaphore_mem>>
        tpu.enqueue_indirect_dma source(%dma_start3A_578 : memref<10112x16xf32, #tpu.memory_space<vmem_shared>>) target(%dma_start3A_572 : memref<128x16xf32, #tpu.memory_space<vmem>>) offsets(%dma_start3A_575 : memref<128xi32, #tpu.memory_space<vmem>>) semaphore(%dma_start3A_580 : memref<!tpu.dma_semaphore, #tpu.memory_space<semaphore_mem>>)
      } else {
      }
      %mul3A_459 = arith.constant 8 : i32
      %mul3A_460 = arith.muli %scan3A_143, %mul3A_459 : i32
      %add3A_461 = arith.constant 6 : i32
      %add3A_462 = arith.addi %mul3A_460, %add3A_461 : i32
      %dma_wait3A_463 = arith.constant 6 : i32
      %dma_wait3A_464 = arith.constant 6 : i32
      %dma_wait3A_465 = arith.constant 0 : i32
      %dma_wait3A_466 = arith.constant 0 : i32
      %dma_wait3A_467 = tpu.memref_slice %arg9[%dma_wait3A_463, %dma_wait3A_465, %dma_wait3A_466] : memref<8x128x16xf32, #tpu.memory_space<vmem>> -> memref<1x128x16xf32, #tpu.memory_space<vmem>>
      %dma_wait3A_468 = tpu.memref_squeeze %dma_wait3A_467 : memref<1x128x16xf32, #tpu.memory_space<vmem>> -> memref<128x16xf32, #tpu.memory_space<vmem>>
      %dma_wait3A_469 = arith.constant 0 : i32
      %dma_wait3A_470 = tpu.memref_slice %arg7[%add3A_462, %dma_wait3A_469] : memref<160x128xi32, #tpu.memory_space<vmem>> -> memref<1x128xi32, #tpu.memory_space<vmem>>
      %dma_wait3A_471 = tpu.memref_squeeze %dma_wait3A_470 : memref<1x128xi32, #tpu.memory_space<vmem>> -> memref<128xi32, #tpu.memory_space<vmem>>
      %dma_wait3A_472 = arith.constant 0 : i32
      %dma_wait3A_473 = arith.constant 0 : i32
      %dma_wait3A_474 = tpu.memref_slice %arg11[%dma_wait3A_472, %dma_wait3A_473] : memref<10112x16xf32, #tpu.memory_space<vmem_shared>> -> memref<10112x16xf32, #tpu.memory_space<vmem_shared>>
      %dma_wait3A_475 = tpu.memref_slice %arg14[%dma_wait3A_464] : memref<8x!tpu.dma_semaphore, #tpu.memory_space<semaphore_mem>> -> memref<1x!tpu.dma_semaphore, #tpu.memory_space<semaphore_mem>>
      %dma_wait3A_476 = tpu.memref_squeeze %dma_wait3A_475 : memref<1x!tpu.dma_semaphore, #tpu.memory_space<semaphore_mem>> -> memref<!tpu.dma_semaphore, #tpu.memory_space<semaphore_mem>>
      tpu.wait_indirect_dma semaphore(%dma_wait3A_476 : memref<!tpu.dma_semaphore, #tpu.memory_space<semaphore_mem>>) src(%dma_wait3A_474 : memref<10112x16xf32, #tpu.memory_space<vmem_shared>>) dst(%dma_wait3A_468 : memref<128x16xf32, #tpu.memory_space<vmem>>)
      %dma_start3A_477 = arith.constant 6 : i32
      %dma_start3A_478 = arith.constant 6 : i32
      %dma_start3A_479 = arith.constant 0 : i32
      %dma_start3A_480 = arith.constant 0 : i32
      %dma_start3A_481 = tpu.memref_slice %arg9[%dma_start3A_477, %dma_start3A_479, %dma_start3A_480] : memref<8x128x16xf32, #tpu.memory_space<vmem>> -> memref<1x128x16xf32, #tpu.memory_space<vmem>>
      %dma_start3A_482 = tpu.memref_squeeze %dma_start3A_481 : memref<1x128x16xf32, #tpu.memory_space<vmem>> -> memref<128x16xf32, #tpu.memory_space<vmem>>
      %dma_start3A_483 = arith.constant 0 : i32
      %dma_start3A_484 = tpu.memref_slice %arg8[%add3A_462, %dma_start3A_483] : memref<160x128xi32, #tpu.memory_space<vmem>> -> memref<1x128xi32, #tpu.memory_space<vmem>>
      %dma_start3A_485 = tpu.memref_squeeze %dma_start3A_484 : memref<1x128xi32, #tpu.memory_space<vmem>> -> memref<128xi32, #tpu.memory_space<vmem>>
      %dma_start3A_486 = arith.constant 0 : i32
      %dma_start3A_487 = arith.constant 0 : i32
      %dma_start3A_488 = tpu.memref_slice %arg10[%dma_start3A_486, %dma_start3A_487] : memref<10112x16xf32, #tpu.memory_space<vmem_shared>> -> memref<10112x16xf32, #tpu.memory_space<vmem_shared>>
      %dma_start3A_489 = tpu.memref_slice %arg15[%dma_start3A_478] : memref<8x!tpu.dma_semaphore, #tpu.memory_space<semaphore_mem>> -> memref<1x!tpu.dma_semaphore, #tpu.memory_space<semaphore_mem>>
      %dma_start3A_490 = tpu.memref_squeeze %dma_start3A_489 : memref<1x!tpu.dma_semaphore, #tpu.memory_space<semaphore_mem>> -> memref<!tpu.dma_semaphore, #tpu.memory_space<semaphore_mem>>
      tpu.enqueue_indirect_dma source(%dma_start3A_482 : memref<128x16xf32, #tpu.memory_space<vmem>>) target(%dma_start3A_488 : memref<10112x16xf32, #tpu.memory_space<vmem_shared>>) offsets(%dma_start3A_485 : memref<128xi32, #tpu.memory_space<vmem>>) semaphore(%dma_start3A_490 : memref<!tpu.dma_semaphore, #tpu.memory_space<semaphore_mem>>) {add = true}
      %dma_wait3A_491 = arith.constant 6 : i32
      %dma_wait3A_492 = arith.constant 6 : i32
      %dma_wait3A_493 = arith.constant 0 : i32
      %dma_wait3A_494 = arith.constant 0 : i32
      %dma_wait3A_495 = tpu.memref_slice %arg9[%dma_wait3A_491, %dma_wait3A_493, %dma_wait3A_494] : memref<8x128x16xf32, #tpu.memory_space<vmem>> -> memref<1x128x16xf32, #tpu.memory_space<vmem>>
      %dma_wait3A_496 = tpu.memref_squeeze %dma_wait3A_495 : memref<1x128x16xf32, #tpu.memory_space<vmem>> -> memref<128x16xf32, #tpu.memory_space<vmem>>
      %dma_wait3A_497 = arith.constant 0 : i32
      %dma_wait3A_498 = tpu.memref_slice %arg8[%add3A_462, %dma_wait3A_497] : memref<160x128xi32, #tpu.memory_space<vmem>> -> memref<1x128xi32, #tpu.memory_space<vmem>>
      %dma_wait3A_499 = tpu.memref_squeeze %dma_wait3A_498 : memref<1x128xi32, #tpu.memory_space<vmem>> -> memref<128xi32, #tpu.memory_space<vmem>>
      %dma_wait3A_500 = arith.constant 0 : i32
      %dma_wait3A_501 = arith.constant 0 : i32
      %dma_wait3A_502 = tpu.memref_slice %arg10[%dma_wait3A_500, %dma_wait3A_501] : memref<10112x16xf32, #tpu.memory_space<vmem_shared>> -> memref<10112x16xf32, #tpu.memory_space<vmem_shared>>
      %dma_wait3A_503 = tpu.memref_slice %arg15[%dma_wait3A_492] : memref<8x!tpu.dma_semaphore, #tpu.memory_space<semaphore_mem>> -> memref<1x!tpu.dma_semaphore, #tpu.memory_space<semaphore_mem>>
      %dma_wait3A_504 = tpu.memref_squeeze %dma_wait3A_503 : memref<1x!tpu.dma_semaphore, #tpu.memory_space<semaphore_mem>> -> memref<!tpu.dma_semaphore, #tpu.memory_space<semaphore_mem>>
      tpu.wait_indirect_dma semaphore(%dma_wait3A_504 : memref<!tpu.dma_semaphore, #tpu.memory_space<semaphore_mem>>) src(%dma_wait3A_496 : memref<128x16xf32, #tpu.memory_space<vmem>>) dst(%dma_wait3A_502 : memref<10112x16xf32, #tpu.memory_space<vmem_shared>>)
      %add3A_505 = arith.constant 8 : i32
      %add3A_506 = arith.addi %add3A_462, %add3A_505 : i32
      %lt3A_507 = arith.constant 160 : i32
      %lt3A_508 = arith.cmpi slt, %add3A_506, %lt3A_507 : i32
      %convert_element_type3A_509 = arith.extui %lt3A_508 : i1 to i32
      %cond3A_510 = arith.constant 0 : i32
      %cond3A_511 = arith.cmpi ne, %convert_element_type3A_509, %cond3A_510 : i32
      scf.if %cond3A_511 {
        %add3A_565 = arith.constant 8 : i32
        %add3A_566 = arith.addi %add3A_462, %add3A_565 : i32
        %dma_start3A_567 = arith.constant 6 : i32
        %dma_start3A_568 = arith.constant 6 : i32
        %dma_start3A_569 = arith.constant 0 : i32
        %dma_start3A_570 = arith.constant 0 : i32
        %dma_start3A_571 = tpu.memref_slice %arg9[%dma_start3A_567, %dma_start3A_569, %dma_start3A_570] : memref<8x128x16xf32, #tpu.memory_space<vmem>> -> memref<1x128x16xf32, #tpu.memory_space<vmem>>
        %dma_start3A_572 = tpu.memref_squeeze %dma_start3A_571 : memref<1x128x16xf32, #tpu.memory_space<vmem>> -> memref<128x16xf32, #tpu.memory_space<vmem>>
        %dma_start3A_573 = arith.constant 0 : i32
        %dma_start3A_574 = tpu.memref_slice %arg7[%add3A_566, %dma_start3A_573] : memref<160x128xi32, #tpu.memory_space<vmem>> -> memref<1x128xi32, #tpu.memory_space<vmem>>
        %dma_start3A_575 = tpu.memref_squeeze %dma_start3A_574 : memref<1x128xi32, #tpu.memory_space<vmem>> -> memref<128xi32, #tpu.memory_space<vmem>>
        %dma_start3A_576 = arith.constant 0 : i32
        %dma_start3A_577 = arith.constant 0 : i32
        %dma_start3A_578 = tpu.memref_slice %arg11[%dma_start3A_576, %dma_start3A_577] : memref<10112x16xf32, #tpu.memory_space<vmem_shared>> -> memref<10112x16xf32, #tpu.memory_space<vmem_shared>>
        %dma_start3A_579 = tpu.memref_slice %arg14[%dma_start3A_568] : memref<8x!tpu.dma_semaphore, #tpu.memory_space<semaphore_mem>> -> memref<1x!tpu.dma_semaphore, #tpu.memory_space<semaphore_mem>>
        %dma_start3A_580 = tpu.memref_squeeze %dma_start3A_579 : memref<1x!tpu.dma_semaphore, #tpu.memory_space<semaphore_mem>> -> memref<!tpu.dma_semaphore, #tpu.memory_space<semaphore_mem>>
        tpu.enqueue_indirect_dma source(%dma_start3A_578 : memref<10112x16xf32, #tpu.memory_space<vmem_shared>>) target(%dma_start3A_572 : memref<128x16xf32, #tpu.memory_space<vmem>>) offsets(%dma_start3A_575 : memref<128xi32, #tpu.memory_space<vmem>>) semaphore(%dma_start3A_580 : memref<!tpu.dma_semaphore, #tpu.memory_space<semaphore_mem>>)
      } else {
      }
      %mul3A_512 = arith.constant 8 : i32
      %mul3A_513 = arith.muli %scan3A_143, %mul3A_512 : i32
      %add3A_514 = arith.constant 7 : i32
      %add3A_515 = arith.addi %mul3A_513, %add3A_514 : i32
      %dma_wait3A_516 = arith.constant 7 : i32
      %dma_wait3A_517 = arith.constant 7 : i32
      %dma_wait3A_518 = arith.constant 0 : i32
      %dma_wait3A_519 = arith.constant 0 : i32
      %dma_wait3A_520 = tpu.memref_slice %arg9[%dma_wait3A_516, %dma_wait3A_518, %dma_wait3A_519] : memref<8x128x16xf32, #tpu.memory_space<vmem>> -> memref<1x128x16xf32, #tpu.memory_space<vmem>>
      %dma_wait3A_521 = tpu.memref_squeeze %dma_wait3A_520 : memref<1x128x16xf32, #tpu.memory_space<vmem>> -> memref<128x16xf32, #tpu.memory_space<vmem>>
      %dma_wait3A_522 = arith.constant 0 : i32
      %dma_wait3A_523 = tpu.memref_slice %arg7[%add3A_515, %dma_wait3A_522] : memref<160x128xi32, #tpu.memory_space<vmem>> -> memref<1x128xi32, #tpu.memory_space<vmem>>
      %dma_wait3A_524 = tpu.memref_squeeze %dma_wait3A_523 : memref<1x128xi32, #tpu.memory_space<vmem>> -> memref<128xi32, #tpu.memory_space<vmem>>
      %dma_wait3A_525 = arith.constant 0 : i32
      %dma_wait3A_526 = arith.constant 0 : i32
      %dma_wait3A_527 = tpu.memref_slice %arg11[%dma_wait3A_525, %dma_wait3A_526] : memref<10112x16xf32, #tpu.memory_space<vmem_shared>> -> memref<10112x16xf32, #tpu.memory_space<vmem_shared>>
      %dma_wait3A_528 = tpu.memref_slice %arg14[%dma_wait3A_517] : memref<8x!tpu.dma_semaphore, #tpu.memory_space<semaphore_mem>> -> memref<1x!tpu.dma_semaphore, #tpu.memory_space<semaphore_mem>>
      %dma_wait3A_529 = tpu.memref_squeeze %dma_wait3A_528 : memref<1x!tpu.dma_semaphore, #tpu.memory_space<semaphore_mem>> -> memref<!tpu.dma_semaphore, #tpu.memory_space<semaphore_mem>>
      tpu.wait_indirect_dma semaphore(%dma_wait3A_529 : memref<!tpu.dma_semaphore, #tpu.memory_space<semaphore_mem>>) src(%dma_wait3A_527 : memref<10112x16xf32, #tpu.memory_space<vmem_shared>>) dst(%dma_wait3A_521 : memref<128x16xf32, #tpu.memory_space<vmem>>)
      %dma_start3A_530 = arith.constant 7 : i32
      %dma_start3A_531 = arith.constant 7 : i32
      %dma_start3A_532 = arith.constant 0 : i32
      %dma_start3A_533 = arith.constant 0 : i32
      %dma_start3A_534 = tpu.memref_slice %arg9[%dma_start3A_530, %dma_start3A_532, %dma_start3A_533] : memref<8x128x16xf32, #tpu.memory_space<vmem>> -> memref<1x128x16xf32, #tpu.memory_space<vmem>>
      %dma_start3A_535 = tpu.memref_squeeze %dma_start3A_534 : memref<1x128x16xf32, #tpu.memory_space<vmem>> -> memref<128x16xf32, #tpu.memory_space<vmem>>
      %dma_start3A_536 = arith.constant 0 : i32
      %dma_start3A_537 = tpu.memref_slice %arg8[%add3A_515, %dma_start3A_536] : memref<160x128xi32, #tpu.memory_space<vmem>> -> memref<1x128xi32, #tpu.memory_space<vmem>>
      %dma_start3A_538 = tpu.memref_squeeze %dma_start3A_537 : memref<1x128xi32, #tpu.memory_space<vmem>> -> memref<128xi32, #tpu.memory_space<vmem>>
      %dma_start3A_539 = arith.constant 0 : i32
      %dma_start3A_540 = arith.constant 0 : i32
      %dma_start3A_541 = tpu.memref_slice %arg10[%dma_start3A_539, %dma_start3A_540] : memref<10112x16xf32, #tpu.memory_space<vmem_shared>> -> memref<10112x16xf32, #tpu.memory_space<vmem_shared>>
      %dma_start3A_542 = tpu.memref_slice %arg15[%dma_start3A_531] : memref<8x!tpu.dma_semaphore, #tpu.memory_space<semaphore_mem>> -> memref<1x!tpu.dma_semaphore, #tpu.memory_space<semaphore_mem>>
      %dma_start3A_543 = tpu.memref_squeeze %dma_start3A_542 : memref<1x!tpu.dma_semaphore, #tpu.memory_space<semaphore_mem>> -> memref<!tpu.dma_semaphore, #tpu.memory_space<semaphore_mem>>
      tpu.enqueue_indirect_dma source(%dma_start3A_535 : memref<128x16xf32, #tpu.memory_space<vmem>>) target(%dma_start3A_541 : memref<10112x16xf32, #tpu.memory_space<vmem_shared>>) offsets(%dma_start3A_538 : memref<128xi32, #tpu.memory_space<vmem>>) semaphore(%dma_start3A_543 : memref<!tpu.dma_semaphore, #tpu.memory_space<semaphore_mem>>) {add = true}
      %dma_wait3A_544 = arith.constant 7 : i32
      %dma_wait3A_545 = arith.constant 7 : i32
      %dma_wait3A_546 = arith.constant 0 : i32
      %dma_wait3A_547 = arith.constant 0 : i32
      %dma_wait3A_548 = tpu.memref_slice %arg9[%dma_wait3A_544, %dma_wait3A_546, %dma_wait3A_547] : memref<8x128x16xf32, #tpu.memory_space<vmem>> -> memref<1x128x16xf32, #tpu.memory_space<vmem>>
      %dma_wait3A_549 = tpu.memref_squeeze %dma_wait3A_548 : memref<1x128x16xf32, #tpu.memory_space<vmem>> -> memref<128x16xf32, #tpu.memory_space<vmem>>
      %dma_wait3A_550 = arith.constant 0 : i32
      %dma_wait3A_551 = tpu.memref_slice %arg8[%add3A_515, %dma_wait3A_550] : memref<160x128xi32, #tpu.memory_space<vmem>> -> memref<1x128xi32, #tpu.memory_space<vmem>>
      %dma_wait3A_552 = tpu.memref_squeeze %dma_wait3A_551 : memref<1x128xi32, #tpu.memory_space<vmem>> -> memref<128xi32, #tpu.memory_space<vmem>>
      %dma_wait3A_553 = arith.constant 0 : i32
      %dma_wait3A_554 = arith.constant 0 : i32
      %dma_wait3A_555 = tpu.memref_slice %arg10[%dma_wait3A_553, %dma_wait3A_554] : memref<10112x16xf32, #tpu.memory_space<vmem_shared>> -> memref<10112x16xf32, #tpu.memory_space<vmem_shared>>
      %dma_wait3A_556 = tpu.memref_slice %arg15[%dma_wait3A_545] : memref<8x!tpu.dma_semaphore, #tpu.memory_space<semaphore_mem>> -> memref<1x!tpu.dma_semaphore, #tpu.memory_space<semaphore_mem>>
      %dma_wait3A_557 = tpu.memref_squeeze %dma_wait3A_556 : memref<1x!tpu.dma_semaphore, #tpu.memory_space<semaphore_mem>> -> memref<!tpu.dma_semaphore, #tpu.memory_space<semaphore_mem>>
      tpu.wait_indirect_dma semaphore(%dma_wait3A_557 : memref<!tpu.dma_semaphore, #tpu.memory_space<semaphore_mem>>) src(%dma_wait3A_549 : memref<128x16xf32, #tpu.memory_space<vmem>>) dst(%dma_wait3A_555 : memref<10112x16xf32, #tpu.memory_space<vmem_shared>>)
      %add3A_558 = arith.constant 8 : i32
      %add3A_559 = arith.addi %add3A_515, %add3A_558 : i32
      %lt3A_560 = arith.constant 160 : i32
      %lt3A_561 = arith.cmpi slt, %add3A_559, %lt3A_560 : i32
      %convert_element_type3A_562 = arith.extui %lt3A_561 : i1 to i32
      %cond3A_563 = arith.constant 0 : i32
      %cond3A_564 = arith.cmpi ne, %convert_element_type3A_562, %cond3A_563 : i32
      scf.if %cond3A_564 {
        %add3A_565 = arith.constant 8 : i32
        %add3A_566 = arith.addi %add3A_515, %add3A_565 : i32
        %dma_start3A_567 = arith.constant 7 : i32
        %dma_start3A_568 = arith.constant 7 : i32
        %dma_start3A_569 = arith.constant 0 : i32
        %dma_start3A_570 = arith.constant 0 : i32
        %dma_start3A_571 = tpu.memref_slice %arg9[%dma_start3A_567, %dma_start3A_569, %dma_start3A_570] : memref<8x128x16xf32, #tpu.memory_space<vmem>> -> memref<1x128x16xf32, #tpu.memory_space<vmem>>
        %dma_start3A_572 = tpu.memref_squeeze %dma_start3A_571 : memref<1x128x16xf32, #tpu.memory_space<vmem>> -> memref<128x16xf32, #tpu.memory_space<vmem>>
        %dma_start3A_573 = arith.constant 0 : i32
        %dma_start3A_574 = tpu.memref_slice %arg7[%add3A_566, %dma_start3A_573] : memref<160x128xi32, #tpu.memory_space<vmem>> -> memref<1x128xi32, #tpu.memory_space<vmem>>
        %dma_start3A_575 = tpu.memref_squeeze %dma_start3A_574 : memref<1x128xi32, #tpu.memory_space<vmem>> -> memref<128xi32, #tpu.memory_space<vmem>>
        %dma_start3A_576 = arith.constant 0 : i32
        %dma_start3A_577 = arith.constant 0 : i32
        %dma_start3A_578 = tpu.memref_slice %arg11[%dma_start3A_576, %dma_start3A_577] : memref<10112x16xf32, #tpu.memory_space<vmem_shared>> -> memref<10112x16xf32, #tpu.memory_space<vmem_shared>>
        %dma_start3A_579 = tpu.memref_slice %arg14[%dma_start3A_568] : memref<8x!tpu.dma_semaphore, #tpu.memory_space<semaphore_mem>> -> memref<1x!tpu.dma_semaphore, #tpu.memory_space<semaphore_mem>>
        %dma_start3A_580 = tpu.memref_squeeze %dma_start3A_579 : memref<1x!tpu.dma_semaphore, #tpu.memory_space<semaphore_mem>> -> memref<!tpu.dma_semaphore, #tpu.memory_space<semaphore_mem>>
        tpu.enqueue_indirect_dma source(%dma_start3A_578 : memref<10112x16xf32, #tpu.memory_space<vmem_shared>>) target(%dma_start3A_572 : memref<128x16xf32, #tpu.memory_space<vmem>>) offsets(%dma_start3A_575 : memref<128xi32, #tpu.memory_space<vmem>>) semaphore(%dma_start3A_580 : memref<!tpu.dma_semaphore, #tpu.memory_space<semaphore_mem>>)
      } else {
      }
    }
    %scan3A_141 = arith.constant 20 : i32
    %barrier3A_142 = arith.constant 0 : index
    tpu.barrier barrier_id(%barrier3A_142)
    "tpu.region"() ({
      %run_scoped3A = tpu.sem_alloc : memref<!tpu.dma_semaphore, #tpu.memory_space<semaphore_mem>>
      %dma_start3A_143 = arith.constant 0 : i32
      %dma_start3A_144 = tpu.memref_slice %arg6[%arg0, %mul3A_2, %dma_start3A_143] : memref<2x10112x16xf32, #tpu.memory_space<hbm>> -> memref<1x632x16xf32, #tpu.memory_space<hbm>>
      %dma_start3A_145 = tpu.memref_squeeze %dma_start3A_144 : memref<1x632x16xf32, #tpu.memory_space<hbm>> -> memref<632x16xf32, #tpu.memory_space<hbm>>
      %dma_start3A_146 = arith.constant 0 : i32
      %dma_start3A_147 = tpu.memref_slice %arg10[%mul3A_2, %dma_start3A_146] : memref<10112x16xf32, #tpu.memory_space<vmem_shared>> -> memref<632x16xf32, #tpu.memory_space<vmem_shared>>
      tpu.enqueue_dma source(%dma_start3A_147 : memref<632x16xf32, #tpu.memory_space<vmem_shared>>) target(%dma_start3A_145 : memref<632x16xf32, #tpu.memory_space<hbm>>) target_semaphore(%run_scoped3A : memref<!tpu.dma_semaphore, #tpu.memory_space<semaphore_mem>>)
      %dma_wait3A_148 = arith.constant 0 : i32
      %dma_wait3A_149 = tpu.memref_slice %arg6[%arg0, %mul3A_2, %dma_wait3A_148] : memref<2x10112x16xf32, #tpu.memory_space<hbm>> -> memref<1x632x16xf32, #tpu.memory_space<hbm>>
      %dma_wait3A_150 = tpu.memref_squeeze %dma_wait3A_149 : memref<1x632x16xf32, #tpu.memory_space<hbm>> -> memref<632x16xf32, #tpu.memory_space<hbm>>
      %dma_wait3A_151 = arith.constant 0 : i32
      %dma_wait3A_152 = tpu.memref_slice %arg10[%mul3A_2, %dma_wait3A_151] : memref<10112x16xf32, #tpu.memory_space<vmem_shared>> -> memref<632x16xf32, #tpu.memory_space<vmem_shared>>
      tpu.wait_dma2 semaphore(%run_scoped3A : memref<!tpu.dma_semaphore, #tpu.memory_space<semaphore_mem>>) src(%dma_wait3A_152 : memref<632x16xf32, #tpu.memory_space<vmem_shared>>) dst(%dma_wait3A_150 : memref<632x16xf32, #tpu.memory_space<hbm>>)
      tpu.yield
    }) : () -> ()
    return
  }
}

#map = affine_map<(d0, d1) -> (0, 0)>
#map1 = affine_map<(d0, d1) -> (0, 0, 0)>
module attributes {stable_mosaic.version = 14 : i64} {
  func.func @_segment_sum_body(%arg0: i32, %arg1: i32, %arg2: memref<10112x16xf32, #tpu.memory_space<hbm>>, %arg3: memref<32x160x128xi32, #tpu.memory_space<hbm>>, %arg4: memref<32x160x128xi32, #tpu.memory_space<hbm>>, %arg5: memref<10112x16xf32, #tpu.memory_space<hbm>>, %arg6: memref<2x10112x16xf32, #tpu.memory_space<hbm>>, %arg7: memref<160x128xi32, #tpu.memory_space<vmem>>, %arg8: memref<160x128xi32, #tpu.memory_space<vmem>>, %arg9: memref<8x128x16xf32, #tpu.memory_space<vmem>>, %arg10: memref<10112x16xf32, #tpu.memory_space<vmem_shared>>, %arg11: memref<10112x16xf32, #tpu.memory_space<vmem_shared>>, %arg12: memref<!tpu.dma_semaphore, #tpu.memory_space<semaphore_mem>>, %arg13: memref<!tpu.dma_semaphore, #tpu.memory_space<semaphore_mem>>, %arg14: memref<8x!tpu.dma_semaphore, #tpu.memory_space<semaphore_mem>>, %arg15: memref<8x!tpu.dma_semaphore, #tpu.memory_space<semaphore_mem>>) attributes {dimension_semantics = [#tpu.dimension_semantics<core_parallel>, #tpu.dimension_semantics<subcore_parallel>], iteration_bounds = array<i64: 2, 16>, scalar_prefetch = 0 : i64, scratch_operands = 9 : i64, tpu.core_type = #tpu.core_type<sc_vector_subcore>, window_params = [{transform_indices = #map}, {transform_indices = #map1}, {transform_indices = #map1}, {transform_indices = #map}, {transform_indices = #map1}]} {
    %mul3A = arith.constant 2 : i32
    %mul3A_0 = arith.muli %arg1, %mul3A : i32
    %add3A = arith.addi %mul3A_0, %arg0 : i32
    %mul3A_1 = arith.constant 632 : i32
    %mul3A_2 = arith.muli %arg1, %mul3A_1 : i32
    %dma_start3A = arith.constant 0 : i32
    %dma_start3A_3 = tpu.memref_slice %arg11[%mul3A_2, %dma_start3A] : memref<10112x16xf32, #tpu.memory_space<vmem_shared>> -> memref<632x16xf32, #tpu.memory_space<vmem_shared>>
    %dma_start3A_4 = arith.constant 0 : i32
    %dma_start3A_5 = tpu.memref_slice %arg2[%mul3A_2, %dma_start3A_4] : memref<10112x16xf32, #tpu.memory_space<hbm>> -> memref<632x16xf32, #tpu.memory_space<hbm>>
    tpu.enqueue_dma source(%dma_start3A_5 : memref<632x16xf32, #tpu.memory_space<hbm>>) target(%dma_start3A_3 : memref<632x16xf32, #tpu.memory_space<vmem_shared>>) target_semaphore(%arg13 : memref<!tpu.dma_semaphore, #tpu.memory_space<semaphore_mem>>)
    %dma_start3A_6 = arith.constant 0 : i32
    %dma_start3A_7 = tpu.memref_slice %arg10[%mul3A_2, %dma_start3A_6] : memref<10112x16xf32, #tpu.memory_space<vmem_shared>> -> memref<632x16xf32, #tpu.memory_space<vmem_shared>>
    %dma_start3A_8 = arith.constant 0 : i32
    %dma_start3A_9 = tpu.memref_slice %arg5[%mul3A_2, %dma_start3A_8] : memref<10112x16xf32, #tpu.memory_space<hbm>> -> memref<632x16xf32, #tpu.memory_space<hbm>>
    tpu.enqueue_dma source(%dma_start3A_9 : memref<632x16xf32, #tpu.memory_space<hbm>>) target(%dma_start3A_7 : memref<632x16xf32, #tpu.memory_space<vmem_shared>>) target_semaphore(%arg12 : memref<!tpu.dma_semaphore, #tpu.memory_space<semaphore_mem>>)
    "tpu.region"() ({
      %run_scoped3A = tpu.sem_alloc : memref<!tpu.dma_semaphore, #tpu.memory_space<semaphore_mem>>
      %dma_start3A_143 = arith.constant 0 : i32
      %dma_start3A_144 = arith.constant 0 : i32
      %dma_start3A_145 = tpu.memref_slice %arg3[%add3A, %dma_start3A_143, %dma_start3A_144] : memref<32x160x128xi32, #tpu.memory_space<hbm>> -> memref<1x160x128xi32, #tpu.memory_space<hbm>>
      %dma_start3A_146 = tpu.memref_squeeze %dma_start3A_145 : memref<1x160x128xi32, #tpu.memory_space<hbm>> -> memref<160x128xi32, #tpu.memory_space<hbm>>
      %dma_start3A_147 = arith.constant 0 : i32
      %dma_start3A_148 = arith.constant 0 : i32
      %dma_start3A_149 = tpu.memref_slice %arg3[%add3A, %dma_start3A_147, %dma_start3A_148] : memref<32x160x128xi32, #tpu.memory_space<hbm>> -> memref<1x160x128xi32, #tpu.memory_space<hbm>>
      %dma_start3A_150 = tpu.memref_squeeze %dma_start3A_149 : memref<1x160x128xi32, #tpu.memory_space<hbm>> -> memref<160x128xi32, #tpu.memory_space<hbm>>
      tpu.enqueue_dma source(%dma_start3A_150 : memref<160x128xi32, #tpu.memory_space<hbm>>) target(%arg7 : memref<160x128xi32, #tpu.memory_space<vmem>>) target_semaphore(%run_scoped3A : memref<!tpu.dma_semaphore, #tpu.memory_space<semaphore_mem>>)
      %dma_wait3A_151 = arith.constant 0 : i32
      %dma_wait3A_152 = arith.constant 0 : i32
      %dma_wait3A_153 = tpu.memref_slice %arg3[%add3A, %dma_wait3A_151, %dma_wait3A_152] : memref<32x160x128xi32, #tpu.memory_space<hbm>> -> memref<1x160x128xi32, #tpu.memory_space<hbm>>
      %dma_wait3A_154 = tpu.memref_squeeze %dma_wait3A_153 : memref<1x160x128xi32, #tpu.memory_space<hbm>> -> memref<160x128xi32, #tpu.memory_space<hbm>>
      %dma_wait3A_155 = arith.constant 0 : i32
      %dma_wait3A_156 = arith.constant 0 : i32
      %dma_wait3A_157 = tpu.memref_slice %arg3[%add3A, %dma_wait3A_155, %dma_wait3A_156] : memref<32x160x128xi32, #tpu.memory_space<hbm>> -> memref<1x160x128xi32, #tpu.memory_space<hbm>>
      %dma_wait3A_158 = tpu.memref_squeeze %dma_wait3A_157 : memref<1x160x128xi32, #tpu.memory_space<hbm>> -> memref<160x128xi32, #tpu.memory_space<hbm>>
      tpu.wait_dma2 semaphore(%run_scoped3A : memref<!tpu.dma_semaphore, #tpu.memory_space<semaphore_mem>>) src(%dma_wait3A_158 : memref<160x128xi32, #tpu.memory_space<hbm>>) dst(%arg7 : memref<160x128xi32, #tpu.memory_space<vmem>>)
      tpu.yield
    }) : () -> ()
    "tpu.region"() ({
      %run_scoped3A = tpu.sem_alloc : memref<!tpu.dma_semaphore, #tpu.memory_space<semaphore_mem>>
      %dma_start3A_143 = arith.constant 0 : i32
      %dma_start3A_144 = arith.constant 0 : i32
      %dma_start3A_145 = tpu.memref_slice %arg4[%add3A, %dma_start3A_143, %dma_start3A_144] : memref<32x160x128xi32, #tpu.memory_space<hbm>> -> memref<1x160x128xi32, #tpu.memory_space<hbm>>
      %dma_start3A_146 = tpu.memref_squeeze %dma_start3A_145 : memref<1x160x128xi32, #tpu.memory_space<hbm>> -> memref<160x128xi32, #tpu.memory_space<hbm>>
      %dma_start3A_147 = arith.constant 0 : i32
      %dma_start3A_148 = arith.constant 0 : i32
      %dma_start3A_149 = tpu.memref_slice %arg4[%add3A, %dma_start3A_147, %dma_start3A_148] : memref<32x160x128xi32, #tpu.memory_space<hbm>> -> memref<1x160x128xi32, #tpu.memory_space<hbm>>
      %dma_start3A_150 = tpu.memref_squeeze %dma_start3A_149 : memref<1x160x128xi32, #tpu.memory_space<hbm>> -> memref<160x128xi32, #tpu.memory_space<hbm>>
      tpu.enqueue_dma source(%dma_start3A_150 : memref<160x128xi32, #tpu.memory_space<hbm>>) target(%arg8 : memref<160x128xi32, #tpu.memory_space<vmem>>) target_semaphore(%run_scoped3A : memref<!tpu.dma_semaphore, #tpu.memory_space<semaphore_mem>>)
      %dma_wait3A_151 = arith.constant 0 : i32
      %dma_wait3A_152 = arith.constant 0 : i32
      %dma_wait3A_153 = tpu.memref_slice %arg4[%add3A, %dma_wait3A_151, %dma_wait3A_152] : memref<32x160x128xi32, #tpu.memory_space<hbm>> -> memref<1x160x128xi32, #tpu.memory_space<hbm>>
      %dma_wait3A_154 = tpu.memref_squeeze %dma_wait3A_153 : memref<1x160x128xi32, #tpu.memory_space<hbm>> -> memref<160x128xi32, #tpu.memory_space<hbm>>
      %dma_wait3A_155 = arith.constant 0 : i32
      %dma_wait3A_156 = arith.constant 0 : i32
      %dma_wait3A_157 = tpu.memref_slice %arg4[%add3A, %dma_wait3A_155, %dma_wait3A_156] : memref<32x160x128xi32, #tpu.memory_space<hbm>> -> memref<1x160x128xi32, #tpu.memory_space<hbm>>
      %dma_wait3A_158 = tpu.memref_squeeze %dma_wait3A_157 : memref<1x160x128xi32, #tpu.memory_space<hbm>> -> memref<160x128xi32, #tpu.memory_space<hbm>>
      tpu.wait_dma2 semaphore(%run_scoped3A : memref<!tpu.dma_semaphore, #tpu.memory_space<semaphore_mem>>) src(%dma_wait3A_158 : memref<160x128xi32, #tpu.memory_space<hbm>>) dst(%arg8 : memref<160x128xi32, #tpu.memory_space<vmem>>)
      tpu.yield
    }) : () -> ()
    %dma_wait3A = arith.constant 0 : i32
    %dma_wait3A_10 = tpu.memref_slice %arg11[%mul3A_2, %dma_wait3A] : memref<10112x16xf32, #tpu.memory_space<vmem_shared>> -> memref<632x16xf32, #tpu.memory_space<vmem_shared>>
    %dma_wait3A_11 = arith.constant 0 : i32
    %dma_wait3A_12 = tpu.memref_slice %arg2[%mul3A_2, %dma_wait3A_11] : memref<10112x16xf32, #tpu.memory_space<hbm>> -> memref<632x16xf32, #tpu.memory_space<hbm>>
    tpu.wait_dma2 semaphore(%arg13 : memref<!tpu.dma_semaphore, #tpu.memory_space<semaphore_mem>>) src(%dma_wait3A_12 : memref<632x16xf32, #tpu.memory_space<hbm>>) dst(%dma_wait3A_10 : memref<632x16xf32, #tpu.memory_space<vmem_shared>>)
    %dma_wait3A_13 = arith.constant 0 : i32
    %dma_wait3A_14 = tpu.memref_slice %arg10[%mul3A_2, %dma_wait3A_13] : memref<10112x16xf32, #tpu.memory_space<vmem_shared>> -> memref<632x16xf32, #tpu.memory_space<vmem_shared>>
    %dma_wait3A_15 = arith.constant 0 : i32
    %dma_wait3A_16 = tpu.memref_slice %arg5[%mul3A_2, %dma_wait3A_15] : memref<10112x16xf32, #tpu.memory_space<hbm>> -> memref<632x16xf32, #tpu.memory_space<hbm>>
    tpu.wait_dma2 semaphore(%arg12 : memref<!tpu.dma_semaphore, #tpu.memory_space<semaphore_mem>>) src(%dma_wait3A_16 : memref<632x16xf32, #tpu.memory_space<hbm>>) dst(%dma_wait3A_14 : memref<632x16xf32, #tpu.memory_space<vmem_shared>>)
    %barrier3A = arith.constant 0 : index
    tpu.barrier barrier_id(%barrier3A)
    %dma_start3A_17 = arith.constant 0 : i32
    %dma_start3A_18 = arith.constant 0 : i32
    %dma_start3A_19 = arith.constant 0 : i32
    %dma_start3A_20 = arith.constant 0 : i32
    %dma_start3A_21 = arith.constant 0 : i32
    %dma_start3A_22 = tpu.memref_slice %arg9[%dma_start3A_18, %dma_start3A_20, %dma_start3A_21] : memref<8x128x16xf32, #tpu.memory_space<vmem>> -> memref<1x128x16xf32, #tpu.memory_space<vmem>>
    %dma_start3A_23 = tpu.memref_squeeze %dma_start3A_22 : memref<1x128x16xf32, #tpu.memory_space<vmem>> -> memref<128x16xf32, #tpu.memory_space<vmem>>
    %dma_start3A_24 = arith.constant 0 : i32
    %dma_start3A_25 = tpu.memref_slice %arg7[%dma_start3A_17, %dma_start3A_24] : memref<160x128xi32, #tpu.memory_space<vmem>> -> memref<1x128xi32, #tpu.memory_space<vmem>>
    %dma_start3A_26 = tpu.memref_squeeze %dma_start3A_25 : memref<1x128xi32, #tpu.memory_space<vmem>> -> memref<128xi32, #tpu.memory_space<vmem>>
    %dma_start3A_27 = arith.constant 0 : i32
    %dma_start3A_28 = arith.constant 0 : i32
    %dma_start3A_29 = tpu.memref_slice %arg11[%dma_start3A_27, %dma_start3A_28] : memref<10112x16xf32, #tpu.memory_space<vmem_shared>> -> memref<10112x16xf32, #tpu.memory_space<vmem_shared>>
    %dma_start3A_30 = tpu.memref_slice %arg14[%dma_start3A_19] : memref<8x!tpu.dma_semaphore, #tpu.memory_space<semaphore_mem>> -> memref<1x!tpu.dma_semaphore, #tpu.memory_space<semaphore_mem>>
    %dma_start3A_31 = tpu.memref_squeeze %dma_start3A_30 : memref<1x!tpu.dma_semaphore, #tpu.memory_space<semaphore_mem>> -> memref<!tpu.dma_semaphore, #tpu.memory_space<semaphore_mem>>
    tpu.enqueue_indirect_dma source(%dma_start3A_29 : memref<10112x16xf32, #tpu.memory_space<vmem_shared>>) target(%dma_start3A_23 : memref<128x16xf32, #tpu.memory_space<vmem>>) offsets(%dma_start3A_26 : memref<128xi32, #tpu.memory_space<vmem>>) semaphore(%dma_start3A_31 : memref<!tpu.dma_semaphore, #tpu.memory_space<semaphore_mem>>)
    %dma_start3A_32 = arith.constant 1 : i32
    %dma_start3A_33 = arith.constant 1 : i32
    %dma_start3A_34 = arith.constant 1 : i32
    %dma_start3A_35 = arith.constant 0 : i32
    %dma_start3A_36 = arith.constant 0 : i32
    %dma_start3A_37 = tpu.memref_slice %arg9[%dma_start3A_33, %dma_start3A_35, %dma_start3A_36] : memref<8x128x16xf32, #tpu.memory_space<vmem>> -> memref<1x128x16xf32, #tpu.memory_space<vmem>>
    %dma_start3A_38 = tpu.memref_squeeze %dma_start3A_37 : memref<1x128x16xf32, #tpu.memory_space<vmem>> -> memref<128x16xf32, #tpu.memory_space<vmem>>
    %dma_start3A_39 = arith.constant 0 : i32
    %dma_start3A_40 = tpu.memref_slice %arg7[%dma_start3A_32, %dma_start3A_39] : memref<160x128xi32, #tpu.memory_space<vmem>> -> memref<1x128xi32, #tpu.memory_space<vmem>>
    %dma_start3A_41 = tpu.memref_squeeze %dma_start3A_40 : memref<1x128xi32, #tpu.memory_space<vmem>> -> memref<128xi32, #tpu.memory_space<vmem>>
    %dma_start3A_42 = arith.constant 0 : i32
    %dma_start3A_43 = arith.constant 0 : i32
    %dma_start3A_44 = tpu.memref_slice %arg11[%dma_start3A_42, %dma_start3A_43] : memref<10112x16xf32, #tpu.memory_space<vmem_shared>> -> memref<10112x16xf32, #tpu.memory_space<vmem_shared>>
    %dma_start3A_45 = tpu.memref_slice %arg14[%dma_start3A_34] : memref<8x!tpu.dma_semaphore, #tpu.memory_space<semaphore_mem>> -> memref<1x!tpu.dma_semaphore, #tpu.memory_space<semaphore_mem>>
    %dma_start3A_46 = tpu.memref_squeeze %dma_start3A_45 : memref<1x!tpu.dma_semaphore, #tpu.memory_space<semaphore_mem>> -> memref<!tpu.dma_semaphore, #tpu.memory_space<semaphore_mem>>
    tpu.enqueue_indirect_dma source(%dma_start3A_44 : memref<10112x16xf32, #tpu.memory_space<vmem_shared>>) target(%dma_start3A_38 : memref<128x16xf32, #tpu.memory_space<vmem>>) offsets(%dma_start3A_41 : memref<128xi32, #tpu.memory_space<vmem>>) semaphore(%dma_start3A_46 : memref<!tpu.dma_semaphore, #tpu.memory_space<semaphore_mem>>)
    %dma_start3A_47 = arith.constant 2 : i32
    %dma_start3A_48 = arith.constant 2 : i32
    %dma_start3A_49 = arith.constant 2 : i32
    %dma_start3A_50 = arith.constant 0 : i32
    %dma_start3A_51 = arith.constant 0 : i32
    %dma_start3A_52 = tpu.memref_slice %arg9[%dma_start3A_48, %dma_start3A_50, %dma_start3A_51] : memref<8x128x16xf32, #tpu.memory_space<vmem>> -> memref<1x128x16xf32, #tpu.memory_space<vmem>>
    %dma_start3A_53 = tpu.memref_squeeze %dma_start3A_52 : memref<1x128x16xf32, #tpu.memory_space<vmem>> -> memref<128x16xf32, #tpu.memory_space<vmem>>
    %dma_start3A_54 = arith.constant 0 : i32
    %dma_start3A_55 = tpu.memref_slice %arg7[%dma_start3A_47, %dma_start3A_54] : memref<160x128xi32, #tpu.memory_space<vmem>> -> memref<1x128xi32, #tpu.memory_space<vmem>>
    %dma_start3A_56 = tpu.memref_squeeze %dma_start3A_55 : memref<1x128xi32, #tpu.memory_space<vmem>> -> memref<128xi32, #tpu.memory_space<vmem>>
    %dma_start3A_57 = arith.constant 0 : i32
    %dma_start3A_58 = arith.constant 0 : i32
    %dma_start3A_59 = tpu.memref_slice %arg11[%dma_start3A_57, %dma_start3A_58] : memref<10112x16xf32, #tpu.memory_space<vmem_shared>> -> memref<10112x16xf32, #tpu.memory_space<vmem_shared>>
    %dma_start3A_60 = tpu.memref_slice %arg14[%dma_start3A_49] : memref<8x!tpu.dma_semaphore, #tpu.memory_space<semaphore_mem>> -> memref<1x!tpu.dma_semaphore, #tpu.memory_space<semaphore_mem>>
    %dma_start3A_61 = tpu.memref_squeeze %dma_start3A_60 : memref<1x!tpu.dma_semaphore, #tpu.memory_space<semaphore_mem>> -> memref<!tpu.dma_semaphore, #tpu.memory_space<semaphore_mem>>
    tpu.enqueue_indirect_dma source(%dma_start3A_59 : memref<10112x16xf32, #tpu.memory_space<vmem_shared>>) target(%dma_start3A_53 : memref<128x16xf32, #tpu.memory_space<vmem>>) offsets(%dma_start3A_56 : memref<128xi32, #tpu.memory_space<vmem>>) semaphore(%dma_start3A_61 : memref<!tpu.dma_semaphore, #tpu.memory_space<semaphore_mem>>)
    %dma_start3A_62 = arith.constant 3 : i32
    %dma_start3A_63 = arith.constant 3 : i32
    %dma_start3A_64 = arith.constant 3 : i32
    %dma_start3A_65 = arith.constant 0 : i32
    %dma_start3A_66 = arith.constant 0 : i32
    %dma_start3A_67 = tpu.memref_slice %arg9[%dma_start3A_63, %dma_start3A_65, %dma_start3A_66] : memref<8x128x16xf32, #tpu.memory_space<vmem>> -> memref<1x128x16xf32, #tpu.memory_space<vmem>>
    %dma_start3A_68 = tpu.memref_squeeze %dma_start3A_67 : memref<1x128x16xf32, #tpu.memory_space<vmem>> -> memref<128x16xf32, #tpu.memory_space<vmem>>
    %dma_start3A_69 = arith.constant 0 : i32
    %dma_start3A_70 = tpu.memref_slice %arg7[%dma_start3A_62, %dma_start3A_69] : memref<160x128xi32, #tpu.memory_space<vmem>> -> memref<1x128xi32, #tpu.memory_space<vmem>>
    %dma_start3A_71 = tpu.memref_squeeze %dma_start3A_70 : memref<1x128xi32, #tpu.memory_space<vmem>> -> memref<128xi32, #tpu.memory_space<vmem>>
    %dma_start3A_72 = arith.constant 0 : i32
    %dma_start3A_73 = arith.constant 0 : i32
    %dma_start3A_74 = tpu.memref_slice %arg11[%dma_start3A_72, %dma_start3A_73] : memref<10112x16xf32, #tpu.memory_space<vmem_shared>> -> memref<10112x16xf32, #tpu.memory_space<vmem_shared>>
    %dma_start3A_75 = tpu.memref_slice %arg14[%dma_start3A_64] : memref<8x!tpu.dma_semaphore, #tpu.memory_space<semaphore_mem>> -> memref<1x!tpu.dma_semaphore, #tpu.memory_space<semaphore_mem>>
    %dma_start3A_76 = tpu.memref_squeeze %dma_start3A_75 : memref<1x!tpu.dma_semaphore, #tpu.memory_space<semaphore_mem>> -> memref<!tpu.dma_semaphore, #tpu.memory_space<semaphore_mem>>
    tpu.enqueue_indirect_dma source(%dma_start3A_74 : memref<10112x16xf32, #tpu.memory_space<vmem_shared>>) target(%dma_start3A_68 : memref<128x16xf32, #tpu.memory_space<vmem>>) offsets(%dma_start3A_71 : memref<128xi32, #tpu.memory_space<vmem>>) semaphore(%dma_start3A_76 : memref<!tpu.dma_semaphore, #tpu.memory_space<semaphore_mem>>)
    %dma_start3A_77 = arith.constant 4 : i32
    %dma_start3A_78 = arith.constant 4 : i32
    %dma_start3A_79 = arith.constant 4 : i32
    %dma_start3A_80 = arith.constant 0 : i32
    %dma_start3A_81 = arith.constant 0 : i32
    %dma_start3A_82 = tpu.memref_slice %arg9[%dma_start3A_78, %dma_start3A_80, %dma_start3A_81] : memref<8x128x16xf32, #tpu.memory_space<vmem>> -> memref<1x128x16xf32, #tpu.memory_space<vmem>>
    %dma_start3A_83 = tpu.memref_squeeze %dma_start3A_82 : memref<1x128x16xf32, #tpu.memory_space<vmem>> -> memref<128x16xf32, #tpu.memory_space<vmem>>
    %dma_start3A_84 = arith.constant 0 : i32
    %dma_start3A_85 = tpu.memref_slice %arg7[%dma_start3A_77, %dma_start3A_84] : memref<160x128xi32, #tpu.memory_space<vmem>> -> memref<1x128xi32, #tpu.memory_space<vmem>>
    %dma_start3A_86 = tpu.memref_squeeze %dma_start3A_85 : memref<1x128xi32, #tpu.memory_space<vmem>> -> memref<128xi32, #tpu.memory_space<vmem>>
    %dma_start3A_87 = arith.constant 0 : i32
    %dma_start3A_88 = arith.constant 0 : i32
    %dma_start3A_89 = tpu.memref_slice %arg11[%dma_start3A_87, %dma_start3A_88] : memref<10112x16xf32, #tpu.memory_space<vmem_shared>> -> memref<10112x16xf32, #tpu.memory_space<vmem_shared>>
    %dma_start3A_90 = tpu.memref_slice %arg14[%dma_start3A_79] : memref<8x!tpu.dma_semaphore, #tpu.memory_space<semaphore_mem>> -> memref<1x!tpu.dma_semaphore, #tpu.memory_space<semaphore_mem>>
    %dma_start3A_91 = tpu.memref_squeeze %dma_start3A_90 : memref<1x!tpu.dma_semaphore, #tpu.memory_space<semaphore_mem>> -> memref<!tpu.dma_semaphore, #tpu.memory_space<semaphore_mem>>
    tpu.enqueue_indirect_dma source(%dma_start3A_89 : memref<10112x16xf32, #tpu.memory_space<vmem_shared>>) target(%dma_start3A_83 : memref<128x16xf32, #tpu.memory_space<vmem>>) offsets(%dma_start3A_86 : memref<128xi32, #tpu.memory_space<vmem>>) semaphore(%dma_start3A_91 : memref<!tpu.dma_semaphore, #tpu.memory_space<semaphore_mem>>)
    %dma_start3A_92 = arith.constant 5 : i32
    %dma_start3A_93 = arith.constant 5 : i32
    %dma_start3A_94 = arith.constant 5 : i32
    %dma_start3A_95 = arith.constant 0 : i32
    %dma_start3A_96 = arith.constant 0 : i32
    %dma_start3A_97 = tpu.memref_slice %arg9[%dma_start3A_93, %dma_start3A_95, %dma_start3A_96] : memref<8x128x16xf32, #tpu.memory_space<vmem>> -> memref<1x128x16xf32, #tpu.memory_space<vmem>>
    %dma_start3A_98 = tpu.memref_squeeze %dma_start3A_97 : memref<1x128x16xf32, #tpu.memory_space<vmem>> -> memref<128x16xf32, #tpu.memory_space<vmem>>
    %dma_start3A_99 = arith.constant 0 : i32
    %dma_start3A_100 = tpu.memref_slice %arg7[%dma_start3A_92, %dma_start3A_99] : memref<160x128xi32, #tpu.memory_space<vmem>> -> memref<1x128xi32, #tpu.memory_space<vmem>>
    %dma_start3A_101 = tpu.memref_squeeze %dma_start3A_100 : memref<1x128xi32, #tpu.memory_space<vmem>> -> memref<128xi32, #tpu.memory_space<vmem>>
    %dma_start3A_102 = arith.constant 0 : i32
    %dma_start3A_103 = arith.constant 0 : i32
    %dma_start3A_104 = tpu.memref_slice %arg11[%dma_start3A_102, %dma_start3A_103] : memref<10112x16xf32, #tpu.memory_space<vmem_shared>> -> memref<10112x16xf32, #tpu.memory_space<vmem_shared>>
    %dma_start3A_105 = tpu.memref_slice %arg14[%dma_start3A_94] : memref<8x!tpu.dma_semaphore, #tpu.memory_space<semaphore_mem>> -> memref<1x!tpu.dma_semaphore, #tpu.memory_space<semaphore_mem>>
    %dma_start3A_106 = tpu.memref_squeeze %dma_start3A_105 : memref<1x!tpu.dma_semaphore, #tpu.memory_space<semaphore_mem>> -> memref<!tpu.dma_semaphore, #tpu.memory_space<semaphore_mem>>
    tpu.enqueue_indirect_dma source(%dma_start3A_104 : memref<10112x16xf32, #tpu.memory_space<vmem_shared>>) target(%dma_start3A_98 : memref<128x16xf32, #tpu.memory_space<vmem>>) offsets(%dma_start3A_101 : memref<128xi32, #tpu.memory_space<vmem>>) semaphore(%dma_start3A_106 : memref<!tpu.dma_semaphore, #tpu.memory_space<semaphore_mem>>)
    %dma_start3A_107 = arith.constant 6 : i32
    %dma_start3A_108 = arith.constant 6 : i32
    %dma_start3A_109 = arith.constant 6 : i32
    %dma_start3A_110 = arith.constant 0 : i32
    %dma_start3A_111 = arith.constant 0 : i32
    %dma_start3A_112 = tpu.memref_slice %arg9[%dma_start3A_108, %dma_start3A_110, %dma_start3A_111] : memref<8x128x16xf32, #tpu.memory_space<vmem>> -> memref<1x128x16xf32, #tpu.memory_space<vmem>>
    %dma_start3A_113 = tpu.memref_squeeze %dma_start3A_112 : memref<1x128x16xf32, #tpu.memory_space<vmem>> -> memref<128x16xf32, #tpu.memory_space<vmem>>
    %dma_start3A_114 = arith.constant 0 : i32
    %dma_start3A_115 = tpu.memref_slice %arg7[%dma_start3A_107, %dma_start3A_114] : memref<160x128xi32, #tpu.memory_space<vmem>> -> memref<1x128xi32, #tpu.memory_space<vmem>>
    %dma_start3A_116 = tpu.memref_squeeze %dma_start3A_115 : memref<1x128xi32, #tpu.memory_space<vmem>> -> memref<128xi32, #tpu.memory_space<vmem>>
    %dma_start3A_117 = arith.constant 0 : i32
    %dma_start3A_118 = arith.constant 0 : i32
    %dma_start3A_119 = tpu.memref_slice %arg11[%dma_start3A_117, %dma_start3A_118] : memref<10112x16xf32, #tpu.memory_space<vmem_shared>> -> memref<10112x16xf32, #tpu.memory_space<vmem_shared>>
    %dma_start3A_120 = tpu.memref_slice %arg14[%dma_start3A_109] : memref<8x!tpu.dma_semaphore, #tpu.memory_space<semaphore_mem>> -> memref<1x!tpu.dma_semaphore, #tpu.memory_space<semaphore_mem>>
    %dma_start3A_121 = tpu.memref_squeeze %dma_start3A_120 : memref<1x!tpu.dma_semaphore, #tpu.memory_space<semaphore_mem>> -> memref<!tpu.dma_semaphore, #tpu.memory_space<semaphore_mem>>
    tpu.enqueue_indirect_dma source(%dma_start3A_119 : memref<10112x16xf32, #tpu.memory_space<vmem_shared>>) target(%dma_start3A_113 : memref<128x16xf32, #tpu.memory_space<vmem>>) offsets(%dma_start3A_116 : memref<128xi32, #tpu.memory_space<vmem>>) semaphore(%dma_start3A_121 : memref<!tpu.dma_semaphore, #tpu.memory_space<semaphore_mem>>)
    %dma_start3A_122 = arith.constant 7 : i32
    %dma_start3A_123 = arith.constant 7 : i32
    %dma_start3A_124 = arith.constant 7 : i32
    %dma_start3A_125 = arith.constant 0 : i32
    %dma_start3A_126 = arith.constant 0 : i32
    %dma_start3A_127 = tpu.memref_slice %arg9[%dma_start3A_123, %dma_start3A_125, %dma_start3A_126] : memref<8x128x16xf32, #tpu.memory_space<vmem>> -> memref<1x128x16xf32, #tpu.memory_space<vmem>>
    %dma_start3A_128 = tpu.memref_squeeze %dma_start3A_127 : memref<1x128x16xf32, #tpu.memory_space<vmem>> -> memref<128x16xf32, #tpu.memory_space<vmem>>
    %dma_start3A_129 = arith.constant 0 : i32
    %dma_start3A_130 = tpu.memref_slice %arg7[%dma_start3A_122, %dma_start3A_129] : memref<160x128xi32, #tpu.memory_space<vmem>> -> memref<1x128xi32, #tpu.memory_space<vmem>>
    %dma_start3A_131 = tpu.memref_squeeze %dma_start3A_130 : memref<1x128xi32, #tpu.memory_space<vmem>> -> memref<128xi32, #tpu.memory_space<vmem>>
    %dma_start3A_132 = arith.constant 0 : i32
    %dma_start3A_133 = arith.constant 0 : i32
    %dma_start3A_134 = tpu.memref_slice %arg11[%dma_start3A_132, %dma_start3A_133] : memref<10112x16xf32, #tpu.memory_space<vmem_shared>> -> memref<10112x16xf32, #tpu.memory_space<vmem_shared>>
    %dma_start3A_135 = tpu.memref_slice %arg14[%dma_start3A_124] : memref<8x!tpu.dma_semaphore, #tpu.memory_space<semaphore_mem>> -> memref<1x!tpu.dma_semaphore, #tpu.memory_space<semaphore_mem>>
    %dma_start3A_136 = tpu.memref_squeeze %dma_start3A_135 : memref<1x!tpu.dma_semaphore, #tpu.memory_space<semaphore_mem>> -> memref<!tpu.dma_semaphore, #tpu.memory_space<semaphore_mem>>
    tpu.enqueue_indirect_dma source(%dma_start3A_134 : memref<10112x16xf32, #tpu.memory_space<vmem_shared>>) target(%dma_start3A_128 : memref<128x16xf32, #tpu.memory_space<vmem>>) offsets(%dma_start3A_131 : memref<128xi32, #tpu.memory_space<vmem>>) semaphore(%dma_start3A_136 : memref<!tpu.dma_semaphore, #tpu.memory_space<semaphore_mem>>)
    %scan3A = arith.constant 0 : i32
    %scan3A_137 = arith.constant 0 : i32
    %scan3A_138 = arith.constant 20 : i32
    %scan3A_139 = arith.addi %scan3A_137, %scan3A_138 : i32
    %scan3A_140 = arith.constant 1 : i32
    scf.for %scan3A_143 = %scan3A_137 to %scan3A_139 step %scan3A_140  : i32 {
      %mul3A_144 = arith.constant 8 : i32
      %mul3A_145 = arith.muli %scan3A_143, %mul3A_144 : i32
      %add3A_146 = arith.constant 0 : i32
      %add3A_147 = arith.addi %mul3A_145, %add3A_146 : i32
      %dma_wait3A_148 = arith.constant 0 : i32
      %dma_wait3A_149 = arith.constant 0 : i32
      %dma_wait3A_150 = arith.constant 0 : i32
      %dma_wait3A_151 = arith.constant 0 : i32
      %dma_wait3A_152 = tpu.memref_slice %arg9[%dma_wait3A_148, %dma_wait3A_150, %dma_wait3A_151] : memref<8x128x16xf32, #tpu.memory_space<vmem>> -> memref<1x128x16xf32, #tpu.memory_space<vmem>>
      %dma_wait3A_153 = tpu.memref_squeeze %dma_wait3A_152 : memref<1x128x16xf32, #tpu.memory_space<vmem>> -> memref<128x16xf32, #tpu.memory_space<vmem>>
      %dma_wait3A_154 = arith.constant 0 : i32
      %dma_wait3A_155 = tpu.memref_slice %arg7[%add3A_147, %dma_wait3A_154] : memref<160x128xi32, #tpu.memory_space<vmem>> -> memref<1x128xi32, #tpu.memory_space<vmem>>
      %dma_wait3A_156 = tpu.memref_squeeze %dma_wait3A_155 : memref<1x128xi32, #tpu.memory_space<vmem>> -> memref<128xi32, #tpu.memory_space<vmem>>
      %dma_wait3A_157 = arith.constant 0 : i32
      %dma_wait3A_158 = arith.constant 0 : i32
      %dma_wait3A_159 = tpu.memref_slice %arg11[%dma_wait3A_157, %dma_wait3A_158] : memref<10112x16xf32, #tpu.memory_space<vmem_shared>> -> memref<10112x16xf32, #tpu.memory_space<vmem_shared>>
      %dma_wait3A_160 = tpu.memref_slice %arg14[%dma_wait3A_149] : memref<8x!tpu.dma_semaphore, #tpu.memory_space<semaphore_mem>> -> memref<1x!tpu.dma_semaphore, #tpu.memory_space<semaphore_mem>>
      %dma_wait3A_161 = tpu.memref_squeeze %dma_wait3A_160 : memref<1x!tpu.dma_semaphore, #tpu.memory_space<semaphore_mem>> -> memref<!tpu.dma_semaphore, #tpu.memory_space<semaphore_mem>>
      tpu.wait_indirect_dma semaphore(%dma_wait3A_161 : memref<!tpu.dma_semaphore, #tpu.memory_space<semaphore_mem>>) src(%dma_wait3A_159 : memref<10112x16xf32, #tpu.memory_space<vmem_shared>>) dst(%dma_wait3A_153 : memref<128x16xf32, #tpu.memory_space<vmem>>)
      %dma_start3A_162 = arith.constant 0 : i32
      %dma_start3A_163 = arith.constant 0 : i32
      %dma_start3A_164 = arith.constant 0 : i32
      %dma_start3A_165 = arith.constant 0 : i32
      %dma_start3A_166 = tpu.memref_slice %arg9[%dma_start3A_162, %dma_start3A_164, %dma_start3A_165] : memref<8x128x16xf32, #tpu.memory_space<vmem>> -> memref<1x128x16xf32, #tpu.memory_space<vmem>>
      %dma_start3A_167 = tpu.memref_squeeze %dma_start3A_166 : memref<1x128x16xf32, #tpu.memory_space<vmem>> -> memref<128x16xf32, #tpu.memory_space<vmem>>
      %dma_start3A_168 = arith.constant 0 : i32
      %dma_start3A_169 = tpu.memref_slice %arg8[%add3A_147, %dma_start3A_168] : memref<160x128xi32, #tpu.memory_space<vmem>> -> memref<1x128xi32, #tpu.memory_space<vmem>>
      %dma_start3A_170 = tpu.memref_squeeze %dma_start3A_169 : memref<1x128xi32, #tpu.memory_space<vmem>> -> memref<128xi32, #tpu.memory_space<vmem>>
      %dma_start3A_171 = arith.constant 0 : i32
      %dma_start3A_172 = arith.constant 0 : i32
      %dma_start3A_173 = tpu.memref_slice %arg10[%dma_start3A_171, %dma_start3A_172] : memref<10112x16xf32, #tpu.memory_space<vmem_shared>> -> memref<10112x16xf32, #tpu.memory_space<vmem_shared>>
      %dma_start3A_174 = tpu.memref_slice %arg15[%dma_start3A_163] : memref<8x!tpu.dma_semaphore, #tpu.memory_space<semaphore_mem>> -> memref<1x!tpu.dma_semaphore, #tpu.memory_space<semaphore_mem>>
      %dma_start3A_175 = tpu.memref_squeeze %dma_start3A_174 : memref<1x!tpu.dma_semaphore, #tpu.memory_space<semaphore_mem>> -> memref<!tpu.dma_semaphore, #tpu.memory_space<semaphore_mem>>
      tpu.enqueue_indirect_dma source(%dma_start3A_167 : memref<128x16xf32, #tpu.memory_space<vmem>>) target(%dma_start3A_173 : memref<10112x16xf32, #tpu.memory_space<vmem_shared>>) offsets(%dma_start3A_170 : memref<128xi32, #tpu.memory_space<vmem>>) semaphore(%dma_start3A_175 : memref<!tpu.dma_semaphore, #tpu.memory_space<semaphore_mem>>) {add = true}
      %dma_wait3A_176 = arith.constant 0 : i32
      %dma_wait3A_177 = arith.constant 0 : i32
      %dma_wait3A_178 = arith.constant 0 : i32
      %dma_wait3A_179 = arith.constant 0 : i32
      %dma_wait3A_180 = tpu.memref_slice %arg9[%dma_wait3A_176, %dma_wait3A_178, %dma_wait3A_179] : memref<8x128x16xf32, #tpu.memory_space<vmem>> -> memref<1x128x16xf32, #tpu.memory_space<vmem>>
      %dma_wait3A_181 = tpu.memref_squeeze %dma_wait3A_180 : memref<1x128x16xf32, #tpu.memory_space<vmem>> -> memref<128x16xf32, #tpu.memory_space<vmem>>
      %dma_wait3A_182 = arith.constant 0 : i32
      %dma_wait3A_183 = tpu.memref_slice %arg8[%add3A_147, %dma_wait3A_182] : memref<160x128xi32, #tpu.memory_space<vmem>> -> memref<1x128xi32, #tpu.memory_space<vmem>>
      %dma_wait3A_184 = tpu.memref_squeeze %dma_wait3A_183 : memref<1x128xi32, #tpu.memory_space<vmem>> -> memref<128xi32, #tpu.memory_space<vmem>>
      %dma_wait3A_185 = arith.constant 0 : i32
      %dma_wait3A_186 = arith.constant 0 : i32
      %dma_wait3A_187 = tpu.memref_slice %arg10[%dma_wait3A_185, %dma_wait3A_186] : memref<10112x16xf32, #tpu.memory_space<vmem_shared>> -> memref<10112x16xf32, #tpu.memory_space<vmem_shared>>
      %dma_wait3A_188 = tpu.memref_slice %arg15[%dma_wait3A_177] : memref<8x!tpu.dma_semaphore, #tpu.memory_space<semaphore_mem>> -> memref<1x!tpu.dma_semaphore, #tpu.memory_space<semaphore_mem>>
      %dma_wait3A_189 = tpu.memref_squeeze %dma_wait3A_188 : memref<1x!tpu.dma_semaphore, #tpu.memory_space<semaphore_mem>> -> memref<!tpu.dma_semaphore, #tpu.memory_space<semaphore_mem>>
      tpu.wait_indirect_dma semaphore(%dma_wait3A_189 : memref<!tpu.dma_semaphore, #tpu.memory_space<semaphore_mem>>) src(%dma_wait3A_181 : memref<128x16xf32, #tpu.memory_space<vmem>>) dst(%dma_wait3A_187 : memref<10112x16xf32, #tpu.memory_space<vmem_shared>>)
      %add3A_190 = arith.constant 8 : i32
      %add3A_191 = arith.addi %add3A_147, %add3A_190 : i32
      %lt3A = arith.constant 160 : i32
      %lt3A_192 = arith.cmpi slt, %add3A_191, %lt3A : i32
      %convert_element_type3A = arith.extui %lt3A_192 : i1 to i32
      %cond3A = arith.constant 0 : i32
      %cond3A_193 = arith.cmpi ne, %convert_element_type3A, %cond3A : i32
      scf.if %cond3A_193 {
        %add3A_565 = arith.constant 8 : i32
        %add3A_566 = arith.addi %add3A_147, %add3A_565 : i32
        %dma_start3A_567 = arith.constant 0 : i32
        %dma_start3A_568 = arith.constant 0 : i32
        %dma_start3A_569 = arith.constant 0 : i32
        %dma_start3A_570 = arith.constant 0 : i32
        %dma_start3A_571 = tpu.memref_slice %arg9[%dma_start3A_567, %dma_start3A_569, %dma_start3A_570] : memref<8x128x16xf32, #tpu.memory_space<vmem>> -> memref<1x128x16xf32, #tpu.memory_space<vmem>>
        %dma_start3A_572 = tpu.memref_squeeze %dma_start3A_571 : memref<1x128x16xf32, #tpu.memory_space<vmem>> -> memref<128x16xf32, #tpu.memory_space<vmem>>
        %dma_start3A_573 = arith.constant 0 : i32
        %dma_start3A_574 = tpu.memref_slice %arg7[%add3A_566, %dma_start3A_573] : memref<160x128xi32, #tpu.memory_space<vmem>> -> memref<1x128xi32, #tpu.memory_space<vmem>>
        %dma_start3A_575 = tpu.memref_squeeze %dma_start3A_574 : memref<1x128xi32, #tpu.memory_space<vmem>> -> memref<128xi32, #tpu.memory_space<vmem>>
        %dma_start3A_576 = arith.constant 0 : i32
        %dma_start3A_577 = arith.constant 0 : i32
        %dma_start3A_578 = tpu.memref_slice %arg11[%dma_start3A_576, %dma_start3A_577] : memref<10112x16xf32, #tpu.memory_space<vmem_shared>> -> memref<10112x16xf32, #tpu.memory_space<vmem_shared>>
        %dma_start3A_579 = tpu.memref_slice %arg14[%dma_start3A_568] : memref<8x!tpu.dma_semaphore, #tpu.memory_space<semaphore_mem>> -> memref<1x!tpu.dma_semaphore, #tpu.memory_space<semaphore_mem>>
        %dma_start3A_580 = tpu.memref_squeeze %dma_start3A_579 : memref<1x!tpu.dma_semaphore, #tpu.memory_space<semaphore_mem>> -> memref<!tpu.dma_semaphore, #tpu.memory_space<semaphore_mem>>
        tpu.enqueue_indirect_dma source(%dma_start3A_578 : memref<10112x16xf32, #tpu.memory_space<vmem_shared>>) target(%dma_start3A_572 : memref<128x16xf32, #tpu.memory_space<vmem>>) offsets(%dma_start3A_575 : memref<128xi32, #tpu.memory_space<vmem>>) semaphore(%dma_start3A_580 : memref<!tpu.dma_semaphore, #tpu.memory_space<semaphore_mem>>)
      } else {
      }
      %mul3A_194 = arith.constant 8 : i32
      %mul3A_195 = arith.muli %scan3A_143, %mul3A_194 : i32
      %add3A_196 = arith.constant 1 : i32
      %add3A_197 = arith.addi %mul3A_195, %add3A_196 : i32
      %dma_wait3A_198 = arith.constant 1 : i32
      %dma_wait3A_199 = arith.constant 1 : i32
      %dma_wait3A_200 = arith.constant 0 : i32
      %dma_wait3A_201 = arith.constant 0 : i32
      %dma_wait3A_202 = tpu.memref_slice %arg9[%dma_wait3A_198, %dma_wait3A_200, %dma_wait3A_201] : memref<8x128x16xf32, #tpu.memory_space<vmem>> -> memref<1x128x16xf32, #tpu.memory_space<vmem>>
      %dma_wait3A_203 = tpu.memref_squeeze %dma_wait3A_202 : memref<1x128x16xf32, #tpu.memory_space<vmem>> -> memref<128x16xf32, #tpu.memory_space<vmem>>
      %dma_wait3A_204 = arith.constant 0 : i32
      %dma_wait3A_205 = tpu.memref_slice %arg7[%add3A_197, %dma_wait3A_204] : memref<160x128xi32, #tpu.memory_space<vmem>> -> memref<1x128xi32, #tpu.memory_space<vmem>>
      %dma_wait3A_206 = tpu.memref_squeeze %dma_wait3A_205 : memref<1x128xi32, #tpu.memory_space<vmem>> -> memref<128xi32, #tpu.memory_space<vmem>>
      %dma_wait3A_207 = arith.constant 0 : i32
      %dma_wait3A_208 = arith.constant 0 : i32
      %dma_wait3A_209 = tpu.memref_slice %arg11[%dma_wait3A_207, %dma_wait3A_208] : memref<10112x16xf32, #tpu.memory_space<vmem_shared>> -> memref<10112x16xf32, #tpu.memory_space<vmem_shared>>
      %dma_wait3A_210 = tpu.memref_slice %arg14[%dma_wait3A_199] : memref<8x!tpu.dma_semaphore, #tpu.memory_space<semaphore_mem>> -> memref<1x!tpu.dma_semaphore, #tpu.memory_space<semaphore_mem>>
      %dma_wait3A_211 = tpu.memref_squeeze %dma_wait3A_210 : memref<1x!tpu.dma_semaphore, #tpu.memory_space<semaphore_mem>> -> memref<!tpu.dma_semaphore, #tpu.memory_space<semaphore_mem>>
      tpu.wait_indirect_dma semaphore(%dma_wait3A_211 : memref<!tpu.dma_semaphore, #tpu.memory_space<semaphore_mem>>) src(%dma_wait3A_209 : memref<10112x16xf32, #tpu.memory_space<vmem_shared>>) dst(%dma_wait3A_203 : memref<128x16xf32, #tpu.memory_space<vmem>>)
      %dma_start3A_212 = arith.constant 1 : i32
      %dma_start3A_213 = arith.constant 1 : i32
      %dma_start3A_214 = arith.constant 0 : i32
      %dma_start3A_215 = arith.constant 0 : i32
      %dma_start3A_216 = tpu.memref_slice %arg9[%dma_start3A_212, %dma_start3A_214, %dma_start3A_215] : memref<8x128x16xf32, #tpu.memory_space<vmem>> -> memref<1x128x16xf32, #tpu.memory_space<vmem>>
      %dma_start3A_217 = tpu.memref_squeeze %dma_start3A_216 : memref<1x128x16xf32, #tpu.memory_space<vmem>> -> memref<128x16xf32, #tpu.memory_space<vmem>>
      %dma_start3A_218 = arith.constant 0 : i32
      %dma_start3A_219 = tpu.memref_slice %arg8[%add3A_197, %dma_start3A_218] : memref<160x128xi32, #tpu.memory_space<vmem>> -> memref<1x128xi32, #tpu.memory_space<vmem>>
      %dma_start3A_220 = tpu.memref_squeeze %dma_start3A_219 : memref<1x128xi32, #tpu.memory_space<vmem>> -> memref<128xi32, #tpu.memory_space<vmem>>
      %dma_start3A_221 = arith.constant 0 : i32
      %dma_start3A_222 = arith.constant 0 : i32
      %dma_start3A_223 = tpu.memref_slice %arg10[%dma_start3A_221, %dma_start3A_222] : memref<10112x16xf32, #tpu.memory_space<vmem_shared>> -> memref<10112x16xf32, #tpu.memory_space<vmem_shared>>
      %dma_start3A_224 = tpu.memref_slice %arg15[%dma_start3A_213] : memref<8x!tpu.dma_semaphore, #tpu.memory_space<semaphore_mem>> -> memref<1x!tpu.dma_semaphore, #tpu.memory_space<semaphore_mem>>
      %dma_start3A_225 = tpu.memref_squeeze %dma_start3A_224 : memref<1x!tpu.dma_semaphore, #tpu.memory_space<semaphore_mem>> -> memref<!tpu.dma_semaphore, #tpu.memory_space<semaphore_mem>>
      tpu.enqueue_indirect_dma source(%dma_start3A_217 : memref<128x16xf32, #tpu.memory_space<vmem>>) target(%dma_start3A_223 : memref<10112x16xf32, #tpu.memory_space<vmem_shared>>) offsets(%dma_start3A_220 : memref<128xi32, #tpu.memory_space<vmem>>) semaphore(%dma_start3A_225 : memref<!tpu.dma_semaphore, #tpu.memory_space<semaphore_mem>>) {add = true}
      %dma_wait3A_226 = arith.constant 1 : i32
      %dma_wait3A_227 = arith.constant 1 : i32
      %dma_wait3A_228 = arith.constant 0 : i32
      %dma_wait3A_229 = arith.constant 0 : i32
      %dma_wait3A_230 = tpu.memref_slice %arg9[%dma_wait3A_226, %dma_wait3A_228, %dma_wait3A_229] : memref<8x128x16xf32, #tpu.memory_space<vmem>> -> memref<1x128x16xf32, #tpu.memory_space<vmem>>
      %dma_wait3A_231 = tpu.memref_squeeze %dma_wait3A_230 : memref<1x128x16xf32, #tpu.memory_space<vmem>> -> memref<128x16xf32, #tpu.memory_space<vmem>>
      %dma_wait3A_232 = arith.constant 0 : i32
      %dma_wait3A_233 = tpu.memref_slice %arg8[%add3A_197, %dma_wait3A_232] : memref<160x128xi32, #tpu.memory_space<vmem>> -> memref<1x128xi32, #tpu.memory_space<vmem>>
      %dma_wait3A_234 = tpu.memref_squeeze %dma_wait3A_233 : memref<1x128xi32, #tpu.memory_space<vmem>> -> memref<128xi32, #tpu.memory_space<vmem>>
      %dma_wait3A_235 = arith.constant 0 : i32
      %dma_wait3A_236 = arith.constant 0 : i32
      %dma_wait3A_237 = tpu.memref_slice %arg10[%dma_wait3A_235, %dma_wait3A_236] : memref<10112x16xf32, #tpu.memory_space<vmem_shared>> -> memref<10112x16xf32, #tpu.memory_space<vmem_shared>>
      %dma_wait3A_238 = tpu.memref_slice %arg15[%dma_wait3A_227] : memref<8x!tpu.dma_semaphore, #tpu.memory_space<semaphore_mem>> -> memref<1x!tpu.dma_semaphore, #tpu.memory_space<semaphore_mem>>
      %dma_wait3A_239 = tpu.memref_squeeze %dma_wait3A_238 : memref<1x!tpu.dma_semaphore, #tpu.memory_space<semaphore_mem>> -> memref<!tpu.dma_semaphore, #tpu.memory_space<semaphore_mem>>
      tpu.wait_indirect_dma semaphore(%dma_wait3A_239 : memref<!tpu.dma_semaphore, #tpu.memory_space<semaphore_mem>>) src(%dma_wait3A_231 : memref<128x16xf32, #tpu.memory_space<vmem>>) dst(%dma_wait3A_237 : memref<10112x16xf32, #tpu.memory_space<vmem_shared>>)
      %add3A_240 = arith.constant 8 : i32
      %add3A_241 = arith.addi %add3A_197, %add3A_240 : i32
      %lt3A_242 = arith.constant 160 : i32
      %lt3A_243 = arith.cmpi slt, %add3A_241, %lt3A_242 : i32
      %convert_element_type3A_244 = arith.extui %lt3A_243 : i1 to i32
      %cond3A_245 = arith.constant 0 : i32
      %cond3A_246 = arith.cmpi ne, %convert_element_type3A_244, %cond3A_245 : i32
      scf.if %cond3A_246 {
        %add3A_565 = arith.constant 8 : i32
        %add3A_566 = arith.addi %add3A_197, %add3A_565 : i32
        %dma_start3A_567 = arith.constant 1 : i32
        %dma_start3A_568 = arith.constant 1 : i32
        %dma_start3A_569 = arith.constant 0 : i32
        %dma_start3A_570 = arith.constant 0 : i32
        %dma_start3A_571 = tpu.memref_slice %arg9[%dma_start3A_567, %dma_start3A_569, %dma_start3A_570] : memref<8x128x16xf32, #tpu.memory_space<vmem>> -> memref<1x128x16xf32, #tpu.memory_space<vmem>>
        %dma_start3A_572 = tpu.memref_squeeze %dma_start3A_571 : memref<1x128x16xf32, #tpu.memory_space<vmem>> -> memref<128x16xf32, #tpu.memory_space<vmem>>
        %dma_start3A_573 = arith.constant 0 : i32
        %dma_start3A_574 = tpu.memref_slice %arg7[%add3A_566, %dma_start3A_573] : memref<160x128xi32, #tpu.memory_space<vmem>> -> memref<1x128xi32, #tpu.memory_space<vmem>>
        %dma_start3A_575 = tpu.memref_squeeze %dma_start3A_574 : memref<1x128xi32, #tpu.memory_space<vmem>> -> memref<128xi32, #tpu.memory_space<vmem>>
        %dma_start3A_576 = arith.constant 0 : i32
        %dma_start3A_577 = arith.constant 0 : i32
        %dma_start3A_578 = tpu.memref_slice %arg11[%dma_start3A_576, %dma_start3A_577] : memref<10112x16xf32, #tpu.memory_space<vmem_shared>> -> memref<10112x16xf32, #tpu.memory_space<vmem_shared>>
        %dma_start3A_579 = tpu.memref_slice %arg14[%dma_start3A_568] : memref<8x!tpu.dma_semaphore, #tpu.memory_space<semaphore_mem>> -> memref<1x!tpu.dma_semaphore, #tpu.memory_space<semaphore_mem>>
        %dma_start3A_580 = tpu.memref_squeeze %dma_start3A_579 : memref<1x!tpu.dma_semaphore, #tpu.memory_space<semaphore_mem>> -> memref<!tpu.dma_semaphore, #tpu.memory_space<semaphore_mem>>
        tpu.enqueue_indirect_dma source(%dma_start3A_578 : memref<10112x16xf32, #tpu.memory_space<vmem_shared>>) target(%dma_start3A_572 : memref<128x16xf32, #tpu.memory_space<vmem>>) offsets(%dma_start3A_575 : memref<128xi32, #tpu.memory_space<vmem>>) semaphore(%dma_start3A_580 : memref<!tpu.dma_semaphore, #tpu.memory_space<semaphore_mem>>)
      } else {
      }
      %mul3A_247 = arith.constant 8 : i32
      %mul3A_248 = arith.muli %scan3A_143, %mul3A_247 : i32
      %add3A_249 = arith.constant 2 : i32
      %add3A_250 = arith.addi %mul3A_248, %add3A_249 : i32
      %dma_wait3A_251 = arith.constant 2 : i32
      %dma_wait3A_252 = arith.constant 2 : i32
      %dma_wait3A_253 = arith.constant 0 : i32
      %dma_wait3A_254 = arith.constant 0 : i32
      %dma_wait3A_255 = tpu.memref_slice %arg9[%dma_wait3A_251, %dma_wait3A_253, %dma_wait3A_254] : memref<8x128x16xf32, #tpu.memory_space<vmem>> -> memref<1x128x16xf32, #tpu.memory_space<vmem>>
      %dma_wait3A_256 = tpu.memref_squeeze %dma_wait3A_255 : memref<1x128x16xf32, #tpu.memory_space<vmem>> -> memref<128x16xf32, #tpu.memory_space<vmem>>
      %dma_wait3A_257 = arith.constant 0 : i32
      %dma_wait3A_258 = tpu.memref_slice %arg7[%add3A_250, %dma_wait3A_257] : memref<160x128xi32, #tpu.memory_space<vmem>> -> memref<1x128xi32, #tpu.memory_space<vmem>>
      %dma_wait3A_259 = tpu.memref_squeeze %dma_wait3A_258 : memref<1x128xi32, #tpu.memory_space<vmem>> -> memref<128xi32, #tpu.memory_space<vmem>>
      %dma_wait3A_260 = arith.constant 0 : i32
      %dma_wait3A_261 = arith.constant 0 : i32
      %dma_wait3A_262 = tpu.memref_slice %arg11[%dma_wait3A_260, %dma_wait3A_261] : memref<10112x16xf32, #tpu.memory_space<vmem_shared>> -> memref<10112x16xf32, #tpu.memory_space<vmem_shared>>
      %dma_wait3A_263 = tpu.memref_slice %arg14[%dma_wait3A_252] : memref<8x!tpu.dma_semaphore, #tpu.memory_space<semaphore_mem>> -> memref<1x!tpu.dma_semaphore, #tpu.memory_space<semaphore_mem>>
      %dma_wait3A_264 = tpu.memref_squeeze %dma_wait3A_263 : memref<1x!tpu.dma_semaphore, #tpu.memory_space<semaphore_mem>> -> memref<!tpu.dma_semaphore, #tpu.memory_space<semaphore_mem>>
      tpu.wait_indirect_dma semaphore(%dma_wait3A_264 : memref<!tpu.dma_semaphore, #tpu.memory_space<semaphore_mem>>) src(%dma_wait3A_262 : memref<10112x16xf32, #tpu.memory_space<vmem_shared>>) dst(%dma_wait3A_256 : memref<128x16xf32, #tpu.memory_space<vmem>>)
      %dma_start3A_265 = arith.constant 2 : i32
      %dma_start3A_266 = arith.constant 2 : i32
      %dma_start3A_267 = arith.constant 0 : i32
      %dma_start3A_268 = arith.constant 0 : i32
      %dma_start3A_269 = tpu.memref_slice %arg9[%dma_start3A_265, %dma_start3A_267, %dma_start3A_268] : memref<8x128x16xf32, #tpu.memory_space<vmem>> -> memref<1x128x16xf32, #tpu.memory_space<vmem>>
      %dma_start3A_270 = tpu.memref_squeeze %dma_start3A_269 : memref<1x128x16xf32, #tpu.memory_space<vmem>> -> memref<128x16xf32, #tpu.memory_space<vmem>>
      %dma_start3A_271 = arith.constant 0 : i32
      %dma_start3A_272 = tpu.memref_slice %arg8[%add3A_250, %dma_start3A_271] : memref<160x128xi32, #tpu.memory_space<vmem>> -> memref<1x128xi32, #tpu.memory_space<vmem>>
      %dma_start3A_273 = tpu.memref_squeeze %dma_start3A_272 : memref<1x128xi32, #tpu.memory_space<vmem>> -> memref<128xi32, #tpu.memory_space<vmem>>
      %dma_start3A_274 = arith.constant 0 : i32
      %dma_start3A_275 = arith.constant 0 : i32
      %dma_start3A_276 = tpu.memref_slice %arg10[%dma_start3A_274, %dma_start3A_275] : memref<10112x16xf32, #tpu.memory_space<vmem_shared>> -> memref<10112x16xf32, #tpu.memory_space<vmem_shared>>
      %dma_start3A_277 = tpu.memref_slice %arg15[%dma_start3A_266] : memref<8x!tpu.dma_semaphore, #tpu.memory_space<semaphore_mem>> -> memref<1x!tpu.dma_semaphore, #tpu.memory_space<semaphore_mem>>
      %dma_start3A_278 = tpu.memref_squeeze %dma_start3A_277 : memref<1x!tpu.dma_semaphore, #tpu.memory_space<semaphore_mem>> -> memref<!tpu.dma_semaphore, #tpu.memory_space<semaphore_mem>>
      tpu.enqueue_indirect_dma source(%dma_start3A_270 : memref<128x16xf32, #tpu.memory_space<vmem>>) target(%dma_start3A_276 : memref<10112x16xf32, #tpu.memory_space<vmem_shared>>) offsets(%dma_start3A_273 : memref<128xi32, #tpu.memory_space<vmem>>) semaphore(%dma_start3A_278 : memref<!tpu.dma_semaphore, #tpu.memory_space<semaphore_mem>>) {add = true}
      %dma_wait3A_279 = arith.constant 2 : i32
      %dma_wait3A_280 = arith.constant 2 : i32
      %dma_wait3A_281 = arith.constant 0 : i32
      %dma_wait3A_282 = arith.constant 0 : i32
      %dma_wait3A_283 = tpu.memref_slice %arg9[%dma_wait3A_279, %dma_wait3A_281, %dma_wait3A_282] : memref<8x128x16xf32, #tpu.memory_space<vmem>> -> memref<1x128x16xf32, #tpu.memory_space<vmem>>
      %dma_wait3A_284 = tpu.memref_squeeze %dma_wait3A_283 : memref<1x128x16xf32, #tpu.memory_space<vmem>> -> memref<128x16xf32, #tpu.memory_space<vmem>>
      %dma_wait3A_285 = arith.constant 0 : i32
      %dma_wait3A_286 = tpu.memref_slice %arg8[%add3A_250, %dma_wait3A_285] : memref<160x128xi32, #tpu.memory_space<vmem>> -> memref<1x128xi32, #tpu.memory_space<vmem>>
      %dma_wait3A_287 = tpu.memref_squeeze %dma_wait3A_286 : memref<1x128xi32, #tpu.memory_space<vmem>> -> memref<128xi32, #tpu.memory_space<vmem>>
      %dma_wait3A_288 = arith.constant 0 : i32
      %dma_wait3A_289 = arith.constant 0 : i32
      %dma_wait3A_290 = tpu.memref_slice %arg10[%dma_wait3A_288, %dma_wait3A_289] : memref<10112x16xf32, #tpu.memory_space<vmem_shared>> -> memref<10112x16xf32, #tpu.memory_space<vmem_shared>>
      %dma_wait3A_291 = tpu.memref_slice %arg15[%dma_wait3A_280] : memref<8x!tpu.dma_semaphore, #tpu.memory_space<semaphore_mem>> -> memref<1x!tpu.dma_semaphore, #tpu.memory_space<semaphore_mem>>
      %dma_wait3A_292 = tpu.memref_squeeze %dma_wait3A_291 : memref<1x!tpu.dma_semaphore, #tpu.memory_space<semaphore_mem>> -> memref<!tpu.dma_semaphore, #tpu.memory_space<semaphore_mem>>
      tpu.wait_indirect_dma semaphore(%dma_wait3A_292 : memref<!tpu.dma_semaphore, #tpu.memory_space<semaphore_mem>>) src(%dma_wait3A_284 : memref<128x16xf32, #tpu.memory_space<vmem>>) dst(%dma_wait3A_290 : memref<10112x16xf32, #tpu.memory_space<vmem_shared>>)
      %add3A_293 = arith.constant 8 : i32
      %add3A_294 = arith.addi %add3A_250, %add3A_293 : i32
      %lt3A_295 = arith.constant 160 : i32
      %lt3A_296 = arith.cmpi slt, %add3A_294, %lt3A_295 : i32
      %convert_element_type3A_297 = arith.extui %lt3A_296 : i1 to i32
      %cond3A_298 = arith.constant 0 : i32
      %cond3A_299 = arith.cmpi ne, %convert_element_type3A_297, %cond3A_298 : i32
      scf.if %cond3A_299 {
        %add3A_565 = arith.constant 8 : i32
        %add3A_566 = arith.addi %add3A_250, %add3A_565 : i32
        %dma_start3A_567 = arith.constant 2 : i32
        %dma_start3A_568 = arith.constant 2 : i32
        %dma_start3A_569 = arith.constant 0 : i32
        %dma_start3A_570 = arith.constant 0 : i32
        %dma_start3A_571 = tpu.memref_slice %arg9[%dma_start3A_567, %dma_start3A_569, %dma_start3A_570] : memref<8x128x16xf32, #tpu.memory_space<vmem>> -> memref<1x128x16xf32, #tpu.memory_space<vmem>>
        %dma_start3A_572 = tpu.memref_squeeze %dma_start3A_571 : memref<1x128x16xf32, #tpu.memory_space<vmem>> -> memref<128x16xf32, #tpu.memory_space<vmem>>
        %dma_start3A_573 = arith.constant 0 : i32
        %dma_start3A_574 = tpu.memref_slice %arg7[%add3A_566, %dma_start3A_573] : memref<160x128xi32, #tpu.memory_space<vmem>> -> memref<1x128xi32, #tpu.memory_space<vmem>>
        %dma_start3A_575 = tpu.memref_squeeze %dma_start3A_574 : memref<1x128xi32, #tpu.memory_space<vmem>> -> memref<128xi32, #tpu.memory_space<vmem>>
        %dma_start3A_576 = arith.constant 0 : i32
        %dma_start3A_577 = arith.constant 0 : i32
        %dma_start3A_578 = tpu.memref_slice %arg11[%dma_start3A_576, %dma_start3A_577] : memref<10112x16xf32, #tpu.memory_space<vmem_shared>> -> memref<10112x16xf32, #tpu.memory_space<vmem_shared>>
        %dma_start3A_579 = tpu.memref_slice %arg14[%dma_start3A_568] : memref<8x!tpu.dma_semaphore, #tpu.memory_space<semaphore_mem>> -> memref<1x!tpu.dma_semaphore, #tpu.memory_space<semaphore_mem>>
        %dma_start3A_580 = tpu.memref_squeeze %dma_start3A_579 : memref<1x!tpu.dma_semaphore, #tpu.memory_space<semaphore_mem>> -> memref<!tpu.dma_semaphore, #tpu.memory_space<semaphore_mem>>
        tpu.enqueue_indirect_dma source(%dma_start3A_578 : memref<10112x16xf32, #tpu.memory_space<vmem_shared>>) target(%dma_start3A_572 : memref<128x16xf32, #tpu.memory_space<vmem>>) offsets(%dma_start3A_575 : memref<128xi32, #tpu.memory_space<vmem>>) semaphore(%dma_start3A_580 : memref<!tpu.dma_semaphore, #tpu.memory_space<semaphore_mem>>)
      } else {
      }
      %mul3A_300 = arith.constant 8 : i32
      %mul3A_301 = arith.muli %scan3A_143, %mul3A_300 : i32
      %add3A_302 = arith.constant 3 : i32
      %add3A_303 = arith.addi %mul3A_301, %add3A_302 : i32
      %dma_wait3A_304 = arith.constant 3 : i32
      %dma_wait3A_305 = arith.constant 3 : i32
      %dma_wait3A_306 = arith.constant 0 : i32
      %dma_wait3A_307 = arith.constant 0 : i32
      %dma_wait3A_308 = tpu.memref_slice %arg9[%dma_wait3A_304, %dma_wait3A_306, %dma_wait3A_307] : memref<8x128x16xf32, #tpu.memory_space<vmem>> -> memref<1x128x16xf32, #tpu.memory_space<vmem>>
      %dma_wait3A_309 = tpu.memref_squeeze %dma_wait3A_308 : memref<1x128x16xf32, #tpu.memory_space<vmem>> -> memref<128x16xf32, #tpu.memory_space<vmem>>
      %dma_wait3A_310 = arith.constant 0 : i32
      %dma_wait3A_311 = tpu.memref_slice %arg7[%add3A_303, %dma_wait3A_310] : memref<160x128xi32, #tpu.memory_space<vmem>> -> memref<1x128xi32, #tpu.memory_space<vmem>>
      %dma_wait3A_312 = tpu.memref_squeeze %dma_wait3A_311 : memref<1x128xi32, #tpu.memory_space<vmem>> -> memref<128xi32, #tpu.memory_space<vmem>>
      %dma_wait3A_313 = arith.constant 0 : i32
      %dma_wait3A_314 = arith.constant 0 : i32
      %dma_wait3A_315 = tpu.memref_slice %arg11[%dma_wait3A_313, %dma_wait3A_314] : memref<10112x16xf32, #tpu.memory_space<vmem_shared>> -> memref<10112x16xf32, #tpu.memory_space<vmem_shared>>
      %dma_wait3A_316 = tpu.memref_slice %arg14[%dma_wait3A_305] : memref<8x!tpu.dma_semaphore, #tpu.memory_space<semaphore_mem>> -> memref<1x!tpu.dma_semaphore, #tpu.memory_space<semaphore_mem>>
      %dma_wait3A_317 = tpu.memref_squeeze %dma_wait3A_316 : memref<1x!tpu.dma_semaphore, #tpu.memory_space<semaphore_mem>> -> memref<!tpu.dma_semaphore, #tpu.memory_space<semaphore_mem>>
      tpu.wait_indirect_dma semaphore(%dma_wait3A_317 : memref<!tpu.dma_semaphore, #tpu.memory_space<semaphore_mem>>) src(%dma_wait3A_315 : memref<10112x16xf32, #tpu.memory_space<vmem_shared>>) dst(%dma_wait3A_309 : memref<128x16xf32, #tpu.memory_space<vmem>>)
      %dma_start3A_318 = arith.constant 3 : i32
      %dma_start3A_319 = arith.constant 3 : i32
      %dma_start3A_320 = arith.constant 0 : i32
      %dma_start3A_321 = arith.constant 0 : i32
      %dma_start3A_322 = tpu.memref_slice %arg9[%dma_start3A_318, %dma_start3A_320, %dma_start3A_321] : memref<8x128x16xf32, #tpu.memory_space<vmem>> -> memref<1x128x16xf32, #tpu.memory_space<vmem>>
      %dma_start3A_323 = tpu.memref_squeeze %dma_start3A_322 : memref<1x128x16xf32, #tpu.memory_space<vmem>> -> memref<128x16xf32, #tpu.memory_space<vmem>>
      %dma_start3A_324 = arith.constant 0 : i32
      %dma_start3A_325 = tpu.memref_slice %arg8[%add3A_303, %dma_start3A_324] : memref<160x128xi32, #tpu.memory_space<vmem>> -> memref<1x128xi32, #tpu.memory_space<vmem>>
      %dma_start3A_326 = tpu.memref_squeeze %dma_start3A_325 : memref<1x128xi32, #tpu.memory_space<vmem>> -> memref<128xi32, #tpu.memory_space<vmem>>
      %dma_start3A_327 = arith.constant 0 : i32
      %dma_start3A_328 = arith.constant 0 : i32
      %dma_start3A_329 = tpu.memref_slice %arg10[%dma_start3A_327, %dma_start3A_328] : memref<10112x16xf32, #tpu.memory_space<vmem_shared>> -> memref<10112x16xf32, #tpu.memory_space<vmem_shared>>
      %dma_start3A_330 = tpu.memref_slice %arg15[%dma_start3A_319] : memref<8x!tpu.dma_semaphore, #tpu.memory_space<semaphore_mem>> -> memref<1x!tpu.dma_semaphore, #tpu.memory_space<semaphore_mem>>
      %dma_start3A_331 = tpu.memref_squeeze %dma_start3A_330 : memref<1x!tpu.dma_semaphore, #tpu.memory_space<semaphore_mem>> -> memref<!tpu.dma_semaphore, #tpu.memory_space<semaphore_mem>>
      tpu.enqueue_indirect_dma source(%dma_start3A_323 : memref<128x16xf32, #tpu.memory_space<vmem>>) target(%dma_start3A_329 : memref<10112x16xf32, #tpu.memory_space<vmem_shared>>) offsets(%dma_start3A_326 : memref<128xi32, #tpu.memory_space<vmem>>) semaphore(%dma_start3A_331 : memref<!tpu.dma_semaphore, #tpu.memory_space<semaphore_mem>>) {add = true}
      %dma_wait3A_332 = arith.constant 3 : i32
      %dma_wait3A_333 = arith.constant 3 : i32
      %dma_wait3A_334 = arith.constant 0 : i32
      %dma_wait3A_335 = arith.constant 0 : i32
      %dma_wait3A_336 = tpu.memref_slice %arg9[%dma_wait3A_332, %dma_wait3A_334, %dma_wait3A_335] : memref<8x128x16xf32, #tpu.memory_space<vmem>> -> memref<1x128x16xf32, #tpu.memory_space<vmem>>
      %dma_wait3A_337 = tpu.memref_squeeze %dma_wait3A_336 : memref<1x128x16xf32, #tpu.memory_space<vmem>> -> memref<128x16xf32, #tpu.memory_space<vmem>>
      %dma_wait3A_338 = arith.constant 0 : i32
      %dma_wait3A_339 = tpu.memref_slice %arg8[%add3A_303, %dma_wait3A_338] : memref<160x128xi32, #tpu.memory_space<vmem>> -> memref<1x128xi32, #tpu.memory_space<vmem>>
      %dma_wait3A_340 = tpu.memref_squeeze %dma_wait3A_339 : memref<1x128xi32, #tpu.memory_space<vmem>> -> memref<128xi32, #tpu.memory_space<vmem>>
      %dma_wait3A_341 = arith.constant 0 : i32
      %dma_wait3A_342 = arith.constant 0 : i32
      %dma_wait3A_343 = tpu.memref_slice %arg10[%dma_wait3A_341, %dma_wait3A_342] : memref<10112x16xf32, #tpu.memory_space<vmem_shared>> -> memref<10112x16xf32, #tpu.memory_space<vmem_shared>>
      %dma_wait3A_344 = tpu.memref_slice %arg15[%dma_wait3A_333] : memref<8x!tpu.dma_semaphore, #tpu.memory_space<semaphore_mem>> -> memref<1x!tpu.dma_semaphore, #tpu.memory_space<semaphore_mem>>
      %dma_wait3A_345 = tpu.memref_squeeze %dma_wait3A_344 : memref<1x!tpu.dma_semaphore, #tpu.memory_space<semaphore_mem>> -> memref<!tpu.dma_semaphore, #tpu.memory_space<semaphore_mem>>
      tpu.wait_indirect_dma semaphore(%dma_wait3A_345 : memref<!tpu.dma_semaphore, #tpu.memory_space<semaphore_mem>>) src(%dma_wait3A_337 : memref<128x16xf32, #tpu.memory_space<vmem>>) dst(%dma_wait3A_343 : memref<10112x16xf32, #tpu.memory_space<vmem_shared>>)
      %add3A_346 = arith.constant 8 : i32
      %add3A_347 = arith.addi %add3A_303, %add3A_346 : i32
      %lt3A_348 = arith.constant 160 : i32
      %lt3A_349 = arith.cmpi slt, %add3A_347, %lt3A_348 : i32
      %convert_element_type3A_350 = arith.extui %lt3A_349 : i1 to i32
      %cond3A_351 = arith.constant 0 : i32
      %cond3A_352 = arith.cmpi ne, %convert_element_type3A_350, %cond3A_351 : i32
      scf.if %cond3A_352 {
        %add3A_565 = arith.constant 8 : i32
        %add3A_566 = arith.addi %add3A_303, %add3A_565 : i32
        %dma_start3A_567 = arith.constant 3 : i32
        %dma_start3A_568 = arith.constant 3 : i32
        %dma_start3A_569 = arith.constant 0 : i32
        %dma_start3A_570 = arith.constant 0 : i32
        %dma_start3A_571 = tpu.memref_slice %arg9[%dma_start3A_567, %dma_start3A_569, %dma_start3A_570] : memref<8x128x16xf32, #tpu.memory_space<vmem>> -> memref<1x128x16xf32, #tpu.memory_space<vmem>>
        %dma_start3A_572 = tpu.memref_squeeze %dma_start3A_571 : memref<1x128x16xf32, #tpu.memory_space<vmem>> -> memref<128x16xf32, #tpu.memory_space<vmem>>
        %dma_start3A_573 = arith.constant 0 : i32
        %dma_start3A_574 = tpu.memref_slice %arg7[%add3A_566, %dma_start3A_573] : memref<160x128xi32, #tpu.memory_space<vmem>> -> memref<1x128xi32, #tpu.memory_space<vmem>>
        %dma_start3A_575 = tpu.memref_squeeze %dma_start3A_574 : memref<1x128xi32, #tpu.memory_space<vmem>> -> memref<128xi32, #tpu.memory_space<vmem>>
        %dma_start3A_576 = arith.constant 0 : i32
        %dma_start3A_577 = arith.constant 0 : i32
        %dma_start3A_578 = tpu.memref_slice %arg11[%dma_start3A_576, %dma_start3A_577] : memref<10112x16xf32, #tpu.memory_space<vmem_shared>> -> memref<10112x16xf32, #tpu.memory_space<vmem_shared>>
        %dma_start3A_579 = tpu.memref_slice %arg14[%dma_start3A_568] : memref<8x!tpu.dma_semaphore, #tpu.memory_space<semaphore_mem>> -> memref<1x!tpu.dma_semaphore, #tpu.memory_space<semaphore_mem>>
        %dma_start3A_580 = tpu.memref_squeeze %dma_start3A_579 : memref<1x!tpu.dma_semaphore, #tpu.memory_space<semaphore_mem>> -> memref<!tpu.dma_semaphore, #tpu.memory_space<semaphore_mem>>
        tpu.enqueue_indirect_dma source(%dma_start3A_578 : memref<10112x16xf32, #tpu.memory_space<vmem_shared>>) target(%dma_start3A_572 : memref<128x16xf32, #tpu.memory_space<vmem>>) offsets(%dma_start3A_575 : memref<128xi32, #tpu.memory_space<vmem>>) semaphore(%dma_start3A_580 : memref<!tpu.dma_semaphore, #tpu.memory_space<semaphore_mem>>)
      } else {
      }
      %mul3A_353 = arith.constant 8 : i32
      %mul3A_354 = arith.muli %scan3A_143, %mul3A_353 : i32
      %add3A_355 = arith.constant 4 : i32
      %add3A_356 = arith.addi %mul3A_354, %add3A_355 : i32
      %dma_wait3A_357 = arith.constant 4 : i32
      %dma_wait3A_358 = arith.constant 4 : i32
      %dma_wait3A_359 = arith.constant 0 : i32
      %dma_wait3A_360 = arith.constant 0 : i32
      %dma_wait3A_361 = tpu.memref_slice %arg9[%dma_wait3A_357, %dma_wait3A_359, %dma_wait3A_360] : memref<8x128x16xf32, #tpu.memory_space<vmem>> -> memref<1x128x16xf32, #tpu.memory_space<vmem>>
      %dma_wait3A_362 = tpu.memref_squeeze %dma_wait3A_361 : memref<1x128x16xf32, #tpu.memory_space<vmem>> -> memref<128x16xf32, #tpu.memory_space<vmem>>
      %dma_wait3A_363 = arith.constant 0 : i32
      %dma_wait3A_364 = tpu.memref_slice %arg7[%add3A_356, %dma_wait3A_363] : memref<160x128xi32, #tpu.memory_space<vmem>> -> memref<1x128xi32, #tpu.memory_space<vmem>>
      %dma_wait3A_365 = tpu.memref_squeeze %dma_wait3A_364 : memref<1x128xi32, #tpu.memory_space<vmem>> -> memref<128xi32, #tpu.memory_space<vmem>>
      %dma_wait3A_366 = arith.constant 0 : i32
      %dma_wait3A_367 = arith.constant 0 : i32
      %dma_wait3A_368 = tpu.memref_slice %arg11[%dma_wait3A_366, %dma_wait3A_367] : memref<10112x16xf32, #tpu.memory_space<vmem_shared>> -> memref<10112x16xf32, #tpu.memory_space<vmem_shared>>
      %dma_wait3A_369 = tpu.memref_slice %arg14[%dma_wait3A_358] : memref<8x!tpu.dma_semaphore, #tpu.memory_space<semaphore_mem>> -> memref<1x!tpu.dma_semaphore, #tpu.memory_space<semaphore_mem>>
      %dma_wait3A_370 = tpu.memref_squeeze %dma_wait3A_369 : memref<1x!tpu.dma_semaphore, #tpu.memory_space<semaphore_mem>> -> memref<!tpu.dma_semaphore, #tpu.memory_space<semaphore_mem>>
      tpu.wait_indirect_dma semaphore(%dma_wait3A_370 : memref<!tpu.dma_semaphore, #tpu.memory_space<semaphore_mem>>) src(%dma_wait3A_368 : memref<10112x16xf32, #tpu.memory_space<vmem_shared>>) dst(%dma_wait3A_362 : memref<128x16xf32, #tpu.memory_space<vmem>>)
      %dma_start3A_371 = arith.constant 4 : i32
      %dma_start3A_372 = arith.constant 4 : i32
      %dma_start3A_373 = arith.constant 0 : i32
      %dma_start3A_374 = arith.constant 0 : i32
      %dma_start3A_375 = tpu.memref_slice %arg9[%dma_start3A_371, %dma_start3A_373, %dma_start3A_374] : memref<8x128x16xf32, #tpu.memory_space<vmem>> -> memref<1x128x16xf32, #tpu.memory_space<vmem>>
      %dma_start3A_376 = tpu.memref_squeeze %dma_start3A_375 : memref<1x128x16xf32, #tpu.memory_space<vmem>> -> memref<128x16xf32, #tpu.memory_space<vmem>>
      %dma_start3A_377 = arith.constant 0 : i32
      %dma_start3A_378 = tpu.memref_slice %arg8[%add3A_356, %dma_start3A_377] : memref<160x128xi32, #tpu.memory_space<vmem>> -> memref<1x128xi32, #tpu.memory_space<vmem>>
      %dma_start3A_379 = tpu.memref_squeeze %dma_start3A_378 : memref<1x128xi32, #tpu.memory_space<vmem>> -> memref<128xi32, #tpu.memory_space<vmem>>
      %dma_start3A_380 = arith.constant 0 : i32
      %dma_start3A_381 = arith.constant 0 : i32
      %dma_start3A_382 = tpu.memref_slice %arg10[%dma_start3A_380, %dma_start3A_381] : memref<10112x16xf32, #tpu.memory_space<vmem_shared>> -> memref<10112x16xf32, #tpu.memory_space<vmem_shared>>
      %dma_start3A_383 = tpu.memref_slice %arg15[%dma_start3A_372] : memref<8x!tpu.dma_semaphore, #tpu.memory_space<semaphore_mem>> -> memref<1x!tpu.dma_semaphore, #tpu.memory_space<semaphore_mem>>
      %dma_start3A_384 = tpu.memref_squeeze %dma_start3A_383 : memref<1x!tpu.dma_semaphore, #tpu.memory_space<semaphore_mem>> -> memref<!tpu.dma_semaphore, #tpu.memory_space<semaphore_mem>>
      tpu.enqueue_indirect_dma source(%dma_start3A_376 : memref<128x16xf32, #tpu.memory_space<vmem>>) target(%dma_start3A_382 : memref<10112x16xf32, #tpu.memory_space<vmem_shared>>) offsets(%dma_start3A_379 : memref<128xi32, #tpu.memory_space<vmem>>) semaphore(%dma_start3A_384 : memref<!tpu.dma_semaphore, #tpu.memory_space<semaphore_mem>>) {add = true}
      %dma_wait3A_385 = arith.constant 4 : i32
      %dma_wait3A_386 = arith.constant 4 : i32
      %dma_wait3A_387 = arith.constant 0 : i32
      %dma_wait3A_388 = arith.constant 0 : i32
      %dma_wait3A_389 = tpu.memref_slice %arg9[%dma_wait3A_385, %dma_wait3A_387, %dma_wait3A_388] : memref<8x128x16xf32, #tpu.memory_space<vmem>> -> memref<1x128x16xf32, #tpu.memory_space<vmem>>
      %dma_wait3A_390 = tpu.memref_squeeze %dma_wait3A_389 : memref<1x128x16xf32, #tpu.memory_space<vmem>> -> memref<128x16xf32, #tpu.memory_space<vmem>>
      %dma_wait3A_391 = arith.constant 0 : i32
      %dma_wait3A_392 = tpu.memref_slice %arg8[%add3A_356, %dma_wait3A_391] : memref<160x128xi32, #tpu.memory_space<vmem>> -> memref<1x128xi32, #tpu.memory_space<vmem>>
      %dma_wait3A_393 = tpu.memref_squeeze %dma_wait3A_392 : memref<1x128xi32, #tpu.memory_space<vmem>> -> memref<128xi32, #tpu.memory_space<vmem>>
      %dma_wait3A_394 = arith.constant 0 : i32
      %dma_wait3A_395 = arith.constant 0 : i32
      %dma_wait3A_396 = tpu.memref_slice %arg10[%dma_wait3A_394, %dma_wait3A_395] : memref<10112x16xf32, #tpu.memory_space<vmem_shared>> -> memref<10112x16xf32, #tpu.memory_space<vmem_shared>>
      %dma_wait3A_397 = tpu.memref_slice %arg15[%dma_wait3A_386] : memref<8x!tpu.dma_semaphore, #tpu.memory_space<semaphore_mem>> -> memref<1x!tpu.dma_semaphore, #tpu.memory_space<semaphore_mem>>
      %dma_wait3A_398 = tpu.memref_squeeze %dma_wait3A_397 : memref<1x!tpu.dma_semaphore, #tpu.memory_space<semaphore_mem>> -> memref<!tpu.dma_semaphore, #tpu.memory_space<semaphore_mem>>
      tpu.wait_indirect_dma semaphore(%dma_wait3A_398 : memref<!tpu.dma_semaphore, #tpu.memory_space<semaphore_mem>>) src(%dma_wait3A_390 : memref<128x16xf32, #tpu.memory_space<vmem>>) dst(%dma_wait3A_396 : memref<10112x16xf32, #tpu.memory_space<vmem_shared>>)
      %add3A_399 = arith.constant 8 : i32
      %add3A_400 = arith.addi %add3A_356, %add3A_399 : i32
      %lt3A_401 = arith.constant 160 : i32
      %lt3A_402 = arith.cmpi slt, %add3A_400, %lt3A_401 : i32
      %convert_element_type3A_403 = arith.extui %lt3A_402 : i1 to i32
      %cond3A_404 = arith.constant 0 : i32
      %cond3A_405 = arith.cmpi ne, %convert_element_type3A_403, %cond3A_404 : i32
      scf.if %cond3A_405 {
        %add3A_565 = arith.constant 8 : i32
        %add3A_566 = arith.addi %add3A_356, %add3A_565 : i32
        %dma_start3A_567 = arith.constant 4 : i32
        %dma_start3A_568 = arith.constant 4 : i32
        %dma_start3A_569 = arith.constant 0 : i32
        %dma_start3A_570 = arith.constant 0 : i32
        %dma_start3A_571 = tpu.memref_slice %arg9[%dma_start3A_567, %dma_start3A_569, %dma_start3A_570] : memref<8x128x16xf32, #tpu.memory_space<vmem>> -> memref<1x128x16xf32, #tpu.memory_space<vmem>>
        %dma_start3A_572 = tpu.memref_squeeze %dma_start3A_571 : memref<1x128x16xf32, #tpu.memory_space<vmem>> -> memref<128x16xf32, #tpu.memory_space<vmem>>
        %dma_start3A_573 = arith.constant 0 : i32
        %dma_start3A_574 = tpu.memref_slice %arg7[%add3A_566, %dma_start3A_573] : memref<160x128xi32, #tpu.memory_space<vmem>> -> memref<1x128xi32, #tpu.memory_space<vmem>>
        %dma_start3A_575 = tpu.memref_squeeze %dma_start3A_574 : memref<1x128xi32, #tpu.memory_space<vmem>> -> memref<128xi32, #tpu.memory_space<vmem>>
        %dma_start3A_576 = arith.constant 0 : i32
        %dma_start3A_577 = arith.constant 0 : i32
        %dma_start3A_578 = tpu.memref_slice %arg11[%dma_start3A_576, %dma_start3A_577] : memref<10112x16xf32, #tpu.memory_space<vmem_shared>> -> memref<10112x16xf32, #tpu.memory_space<vmem_shared>>
        %dma_start3A_579 = tpu.memref_slice %arg14[%dma_start3A_568] : memref<8x!tpu.dma_semaphore, #tpu.memory_space<semaphore_mem>> -> memref<1x!tpu.dma_semaphore, #tpu.memory_space<semaphore_mem>>
        %dma_start3A_580 = tpu.memref_squeeze %dma_start3A_579 : memref<1x!tpu.dma_semaphore, #tpu.memory_space<semaphore_mem>> -> memref<!tpu.dma_semaphore, #tpu.memory_space<semaphore_mem>>
        tpu.enqueue_indirect_dma source(%dma_start3A_578 : memref<10112x16xf32, #tpu.memory_space<vmem_shared>>) target(%dma_start3A_572 : memref<128x16xf32, #tpu.memory_space<vmem>>) offsets(%dma_start3A_575 : memref<128xi32, #tpu.memory_space<vmem>>) semaphore(%dma_start3A_580 : memref<!tpu.dma_semaphore, #tpu.memory_space<semaphore_mem>>)
      } else {
      }
      %mul3A_406 = arith.constant 8 : i32
      %mul3A_407 = arith.muli %scan3A_143, %mul3A_406 : i32
      %add3A_408 = arith.constant 5 : i32
      %add3A_409 = arith.addi %mul3A_407, %add3A_408 : i32
      %dma_wait3A_410 = arith.constant 5 : i32
      %dma_wait3A_411 = arith.constant 5 : i32
      %dma_wait3A_412 = arith.constant 0 : i32
      %dma_wait3A_413 = arith.constant 0 : i32
      %dma_wait3A_414 = tpu.memref_slice %arg9[%dma_wait3A_410, %dma_wait3A_412, %dma_wait3A_413] : memref<8x128x16xf32, #tpu.memory_space<vmem>> -> memref<1x128x16xf32, #tpu.memory_space<vmem>>
      %dma_wait3A_415 = tpu.memref_squeeze %dma_wait3A_414 : memref<1x128x16xf32, #tpu.memory_space<vmem>> -> memref<128x16xf32, #tpu.memory_space<vmem>>
      %dma_wait3A_416 = arith.constant 0 : i32
      %dma_wait3A_417 = tpu.memref_slice %arg7[%add3A_409, %dma_wait3A_416] : memref<160x128xi32, #tpu.memory_space<vmem>> -> memref<1x128xi32, #tpu.memory_space<vmem>>
      %dma_wait3A_418 = tpu.memref_squeeze %dma_wait3A_417 : memref<1x128xi32, #tpu.memory_space<vmem>> -> memref<128xi32, #tpu.memory_space<vmem>>
      %dma_wait3A_419 = arith.constant 0 : i32
      %dma_wait3A_420 = arith.constant 0 : i32
      %dma_wait3A_421 = tpu.memref_slice %arg11[%dma_wait3A_419, %dma_wait3A_420] : memref<10112x16xf32, #tpu.memory_space<vmem_shared>> -> memref<10112x16xf32, #tpu.memory_space<vmem_shared>>
      %dma_wait3A_422 = tpu.memref_slice %arg14[%dma_wait3A_411] : memref<8x!tpu.dma_semaphore, #tpu.memory_space<semaphore_mem>> -> memref<1x!tpu.dma_semaphore, #tpu.memory_space<semaphore_mem>>
      %dma_wait3A_423 = tpu.memref_squeeze %dma_wait3A_422 : memref<1x!tpu.dma_semaphore, #tpu.memory_space<semaphore_mem>> -> memref<!tpu.dma_semaphore, #tpu.memory_space<semaphore_mem>>
      tpu.wait_indirect_dma semaphore(%dma_wait3A_423 : memref<!tpu.dma_semaphore, #tpu.memory_space<semaphore_mem>>) src(%dma_wait3A_421 : memref<10112x16xf32, #tpu.memory_space<vmem_shared>>) dst(%dma_wait3A_415 : memref<128x16xf32, #tpu.memory_space<vmem>>)
      %dma_start3A_424 = arith.constant 5 : i32
      %dma_start3A_425 = arith.constant 5 : i32
      %dma_start3A_426 = arith.constant 0 : i32
      %dma_start3A_427 = arith.constant 0 : i32
      %dma_start3A_428 = tpu.memref_slice %arg9[%dma_start3A_424, %dma_start3A_426, %dma_start3A_427] : memref<8x128x16xf32, #tpu.memory_space<vmem>> -> memref<1x128x16xf32, #tpu.memory_space<vmem>>
      %dma_start3A_429 = tpu.memref_squeeze %dma_start3A_428 : memref<1x128x16xf32, #tpu.memory_space<vmem>> -> memref<128x16xf32, #tpu.memory_space<vmem>>
      %dma_start3A_430 = arith.constant 0 : i32
      %dma_start3A_431 = tpu.memref_slice %arg8[%add3A_409, %dma_start3A_430] : memref<160x128xi32, #tpu.memory_space<vmem>> -> memref<1x128xi32, #tpu.memory_space<vmem>>
      %dma_start3A_432 = tpu.memref_squeeze %dma_start3A_431 : memref<1x128xi32, #tpu.memory_space<vmem>> -> memref<128xi32, #tpu.memory_space<vmem>>
      %dma_start3A_433 = arith.constant 0 : i32
      %dma_start3A_434 = arith.constant 0 : i32
      %dma_start3A_435 = tpu.memref_slice %arg10[%dma_start3A_433, %dma_start3A_434] : memref<10112x16xf32, #tpu.memory_space<vmem_shared>> -> memref<10112x16xf32, #tpu.memory_space<vmem_shared>>
      %dma_start3A_436 = tpu.memref_slice %arg15[%dma_start3A_425] : memref<8x!tpu.dma_semaphore, #tpu.memory_space<semaphore_mem>> -> memref<1x!tpu.dma_semaphore, #tpu.memory_space<semaphore_mem>>
      %dma_start3A_437 = tpu.memref_squeeze %dma_start3A_436 : memref<1x!tpu.dma_semaphore, #tpu.memory_space<semaphore_mem>> -> memref<!tpu.dma_semaphore, #tpu.memory_space<semaphore_mem>>
      tpu.enqueue_indirect_dma source(%dma_start3A_429 : memref<128x16xf32, #tpu.memory_space<vmem>>) target(%dma_start3A_435 : memref<10112x16xf32, #tpu.memory_space<vmem_shared>>) offsets(%dma_start3A_432 : memref<128xi32, #tpu.memory_space<vmem>>) semaphore(%dma_start3A_437 : memref<!tpu.dma_semaphore, #tpu.memory_space<semaphore_mem>>) {add = true}
      %dma_wait3A_438 = arith.constant 5 : i32
      %dma_wait3A_439 = arith.constant 5 : i32
      %dma_wait3A_440 = arith.constant 0 : i32
      %dma_wait3A_441 = arith.constant 0 : i32
      %dma_wait3A_442 = tpu.memref_slice %arg9[%dma_wait3A_438, %dma_wait3A_440, %dma_wait3A_441] : memref<8x128x16xf32, #tpu.memory_space<vmem>> -> memref<1x128x16xf32, #tpu.memory_space<vmem>>
      %dma_wait3A_443 = tpu.memref_squeeze %dma_wait3A_442 : memref<1x128x16xf32, #tpu.memory_space<vmem>> -> memref<128x16xf32, #tpu.memory_space<vmem>>
      %dma_wait3A_444 = arith.constant 0 : i32
      %dma_wait3A_445 = tpu.memref_slice %arg8[%add3A_409, %dma_wait3A_444] : memref<160x128xi32, #tpu.memory_space<vmem>> -> memref<1x128xi32, #tpu.memory_space<vmem>>
      %dma_wait3A_446 = tpu.memref_squeeze %dma_wait3A_445 : memref<1x128xi32, #tpu.memory_space<vmem>> -> memref<128xi32, #tpu.memory_space<vmem>>
      %dma_wait3A_447 = arith.constant 0 : i32
      %dma_wait3A_448 = arith.constant 0 : i32
      %dma_wait3A_449 = tpu.memref_slice %arg10[%dma_wait3A_447, %dma_wait3A_448] : memref<10112x16xf32, #tpu.memory_space<vmem_shared>> -> memref<10112x16xf32, #tpu.memory_space<vmem_shared>>
      %dma_wait3A_450 = tpu.memref_slice %arg15[%dma_wait3A_439] : memref<8x!tpu.dma_semaphore, #tpu.memory_space<semaphore_mem>> -> memref<1x!tpu.dma_semaphore, #tpu.memory_space<semaphore_mem>>
      %dma_wait3A_451 = tpu.memref_squeeze %dma_wait3A_450 : memref<1x!tpu.dma_semaphore, #tpu.memory_space<semaphore_mem>> -> memref<!tpu.dma_semaphore, #tpu.memory_space<semaphore_mem>>
      tpu.wait_indirect_dma semaphore(%dma_wait3A_451 : memref<!tpu.dma_semaphore, #tpu.memory_space<semaphore_mem>>) src(%dma_wait3A_443 : memref<128x16xf32, #tpu.memory_space<vmem>>) dst(%dma_wait3A_449 : memref<10112x16xf32, #tpu.memory_space<vmem_shared>>)
      %add3A_452 = arith.constant 8 : i32
      %add3A_453 = arith.addi %add3A_409, %add3A_452 : i32
      %lt3A_454 = arith.constant 160 : i32
      %lt3A_455 = arith.cmpi slt, %add3A_453, %lt3A_454 : i32
      %convert_element_type3A_456 = arith.extui %lt3A_455 : i1 to i32
      %cond3A_457 = arith.constant 0 : i32
      %cond3A_458 = arith.cmpi ne, %convert_element_type3A_456, %cond3A_457 : i32
      scf.if %cond3A_458 {
        %add3A_565 = arith.constant 8 : i32
        %add3A_566 = arith.addi %add3A_409, %add3A_565 : i32
        %dma_start3A_567 = arith.constant 5 : i32
        %dma_start3A_568 = arith.constant 5 : i32
        %dma_start3A_569 = arith.constant 0 : i32
        %dma_start3A_570 = arith.constant 0 : i32
        %dma_start3A_571 = tpu.memref_slice %arg9[%dma_start3A_567, %dma_start3A_569, %dma_start3A_570] : memref<8x128x16xf32, #tpu.memory_space<vmem>> -> memref<1x128x16xf32, #tpu.memory_space<vmem>>
        %dma_start3A_572 = tpu.memref_squeeze %dma_start3A_571 : memref<1x128x16xf32, #tpu.memory_space<vmem>> -> memref<128x16xf32, #tpu.memory_space<vmem>>
        %dma_start3A_573 = arith.constant 0 : i32
        %dma_start3A_574 = tpu.memref_slice %arg7[%add3A_566, %dma_start3A_573] : memref<160x128xi32, #tpu.memory_space<vmem>> -> memref<1x128xi32, #tpu.memory_space<vmem>>
        %dma_start3A_575 = tpu.memref_squeeze %dma_start3A_574 : memref<1x128xi32, #tpu.memory_space<vmem>> -> memref<128xi32, #tpu.memory_space<vmem>>
        %dma_start3A_576 = arith.constant 0 : i32
        %dma_start3A_577 = arith.constant 0 : i32
        %dma_start3A_578 = tpu.memref_slice %arg11[%dma_start3A_576, %dma_start3A_577] : memref<10112x16xf32, #tpu.memory_space<vmem_shared>> -> memref<10112x16xf32, #tpu.memory_space<vmem_shared>>
        %dma_start3A_579 = tpu.memref_slice %arg14[%dma_start3A_568] : memref<8x!tpu.dma_semaphore, #tpu.memory_space<semaphore_mem>> -> memref<1x!tpu.dma_semaphore, #tpu.memory_space<semaphore_mem>>
        %dma_start3A_580 = tpu.memref_squeeze %dma_start3A_579 : memref<1x!tpu.dma_semaphore, #tpu.memory_space<semaphore_mem>> -> memref<!tpu.dma_semaphore, #tpu.memory_space<semaphore_mem>>
        tpu.enqueue_indirect_dma source(%dma_start3A_578 : memref<10112x16xf32, #tpu.memory_space<vmem_shared>>) target(%dma_start3A_572 : memref<128x16xf32, #tpu.memory_space<vmem>>) offsets(%dma_start3A_575 : memref<128xi32, #tpu.memory_space<vmem>>) semaphore(%dma_start3A_580 : memref<!tpu.dma_semaphore, #tpu.memory_space<semaphore_mem>>)
      } else {
      }
      %mul3A_459 = arith.constant 8 : i32
      %mul3A_460 = arith.muli %scan3A_143, %mul3A_459 : i32
      %add3A_461 = arith.constant 6 : i32
      %add3A_462 = arith.addi %mul3A_460, %add3A_461 : i32
      %dma_wait3A_463 = arith.constant 6 : i32
      %dma_wait3A_464 = arith.constant 6 : i32
      %dma_wait3A_465 = arith.constant 0 : i32
      %dma_wait3A_466 = arith.constant 0 : i32
      %dma_wait3A_467 = tpu.memref_slice %arg9[%dma_wait3A_463, %dma_wait3A_465, %dma_wait3A_466] : memref<8x128x16xf32, #tpu.memory_space<vmem>> -> memref<1x128x16xf32, #tpu.memory_space<vmem>>
      %dma_wait3A_468 = tpu.memref_squeeze %dma_wait3A_467 : memref<1x128x16xf32, #tpu.memory_space<vmem>> -> memref<128x16xf32, #tpu.memory_space<vmem>>
      %dma_wait3A_469 = arith.constant 0 : i32
      %dma_wait3A_470 = tpu.memref_slice %arg7[%add3A_462, %dma_wait3A_469] : memref<160x128xi32, #tpu.memory_space<vmem>> -> memref<1x128xi32, #tpu.memory_space<vmem>>
      %dma_wait3A_471 = tpu.memref_squeeze %dma_wait3A_470 : memref<1x128xi32, #tpu.memory_space<vmem>> -> memref<128xi32, #tpu.memory_space<vmem>>
      %dma_wait3A_472 = arith.constant 0 : i32
      %dma_wait3A_473 = arith.constant 0 : i32
      %dma_wait3A_474 = tpu.memref_slice %arg11[%dma_wait3A_472, %dma_wait3A_473] : memref<10112x16xf32, #tpu.memory_space<vmem_shared>> -> memref<10112x16xf32, #tpu.memory_space<vmem_shared>>
      %dma_wait3A_475 = tpu.memref_slice %arg14[%dma_wait3A_464] : memref<8x!tpu.dma_semaphore, #tpu.memory_space<semaphore_mem>> -> memref<1x!tpu.dma_semaphore, #tpu.memory_space<semaphore_mem>>
      %dma_wait3A_476 = tpu.memref_squeeze %dma_wait3A_475 : memref<1x!tpu.dma_semaphore, #tpu.memory_space<semaphore_mem>> -> memref<!tpu.dma_semaphore, #tpu.memory_space<semaphore_mem>>
      tpu.wait_indirect_dma semaphore(%dma_wait3A_476 : memref<!tpu.dma_semaphore, #tpu.memory_space<semaphore_mem>>) src(%dma_wait3A_474 : memref<10112x16xf32, #tpu.memory_space<vmem_shared>>) dst(%dma_wait3A_468 : memref<128x16xf32, #tpu.memory_space<vmem>>)
      %dma_start3A_477 = arith.constant 6 : i32
      %dma_start3A_478 = arith.constant 6 : i32
      %dma_start3A_479 = arith.constant 0 : i32
      %dma_start3A_480 = arith.constant 0 : i32
      %dma_start3A_481 = tpu.memref_slice %arg9[%dma_start3A_477, %dma_start3A_479, %dma_start3A_480] : memref<8x128x16xf32, #tpu.memory_space<vmem>> -> memref<1x128x16xf32, #tpu.memory_space<vmem>>
      %dma_start3A_482 = tpu.memref_squeeze %dma_start3A_481 : memref<1x128x16xf32, #tpu.memory_space<vmem>> -> memref<128x16xf32, #tpu.memory_space<vmem>>
      %dma_start3A_483 = arith.constant 0 : i32
      %dma_start3A_484 = tpu.memref_slice %arg8[%add3A_462, %dma_start3A_483] : memref<160x128xi32, #tpu.memory_space<vmem>> -> memref<1x128xi32, #tpu.memory_space<vmem>>
      %dma_start3A_485 = tpu.memref_squeeze %dma_start3A_484 : memref<1x128xi32, #tpu.memory_space<vmem>> -> memref<128xi32, #tpu.memory_space<vmem>>
      %dma_start3A_486 = arith.constant 0 : i32
      %dma_start3A_487 = arith.constant 0 : i32
      %dma_start3A_488 = tpu.memref_slice %arg10[%dma_start3A_486, %dma_start3A_487] : memref<10112x16xf32, #tpu.memory_space<vmem_shared>> -> memref<10112x16xf32, #tpu.memory_space<vmem_shared>>
      %dma_start3A_489 = tpu.memref_slice %arg15[%dma_start3A_478] : memref<8x!tpu.dma_semaphore, #tpu.memory_space<semaphore_mem>> -> memref<1x!tpu.dma_semaphore, #tpu.memory_space<semaphore_mem>>
      %dma_start3A_490 = tpu.memref_squeeze %dma_start3A_489 : memref<1x!tpu.dma_semaphore, #tpu.memory_space<semaphore_mem>> -> memref<!tpu.dma_semaphore, #tpu.memory_space<semaphore_mem>>
      tpu.enqueue_indirect_dma source(%dma_start3A_482 : memref<128x16xf32, #tpu.memory_space<vmem>>) target(%dma_start3A_488 : memref<10112x16xf32, #tpu.memory_space<vmem_shared>>) offsets(%dma_start3A_485 : memref<128xi32, #tpu.memory_space<vmem>>) semaphore(%dma_start3A_490 : memref<!tpu.dma_semaphore, #tpu.memory_space<semaphore_mem>>) {add = true}
      %dma_wait3A_491 = arith.constant 6 : i32
      %dma_wait3A_492 = arith.constant 6 : i32
      %dma_wait3A_493 = arith.constant 0 : i32
      %dma_wait3A_494 = arith.constant 0 : i32
      %dma_wait3A_495 = tpu.memref_slice %arg9[%dma_wait3A_491, %dma_wait3A_493, %dma_wait3A_494] : memref<8x128x16xf32, #tpu.memory_space<vmem>> -> memref<1x128x16xf32, #tpu.memory_space<vmem>>
      %dma_wait3A_496 = tpu.memref_squeeze %dma_wait3A_495 : memref<1x128x16xf32, #tpu.memory_space<vmem>> -> memref<128x16xf32, #tpu.memory_space<vmem>>
      %dma_wait3A_497 = arith.constant 0 : i32
      %dma_wait3A_498 = tpu.memref_slice %arg8[%add3A_462, %dma_wait3A_497] : memref<160x128xi32, #tpu.memory_space<vmem>> -> memref<1x128xi32, #tpu.memory_space<vmem>>
      %dma_wait3A_499 = tpu.memref_squeeze %dma_wait3A_498 : memref<1x128xi32, #tpu.memory_space<vmem>> -> memref<128xi32, #tpu.memory_space<vmem>>
      %dma_wait3A_500 = arith.constant 0 : i32
      %dma_wait3A_501 = arith.constant 0 : i32
      %dma_wait3A_502 = tpu.memref_slice %arg10[%dma_wait3A_500, %dma_wait3A_501] : memref<10112x16xf32, #tpu.memory_space<vmem_shared>> -> memref<10112x16xf32, #tpu.memory_space<vmem_shared>>
      %dma_wait3A_503 = tpu.memref_slice %arg15[%dma_wait3A_492] : memref<8x!tpu.dma_semaphore, #tpu.memory_space<semaphore_mem>> -> memref<1x!tpu.dma_semaphore, #tpu.memory_space<semaphore_mem>>
      %dma_wait3A_504 = tpu.memref_squeeze %dma_wait3A_503 : memref<1x!tpu.dma_semaphore, #tpu.memory_space<semaphore_mem>> -> memref<!tpu.dma_semaphore, #tpu.memory_space<semaphore_mem>>
      tpu.wait_indirect_dma semaphore(%dma_wait3A_504 : memref<!tpu.dma_semaphore, #tpu.memory_space<semaphore_mem>>) src(%dma_wait3A_496 : memref<128x16xf32, #tpu.memory_space<vmem>>) dst(%dma_wait3A_502 : memref<10112x16xf32, #tpu.memory_space<vmem_shared>>)
      %add3A_505 = arith.constant 8 : i32
      %add3A_506 = arith.addi %add3A_462, %add3A_505 : i32
      %lt3A_507 = arith.constant 160 : i32
      %lt3A_508 = arith.cmpi slt, %add3A_506, %lt3A_507 : i32
      %convert_element_type3A_509 = arith.extui %lt3A_508 : i1 to i32
      %cond3A_510 = arith.constant 0 : i32
      %cond3A_511 = arith.cmpi ne, %convert_element_type3A_509, %cond3A_510 : i32
      scf.if %cond3A_511 {
        %add3A_565 = arith.constant 8 : i32
        %add3A_566 = arith.addi %add3A_462, %add3A_565 : i32
        %dma_start3A_567 = arith.constant 6 : i32
        %dma_start3A_568 = arith.constant 6 : i32
        %dma_start3A_569 = arith.constant 0 : i32
        %dma_start3A_570 = arith.constant 0 : i32
        %dma_start3A_571 = tpu.memref_slice %arg9[%dma_start3A_567, %dma_start3A_569, %dma_start3A_570] : memref<8x128x16xf32, #tpu.memory_space<vmem>> -> memref<1x128x16xf32, #tpu.memory_space<vmem>>
        %dma_start3A_572 = tpu.memref_squeeze %dma_start3A_571 : memref<1x128x16xf32, #tpu.memory_space<vmem>> -> memref<128x16xf32, #tpu.memory_space<vmem>>
        %dma_start3A_573 = arith.constant 0 : i32
        %dma_start3A_574 = tpu.memref_slice %arg7[%add3A_566, %dma_start3A_573] : memref<160x128xi32, #tpu.memory_space<vmem>> -> memref<1x128xi32, #tpu.memory_space<vmem>>
        %dma_start3A_575 = tpu.memref_squeeze %dma_start3A_574 : memref<1x128xi32, #tpu.memory_space<vmem>> -> memref<128xi32, #tpu.memory_space<vmem>>
        %dma_start3A_576 = arith.constant 0 : i32
        %dma_start3A_577 = arith.constant 0 : i32
        %dma_start3A_578 = tpu.memref_slice %arg11[%dma_start3A_576, %dma_start3A_577] : memref<10112x16xf32, #tpu.memory_space<vmem_shared>> -> memref<10112x16xf32, #tpu.memory_space<vmem_shared>>
        %dma_start3A_579 = tpu.memref_slice %arg14[%dma_start3A_568] : memref<8x!tpu.dma_semaphore, #tpu.memory_space<semaphore_mem>> -> memref<1x!tpu.dma_semaphore, #tpu.memory_space<semaphore_mem>>
        %dma_start3A_580 = tpu.memref_squeeze %dma_start3A_579 : memref<1x!tpu.dma_semaphore, #tpu.memory_space<semaphore_mem>> -> memref<!tpu.dma_semaphore, #tpu.memory_space<semaphore_mem>>
        tpu.enqueue_indirect_dma source(%dma_start3A_578 : memref<10112x16xf32, #tpu.memory_space<vmem_shared>>) target(%dma_start3A_572 : memref<128x16xf32, #tpu.memory_space<vmem>>) offsets(%dma_start3A_575 : memref<128xi32, #tpu.memory_space<vmem>>) semaphore(%dma_start3A_580 : memref<!tpu.dma_semaphore, #tpu.memory_space<semaphore_mem>>)
      } else {
      }
      %mul3A_512 = arith.constant 8 : i32
      %mul3A_513 = arith.muli %scan3A_143, %mul3A_512 : i32
      %add3A_514 = arith.constant 7 : i32
      %add3A_515 = arith.addi %mul3A_513, %add3A_514 : i32
      %dma_wait3A_516 = arith.constant 7 : i32
      %dma_wait3A_517 = arith.constant 7 : i32
      %dma_wait3A_518 = arith.constant 0 : i32
      %dma_wait3A_519 = arith.constant 0 : i32
      %dma_wait3A_520 = tpu.memref_slice %arg9[%dma_wait3A_516, %dma_wait3A_518, %dma_wait3A_519] : memref<8x128x16xf32, #tpu.memory_space<vmem>> -> memref<1x128x16xf32, #tpu.memory_space<vmem>>
      %dma_wait3A_521 = tpu.memref_squeeze %dma_wait3A_520 : memref<1x128x16xf32, #tpu.memory_space<vmem>> -> memref<128x16xf32, #tpu.memory_space<vmem>>
      %dma_wait3A_522 = arith.constant 0 : i32
      %dma_wait3A_523 = tpu.memref_slice %arg7[%add3A_515, %dma_wait3A_522] : memref<160x128xi32, #tpu.memory_space<vmem>> -> memref<1x128xi32, #tpu.memory_space<vmem>>
      %dma_wait3A_524 = tpu.memref_squeeze %dma_wait3A_523 : memref<1x128xi32, #tpu.memory_space<vmem>> -> memref<128xi32, #tpu.memory_space<vmem>>
      %dma_wait3A_525 = arith.constant 0 : i32
      %dma_wait3A_526 = arith.constant 0 : i32
      %dma_wait3A_527 = tpu.memref_slice %arg11[%dma_wait3A_525, %dma_wait3A_526] : memref<10112x16xf32, #tpu.memory_space<vmem_shared>> -> memref<10112x16xf32, #tpu.memory_space<vmem_shared>>
      %dma_wait3A_528 = tpu.memref_slice %arg14[%dma_wait3A_517] : memref<8x!tpu.dma_semaphore, #tpu.memory_space<semaphore_mem>> -> memref<1x!tpu.dma_semaphore, #tpu.memory_space<semaphore_mem>>
      %dma_wait3A_529 = tpu.memref_squeeze %dma_wait3A_528 : memref<1x!tpu.dma_semaphore, #tpu.memory_space<semaphore_mem>> -> memref<!tpu.dma_semaphore, #tpu.memory_space<semaphore_mem>>
      tpu.wait_indirect_dma semaphore(%dma_wait3A_529 : memref<!tpu.dma_semaphore, #tpu.memory_space<semaphore_mem>>) src(%dma_wait3A_527 : memref<10112x16xf32, #tpu.memory_space<vmem_shared>>) dst(%dma_wait3A_521 : memref<128x16xf32, #tpu.memory_space<vmem>>)
      %dma_start3A_530 = arith.constant 7 : i32
      %dma_start3A_531 = arith.constant 7 : i32
      %dma_start3A_532 = arith.constant 0 : i32
      %dma_start3A_533 = arith.constant 0 : i32
      %dma_start3A_534 = tpu.memref_slice %arg9[%dma_start3A_530, %dma_start3A_532, %dma_start3A_533] : memref<8x128x16xf32, #tpu.memory_space<vmem>> -> memref<1x128x16xf32, #tpu.memory_space<vmem>>
      %dma_start3A_535 = tpu.memref_squeeze %dma_start3A_534 : memref<1x128x16xf32, #tpu.memory_space<vmem>> -> memref<128x16xf32, #tpu.memory_space<vmem>>
      %dma_start3A_536 = arith.constant 0 : i32
      %dma_start3A_537 = tpu.memref_slice %arg8[%add3A_515, %dma_start3A_536] : memref<160x128xi32, #tpu.memory_space<vmem>> -> memref<1x128xi32, #tpu.memory_space<vmem>>
      %dma_start3A_538 = tpu.memref_squeeze %dma_start3A_537 : memref<1x128xi32, #tpu.memory_space<vmem>> -> memref<128xi32, #tpu.memory_space<vmem>>
      %dma_start3A_539 = arith.constant 0 : i32
      %dma_start3A_540 = arith.constant 0 : i32
      %dma_start3A_541 = tpu.memref_slice %arg10[%dma_start3A_539, %dma_start3A_540] : memref<10112x16xf32, #tpu.memory_space<vmem_shared>> -> memref<10112x16xf32, #tpu.memory_space<vmem_shared>>
      %dma_start3A_542 = tpu.memref_slice %arg15[%dma_start3A_531] : memref<8x!tpu.dma_semaphore, #tpu.memory_space<semaphore_mem>> -> memref<1x!tpu.dma_semaphore, #tpu.memory_space<semaphore_mem>>
      %dma_start3A_543 = tpu.memref_squeeze %dma_start3A_542 : memref<1x!tpu.dma_semaphore, #tpu.memory_space<semaphore_mem>> -> memref<!tpu.dma_semaphore, #tpu.memory_space<semaphore_mem>>
      tpu.enqueue_indirect_dma source(%dma_start3A_535 : memref<128x16xf32, #tpu.memory_space<vmem>>) target(%dma_start3A_541 : memref<10112x16xf32, #tpu.memory_space<vmem_shared>>) offsets(%dma_start3A_538 : memref<128xi32, #tpu.memory_space<vmem>>) semaphore(%dma_start3A_543 : memref<!tpu.dma_semaphore, #tpu.memory_space<semaphore_mem>>) {add = true}
      %dma_wait3A_544 = arith.constant 7 : i32
      %dma_wait3A_545 = arith.constant 7 : i32
      %dma_wait3A_546 = arith.constant 0 : i32
      %dma_wait3A_547 = arith.constant 0 : i32
      %dma_wait3A_548 = tpu.memref_slice %arg9[%dma_wait3A_544, %dma_wait3A_546, %dma_wait3A_547] : memref<8x128x16xf32, #tpu.memory_space<vmem>> -> memref<1x128x16xf32, #tpu.memory_space<vmem>>
      %dma_wait3A_549 = tpu.memref_squeeze %dma_wait3A_548 : memref<1x128x16xf32, #tpu.memory_space<vmem>> -> memref<128x16xf32, #tpu.memory_space<vmem>>
      %dma_wait3A_550 = arith.constant 0 : i32
      %dma_wait3A_551 = tpu.memref_slice %arg8[%add3A_515, %dma_wait3A_550] : memref<160x128xi32, #tpu.memory_space<vmem>> -> memref<1x128xi32, #tpu.memory_space<vmem>>
      %dma_wait3A_552 = tpu.memref_squeeze %dma_wait3A_551 : memref<1x128xi32, #tpu.memory_space<vmem>> -> memref<128xi32, #tpu.memory_space<vmem>>
      %dma_wait3A_553 = arith.constant 0 : i32
      %dma_wait3A_554 = arith.constant 0 : i32
      %dma_wait3A_555 = tpu.memref_slice %arg10[%dma_wait3A_553, %dma_wait3A_554] : memref<10112x16xf32, #tpu.memory_space<vmem_shared>> -> memref<10112x16xf32, #tpu.memory_space<vmem_shared>>
      %dma_wait3A_556 = tpu.memref_slice %arg15[%dma_wait3A_545] : memref<8x!tpu.dma_semaphore, #tpu.memory_space<semaphore_mem>> -> memref<1x!tpu.dma_semaphore, #tpu.memory_space<semaphore_mem>>
      %dma_wait3A_557 = tpu.memref_squeeze %dma_wait3A_556 : memref<1x!tpu.dma_semaphore, #tpu.memory_space<semaphore_mem>> -> memref<!tpu.dma_semaphore, #tpu.memory_space<semaphore_mem>>
      tpu.wait_indirect_dma semaphore(%dma_wait3A_557 : memref<!tpu.dma_semaphore, #tpu.memory_space<semaphore_mem>>) src(%dma_wait3A_549 : memref<128x16xf32, #tpu.memory_space<vmem>>) dst(%dma_wait3A_555 : memref<10112x16xf32, #tpu.memory_space<vmem_shared>>)
      %add3A_558 = arith.constant 8 : i32
      %add3A_559 = arith.addi %add3A_515, %add3A_558 : i32
      %lt3A_560 = arith.constant 160 : i32
      %lt3A_561 = arith.cmpi slt, %add3A_559, %lt3A_560 : i32
      %convert_element_type3A_562 = arith.extui %lt3A_561 : i1 to i32
      %cond3A_563 = arith.constant 0 : i32
      %cond3A_564 = arith.cmpi ne, %convert_element_type3A_562, %cond3A_563 : i32
      scf.if %cond3A_564 {
        %add3A_565 = arith.constant 8 : i32
        %add3A_566 = arith.addi %add3A_515, %add3A_565 : i32
        %dma_start3A_567 = arith.constant 7 : i32
        %dma_start3A_568 = arith.constant 7 : i32
        %dma_start3A_569 = arith.constant 0 : i32
        %dma_start3A_570 = arith.constant 0 : i32
        %dma_start3A_571 = tpu.memref_slice %arg9[%dma_start3A_567, %dma_start3A_569, %dma_start3A_570] : memref<8x128x16xf32, #tpu.memory_space<vmem>> -> memref<1x128x16xf32, #tpu.memory_space<vmem>>
        %dma_start3A_572 = tpu.memref_squeeze %dma_start3A_571 : memref<1x128x16xf32, #tpu.memory_space<vmem>> -> memref<128x16xf32, #tpu.memory_space<vmem>>
        %dma_start3A_573 = arith.constant 0 : i32
        %dma_start3A_574 = tpu.memref_slice %arg7[%add3A_566, %dma_start3A_573] : memref<160x128xi32, #tpu.memory_space<vmem>> -> memref<1x128xi32, #tpu.memory_space<vmem>>
        %dma_start3A_575 = tpu.memref_squeeze %dma_start3A_574 : memref<1x128xi32, #tpu.memory_space<vmem>> -> memref<128xi32, #tpu.memory_space<vmem>>
        %dma_start3A_576 = arith.constant 0 : i32
        %dma_start3A_577 = arith.constant 0 : i32
        %dma_start3A_578 = tpu.memref_slice %arg11[%dma_start3A_576, %dma_start3A_577] : memref<10112x16xf32, #tpu.memory_space<vmem_shared>> -> memref<10112x16xf32, #tpu.memory_space<vmem_shared>>
        %dma_start3A_579 = tpu.memref_slice %arg14[%dma_start3A_568] : memref<8x!tpu.dma_semaphore, #tpu.memory_space<semaphore_mem>> -> memref<1x!tpu.dma_semaphore, #tpu.memory_space<semaphore_mem>>
        %dma_start3A_580 = tpu.memref_squeeze %dma_start3A_579 : memref<1x!tpu.dma_semaphore, #tpu.memory_space<semaphore_mem>> -> memref<!tpu.dma_semaphore, #tpu.memory_space<semaphore_mem>>
        tpu.enqueue_indirect_dma source(%dma_start3A_578 : memref<10112x16xf32, #tpu.memory_space<vmem_shared>>) target(%dma_start3A_572 : memref<128x16xf32, #tpu.memory_space<vmem>>) offsets(%dma_start3A_575 : memref<128xi32, #tpu.memory_space<vmem>>) semaphore(%dma_start3A_580 : memref<!tpu.dma_semaphore, #tpu.memory_space<semaphore_mem>>)
      } else {
      }
    }
    %scan3A_141 = arith.constant 20 : i32
    %barrier3A_142 = arith.constant 0 : index
    tpu.barrier barrier_id(%barrier3A_142)
    "tpu.region"() ({
      %run_scoped3A = tpu.sem_alloc : memref<!tpu.dma_semaphore, #tpu.memory_space<semaphore_mem>>
      %dma_start3A_143 = arith.constant 0 : i32
      %dma_start3A_144 = tpu.memref_slice %arg6[%arg0, %mul3A_2, %dma_start3A_143] : memref<2x10112x16xf32, #tpu.memory_space<hbm>> -> memref<1x632x16xf32, #tpu.memory_space<hbm>>
      %dma_start3A_145 = tpu.memref_squeeze %dma_start3A_144 : memref<1x632x16xf32, #tpu.memory_space<hbm>> -> memref<632x16xf32, #tpu.memory_space<hbm>>
      %dma_start3A_146 = arith.constant 0 : i32
      %dma_start3A_147 = tpu.memref_slice %arg10[%mul3A_2, %dma_start3A_146] : memref<10112x16xf32, #tpu.memory_space<vmem_shared>> -> memref<632x16xf32, #tpu.memory_space<vmem_shared>>
      tpu.enqueue_dma source(%dma_start3A_147 : memref<632x16xf32, #tpu.memory_space<vmem_shared>>) target(%dma_start3A_145 : memref<632x16xf32, #tpu.memory_space<hbm>>) target_semaphore(%run_scoped3A : memref<!tpu.dma_semaphore, #tpu.memory_space<semaphore_mem>>)
      %dma_wait3A_148 = arith.constant 0 : i32
      %dma_wait3A_149 = tpu.memref_slice %arg6[%arg0, %mul3A_2, %dma_wait3A_148] : memref<2x10112x16xf32, #tpu.memory_space<hbm>> -> memref<1x632x16xf32, #tpu.memory_space<hbm>>
      %dma_wait3A_150 = tpu.memref_squeeze %dma_wait3A_149 : memref<1x632x16xf32, #tpu.memory_space<hbm>> -> memref<632x16xf32, #tpu.memory_space<hbm>>
      %dma_wait3A_151 = arith.constant 0 : i32
      %dma_wait3A_152 = tpu.memref_slice %arg10[%mul3A_2, %dma_wait3A_151] : memref<10112x16xf32, #tpu.memory_space<vmem_shared>> -> memref<632x16xf32, #tpu.memory_space<vmem_shared>>
      tpu.wait_dma2 semaphore(%run_scoped3A : memref<!tpu.dma_semaphore, #tpu.memory_space<semaphore_mem>>) src(%dma_wait3A_152 : memref<632x16xf32, #tpu.memory_space<vmem_shared>>) dst(%dma_wait3A_150 : memref<632x16xf32, #tpu.memory_space<hbm>>)
      tpu.yield
    }) : () -> ()
    return
  }
}

module attributes {stable_mosaic.version = 14 : i64} {
  func.func @_tc_layer_body(%arg0: memref<10112x16xf32, #tpu.memory_space<vmem>>, %arg1: memref<2x10112x16xf32, #tpu.memory_space<vmem>>, %arg2: memref<16x16xf32, #tpu.memory_space<vmem>>, %arg3: memref<1x16xf32, #tpu.memory_space<vmem>>, %arg4: memref<1x16xf32, #tpu.memory_space<vmem>>, %arg5: memref<1x16xf32, #tpu.memory_space<vmem>>, %arg6: memref<10112x16xf32, #tpu.memory_space<vmem>>, %arg7: memref<1x16xf32, #tpu.memory_space<vmem>>) attributes {dimension_semantics = [], scalar_prefetch = 0 : i64, scratch_operands = 0 : i64, tpu.core_type = #tpu.core_type<tc>} {
    %get3A = arith.constant 0 : index
    %get3A_0 = arith.constant 0 : index
    %get3A_1 = vector.load %arg0[%get3A, %get3A_0] : memref<10112x16xf32, #tpu.memory_space<vmem>>, vector<10112x16xf32>
    %get3A_2 = arith.constant 0 : index
    %get3A_3 = arith.constant 0 : index
    %get3A_4 = arith.constant 0 : index
    %get3A_5 = vector.load %arg1[%get3A_2, %get3A_3, %get3A_4] : memref<2x10112x16xf32, #tpu.memory_space<vmem>>, vector<1x10112x16xf32>
    %get3A_6 = vector.shape_cast %get3A_5 : vector<1x10112x16xf32> to vector<10112x16xf32>
    %add3A = arith.addf %get3A_1, %get3A_6 : vector<10112x16xf32>
    %get3A_7 = arith.constant 1 : index
    %get3A_8 = arith.constant 0 : index
    %get3A_9 = arith.constant 0 : index
    %get3A_10 = vector.load %arg1[%get3A_7, %get3A_8, %get3A_9] : memref<2x10112x16xf32, #tpu.memory_space<vmem>>, vector<1x10112x16xf32>
    %get3A_11 = vector.shape_cast %get3A_10 : vector<1x10112x16xf32> to vector<10112x16xf32>
    %add3A_12 = arith.addf %add3A, %get3A_11 : vector<10112x16xf32>
    %get3A_13 = arith.constant 0 : index
    %get3A_14 = arith.constant 0 : index
    %get3A_15 = vector.load %arg2[%get3A_13, %get3A_14] : memref<16x16xf32, #tpu.memory_space<vmem>>, vector<16x16xf32>
    %dot_general3A = arith.constant dense<0.000000e+00> : vector<10112x16xf32>
    %dot_general3A_16 = tpu.matmul %add3A_12, %get3A_15, %dot_general3A {dimension_numbers = #tpu.dot_dimension_numbers<[1], [0], [0], [1], [0, 0, 1, 1], [], []>, precision = #tpu.contract_precision<fp32>, transpose_lhs_hint = false} : vector<10112x16xf32>, vector<16x16xf32>, vector<10112x16xf32> -> vector<10112x16xf32>
    %get3A_17 = arith.constant 0 : index
    %get3A_18 = arith.constant 0 : index
    %get3A_19 = vector.load %arg3[%get3A_17, %get3A_18] : memref<1x16xf32, #tpu.memory_space<vmem>>, vector<1x16xf32>
    %add3A_20 = vector.broadcast %get3A_19 : vector<1x16xf32> to vector<10112x16xf32>
    %add3A_21 = arith.addf %dot_general3A_16, %add3A_20 : vector<10112x16xf32>
    %iota3A = tpu.iota {dimensions = array<i32: 1>} : vector<10112x16xi32>
    %lt3A = arith.constant 10 : i32
    %lt3A_22 = vector.broadcast %lt3A : i32 to vector<10112x16xi32>
    %lt3A_23 = arith.cmpi slt, %iota3A, %lt3A_22 : vector<10112x16xi32>
    %iota3A_24 = tpu.iota {dimensions = array<i32: 0>} : vector<10112x16xi32>
    %lt3A_25 = arith.constant 10000 : i32
    %lt3A_26 = vector.broadcast %lt3A_25 : i32 to vector<10112x16xi32>
    %lt3A_27 = arith.cmpi slt, %iota3A_24, %lt3A_26 : vector<10112x16xi32>
    %and3A = arith.andi %lt3A_23, %lt3A_27 : vector<10112x16xi1>
    %logistic3A = arith.negf %add3A_21 : vector<10112x16xf32>
    %logistic3A_28 = math.exp %logistic3A : vector<10112x16xf32>
    %logistic3A_29 = arith.constant 1.000000e+00 : f32
    %logistic3A_30 = vector.broadcast %logistic3A_29 : f32 to vector<10112x16xf32>
    %logistic3A_31 = arith.addf %logistic3A_30, %logistic3A_28 : vector<10112x16xf32>
    %logistic3A_32 = arith.divf %logistic3A_30, %logistic3A_31 : vector<10112x16xf32>
    %jit3A = arith.constant 0.000000e+00 : f32
    %broadcast_in_dim3A = vector.broadcast %jit3A : f32 to vector<10112x16xf32>
    %select_n3A = arith.select %and3A, %logistic3A_32, %broadcast_in_dim3A : vector<10112x16xi1>, vector<10112x16xf32>
    %swap3A = arith.constant 0 : index
    %swap3A_33 = arith.constant 0 : index
    %swap3A_34 = vector.load %arg6[%swap3A, %swap3A_33] : memref<10112x16xf32, #tpu.memory_space<vmem>>, vector<10112x16xf32>
    tpu.vector_store %arg6[%swap3A, %swap3A_33], %select_n3A {strides = array<i32>} : memref<10112x16xf32, #tpu.memory_space<vmem>>, vector<10112x16xf32>,
    %get3A_35 = arith.constant 0 : index
    %get3A_36 = arith.constant 0 : index
    %get3A_37 = vector.load %arg4[%get3A_35, %get3A_36] : memref<1x16xf32, #tpu.memory_space<vmem>>, vector<1x16xf32>
    %mul3A = vector.broadcast %get3A_37 : vector<1x16xf32> to vector<10112x16xf32>
    %mul3A_38 = arith.mulf %select_n3A, %mul3A : vector<10112x16xf32>
    %jit3A_39 = arith.constant 0xFF800000 : f32
    %broadcast_in_dim3A_40 = vector.broadcast %jit3A_39 : f32 to vector<10112x16xf32>
    %select_n3A_41 = arith.select %lt3A_23, %mul3A_38, %broadcast_in_dim3A_40 : vector<10112x16xi1>, vector<10112x16xf32>
    %reduce_max3A = arith.constant dense<0xFF800000> : vector<10112xf32>
    %reduce_max3A_42 = vector.multi_reduction <maximumf>, %select_n3A_41, %reduce_max3A [1] : vector<10112x16xf32> to vector<10112xf32>
    %broadcast_in_dim3A_43 = vector.shape_cast %reduce_max3A_42 : vector<10112xf32> to vector<10112x1xf32>
    %sub3A = vector.broadcast %broadcast_in_dim3A_43 : vector<10112x1xf32> to vector<10112x16xf32>
    %sub3A_44 = arith.subf %mul3A_38, %sub3A : vector<10112x16xf32>
    %exp3A = math.exp %sub3A_44 : vector<10112x16xf32>
    %jit3A_45 = arith.constant 0.000000e+00 : f32
    %broadcast_in_dim3A_46 = vector.broadcast %jit3A_45 : f32 to vector<10112x16xf32>
    %select_n3A_47 = arith.select %lt3A_23, %exp3A, %broadcast_in_dim3A_46 : vector<10112x16xi1>, vector<10112x16xf32>
    %reduce_sum3A = arith.constant dense<0.000000e+00> : vector<10112xf32>
    %reduce_sum3A_48 = vector.multi_reduction <add>, %select_n3A_47, %reduce_sum3A [1] : vector<10112x16xf32> to vector<10112xf32>
    %broadcast_in_dim3A_49 = vector.shape_cast %reduce_sum3A_48 : vector<10112xf32> to vector<10112x1xf32>
    %div3A = vector.broadcast %broadcast_in_dim3A_49 : vector<10112x1xf32> to vector<10112x16xf32>
    %div3A_50 = arith.divf %select_n3A_47, %div3A : vector<10112x16xf32>
    %get3A_51 = arith.constant 0 : index
    %get3A_52 = arith.constant 0 : index
    %get3A_53 = vector.load %arg5[%get3A_51, %get3A_52] : memref<1x16xf32, #tpu.memory_space<vmem>>, vector<1x16xf32>
    %jit3A_54 = arith.constant 0.000000e+00 : f32
    %broadcast_in_dim3A_55 = vector.broadcast %jit3A_54 : f32 to vector<10112x16xf32>
    %select_n3A_56 = arith.select %lt3A_27, %div3A_50, %broadcast_in_dim3A_55 : vector<10112x16xi1>, vector<10112x16xf32>
    %reduce_sum3A_57 = arith.constant dense<0.000000e+00> : vector<16xf32>
    %reduce_sum3A_58 = vector.multi_reduction <add>, %select_n3A_56, %reduce_sum3A_57 [0] : vector<10112x16xf32> to vector<16xf32>
    %broadcast_in_dim3A_59 = vector.shape_cast %reduce_sum3A_58 : vector<16xf32> to vector<1x16xf32>
    %add3A_60 = arith.addf %get3A_53, %broadcast_in_dim3A_59 : vector<1x16xf32>
    %swap3A_61 = arith.constant 0 : index
    %swap3A_62 = arith.constant 0 : index
    %swap3A_63 = vector.load %arg7[%swap3A_61, %swap3A_62] : memref<1x16xf32, #tpu.memory_space<vmem>>, vector<1x16xf32>
    tpu.vector_store %arg7[%swap3A_61, %swap3A_62], %add3A_60 {strides = array<i32>} : memref<1x16xf32, #tpu.memory_space<vmem>>, vector<1x16xf32>,
    return
  }
}

module attributes {stable_mosaic.version = 14 : i64} {
  func.func @_tc_last_body(%arg0: memref<10112x16xf32, #tpu.memory_space<vmem>>, %arg1: memref<2x10112x16xf32, #tpu.memory_space<vmem>>, %arg2: memref<16x16xf32, #tpu.memory_space<vmem>>, %arg3: memref<1x16xf32, #tpu.memory_space<vmem>>, %arg4: memref<1x16xf32, #tpu.memory_space<vmem>>, %arg5: memref<1x16xf32, #tpu.memory_space<vmem>>, %arg6: memref<1x16xf32, #tpu.memory_space<vmem>>, %arg7: memref<16x16xf32, #tpu.memory_space<vmem>>, %arg8: memref<1x16xf32, #tpu.memory_space<vmem>>, %arg9: memref<32x3xf32, #tpu.memory_space<vmem>>, %arg10: memref<1x3xf32, #tpu.memory_space<vmem>>, %arg11: memref<1x3xf32, #tpu.memory_space<vmem>>) attributes {dimension_semantics = [], scalar_prefetch = 0 : i64, scratch_operands = 0 : i64, tpu.core_type = #tpu.core_type<tc>} {
    %get3A = arith.constant 0 : index
    %get3A_0 = arith.constant 0 : index
    %get3A_1 = vector.load %arg0[%get3A, %get3A_0] : memref<10112x16xf32, #tpu.memory_space<vmem>>, vector<10112x16xf32>
    %get3A_2 = arith.constant 0 : index
    %get3A_3 = arith.constant 0 : index
    %get3A_4 = arith.constant 0 : index
    %get3A_5 = vector.load %arg1[%get3A_2, %get3A_3, %get3A_4] : memref<2x10112x16xf32, #tpu.memory_space<vmem>>, vector<1x10112x16xf32>
    %get3A_6 = vector.shape_cast %get3A_5 : vector<1x10112x16xf32> to vector<10112x16xf32>
    %add3A = arith.addf %get3A_1, %get3A_6 : vector<10112x16xf32>
    %get3A_7 = arith.constant 1 : index
    %get3A_8 = arith.constant 0 : index
    %get3A_9 = arith.constant 0 : index
    %get3A_10 = vector.load %arg1[%get3A_7, %get3A_8, %get3A_9] : memref<2x10112x16xf32, #tpu.memory_space<vmem>>, vector<1x10112x16xf32>
    %get3A_11 = vector.shape_cast %get3A_10 : vector<1x10112x16xf32> to vector<10112x16xf32>
    %add3A_12 = arith.addf %add3A, %get3A_11 : vector<10112x16xf32>
    %get3A_13 = arith.constant 0 : index
    %get3A_14 = arith.constant 0 : index
    %get3A_15 = vector.load %arg2[%get3A_13, %get3A_14] : memref<16x16xf32, #tpu.memory_space<vmem>>, vector<16x16xf32>
    %dot_general3A = arith.constant dense<0.000000e+00> : vector<10112x16xf32>
    %dot_general3A_16 = tpu.matmul %add3A_12, %get3A_15, %dot_general3A {dimension_numbers = #tpu.dot_dimension_numbers<[1], [0], [0], [1], [0, 0, 1, 1], [], []>, precision = #tpu.contract_precision<fp32>, transpose_lhs_hint = false} : vector<10112x16xf32>, vector<16x16xf32>, vector<10112x16xf32> -> vector<10112x16xf32>
    %get3A_17 = arith.constant 0 : index
    %get3A_18 = arith.constant 0 : index
    %get3A_19 = vector.load %arg3[%get3A_17, %get3A_18] : memref<1x16xf32, #tpu.memory_space<vmem>>, vector<1x16xf32>
    %add3A_20 = vector.broadcast %get3A_19 : vector<1x16xf32> to vector<10112x16xf32>
    %add3A_21 = arith.addf %dot_general3A_16, %add3A_20 : vector<10112x16xf32>
    %iota3A = tpu.iota {dimensions = array<i32: 1>} : vector<10112x16xi32>
    %lt3A = arith.constant 10 : i32
    %lt3A_22 = vector.broadcast %lt3A : i32 to vector<10112x16xi32>
    %lt3A_23 = arith.cmpi slt, %iota3A, %lt3A_22 : vector<10112x16xi32>
    %iota3A_24 = tpu.iota {dimensions = array<i32: 0>} : vector<10112x16xi32>
    %lt3A_25 = arith.constant 10000 : i32
    %lt3A_26 = vector.broadcast %lt3A_25 : i32 to vector<10112x16xi32>
    %lt3A_27 = arith.cmpi slt, %iota3A_24, %lt3A_26 : vector<10112x16xi32>
    %and3A = arith.andi %lt3A_23, %lt3A_27 : vector<10112x16xi1>
    %logistic3A = arith.negf %add3A_21 : vector<10112x16xf32>
    %logistic3A_28 = math.exp %logistic3A : vector<10112x16xf32>
    %logistic3A_29 = arith.constant 1.000000e+00 : f32
    %logistic3A_30 = vector.broadcast %logistic3A_29 : f32 to vector<10112x16xf32>
    %logistic3A_31 = arith.addf %logistic3A_30, %logistic3A_28 : vector<10112x16xf32>
    %logistic3A_32 = arith.divf %logistic3A_30, %logistic3A_31 : vector<10112x16xf32>
    %jit3A = arith.constant 0.000000e+00 : f32
    %broadcast_in_dim3A = vector.broadcast %jit3A : f32 to vector<10112x16xf32>
    %select_n3A = arith.select %and3A, %logistic3A_32, %broadcast_in_dim3A : vector<10112x16xi1>, vector<10112x16xf32>
    %get3A_33 = arith.constant 0 : index
    %get3A_34 = arith.constant 0 : index
    %get3A_35 = vector.load %arg4[%get3A_33, %get3A_34] : memref<1x16xf32, #tpu.memory_space<vmem>>, vector<1x16xf32>
    %mul3A = vector.broadcast %get3A_35 : vector<1x16xf32> to vector<10112x16xf32>
    %mul3A_36 = arith.mulf %select_n3A, %mul3A : vector<10112x16xf32>
    %jit3A_37 = arith.constant 0xFF800000 : f32
    %broadcast_in_dim3A_38 = vector.broadcast %jit3A_37 : f32 to vector<10112x16xf32>
    %select_n3A_39 = arith.select %lt3A_23, %mul3A_36, %broadcast_in_dim3A_38 : vector<10112x16xi1>, vector<10112x16xf32>
    %reduce_max3A = arith.constant dense<0xFF800000> : vector<10112xf32>
    %reduce_max3A_40 = vector.multi_reduction <maximumf>, %select_n3A_39, %reduce_max3A [1] : vector<10112x16xf32> to vector<10112xf32>
    %broadcast_in_dim3A_41 = vector.shape_cast %reduce_max3A_40 : vector<10112xf32> to vector<10112x1xf32>
    %sub3A = vector.broadcast %broadcast_in_dim3A_41 : vector<10112x1xf32> to vector<10112x16xf32>
    %sub3A_42 = arith.subf %mul3A_36, %sub3A : vector<10112x16xf32>
    %exp3A = math.exp %sub3A_42 : vector<10112x16xf32>
    %jit3A_43 = arith.constant 0.000000e+00 : f32
    %broadcast_in_dim3A_44 = vector.broadcast %jit3A_43 : f32 to vector<10112x16xf32>
    %select_n3A_45 = arith.select %lt3A_23, %exp3A, %broadcast_in_dim3A_44 : vector<10112x16xi1>, vector<10112x16xf32>
    %reduce_sum3A = arith.constant dense<0.000000e+00> : vector<10112xf32>
    %reduce_sum3A_46 = vector.multi_reduction <add>, %select_n3A_45, %reduce_sum3A [1] : vector<10112x16xf32> to vector<10112xf32>
    %broadcast_in_dim3A_47 = vector.shape_cast %reduce_sum3A_46 : vector<10112xf32> to vector<10112x1xf32>
    %div3A = vector.broadcast %broadcast_in_dim3A_47 : vector<10112x1xf32> to vector<10112x16xf32>
    %div3A_48 = arith.divf %select_n3A_45, %div3A : vector<10112x16xf32>
    %get3A_49 = arith.constant 0 : index
    %get3A_50 = arith.constant 0 : index
    %get3A_51 = vector.load %arg5[%get3A_49, %get3A_50] : memref<1x16xf32, #tpu.memory_space<vmem>>, vector<1x16xf32>
    %jit3A_52 = arith.constant 0.000000e+00 : f32
    %broadcast_in_dim3A_53 = vector.broadcast %jit3A_52 : f32 to vector<10112x16xf32>
    %select_n3A_54 = arith.select %lt3A_27, %div3A_48, %broadcast_in_dim3A_53 : vector<10112x16xi1>, vector<10112x16xf32>
    %reduce_sum3A_55 = arith.constant dense<0.000000e+00> : vector<16xf32>
    %reduce_sum3A_56 = vector.multi_reduction <add>, %select_n3A_54, %reduce_sum3A_55 [0] : vector<10112x16xf32> to vector<16xf32>
    %broadcast_in_dim3A_57 = vector.shape_cast %reduce_sum3A_56 : vector<16xf32> to vector<1x16xf32>
    %add3A_58 = arith.addf %get3A_51, %broadcast_in_dim3A_57 : vector<1x16xf32>
    %get3A_59 = arith.constant 0 : index
    %get3A_60 = arith.constant 0 : index
    %get3A_61 = vector.load %arg6[%get3A_59, %get3A_60] : memref<1x16xf32, #tpu.memory_space<vmem>>, vector<1x16xf32>
    %get3A_62 = arith.constant 0 : index
    %get3A_63 = arith.constant 0 : index
    %get3A_64 = vector.load %arg7[%get3A_62, %get3A_63] : memref<16x16xf32, #tpu.memory_space<vmem>>, vector<16x16xf32>
    %dot_general3A_65 = arith.constant dense<0.000000e+00> : vector<1x16xf32>
    %dot_general3A_66 = tpu.matmul %get3A_61, %get3A_64, %dot_general3A_65 {dimension_numbers = #tpu.dot_dimension_numbers<[1], [0], [0], [1], [0, 0, 1, 1], [], []>, precision = #tpu.contract_precision<fp32>, transpose_lhs_hint = false} : vector<1x16xf32>, vector<16x16xf32>, vector<1x16xf32> -> vector<1x16xf32>
    %get3A_67 = arith.constant 0 : index
    %get3A_68 = arith.constant 0 : index
    %get3A_69 = vector.load %arg8[%get3A_67, %get3A_68] : memref<1x16xf32, #tpu.memory_space<vmem>>, vector<1x16xf32>
    %add3A_70 = arith.addf %dot_general3A_66, %get3A_69 : vector<1x16xf32>
    %concatenate3A = tpu.concatenate %add3A_58, %add3A_70 in 1 : vector<1x16xf32>, vector<1x16xf32> -> vector<1x32xf32>
    %get3A_71 = arith.constant 0 : index
    %get3A_72 = arith.constant 0 : index
    %get3A_73 = vector.load %arg9[%get3A_71, %get3A_72] : memref<32x3xf32, #tpu.memory_space<vmem>>, vector<32x3xf32>
    %dot_general3A_74 = arith.constant dense<0.000000e+00> : vector<1x3xf32>
    %dot_general3A_75 = tpu.matmul %concatenate3A, %get3A_73, %dot_general3A_74 {dimension_numbers = #tpu.dot_dimension_numbers<[1], [0], [0], [1], [0, 0, 1, 1], [], []>, precision = #tpu.contract_precision<fp32>, transpose_lhs_hint = false} : vector<1x32xf32>, vector<32x3xf32>, vector<1x3xf32> -> vector<1x3xf32>
    %get3A_76 = arith.constant 0 : index
    %get3A_77 = arith.constant 0 : index
    %get3A_78 = vector.load %arg10[%get3A_76, %get3A_77] : memref<1x3xf32, #tpu.memory_space<vmem>>, vector<1x3xf32>
    %add3A_79 = arith.addf %dot_general3A_75, %get3A_78 : vector<1x3xf32>
    %swap3A = arith.constant 0 : index
    %swap3A_80 = arith.constant 0 : index
    %swap3A_81 = vector.load %arg11[%swap3A, %swap3A_80] : memref<1x3xf32, #tpu.memory_space<vmem>>, vector<1x3xf32>
    tpu.vector_store %arg11[%swap3A, %swap3A_80], %add3A_79 {strides = array<i32>} : memref<1x3xf32, #tpu.memory_space<vmem>>, vector<1x3xf32>,
    return
  }
}

</mosaic_0001>

<sc_bundles>
// kernel: kernel.10.cloned.1.call-start
scs
__scs_entry_jumppad:
0x0: {  	(pc) =	sbr.rel $0x88, $3  }
0x1: {  	(tag) =	ssettag $0x0;
	lr =	simm.s32 $0x1  }
0x2: {  	[smem:$0x3F96] =	sst lr;
	_ =	strace $0xD0000000  }
0x3: {  	_ = 	snop  }
0x4: {  	_ = 	snop  }
0x5: {  	_ = 	snop  }
0x6: {  	_ = 	snop  }
0x7: {  	_ = 	snop  }
__scs_overlays_trampoline_lowered:
0x8: {  	[smem:$0x3FA5] =	sst s0  }
0x9: {  	[smem:$0x3FA6] =	sst s1  }
0xa: {  	[smem:$0x3FA7] =	sst s2  }
0xb: {  	[smem:$0x3FA8] =	sst s3  }
0xc: {  	[smem:$0x3FA9] =	sst s4  }
0xd: {  	[smem:$0x3FAA] =	sst s5  }
0xe: {  	[smem:$0x3FAB] =	sst s6  }
0xf: {  	[smem:$0x3FAC] =	sst s7  }
0x10: {  	[smem:$0x3FAD] =	sst s8  }
0x11: {  	[smem:$0x3FAE] =	sst s9;
	s0 =	simm.s32 @!p0 $0x0  }
0x12: {  	s1 =	sld [smem:$0x3F94];
	s0 =	simm.s32 @p0 $0x1  }
0x13: {  	[smem:$0x3FAF] =	sst s0;
	s0 =	simm.s32 @!p1 $0x0  }
0x14: {  	s2 =	sld [smem:$0x3F93];
	s0 =	simm.s32 @p1 $0x1  }
0x15: {  	[smem:$0x3FB0] =	sst s0;
	s0 =	simm.s32 @!p2 $0x0  }
0x16: {  	s3 =	sld [smem:$0x3FDB];
	s0 =	simm.s32 @p2 $0x1  }
0x17: {  	s4 =	simm.s32 $0x1BF5;
	[smem:$0x3FB2] =	sst s0  }
0x18: {  	s0 =	sld [smem:$0x3F95];
	_ =	swait.ge [sflag:s4], $0x0  }
0x19: {  	s7 =	sld [smem:$0x3F96]  }
0x1a: {  	s8 =	sadd.s32 $0xFFFFE003, lr  }
0x1b: {  	s9 =	sadd.s32 $0xFFFFFEF7, lr;
	s5 =	simm.s32 $0xFFFFFFFF;
	p2 =	slt.u32 s8, $0xFFFFF086  }
0x1c: {  	p1 =	slt.u32 s9, $0xF7A;
	s5 =	simm.s32 @!p2 $0x0  }
0x1d: {  	s5 =	simm.s32 @p1 $0x1;
	p0 =	seq.s32 s7, s2  }
0x1e: {  	s7 =	smul.u32 @!p0 $0xF7A, s2;
	p2 =	seq.s32 @!p0 s5, $0x0  }
0x1f: {  	s9 =	smul.u32 $0xF7A, s1;
	s8 =	simm.s32 @!p0 $0x1BF5;
	p2 =	por !p2, p0  }
0x20: {  	[sflag:s8] =	ssyncset.s32 @!p0 $0xFFFFF086;
	s6 =	sadd.s32 @!p0 s3, s7;
	s7 =	simm.s32 @!p0 $0x108  }
0x21: {  	s3 =	sadd.s32 s3, s9;
	s6 =	sadd.s32 @!p0 $0x88, s6;
	s7 =	simm.s32 @p2 $0x1082  }
0x22: {  	[simem:s7], [sflag:s8] =	dma.local @!p0 [hbm:s6], $0xF7A  }
0x23: {  	s9 =	sor.u32 $0xD0000000, s2;
	s6 =	simm.s32 $0x108;
	_ =	swait.ge @!p0 [sflag:s8], $0x0  }
0x24: {  	s3 =	sadd.s32 $0x88, s3;
	s6 =	simm.s32 @!p1 $0x1082;
	[sflag:s4] =	ssyncset.s32 $0xFFFFF086  }
0x25: {  	[simem:s6], [sflag:s4] =	dma.local [hbm:s3], $0xF7A  }
0x26: {  	[smem:$0x3F96] =	sst s1;
	(tag) =	ssettag s2;
	_ =	strace s9  }
0x27: {  	s1 =	sld [smem:$0x3FA6]  }
0x28: {  	s2 =	sld [smem:$0x3FA7]  }
0x29: {  	s4 =	sld [smem:$0x3FA9]  }
0x2a: {  	p0 =	seq.s32 s5, $0x0;
	s5 =	sld [smem:$0x3FAA]  }
0x2b: {  	s6 =	sld [smem:$0x3FAB]  }
0x2c: {  	s7 =	sld [smem:$0x3FAC]  }
0x2d: {  	s3 =	simm.s32 $0x108;
	s8 =	sld [smem:$0x3FAD]  }
0x2e: {  	s3 =	simm.s32 @!p0 $0x1082;
	s9 =	sld [smem:$0x3FAE]  }
0x2f: {  	lr =	sadd.s32 s0, s3;
	s0 =	sld [smem:$0x3FA5]  }
0x30: {  	s3 =	sld [smem:$0x3FA8]  }
0x31: {  	[smem:$0x3FB1] =	sst s10  }
0x32: {  	s10 =	sld [smem:$0x3FAF];
	_ =	sdelay $0x3  }
0x33: {  	p0 =	seq.s32 s10, $0x1;
	s10 =	sld [smem:$0x3FB1];
	_ =	sdelay $0x3  }
0x34: {  	[smem:$0x3FB1] =	sst s10  }
0x35: {  	s10 =	sld [smem:$0x3FB0];
	_ =	sdelay $0x3  }
0x36: {  	p1 =	seq.s32 s10, $0x1;
	s10 =	sld [smem:$0x3FB1];
	_ =	sdelay $0x3  }
0x37: {  	[smem:$0x3FB1] =	sst s10  }
0x38: {  	s10 =	sld [smem:$0x3FB2]  }
0x39: {  	_ = 	snop;
	(pc) =	sbr.ind lr, $3  }
0x3a: {  	_ = 	snop  }
0x3b: {  	_ = 	snop  }
0x3c: {  	p2 =	seq.s32 s10, $0x1;
	s10 =	sld [smem:$0x3FB1]  }
0x3d: {  	_ =	shalt  }
0x3e: {  	_ =	shalt  }
0x3f: {  	_ =	shalt  }
0x40: {  	_ =	shalt  }
0x41: {  	_ =	shalt  }
0x42: {  	_ =	shalt  }
0x43: {  	_ =	shalt  }
0x44: {  	_ =	shalt  }
0x45: {  	_ =	shalt  }
0x46: {  	_ =	shalt  }
0x47: {  	_ =	shalt  }
0x48: {  	_ =	shalt  }
0x49: {  	_ =	shalt  }
0x4a: {  	_ =	shalt  }
0x4b: {  	_ =	shalt  }
0x4c: {  	_ =	shalt  }
0x4d: {  	_ =	shalt  }
0x4e: {  	_ =	shalt  }
0x4f: {  	_ =	shalt  }
0x50: {  	_ =	shalt  }
0x51: {  	_ =	shalt  }
0x52: {  	_ =	shalt  }
0x53: {  	_ =	shalt  }
0x54: {  	_ =	shalt  }
0x55: {  	_ =	shalt  }
0x56: {  	_ =	shalt  }
0x57: {  	_ =	shalt  }
0x58: {  	_ =	shalt  }
0x59: {  	_ =	shalt  }
0x5a: {  	_ =	shalt  }
0x5b: {  	_ =	shalt  }
0x5c: {  	_ =	shalt  }
0x5d: {  	_ =	shalt  }
0x5e: {  	_ =	shalt  }
0x5f: {  	_ =	shalt  }
0x60: {  	_ =	shalt  }
0x61: {  	_ =	shalt  }
0x62: {  	_ =	shalt  }
0x63: {  	_ =	shalt  }
0x64: {  	_ =	shalt  }
0x65: {  	_ =	shalt  }
0x66: {  	_ =	shalt  }
0x67: {  	_ =	shalt  }
0x68: {  	_ =	shalt  }
0x69: {  	_ =	shalt  }
0x6a: {  	_ =	shalt  }
0x6b: {  	_ =	shalt  }
0x6c: {  	_ =	shalt  }
0x6d: {  	_ =	shalt  }
0x6e: {  	_ =	shalt  }
0x6f: {  	_ =	shalt  }
0x70: {  	_ =	shalt  }
0x71: {  	_ =	shalt  }
0x72: {  	_ =	shalt  }
0x73: {  	_ =	shalt  }
0x74: {  	_ =	shalt  }
0x75: {  	_ =	shalt  }
0x76: {  	_ =	shalt  }
0x77: {  	_ =	shalt  }
0x78: {  	_ =	shalt  }
0x79: {  	_ =	shalt  }
0x7a: {  	_ =	shalt  }
0x7b: {  	_ =	shalt  }
0x7c: {  	_ =	shalt  }
0x7d: {  	_ =	shalt  }
0x7e: {  	_ =	shalt  }
0x7f: {  	_ =	shalt  }
0x80: {  	_ =	shalt  }
0x81: {  	_ =	shalt  }
0x82: {  	_ =	shalt  }
0x83: {  	_ =	shalt  }
0x84: {  	_ =	shalt  }
0x85: {  	_ =	shalt  }
0x86: {  	_ =	shalt  }
0x87: {  	_ =	shalt  }
.Lfunc_end0:
.L_simem_size_0:
called_computation_lowered:
.L_overlay_start_0:
0x88: {  	s2 =	sld [smem:$0x3FD9]  }
0x89: {  	s3 =	sld [smem:$0x3FFE];
	_ =	sdelay $0x1  }
0x8a: {  	s1 =	srdreg.scid  }
0x8b: {  	s0 =	sand.u32 $0x1, s1  }
0x8c: {  	s16 =	sshll.u32 s0, $0xA;
	s2 =	sadd.s32 s3, s2  }
0x8d: {  	s2 =	sadd.s32 s2, s16  }
0x8e: {  	[smem:$0x3FBD] =	sst s2  }
0x8f: {  	_ = 	snop  }
0x90: {  	(tm) =	ssettm $0x1  }
0x91: {  	s17 =	sld [smem:$0x3FFB];
	_ =	sdelay $0x3  }
0x92: {  	_ =	strace s17  }
0x93: {  	s2 =	sld [smem:$0x3FFC];
	_ =	sdelay $0x3  }
0x94: {  	_ =	strace s2  }
0x95: {  	s2 =	sld [smem:$0x3FFD];
	_ =	sdelay $0x3  }
0x96: {  	_ =	strace s2  }
0x97: {  	_ =	strace $0x8FFFFFFF  }
0x98: {  	s18 =	sld [smem:$0x3FDB];
	_ =	sdelay $0x1  }
0x99: {  	s19 =	simm.s32 $_scs_section_size  }
0x9a: {  	s4 =	simm.s32 $_size__tile_overlayer_lowered;
	s5 =	simm.s32 $_tile_overlayer_lowered  }
0x9b: {  	s22 =	simm.s32 $0x1BFF;
	s21 =	sshll.u32 s5, $0x1;
	s2 =	sadd.s32 s19, s18  }
0x9c: {  	s6 =	simm.s32 $0x0;
	s20 =	sshll.u32 s4, $0x1;
	s4 =	sadd.s32 s21, s2  }
0x9d: {  	[timem:s6], [sflag:s22] =	dma.local [hbm:s4], s20  }
0x9e: {  	_ =	swait.ge [sflag:s22], s20  }
0x9f: {  	s3 =	ssub.s32 $0x0, s20;
	[sflag:s22] =	ssyncset.done $0x0  }
0xa0: {  	[sflag:s22] =	ssyncadd.s32 s3;
	_ =	sdelay $0x1  }
0xa1: {  	s23 =	simm.s32 $0x1B8B  }
0xa2: {  	_ =	swait.ge [sflag:s23], $0x1  }
0xa3: {  	[sflag:s23] =	ssyncset.done $0x0  }
0xa4: {  	s25 =	simm.s32 $0x1B8E;
	s24 =	sld [smem:$0x3FFE];
	[sflag:s23] =	ssyncadd.s32 $0xFFFFFFFF  }
0xa5: {  	s26 =	simm.s32 $execute0_lowered;
	[smem:$0x3FD2] =	sst s25  }
0xa6: {  	s4 =	sshll.u32 s26, $0x1;
	_ =	strace $0x80000046;
	[dreg:$0x1] =	wrdreg $0xFFFFFFFF  }
0xa7: {  	s28 =	simm.s32 $_size_execute0_lowered;
	s2 =	sadd.s32 s2, s4;
	[dreg:$0x0] =	wrdreg $0x0  }
0xa8: {  	s4 =	sshll.u32 s28, $0x1;
	[dreg:$0x2] =	wrdreg s2  }
0xa9: {  	[dreg:$0x3] =	wrdreg s4  }
0xaa: {  	[dreg:$0x4] =	wrdreg $0xC0  }
0xab: {  	_ =	task [dreg:s6], $0x5FFFF  }
0xac: {  	[dreg:$0x1] =	wrdreg $0xFFFFFFFF  }
0xad: {  	[dreg:$0x0] =	wrdreg $0x60  }
0xae: {  	[dreg:$0x2] =	wrdreg s24  }
0xaf: {  	[dreg:$0x3] =	wrdreg $0x107800  }
0xb0: {  	[dreg:$0x4] =	wrdreg $0xE0000  }
0xb1: {  	[dreg:$0x5] =	wrdreg $0x9  }
0xb2: {  	_ =	task.clear_ibuf [dreg:s6], $0x6FFFF;
	_ =	strace $0x90000046  }
0xb3: {  	s29 =	simm.s32 $0x9;
	_ =	strace $0x80000048  }
0xb4: {  	_ =	swait.ge [sflag:s29], $0x1  }
0xb5: {  	[sflag:s29] =	ssyncadd.s32 $0xFFFFFFFF  }
0xb6: {  	_ =	strace $0x90000048  }
0xb7: {  	_ =	sfence  }
0xb8: {  	s30 =	sld [smem:$0x0];
	_ =	sdelay $0x2  }
0xb9: {  	s31 =	sshll.u32 s1, $0xD;
	s1 =	sshrl.u32 s1, $0x2  }
0xba: {  	s3 =	sand.u32 $0x4000, s31;
	s1 =	sadd.s32 s1, s30  }
0xbb: {  	s0 =	sor.u32 s3, s0;
	s1 =	sshll.u32 s1, $0x11  }
0xbc: {  	s0 =	sor.u32 s1, s0  }
0xbd: {  	s0 =	sadd.s32 $0x8F2B, s0  }
0xbe: {  	[sflag:s0] =	ssyncadd.remote.s32 $0x1  }
0xbf: {  	_ =	sfence.sel $0xFFFF  }
0xc0: {  	[dreg:$0x0] =	wrdreg $0xFFFFFFFF;
	(pc) =	sbr.abs _section_cstart, $3  }
0xc1: {  	[dreg:$0x1] =	wrdreg $0xFFFFFFFF  }
0xc2: {  	_ =	task.clear_ibuf [dreg:s6], $0x2FFFF;
	_ =	strace $0x9FFFFFFF  }
0xc3: {  	(tm) =	ssettm $0x7FFFFFFF  }
tec
execute0_lowered:
.L_overlay_start_1:
0x0: {  	(tag) =	ssettag $0x1  }
0x1: {  	s0 =	srdreg.scid;
	s1 =	rddreg [dreg:$0x0]  }
0x2: {  	s10 =	stileid.u32;
	s2 =	rddreg [dreg:$0x1]  }
0x3: {  	s14 =	simm.s32 $0x0;
	s29 =	simm.s32 $0xC000;
	s28 =	simm.s32 $0xD  }
0x4: {  	s30 =	simm.s32 $0x7;
	s31 =	simm.s32 $0xF;
	s0 =	sand.u32 $0x1, s0  }
0x5: {  	s3 =	sshll.u32 s10, $0x1;
	s6 =	smul.u32 $0x2780, s10;
	[smem:$0x7FF] =	sst s14  }
0x6: {  	s18 =	sshll.u32 s10, $0x6;
	s4 =	sor.u32 s0, s3;
	s3 =	rddreg [dreg:$0x2]  }
0x7: {  	s7 =	smul.u32 $0x27800, s0;
	_ =	strace $0x80000047;
	s0 =	ssub.s32 $0x2, s0  }
0x8: {  	s21 =	sor.u32 $0x1C02, s18;
	[dreg:$0x4] =	wrdreg s18;
	s26 =	sor.u32 $0x1C01, s18  }
0x9: {  	s18 =	simm.s32 $0x2;
	s5 =	smul.u32 $0xA00, s4;
	s15 =	sshrl.u32 s6, $0x3  }
0xa: {  	s17 =	sshrl.u32 s0, $0x1;
	s19 =	sadd.s32 s6, s2;
	[dreg:$0x6] =	wrdreg s21  }
0xb: {  	[dreg:$0xd] =	wrdreg s26;
	s21 =	simm.s32 $0xA000;
	s26 =	simm.s32 $0x5  }
0xc: {  	s7 =	sadd.s32 s6, s7;
	s9 =	sadd.s32 s15, s1;
	s0 =	ssub.s32 s0, s17  }
0xd: {  	s6 =	sadd.s32 s6, s3;
	s25 =	sshrl.u32 s19, $0x3;
	s19 =	simm.s32 $0x1  }
0xe: {  	s17 =	simm.s32 $0x11;
	s8 =	sadd.s32 s5, s1;
	s16 =	sshrl.u32 s7, $0x3  }
0xf: {  	s20 =	sadd.s32 $0x2B800, s9;
	s22 =	sadd.s32 $0x30800, s9;
	s0 =	smax.u32 s0, $0x1  }
0x10: {  	[dreg:$0xc] =	wrdreg s25;
	s15 =	sshrl.u32 s6, $0x3;
	s25 =	simm.s32 $0xB  }
0x11: {  	s6 =	simm.s32 $0xA;
	s7 =	simm.s32 $0x12;
	[dreg:$0x5] =	wrdreg s20  }
0x12: {  	s1 =	sadd.s32 s16, s1;
	[dreg:$0x7] =	wrdreg s22;
	s23 =	sadd.s32 $0x17800, s8  }
.Ltmp0:
0x13: {  	s24 =	sadd.s32 $0x3800, s8;
	[dreg:$0xb] =	wrdreg s0;
	(pc) =	sbr.rel .LBB2_1-.Ltmp0, $4  }
0x14: {  	s16 =	simm.s32 $0x13;
	s20 =	simm.s32 $0x80;
	s0 =	simm.s32 $0xD000  }
0x15: {  	s22 =	simm.s32 $0xD800;
	s8 =	simm.s32 $0x0;
	[dreg:$0x8] =	wrdreg s23  }
0x16: {  	[dreg:$0x9] =	wrdreg s24;
	s1 =	sadd.s32 $0x35800, s1;
	s24 =	simm.s32 $0xB000  }
0x17: {  	s23 =	simm.s32 $0x3;
	[dreg:$0xa] =	wrdreg s1;
	s1 =	simm.s32 $0x9  }
.LBB2_4:
0x18: {  	_ =	swait.ge [sflag:s6], $0x800  }
0x19: {  	[sflag:s6] =	ssyncset.done $0x0  }
0x1a: {  	[sflag:s6] =	ssyncadd.s32 $0xFFFFF800  }
0x1b: {  	[spmem:s3] =	stream.indirect.scatter.add.f32 [tilespmem:s22], [sflag:$0x12], $0x10, s11, s20, $0xb8;
	[tilespmem:$0x12F00] =	vst v63  }
0x1c: {  	_ =	swait.ge [sflag:s7], $0x800  }
0x1d: {  	[sflag:s7] =	ssyncset.done $0x0  }
0x1e: {  	[sflag:s7] =	ssyncadd.s32 $0xFFFFF800  }
0x1f: {  	[bflag:$0x0] =	sbarrier.arrive $0xFFFF  }
0x20: {  	s4 =	rddreg [dreg:$0x4]  }
0x21: {  	s5 =	rddreg [dreg:$0xa];
	s4 =	sor.u32 $0x1C13, s4  }
0x22: {  	[hbm:s5], [sflag:s4] =	dma.local [spmem:s15], $0x4F0  }
0x23: {  	_ =	swait.ge [sflag:s16], $0x4F0  }
0x24: {  	s8 =	sadd.s32 $0x1, s8;
	s14 =	rddreg [dreg:$0xb]  }
0x25: {  	p0 =	sne.s32 s8, s14  }
.Ltmp1:
0x26: {  	_ = 	snop;
	(pc) =	sbr.rel @!p0 .LBB2_5-.Ltmp1, $3  }
0x27: {  	_ =	sdelay $0x1  }
0x28: {  	[sflag:s16] =	ssyncset.done $0x0  }
0x29: {  	[sflag:s16] =	ssyncadd.s32 $0xFFFFFB10  }
.LBB2_1:
0x2a: {  	s4 =	rddreg [dreg:$0x5]  }
0x2b: {  	s5 =	rddreg [dreg:$0x6]  }
0x2c: {  	s9 =	rddreg [dreg:$0xc]  }
0x2d: {  	[spmem:s9], [sflag:s5] =	dma.local [hbm:s4], $0x4F0  }
0x2e: {  	s4 =	rddreg [dreg:$0x7]  }
0x2f: {  	s5 =	rddreg [dreg:$0xd]  }
0x30: {  	[spmem:s15], [sflag:s5] =	dma.local [hbm:s4], $0x4F0  }
0x31: {  	s10 =	simm.s32 $0x0;
	s5 =	rddreg [dreg:$0x8]  }
0x32: {  	[tilespmem:s10], [sflag:$0x13] =	stream.linear.gather [hbm4b:s5+s10], $0x5000, $0x38;
	[tilespmem:$0x12F00] =	vst v63  }
0x33: {  	_ =	swait.ge [sflag:s16], $0x5000  }
0x34: {  	[sflag:s16] =	ssyncset.done $0x0  }
0x35: {  	s12 =	simm.s32 $0x5000;
	s11 =	rddreg [dreg:$0x9];
	[sflag:s16] =	ssyncadd.s32 $0xFFFFB000  }
0x36: {  	[tilespmem:s12], [sflag:$0x13] =	stream.linear.gather [hbm4b:s11+s10], $0x5000, $0x38;
	[tilespmem:$0x12F00] =	vst v63  }
0x37: {  	_ =	swait.ge [sflag:s16], $0x5000  }
0x38: {  	[sflag:s16] =	ssyncset.done $0x0  }
0x39: {  	[sflag:s16] =	ssyncadd.s32 $0xFFFFB000  }
0x3a: {  	_ =	swait.ge [sflag:s18], $0x4F0  }
0x3b: {  	[sflag:s18] =	ssyncset.done $0x0  }
0x3c: {  	[sflag:s18] =	ssyncadd.s32 $0xFFFFFB10  }
0x3d: {  	_ =	swait.ge [sflag:s19], $0x4F0  }
0x3e: {  	[sflag:s19] =	ssyncset.done $0x0  }
0x3f: {  	[sflag:s19] =	ssyncadd.s32 $0xFFFFFB10  }
0x40: {  	[bflag:$0x0] =	sbarrier.arrive $0xFFFF  }
0x41: {  	[tilespmem:s21], [sflag:$0x3] =	stream.indirect.gather [spmem:s2], $0x10, s10, s20, $0xb8;
	[tilespmem:$0x12F00] =	vst v63  }
0x42: {  	s13 =	simm.s32 $0xA800  }
0x43: {  	[tilespmem:s13], [sflag:$0x4] =	stream.indirect.gather [spmem:s2], $0x10, s20, s20, $0xb8;
	[tilespmem:$0x12F00] =	vst v63  }
0x44: {  	s14 =	simm.s32 $0x100  }
0x45: {  	[tilespmem:s24], [sflag:$0x5] =	stream.indirect.gather [spmem:s2], $0x10, s14, s20, $0xb8;
	[tilespmem:$0x12F00] =	vst v63  }
0x46: {  	s9 =	simm.s32 $0xB800;
	s5 =	simm.s32 $0x180  }
0x47: {  	[tilespmem:s9], [sflag:$0x6] =	stream.indirect.gather [spmem:s2], $0x10, s5, s20, $0xb8;
	[tilespmem:$0x12F00] =	vst v63  }
0x48: {  	s10 =	simm.s32 $0x200  }
0x49: {  	[tilespmem:s29], [sflag:$0x7] =	stream.indirect.gather [spmem:s2], $0x10, s10, s20, $0xb8;
	[tilespmem:$0x12F00] =	vst v63  }
0x4a: {  	s11 =	simm.s32 $0x280;
	s12 =	simm.s32 $0xC800  }
0x4b: {  	[tilespmem:s12], [sflag:$0x8] =	stream.indirect.gather [spmem:s2], $0x10, s11, s20, $0xb8;
	[tilespmem:$0x12F00] =	vst v63  }
0x4c: {  	s13 =	simm.s32 $0x300  }
0x4d: {  	[tilespmem:s0], [sflag:$0x9] =	stream.indirect.gather [spmem:s2], $0x10, s13, s20, $0xb8;
	[tilespmem:$0x12F00] =	vst v63  }
0x4e: {  	s14 =	simm.s32 $0x380;
	s9 =	simm.s32 $0x0  }
0x4f: {  	[tilespmem:s22], [sflag:$0xA] =	stream.indirect.gather [spmem:s2], $0x10, s14, s20, $0xb8;
	[tilespmem:$0x12F00] =	vst v63  }
.LBB2_2:
0x50: {  	_ =	swait.ge [sflag:s23], $0x800  }
0x51: {  	s10 =	sshra.s32 s9, $0x2;
	[sflag:s23] =	ssyncset.done $0x0  }
0x52: {  	s11 =	sadd.s32 $0x5000, s10;
	[sflag:s23] =	ssyncadd.s32 $0xFFFFF800  }
0x53: {  	[spmem:s3] =	stream.indirect.scatter.add.f32 [tilespmem:s21], [sflag:$0xB], $0x10, s11, s20, $0xb8;
	[tilespmem:$0x12F00] =	vst v63  }
0x54: {  	_ =	swait.ge [sflag:s25], $0x800  }
0x55: {  	p0 =	seq.s32 s9, $0x13000;
	[sflag:s25] =	ssyncset.done $0x0  }
0x56: {  	s11 =	simm.s32 @p0 $0x4;
	[sflag:s25] =	ssyncadd.s32 $0xFFFFF800  }
0x57: {  	_ =	swait.ge @p0 [sflag:s11], $0x800  }
0x58: {  	s13 =	sshra.s32 @p0 s9, $0x2;
	s14 =	simm.s32 @p0 $0x80;
	[sflag:s11] =	ssyncset.done @p0 $0x0  }
0x59: {  	s12 =	simm.s32 @p0 $0xA800;
	[sflag:s11] =	ssyncadd.s32 @p0 $0xFFFFF800;
	s11 =	sadd.s32 @p0 $0x5080, s13  }
0x5a: {  	[spmem:s3] =	stream.indirect.scatter.add.f32 @p0 [tilespmem:s12], [sflag:$0xC], $0x10, s11, s14, $0xb8;
	[tilespmem:$0x12F00] =	vst v63  }
0x5b: {  	s11 =	simm.s32 @p0 $0xC  }
0x5c: {  	_ =	swait.ge @p0 [sflag:s11], $0x800  }
0x5d: {  	[sflag:s11] =	ssyncset.done @p0 $0x0  }
0x5e: {  	[sflag:s11] =	ssyncadd.s32 @p0 $0xFFFFF800;
	s11 =	sshra.s32 @!p0 s9, $0x2  }
0x5f: {  	s4 =	simm.s32 @!p0 $0xA000;
	s12 =	simm.s32 @!p0 $0x80;
	s5 =	sadd.s32 @!p0 $0x400, s11  }
0x60: {  	[tilespmem:s4], [sflag:$0x3] =	stream.indirect.gather @!p0 [spmem:s2], $0x10, s5, s12, $0xb8;
	[tilespmem:$0x12F00] =	vst v63  }
0x61: {  	s4 =	simm.s32 @!p0 $0x4  }
0x62: {  	_ =	swait.ge @!p0 [sflag:s4], $0x800  }
0x63: {  	[sflag:s4] =	ssyncset.done @!p0 $0x0  }
0x64: {  	s5 =	simm.s32 @!p0 $0xA800;
	[sflag:s4] =	ssyncadd.s32 @!p0 $0xFFFFF800;
	s4 =	sadd.s32 @!p0 $0x5080, s11  }
0x65: {  	[spmem:s3] =	stream.indirect.scatter.add.f32 @!p0 [tilespmem:s5], [sflag:$0xC], $0x10, s4, s12, $0xb8;
	[tilespmem:$0x12F00] =	vst v63  }
0x66: {  	s4 =	simm.s32 @!p0 $0xC  }
0x67: {  	_ =	swait.ge @!p0 [sflag:s4], $0x800  }
0x68: {  	[sflag:s4] =	ssyncset.done @!p0 $0x0  }
0x69: {  	[sflag:s4] =	ssyncadd.s32 @!p0 $0xFFFFF800;
	s4 =	sadd.s32 @!p0 $0x480, s11  }
0x6a: {  	[tilespmem:s5], [sflag:$0x4] =	stream.indirect.gather @!p0 [spmem:s2], $0x10, s4, s12, $0xb8;
	[tilespmem:$0x12F00] =	vst v63  }
0x6b: {  	_ =	swait.ge [sflag:s26], $0x800  }
0x6c: {  	[sflag:s26] =	ssyncset.done $0x0  }
0x6d: {  	s5 =	sadd.s32 $0x5100, s10;
	[sflag:s26] =	ssyncadd.s32 $0xFFFFF800  }
0x6e: {  	[spmem:s3] =	stream.indirect.scatter.add.f32 [tilespmem:s24], [sflag:$0xD], $0x10, s5, s20, $0xb8;
	[tilespmem:$0x12F00] =	vst v63  }
0x6f: {  	_ =	swait.ge [sflag:s28], $0x800  }
0x70: {  	[sflag:s28] =	ssyncset.done $0x0  }
0x71: {  	s4 =	simm.s32 @p0 $0x6;
	[sflag:s28] =	ssyncadd.s32 $0xFFFFF800  }
0x72: {  	_ =	swait.ge @p0 [sflag:s4], $0x800  }
0x73: {  	[sflag:s4] =	ssyncset.done @p0 $0x0  }
0x74: {  	s5 =	simm.s32 @p0 $0xB800;
	[sflag:s4] =	ssyncadd.s32 @p0 $0xFFFFF800;
	s4 =	sadd.s32 @p0 $0x5180, s13  }
0x75: {  	[spmem:s3] =	stream.indirect.scatter.add.f32 @p0 [tilespmem:s5], [sflag:$0xE], $0x10, s4, s14, $0xb8;
	[tilespmem:$0x12F00] =	vst v63  }
0x76: {  	s4 =	simm.s32 @p0 $0xE  }
0x77: {  	_ =	swait.ge @p0 [sflag:s4], $0x800  }
0x78: {  	[sflag:s4] =	ssyncset.done @p0 $0x0  }
0x79: {  	s5 =	simm.s32 @!p0 $0xB000;
	[sflag:s4] =	ssyncadd.s32 @p0 $0xFFFFF800;
	s4 =	sadd.s32 @!p0 $0x500, s11  }
0x7a: {  	[tilespmem:s5], [sflag:$0x5] =	stream.indirect.gather @!p0 [spmem:s2], $0x10, s4, s12, $0xb8;
	[tilespmem:$0x12F00] =	vst v63  }
0x7b: {  	s4 =	simm.s32 @!p0 $0x6  }
0x7c: {  	_ =	swait.ge @!p0 [sflag:s4], $0x800  }
0x7d: {  	[sflag:s4] =	ssyncset.done @!p0 $0x0  }
0x7e: {  	s5 =	simm.s32 @!p0 $0xB800;
	[sflag:s4] =	ssyncadd.s32 @!p0 $0xFFFFF800;
	s4 =	sadd.s32 @!p0 $0x5180, s11  }
0x7f: {  	[spmem:s3] =	stream.indirect.scatter.add.f32 @!p0 [tilespmem:s5], [sflag:$0xE], $0x10, s4, s12, $0xb8;
	[tilespmem:$0x12F00] =	vst v63  }
0x80: {  	s4 =	simm.s32 @!p0 $0xE  }
0x81: {  	_ =	swait.ge @!p0 [sflag:s4], $0x800  }
0x82: {  	[sflag:s4] =	ssyncset.done @!p0 $0x0  }
0x83: {  	[sflag:s4] =	ssyncadd.s32 @!p0 $0xFFFFF800;
	s4 =	sadd.s32 @!p0 $0x580, s11  }
0x84: {  	[tilespmem:s5], [sflag:$0x6] =	stream.indirect.gather @!p0 [spmem:s2], $0x10, s4, s12, $0xb8;
	[tilespmem:$0x12F00] =	vst v63  }
0x85: {  	_ =	swait.ge [sflag:s30], $0x800  }
0x86: {  	[sflag:s30] =	ssyncset.done $0x0  }
0x87: {  	s5 =	sadd.s32 $0x5200, s10;
	[sflag:s30] =	ssyncadd.s32 $0xFFFFF800  }
0x88: {  	[spmem:s3] =	stream.indirect.scatter.add.f32 [tilespmem:s29], [sflag:$0xF], $0x10, s5, s20, $0xb8;
	[tilespmem:$0x12F00] =	vst v63  }
0x89: {  	_ =	swait.ge [sflag:s31], $0x800  }
0x8a: {  	[sflag:s31] =	ssyncset.done $0x0  }
0x8b: {  	s4 =	simm.s32 @p0 $0x8;
	[sflag:s31] =	ssyncadd.s32 $0xFFFFF800  }
0x8c: {  	_ =	swait.ge @p0 [sflag:s4], $0x800  }
0x8d: {  	[sflag:s4] =	ssyncset.done @p0 $0x0  }
0x8e: {  	s5 =	simm.s32 @p0 $0xC800;
	[sflag:s4] =	ssyncadd.s32 @p0 $0xFFFFF800;
	s4 =	sadd.s32 @p0 $0x5280, s13  }
0x8f: {  	[spmem:s3] =	stream.indirect.scatter.add.f32 @p0 [tilespmem:s5], [sflag:$0x10], $0x10, s4, s14, $0xb8;
	[tilespmem:$0x12F00] =	vst v63  }
0x90: {  	s4 =	simm.s32 @p0 $0x10  }
0x91: {  	_ =	swait.ge @p0 [sflag:s4], $0x800  }
0x92: {  	[sflag:s4] =	ssyncset.done @p0 $0x0  }
0x93: {  	s5 =	simm.s32 @!p0 $0xC000;
	[sflag:s4] =	ssyncadd.s32 @p0 $0xFFFFF800;
	s4 =	sadd.s32 @!p0 $0x600, s11  }
0x94: {  	[tilespmem:s5], [sflag:$0x7] =	stream.indirect.gather @!p0 [spmem:s2], $0x10, s4, s12, $0xb8;
	[tilespmem:$0x12F00] =	vst v63  }
0x95: {  	s4 =	simm.s32 @!p0 $0x8  }
0x96: {  	_ =	swait.ge @!p0 [sflag:s4], $0x800  }
0x97: {  	[sflag:s4] =	ssyncset.done @!p0 $0x0  }
0x98: {  	s5 =	simm.s32 @!p0 $0xC800;
	[sflag:s4] =	ssyncadd.s32 @!p0 $0xFFFFF800;
	s4 =	sadd.s32 @!p0 $0x5280, s11  }
0x99: {  	[spmem:s3] =	stream.indirect.scatter.add.f32 @!p0 [tilespmem:s5], [sflag:$0x10], $0x10, s4, s12, $0xb8;
	[tilespmem:$0x12F00] =	vst v63  }
0x9a: {  	s4 =	simm.s32 @!p0 $0x10  }
0x9b: {  	_ =	swait.ge @!p0 [sflag:s4], $0x800  }
0x9c: {  	[sflag:s4] =	ssyncset.done @!p0 $0x0  }
0x9d: {  	[sflag:s4] =	ssyncadd.s32 @!p0 $0xFFFFF800;
	s4 =	sadd.s32 @!p0 $0x680, s11  }
0x9e: {  	[tilespmem:s5], [sflag:$0x8] =	stream.indirect.gather @!p0 [spmem:s2], $0x10, s4, s12, $0xb8;
	[tilespmem:$0x12F00] =	vst v63  }
0x9f: {  	_ =	swait.ge [sflag:s1], $0x800  }
0xa0: {  	[sflag:s1] =	ssyncset.done $0x0  }
.Ltmp2:
0xa1: {  	s14 =	sadd.s32 $0x5300, s10;
	[sflag:s1] =	ssyncadd.s32 $0xFFFFF800;
	(pc) =	sbr.rel @p0 .LBB2_4-.Ltmp2, $4  }
0xa2: {  	[spmem:s3] =	stream.indirect.scatter.add.f32 [tilespmem:s0], [sflag:$0x11], $0x10, s14, s20, $0xb8;
	[tilespmem:$0x12F00] =	vst v63  }
0xa3: {  	_ =	swait.ge [sflag:s17], $0x800  }
0xa4: {  	[sflag:s17] =	ssyncset.done $0x0  }
0xa5: {  	s11 =	sadd.s32 $0x5380, s10;
	[sflag:s17] =	ssyncadd.s32 $0xFFFFF800  }
0xa6: {  	s4 =	sadd.s32 $0x700, s10  }
0xa7: {  	[tilespmem:s0], [sflag:$0x9] =	stream.indirect.gather [spmem:s2], $0x10, s4, s20, $0xb8;
	[tilespmem:$0x12F00] =	vst v63  }
0xa8: {  	_ =	swait.ge [sflag:s6], $0x800  }
0xa9: {  	[sflag:s6] =	ssyncset.done $0x0  }
0xaa: {  	[sflag:s6] =	ssyncadd.s32 $0xFFFFF800  }
0xab: {  	[spmem:s3] =	stream.indirect.scatter.add.f32 [tilespmem:s22], [sflag:$0x12], $0x10, s11, s20, $0xb8;
	[tilespmem:$0x12F00] =	vst v63  }
.Ltmp3:
0xac: {  	_ = 	snop;
	(pc) =	sbr.rel .LBB2_2-.Ltmp3, $4  }
0xad: {  	_ =	swait.ge [sflag:s7], $0x800  }
0xae: {  	[sflag:s7] =	ssyncset.done $0x0  }
0xaf: {  	s14 =	sadd.s32 $0x780, s10;
	s9 =	sadd.s32 $0x1000, s9;
	[sflag:s7] =	ssyncadd.s32 $0xFFFFF800  }
0xb0: {  	[tilespmem:s22], [sflag:$0xA] =	stream.indirect.gather [spmem:s2], $0x10, s14, s20, $0xb8;
	[tilespmem:$0x12F00] =	vst v63  }
.LBB2_5:
0xb1: {  	_ =	sfence.sel $0x180000  }
0xb2: {  	[bflag:$0x0] =	sbarrier.arrive $0xFFFF  }
0xb3: {  	_ =	strace $0x90000047  }
0xb4: {  	s0 =	stileid.u32;
	[bflag:$0x2] =	sbarrier.arrive $0xFFFF  }
0xb5: {  	p0 =	sne.s32 s0, $0x0;
	s0 =	rddreg [dreg:$0x3]  }
0xb6: {  	s0 =	sadd.s32 @!p0 $0x100000, s0  }
0xb7: {  	[sflag:s0] =	ssyncadd.tile.s32 @!p0 $0x1;
	_ =	shalt  }
.Lfunc_end2:
_tile_overlayer_lowered:
.L_overlay_start_2:
0xb8: {  	(tag) =	ssettag $0x2  }
0xb9: {  	s0 =	rddreg [dreg:$0x0];
	s2 =	stileid.u32  }
0xba: {  	s1 =	rddreg [dreg:$0x1];
	p0 =	sne.s32 s2, $0x0  }
0xbb: {  	s3 =	rddreg [dreg:$0x2];
	[bflag:$0x3] =	sbarrier.arrive $0xFFFF;
	s2 =	simm.s32 @!p0 $0x1C13  }
0xbc: {  	[timem:s3], [sflag:s2] =	dma.local @!p0 [hbm:s0], s1  }
0xbd: {  	s0 =	simm.s32 @!p0 $0x13  }
0xbe: {  	_ =	swait.ge @!p0 [sflag:s0], s1  }
0xbf: {  	s1 =	ssub.s32 @!p0 $0x0, s1;
	[sflag:s0] =	ssyncset.done @!p0 $0x0  }
0xc0: {  	[sflag:s0] =	ssyncadd.s32 @!p0 s1  }
0xc1: {  	[bflag:$0x3] =	sbarrier.arrive $0xFFFF  }
0xc2: {  	_ =	shalt  }

// kernel: kernel.13.cloned.1.call-start
scs
__scs_entry_jumppad:
0x0: {  	(pc) =	sbr.rel $0x88, $3  }
0x1: {  	(tag) =	ssettag $0x0;
	lr =	simm.s32 $0x1  }
0x2: {  	[smem:$0x3F96] =	sst lr;
	_ =	strace $0xD0000000  }
0x3: {  	_ = 	snop  }
0x4: {  	_ = 	snop  }
0x5: {  	_ = 	snop  }
0x6: {  	_ = 	snop  }
0x7: {  	_ = 	snop  }
__scs_overlays_trampoline_lowered:
0x8: {  	[smem:$0x3FA5] =	sst s0  }
0x9: {  	[smem:$0x3FA6] =	sst s1  }
0xa: {  	[smem:$0x3FA7] =	sst s2  }
0xb: {  	[smem:$0x3FA8] =	sst s3  }
0xc: {  	[smem:$0x3FA9] =	sst s4  }
0xd: {  	[smem:$0x3FAA] =	sst s5  }
0xe: {  	[smem:$0x3FAB] =	sst s6  }
0xf: {  	[smem:$0x3FAC] =	sst s7  }
0x10: {  	[smem:$0x3FAD] =	sst s8  }
0x11: {  	[smem:$0x3FAE] =	sst s9;
	s0 =	simm.s32 @!p0 $0x0  }
0x12: {  	s1 =	sld [smem:$0x3F94];
	s0 =	simm.s32 @p0 $0x1  }
0x13: {  	[smem:$0x3FAF] =	sst s0;
	s0 =	simm.s32 @!p1 $0x0  }
0x14: {  	s2 =	sld [smem:$0x3F93];
	s0 =	simm.s32 @p1 $0x1  }
0x15: {  	[smem:$0x3FB0] =	sst s0;
	s0 =	simm.s32 @!p2 $0x0  }
0x16: {  	s3 =	sld [smem:$0x3FDB];
	s0 =	simm.s32 @p2 $0x1  }
0x17: {  	s4 =	simm.s32 $0x1BF5;
	[smem:$0x3FB2] =	sst s0  }
0x18: {  	s0 =	sld [smem:$0x3F95];
	_ =	swait.ge [sflag:s4], $0x0  }
0x19: {  	s7 =	sld [smem:$0x3F96]  }
0x1a: {  	s8 =	sadd.s32 $0xFFFFE003, lr  }
0x1b: {  	s9 =	sadd.s32 $0xFFFFFEF7, lr;
	s5 =	simm.s32 $0xFFFFFFFF;
	p2 =	slt.u32 s8, $0xFFFFF086  }
0x1c: {  	p1 =	slt.u32 s9, $0xF7A;
	s5 =	simm.s32 @!p2 $0x0  }
0x1d: {  	s5 =	simm.s32 @p1 $0x1;
	p0 =	seq.s32 s7, s2  }
0x1e: {  	s7 =	smul.u32 @!p0 $0xF7A, s2;
	p2 =	seq.s32 @!p0 s5, $0x0  }
0x1f: {  	s9 =	smul.u32 $0xF7A, s1;
	s8 =	simm.s32 @!p0 $0x1BF5;
	p2 =	por !p2, p0  }
0x20: {  	[sflag:s8] =	ssyncset.s32 @!p0 $0xFFFFF086;
	s6 =	sadd.s32 @!p0 s3, s7;
	s7 =	simm.s32 @!p0 $0x108  }
0x21: {  	s3 =	sadd.s32 s3, s9;
	s6 =	sadd.s32 @!p0 $0x88, s6;
	s7 =	simm.s32 @p2 $0x1082  }
0x22: {  	[simem:s7], [sflag:s8] =	dma.local @!p0 [hbm:s6], $0xF7A  }
0x23: {  	s9 =	sor.u32 $0xD0000000, s2;
	s6 =	simm.s32 $0x108;
	_ =	swait.ge @!p0 [sflag:s8], $0x0  }
0x24: {  	s3 =	sadd.s32 $0x88, s3;
	s6 =	simm.s32 @!p1 $0x1082;
	[sflag:s4] =	ssyncset.s32 $0xFFFFF086  }
0x25: {  	[simem:s6], [sflag:s4] =	dma.local [hbm:s3], $0xF7A  }
0x26: {  	[smem:$0x3F96] =	sst s1;
	(tag) =	ssettag s2;
	_ =	strace s9  }
0x27: {  	s1 =	sld [smem:$0x3FA6]  }
0x28: {  	s2 =	sld [smem:$0x3FA7]  }
0x29: {  	s4 =	sld [smem:$0x3FA9]  }
0x2a: {  	p0 =	seq.s32 s5, $0x0;
	s5 =	sld [smem:$0x3FAA]  }
0x2b: {  	s6 =	sld [smem:$0x3FAB]  }
0x2c: {  	s7 =	sld [smem:$0x3FAC]  }
0x2d: {  	s3 =	simm.s32 $0x108;
	s8 =	sld [smem:$0x3FAD]  }
0x2e: {  	s3 =	simm.s32 @!p0 $0x1082;
	s9 =	sld [smem:$0x3FAE]  }
0x2f: {  	lr =	sadd.s32 s0, s3;
	s0 =	sld [smem:$0x3FA5]  }
0x30: {  	s3 =	sld [smem:$0x3FA8]  }
0x31: {  	[smem:$0x3FB1] =	sst s10  }
0x32: {  	s10 =	sld [smem:$0x3FAF];
	_ =	sdelay $0x3  }
0x33: {  	p0 =	seq.s32 s10, $0x1;
	s10 =	sld [smem:$0x3FB1];
	_ =	sdelay $0x3  }
0x34: {  	[smem:$0x3FB1] =	sst s10  }
0x35: {  	s10 =	sld [smem:$0x3FB0];
	_ =	sdelay $0x3  }
0x36: {  	p1 =	seq.s32 s10, $0x1;
	s10 =	sld [smem:$0x3FB1];
	_ =	sdelay $0x3  }
0x37: {  	[smem:$0x3FB1] =	sst s10  }
0x38: {  	s10 =	sld [smem:$0x3FB2]  }
0x39: {  	_ = 	snop;
	(pc) =	sbr.ind lr, $3  }
0x3a: {  	_ = 	snop  }
0x3b: {  	_ = 	snop  }
0x3c: {  	p2 =	seq.s32 s10, $0x1;
	s10 =	sld [smem:$0x3FB1]  }
0x3d: {  	_ =	shalt  }
0x3e: {  	_ =	shalt  }
0x3f: {  	_ =	shalt  }
0x40: {  	_ =	shalt  }
0x41: {  	_ =	shalt  }
0x42: {  	_ =	shalt  }
0x43: {  	_ =	shalt  }
0x44: {  	_ =	shalt  }
0x45: {  	_ =	shalt  }
0x46: {  	_ =	shalt  }
0x47: {  	_ =	shalt  }
0x48: {  	_ =	shalt  }
0x49: {  	_ =	shalt  }
0x4a: {  	_ =	shalt  }
0x4b: {  	_ =	shalt  }
0x4c: {  	_ =	shalt  }
0x4d: {  	_ =	shalt  }
0x4e: {  	_ =	shalt  }
0x4f: {  	_ =	shalt  }
0x50: {  	_ =	shalt  }
0x51: {  	_ =	shalt  }
0x52: {  	_ =	shalt  }
0x53: {  	_ =	shalt  }
0x54: {  	_ =	shalt  }
0x55: {  	_ =	shalt  }
0x56: {  	_ =	shalt  }
0x57: {  	_ =	shalt  }
0x58: {  	_ =	shalt  }
0x59: {  	_ =	shalt  }
0x5a: {  	_ =	shalt  }
0x5b: {  	_ =	shalt  }
0x5c: {  	_ =	shalt  }
0x5d: {  	_ =	shalt  }
0x5e: {  	_ =	shalt  }
0x5f: {  	_ =	shalt  }
0x60: {  	_ =	shalt  }
0x61: {  	_ =	shalt  }
0x62: {  	_ =	shalt  }
0x63: {  	_ =	shalt  }
0x64: {  	_ =	shalt  }
0x65: {  	_ =	shalt  }
0x66: {  	_ =	shalt  }
0x67: {  	_ =	shalt  }
0x68: {  	_ =	shalt  }
0x69: {  	_ =	shalt  }
0x6a: {  	_ =	shalt  }
0x6b: {  	_ =	shalt  }
0x6c: {  	_ =	shalt  }
0x6d: {  	_ =	shalt  }
0x6e: {  	_ =	shalt  }
0x6f: {  	_ =	shalt  }
0x70: {  	_ =	shalt  }
0x71: {  	_ =	shalt  }
0x72: {  	_ =	shalt  }
0x73: {  	_ =	shalt  }
0x74: {  	_ =	shalt  }
0x75: {  	_ =	shalt  }
0x76: {  	_ =	shalt  }
0x77: {  	_ =	shalt  }
0x78: {  	_ =	shalt  }
0x79: {  	_ =	shalt  }
0x7a: {  	_ =	shalt  }
0x7b: {  	_ =	shalt  }
0x7c: {  	_ =	shalt  }
0x7d: {  	_ =	shalt  }
0x7e: {  	_ =	shalt  }
0x7f: {  	_ =	shalt  }
0x80: {  	_ =	shalt  }
0x81: {  	_ =	shalt  }
0x82: {  	_ =	shalt  }
0x83: {  	_ =	shalt  }
0x84: {  	_ =	shalt  }
0x85: {  	_ =	shalt  }
0x86: {  	_ =	shalt  }
0x87: {  	_ =	shalt  }
.Lfunc_end0:
.L_simem_size_0:
called_computation.1_lowered:
.L_overlay_start_0:
0x88: {  	s2 =	sld [smem:$0x3FD9]  }
0x89: {  	s3 =	sld [smem:$0x3FFE];
	_ =	sdelay $0x1  }
0x8a: {  	s1 =	srdreg.scid  }
0x8b: {  	s0 =	sand.u32 $0x1, s1  }
0x8c: {  	s16 =	sshll.u32 s0, $0xA;
	s2 =	sadd.s32 s3, s2  }
0x8d: {  	s2 =	sadd.s32 s2, s16  }
0x8e: {  	[smem:$0x3FBD] =	sst s2  }
0x8f: {  	_ = 	snop  }
0x90: {  	(tm) =	ssettm $0x1  }
0x91: {  	s17 =	sld [smem:$0x3FFB];
	_ =	sdelay $0x3  }
0x92: {  	_ =	strace s17  }
0x93: {  	s2 =	sld [smem:$0x3FFC];
	_ =	sdelay $0x3  }
0x94: {  	_ =	strace s2  }
0x95: {  	s2 =	sld [smem:$0x3FFD];
	_ =	sdelay $0x3  }
0x96: {  	_ =	strace s2  }
0x97: {  	_ =	strace $0x8FFFFFFF  }
0x98: {  	s18 =	sld [smem:$0x3FDB];
	_ =	sdelay $0x1  }
0x99: {  	s19 =	simm.s32 $_scs_section_size  }
0x9a: {  	s4 =	simm.s32 $_size__tile_overlayer_lowered;
	s5 =	simm.s32 $_tile_overlayer_lowered  }
0x9b: {  	s22 =	simm.s32 $0x1BFF;
	s21 =	sshll.u32 s5, $0x1;
	s2 =	sadd.s32 s19, s18  }
0x9c: {  	s6 =	simm.s32 $0x0;
	s20 =	sshll.u32 s4, $0x1;
	s4 =	sadd.s32 s21, s2  }
0x9d: {  	[timem:s6], [sflag:s22] =	dma.local [hbm:s4], s20  }
0x9e: {  	_ =	swait.ge [sflag:s22], s20  }
0x9f: {  	s3 =	ssub.s32 $0x0, s20;
	[sflag:s22] =	ssyncset.done $0x0  }
0xa0: {  	[sflag:s22] =	ssyncadd.s32 s3;
	_ =	sdelay $0x1  }
0xa1: {  	s23 =	simm.s32 $0x1B8B  }
0xa2: {  	_ =	swait.ge [sflag:s23], $0x1  }
0xa3: {  	[sflag:s23] =	ssyncset.done $0x0  }
0xa4: {  	s25 =	simm.s32 $0x1B8E;
	s24 =	sld [smem:$0x3FFE];
	[sflag:s23] =	ssyncadd.s32 $0xFFFFFFFF  }
0xa5: {  	s26 =	simm.s32 $execute0_lowered;
	[smem:$0x3FD2] =	sst s25  }
0xa6: {  	s4 =	sshll.u32 s26, $0x1;
	_ =	strace $0x80000049;
	[dreg:$0x1] =	wrdreg $0xFFFFFFFF  }
0xa7: {  	s28 =	simm.s32 $_size_execute0_lowered;
	s2 =	sadd.s32 s2, s4;
	[dreg:$0x0] =	wrdreg $0x0  }
0xa8: {  	s4 =	sshll.u32 s28, $0x1;
	[dreg:$0x2] =	wrdreg s2  }
0xa9: {  	[dreg:$0x3] =	wrdreg s4  }
0xaa: {  	[dreg:$0x4] =	wrdreg $0xC0  }
0xab: {  	_ =	task [dreg:s6], $0x5FFFF  }
0xac: {  	[dreg:$0x1] =	wrdreg $0xFFFFFFFF  }
0xad: {  	[dreg:$0x0] =	wrdreg $0x60  }
0xae: {  	[dreg:$0x2] =	wrdreg s24  }
0xaf: {  	[dreg:$0x3] =	wrdreg $0x107800  }
0xb0: {  	[dreg:$0x4] =	wrdreg $0xE0000  }
0xb1: {  	[dreg:$0x5] =	wrdreg $0x9  }
0xb2: {  	_ =	task.clear_ibuf [dreg:s6], $0x6FFFF;
	_ =	strace $0x90000049  }
0xb3: {  	s29 =	simm.s32 $0x9;
	_ =	strace $0x8000004B  }
0xb4: {  	_ =	swait.ge [sflag:s29], $0x1  }
0xb5: {  	[sflag:s29] =	ssyncadd.s32 $0xFFFFFFFF  }
0xb6: {  	_ =	strace $0x9000004B  }
0xb7: {  	_ =	sfence  }
0xb8: {  	s30 =	sld [smem:$0x0];
	_ =	sdelay $0x2  }
0xb9: {  	s31 =	sshll.u32 s1, $0xD;
	s1 =	sshrl.u32 s1, $0x2  }
0xba: {  	s3 =	sand.u32 $0x4000, s31;
	s1 =	sadd.s32 s1, s30  }
0xbb: {  	s0 =	sor.u32 s3, s0;
	s1 =	sshll.u32 s1, $0x11  }
0xbc: {  	s0 =	sor.u32 s1, s0  }
0xbd: {  	s0 =	sadd.s32 $0x8F2B, s0  }
0xbe: {  	[sflag:s0] =	ssyncadd.remote.s32 $0x1  }
0xbf: {  	_ =	sfence.sel $0xFFFF  }
0xc0: {  	[dreg:$0x0] =	wrdreg $0xFFFFFFFF;
	(pc) =	sbr.abs _section_cstart, $3  }
0xc1: {  	[dreg:$0x1] =	wrdreg $0xFFFFFFFF  }
0xc2: {  	_ =	task.clear_ibuf [dreg:s6], $0x2FFFF;
	_ =	strace $0x9FFFFFFF  }
0xc3: {  	(tm) =	ssettm $0x7FFFFFFF  }
tec
execute0_lowered:
.L_overlay_start_1:
0x0: {  	(tag) =	ssettag $0x1  }
0x1: {  	s0 =	srdreg.scid;
	s1 =	rddreg [dreg:$0x0]  }
0x2: {  	s10 =	stileid.u32;
	s2 =	rddreg [dreg:$0x1]  }
0x3: {  	s14 =	simm.s32 $0x0;
	s29 =	simm.s32 $0xC000;
	s28 =	simm.s32 $0xD  }
0x4: {  	s30 =	simm.s32 $0x7;
	s31 =	simm.s32 $0xF;
	s0 =	sand.u32 $0x1, s0  }
0x5: {  	s3 =	sshll.u32 s10, $0x1;
	s6 =	smul.u32 $0x2780, s10;
	[smem:$0x7FF] =	sst s14  }
0x6: {  	s18 =	sshll.u32 s10, $0x6;
	s4 =	sor.u32 s0, s3;
	s3 =	rddreg [dreg:$0x2]  }
0x7: {  	s7 =	smul.u32 $0x27800, s0;
	_ =	strace $0x8000004A;
	s0 =	ssub.s32 $0x2, s0  }
0x8: {  	s21 =	sor.u32 $0x1C02, s18;
	[dreg:$0x4] =	wrdreg s18;
	s26 =	sor.u32 $0x1C01, s18  }
0x9: {  	s18 =	simm.s32 $0x2;
	s5 =	smul.u32 $0xA00, s4;
	s15 =	sshrl.u32 s6, $0x3  }
0xa: {  	s17 =	sshrl.u32 s0, $0x1;
	s19 =	sadd.s32 s6, s2;
	[dreg:$0x6] =	wrdreg s21  }
0xb: {  	[dreg:$0xd] =	wrdreg s26;
	s21 =	simm.s32 $0xA000;
	s26 =	simm.s32 $0x5  }
0xc: {  	s7 =	sadd.s32 s6, s7;
	s9 =	sadd.s32 s15, s1;
	s0 =	ssub.s32 s0, s17  }
0xd: {  	s6 =	sadd.s32 s6, s3;
	s25 =	sshrl.u32 s19, $0x3;
	s19 =	simm.s32 $0x1  }
0xe: {  	s17 =	simm.s32 $0x11;
	s8 =	sadd.s32 s5, s1;
	s16 =	sshrl.u32 s7, $0x3  }
0xf: {  	s20 =	sadd.s32 $0x2B800, s9;
	s22 =	sadd.s32 $0x30800, s9;
	s0 =	smax.u32 s0, $0x1  }
0x10: {  	[dreg:$0xc] =	wrdreg s25;
	s15 =	sshrl.u32 s6, $0x3;
	s25 =	simm.s32 $0xB  }
0x11: {  	s6 =	simm.s32 $0xA;
	s7 =	simm.s32 $0x12;
	[dreg:$0x5] =	wrdreg s20  }
0x12: {  	s1 =	sadd.s32 s16, s1;
	[dreg:$0x7] =	wrdreg s22;
	s23 =	sadd.s32 $0x17800, s8  }
.Ltmp0:
0x13: {  	s24 =	sadd.s32 $0x3800, s8;
	[dreg:$0xb] =	wrdreg s0;
	(pc) =	sbr.rel .LBB2_1-.Ltmp0, $4  }
0x14: {  	s16 =	simm.s32 $0x13;
	s20 =	simm.s32 $0x80;
	s0 =	simm.s32 $0xD000  }
0x15: {  	s22 =	simm.s32 $0xD800;
	s8 =	simm.s32 $0x0;
	[dreg:$0x8] =	wrdreg s23  }
0x16: {  	[dreg:$0x9] =	wrdreg s24;
	s1 =	sadd.s32 $0x35800, s1;
	s24 =	simm.s32 $0xB000  }
0x17: {  	s23 =	simm.s32 $0x3;
	[dreg:$0xa] =	wrdreg s1;
	s1 =	simm.s32 $0x9  }
.LBB2_4:
0x18: {  	_ =	swait.ge [sflag:s6], $0x800  }
0x19: {  	[sflag:s6] =	ssyncset.done $0x0  }
0x1a: {  	[sflag:s6] =	ssyncadd.s32 $0xFFFFF800  }
0x1b: {  	[spmem:s3] =	stream.indirect.scatter.add.f32 [tilespmem:s22], [sflag:$0x12], $0x10, s11, s20, $0xb8;
	[tilespmem:$0x12F00] =	vst v63  }
0x1c: {  	_ =	swait.ge [sflag:s7], $0x800  }
0x1d: {  	[sflag:s7] =	ssyncset.done $0x0  }
0x1e: {  	[sflag:s7] =	ssyncadd.s32 $0xFFFFF800  }
0x1f: {  	[bflag:$0x0] =	sbarrier.arrive $0xFFFF  }
0x20: {  	s4 =	rddreg [dreg:$0x4]  }
0x21: {  	s5 =	rddreg [dreg:$0xa];
	s4 =	sor.u32 $0x1C13, s4  }
0x22: {  	[hbm:s5], [sflag:s4] =	dma.local [spmem:s15], $0x4F0  }
0x23: {  	_ =	swait.ge [sflag:s16], $0x4F0  }
0x24: {  	s8 =	sadd.s32 $0x1, s8;
	s14 =	rddreg [dreg:$0xb]  }
0x25: {  	p0 =	sne.s32 s8, s14  }
.Ltmp1:
0x26: {  	_ = 	snop;
	(pc) =	sbr.rel @!p0 .LBB2_5-.Ltmp1, $3  }
0x27: {  	_ =	sdelay $0x1  }
0x28: {  	[sflag:s16] =	ssyncset.done $0x0  }
0x29: {  	[sflag:s16] =	ssyncadd.s32 $0xFFFFFB10  }
.LBB2_1:
0x2a: {  	s4 =	rddreg [dreg:$0x5]  }
0x2b: {  	s5 =	rddreg [dreg:$0x6]  }
0x2c: {  	s9 =	rddreg [dreg:$0xc]  }
0x2d: {  	[spmem:s9], [sflag:s5] =	dma.local [hbm:s4], $0x4F0  }
0x2e: {  	s4 =	rddreg [dreg:$0x7]  }
0x2f: {  	s5 =	rddreg [dreg:$0xd]  }
0x30: {  	[spmem:s15], [sflag:s5] =	dma.local [hbm:s4], $0x4F0  }
0x31: {  	s10 =	simm.s32 $0x0;
	s5 =	rddreg [dreg:$0x8]  }
0x32: {  	[tilespmem:s10], [sflag:$0x13] =	stream.linear.gather [hbm4b:s5+s10], $0x5000, $0x38;
	[tilespmem:$0x12F00] =	vst v63  }
0x33: {  	_ =	swait.ge [sflag:s16], $0x5000  }
0x34: {  	[sflag:s16] =	ssyncset.done $0x0  }
0x35: {  	s12 =	simm.s32 $0x5000;
	s11 =	rddreg [dreg:$0x9];
	[sflag:s16] =	ssyncadd.s32 $0xFFFFB000  }
0x36: {  	[tilespmem:s12], [sflag:$0x13] =	stream.linear.gather [hbm4b:s11+s10], $0x5000, $0x38;
	[tilespmem:$0x12F00] =	vst v63  }
0x37: {  	_ =	swait.ge [sflag:s16], $0x5000  }
0x38: {  	[sflag:s16] =	ssyncset.done $0x0  }
0x39: {  	[sflag:s16] =	ssyncadd.s32 $0xFFFFB000  }
0x3a: {  	_ =	swait.ge [sflag:s18], $0x4F0  }
0x3b: {  	[sflag:s18] =	ssyncset.done $0x0  }
0x3c: {  	[sflag:s18] =	ssyncadd.s32 $0xFFFFFB10  }
0x3d: {  	_ =	swait.ge [sflag:s19], $0x4F0  }
0x3e: {  	[sflag:s19] =	ssyncset.done $0x0  }
0x3f: {  	[sflag:s19] =	ssyncadd.s32 $0xFFFFFB10  }
0x40: {  	[bflag:$0x0] =	sbarrier.arrive $0xFFFF  }
0x41: {  	[tilespmem:s21], [sflag:$0x3] =	stream.indirect.gather [spmem:s2], $0x10, s10, s20, $0xb8;
	[tilespmem:$0x12F00] =	vst v63  }
0x42: {  	s13 =	simm.s32 $0xA800  }
0x43: {  	[tilespmem:s13], [sflag:$0x4] =	stream.indirect.gather [spmem:s2], $0x10, s20, s20, $0xb8;
	[tilespmem:$0x12F00] =	vst v63  }
0x44: {  	s14 =	simm.s32 $0x100  }
0x45: {  	[tilespmem:s24], [sflag:$0x5] =	stream.indirect.gather [spmem:s2], $0x10, s14, s20, $0xb8;
	[tilespmem:$0x12F00] =	vst v63  }
0x46: {  	s9 =	simm.s32 $0xB800;
	s5 =	simm.s32 $0x180  }
0x47: {  	[tilespmem:s9], [sflag:$0x6] =	stream.indirect.gather [spmem:s2], $0x10, s5, s20, $0xb8;
	[tilespmem:$0x12F00] =	vst v63  }
0x48: {  	s10 =	simm.s32 $0x200  }
0x49: {  	[tilespmem:s29], [sflag:$0x7] =	stream.indirect.gather [spmem:s2], $0x10, s10, s20, $0xb8;
	[tilespmem:$0x12F00] =	vst v63  }
0x4a: {  	s11 =	simm.s32 $0x280;
	s12 =	simm.s32 $0xC800  }
0x4b: {  	[tilespmem:s12], [sflag:$0x8] =	stream.indirect.gather [spmem:s2], $0x10, s11, s20, $0xb8;
	[tilespmem:$0x12F00] =	vst v63  }
0x4c: {  	s13 =	simm.s32 $0x300  }
0x4d: {  	[tilespmem:s0], [sflag:$0x9] =	stream.indirect.gather [spmem:s2], $0x10, s13, s20, $0xb8;
	[tilespmem:$0x12F00] =	vst v63  }
0x4e: {  	s14 =	simm.s32 $0x380;
	s9 =	simm.s32 $0x0  }
0x4f: {  	[tilespmem:s22], [sflag:$0xA] =	stream.indirect.gather [spmem:s2], $0x10, s14, s20, $0xb8;
	[tilespmem:$0x12F00] =	vst v63  }
.LBB2_2:
0x50: {  	_ =	swait.ge [sflag:s23], $0x800  }
0x51: {  	s10 =	sshra.s32 s9, $0x2;
	[sflag:s23] =	ssyncset.done $0x0  }
0x52: {  	s11 =	sadd.s32 $0x5000, s10;
	[sflag:s23] =	ssyncadd.s32 $0xFFFFF800  }
0x53: {  	[spmem:s3] =	stream.indirect.scatter.add.f32 [tilespmem:s21], [sflag:$0xB], $0x10, s11, s20, $0xb8;
	[tilespmem:$0x12F00] =	vst v63  }
0x54: {  	_ =	swait.ge [sflag:s25], $0x800  }
0x55: {  	p0 =	seq.s32 s9, $0x13000;
	[sflag:s25] =	ssyncset.done $0x0  }
0x56: {  	s11 =	simm.s32 @p0 $0x4;
	[sflag:s25] =	ssyncadd.s32 $0xFFFFF800  }
0x57: {  	_ =	swait.ge @p0 [sflag:s11], $0x800  }
0x58: {  	s13 =	sshra.s32 @p0 s9, $0x2;
	s14 =	simm.s32 @p0 $0x80;
	[sflag:s11] =	ssyncset.done @p0 $0x0  }
0x59: {  	s12 =	simm.s32 @p0 $0xA800;
	[sflag:s11] =	ssyncadd.s32 @p0 $0xFFFFF800;
	s11 =	sadd.s32 @p0 $0x5080, s13  }
0x5a: {  	[spmem:s3] =	stream.indirect.scatter.add.f32 @p0 [tilespmem:s12], [sflag:$0xC], $0x10, s11, s14, $0xb8;
	[tilespmem:$0x12F00] =	vst v63  }
0x5b: {  	s11 =	simm.s32 @p0 $0xC  }
0x5c: {  	_ =	swait.ge @p0 [sflag:s11], $0x800  }
0x5d: {  	[sflag:s11] =	ssyncset.done @p0 $0x0  }
0x5e: {  	[sflag:s11] =	ssyncadd.s32 @p0 $0xFFFFF800;
	s11 =	sshra.s32 @!p0 s9, $0x2  }
0x5f: {  	s4 =	simm.s32 @!p0 $0xA000;
	s12 =	simm.s32 @!p0 $0x80;
	s5 =	sadd.s32 @!p0 $0x400, s11  }
0x60: {  	[tilespmem:s4], [sflag:$0x3] =	stream.indirect.gather @!p0 [spmem:s2], $0x10, s5, s12, $0xb8;
	[tilespmem:$0x12F00] =	vst v63  }
0x61: {  	s4 =	simm.s32 @!p0 $0x4  }
0x62: {  	_ =	swait.ge @!p0 [sflag:s4], $0x800  }
0x63: {  	[sflag:s4] =	ssyncset.done @!p0 $0x0  }
0x64: {  	s5 =	simm.s32 @!p0 $0xA800;
	[sflag:s4] =	ssyncadd.s32 @!p0 $0xFFFFF800;
	s4 =	sadd.s32 @!p0 $0x5080, s11  }
0x65: {  	[spmem:s3] =	stream.indirect.scatter.add.f32 @!p0 [tilespmem:s5], [sflag:$0xC], $0x10, s4, s12, $0xb8;
	[tilespmem:$0x12F00] =	vst v63  }
0x66: {  	s4 =	simm.s32 @!p0 $0xC  }
0x67: {  	_ =	swait.ge @!p0 [sflag:s4], $0x800  }
0x68: {  	[sflag:s4] =	ssyncset.done @!p0 $0x0  }
0x69: {  	[sflag:s4] =	ssyncadd.s32 @!p0 $0xFFFFF800;
	s4 =	sadd.s32 @!p0 $0x480, s11  }
0x6a: {  	[tilespmem:s5], [sflag:$0x4] =	stream.indirect.gather @!p0 [spmem:s2], $0x10, s4, s12, $0xb8;
	[tilespmem:$0x12F00] =	vst v63  }
0x6b: {  	_ =	swait.ge [sflag:s26], $0x800  }
0x6c: {  	[sflag:s26] =	ssyncset.done $0x0  }
0x6d: {  	s5 =	sadd.s32 $0x5100, s10;
	[sflag:s26] =	ssyncadd.s32 $0xFFFFF800  }
0x6e: {  	[spmem:s3] =	stream.indirect.scatter.add.f32 [tilespmem:s24], [sflag:$0xD], $0x10, s5, s20, $0xb8;
	[tilespmem:$0x12F00] =	vst v63  }
0x6f: {  	_ =	swait.ge [sflag:s28], $0x800  }
0x70: {  	[sflag:s28] =	ssyncset.done $0x0  }
0x71: {  	s4 =	simm.s32 @p0 $0x6;
	[sflag:s28] =	ssyncadd.s32 $0xFFFFF800  }
0x72: {  	_ =	swait.ge @p0 [sflag:s4], $0x800  }
0x73: {  	[sflag:s4] =	ssyncset.done @p0 $0x0  }
0x74: {  	s5 =	simm.s32 @p0 $0xB800;
	[sflag:s4] =	ssyncadd.s32 @p0 $0xFFFFF800;
	s4 =	sadd.s32 @p0 $0x5180, s13  }
0x75: {  	[spmem:s3] =	stream.indirect.scatter.add.f32 @p0 [tilespmem:s5], [sflag:$0xE], $0x10, s4, s14, $0xb8;
	[tilespmem:$0x12F00] =	vst v63  }
0x76: {  	s4 =	simm.s32 @p0 $0xE  }
0x77: {  	_ =	swait.ge @p0 [sflag:s4], $0x800  }
0x78: {  	[sflag:s4] =	ssyncset.done @p0 $0x0  }
0x79: {  	s5 =	simm.s32 @!p0 $0xB000;
	[sflag:s4] =	ssyncadd.s32 @p0 $0xFFFFF800;
	s4 =	sadd.s32 @!p0 $0x500, s11  }
0x7a: {  	[tilespmem:s5], [sflag:$0x5] =	stream.indirect.gather @!p0 [spmem:s2], $0x10, s4, s12, $0xb8;
	[tilespmem:$0x12F00] =	vst v63  }
0x7b: {  	s4 =	simm.s32 @!p0 $0x6  }
0x7c: {  	_ =	swait.ge @!p0 [sflag:s4], $0x800  }
0x7d: {  	[sflag:s4] =	ssyncset.done @!p0 $0x0  }
0x7e: {  	s5 =	simm.s32 @!p0 $0xB800;
	[sflag:s4] =	ssyncadd.s32 @!p0 $0xFFFFF800;
	s4 =	sadd.s32 @!p0 $0x5180, s11  }
0x7f: {  	[spmem:s3] =	stream.indirect.scatter.add.f32 @!p0 [tilespmem:s5], [sflag:$0xE], $0x10, s4, s12, $0xb8;
	[tilespmem:$0x12F00] =	vst v63  }
0x80: {  	s4 =	simm.s32 @!p0 $0xE  }
0x81: {  	_ =	swait.ge @!p0 [sflag:s4], $0x800  }
0x82: {  	[sflag:s4] =	ssyncset.done @!p0 $0x0  }
0x83: {  	[sflag:s4] =	ssyncadd.s32 @!p0 $0xFFFFF800;
	s4 =	sadd.s32 @!p0 $0x580, s11  }
0x84: {  	[tilespmem:s5], [sflag:$0x6] =	stream.indirect.gather @!p0 [spmem:s2], $0x10, s4, s12, $0xb8;
	[tilespmem:$0x12F00] =	vst v63  }
0x85: {  	_ =	swait.ge [sflag:s30], $0x800  }
0x86: {  	[sflag:s30] =	ssyncset.done $0x0  }
0x87: {  	s5 =	sadd.s32 $0x5200, s10;
	[sflag:s30] =	ssyncadd.s32 $0xFFFFF800  }
0x88: {  	[spmem:s3] =	stream.indirect.scatter.add.f32 [tilespmem:s29], [sflag:$0xF], $0x10, s5, s20, $0xb8;
	[tilespmem:$0x12F00] =	vst v63  }
0x89: {  	_ =	swait.ge [sflag:s31], $0x800  }
0x8a: {  	[sflag:s31] =	ssyncset.done $0x0  }
0x8b: {  	s4 =	simm.s32 @p0 $0x8;
	[sflag:s31] =	ssyncadd.s32 $0xFFFFF800  }
0x8c: {  	_ =	swait.ge @p0 [sflag:s4], $0x800  }
0x8d: {  	[sflag:s4] =	ssyncset.done @p0 $0x0  }
0x8e: {  	s5 =	simm.s32 @p0 $0xC800;
	[sflag:s4] =	ssyncadd.s32 @p0 $0xFFFFF800;
	s4 =	sadd.s32 @p0 $0x5280, s13  }
0x8f: {  	[spmem:s3] =	stream.indirect.scatter.add.f32 @p0 [tilespmem:s5], [sflag:$0x10], $0x10, s4, s14, $0xb8;
	[tilespmem:$0x12F00] =	vst v63  }
0x90: {  	s4 =	simm.s32 @p0 $0x10  }
0x91: {  	_ =	swait.ge @p0 [sflag:s4], $0x800  }
0x92: {  	[sflag:s4] =	ssyncset.done @p0 $0x0  }
0x93: {  	s5 =	simm.s32 @!p0 $0xC000;
	[sflag:s4] =	ssyncadd.s32 @p0 $0xFFFFF800;
	s4 =	sadd.s32 @!p0 $0x600, s11  }
0x94: {  	[tilespmem:s5], [sflag:$0x7] =	stream.indirect.gather @!p0 [spmem:s2], $0x10, s4, s12, $0xb8;
	[tilespmem:$0x12F00] =	vst v63  }
0x95: {  	s4 =	simm.s32 @!p0 $0x8  }
0x96: {  	_ =	swait.ge @!p0 [sflag:s4], $0x800  }
0x97: {  	[sflag:s4] =	ssyncset.done @!p0 $0x0  }
0x98: {  	s5 =	simm.s32 @!p0 $0xC800;
	[sflag:s4] =	ssyncadd.s32 @!p0 $0xFFFFF800;
	s4 =	sadd.s32 @!p0 $0x5280, s11  }
0x99: {  	[spmem:s3] =	stream.indirect.scatter.add.f32 @!p0 [tilespmem:s5], [sflag:$0x10], $0x10, s4, s12, $0xb8;
	[tilespmem:$0x12F00] =	vst v63  }
0x9a: {  	s4 =	simm.s32 @!p0 $0x10  }
0x9b: {  	_ =	swait.ge @!p0 [sflag:s4], $0x800  }
0x9c: {  	[sflag:s4] =	ssyncset.done @!p0 $0x0  }
0x9d: {  	[sflag:s4] =	ssyncadd.s32 @!p0 $0xFFFFF800;
	s4 =	sadd.s32 @!p0 $0x680, s11  }
0x9e: {  	[tilespmem:s5], [sflag:$0x8] =	stream.indirect.gather @!p0 [spmem:s2], $0x10, s4, s12, $0xb8;
	[tilespmem:$0x12F00] =	vst v63  }
0x9f: {  	_ =	swait.ge [sflag:s1], $0x800  }
0xa0: {  	[sflag:s1] =	ssyncset.done $0x0  }
.Ltmp2:
0xa1: {  	s14 =	sadd.s32 $0x5300, s10;
	[sflag:s1] =	ssyncadd.s32 $0xFFFFF800;
	(pc) =	sbr.rel @p0 .LBB2_4-.Ltmp2, $4  }
0xa2: {  	[spmem:s3] =	stream.indirect.scatter.add.f32 [tilespmem:s0], [sflag:$0x11], $0x10, s14, s20, $0xb8;
	[tilespmem:$0x12F00] =	vst v63  }
0xa3: {  	_ =	swait.ge [sflag:s17], $0x800  }
0xa4: {  	[sflag:s17] =	ssyncset.done $0x0  }
0xa5: {  	s11 =	sadd.s32 $0x5380, s10;
	[sflag:s17] =	ssyncadd.s32 $0xFFFFF800  }
0xa6: {  	s4 =	sadd.s32 $0x700, s10  }
0xa7: {  	[tilespmem:s0], [sflag:$0x9] =	stream.indirect.gather [spmem:s2], $0x10, s4, s20, $0xb8;
	[tilespmem:$0x12F00] =	vst v63  }
0xa8: {  	_ =	swait.ge [sflag:s6], $0x800  }
0xa9: {  	[sflag:s6] =	ssyncset.done $0x0  }
0xaa: {  	[sflag:s6] =	ssyncadd.s32 $0xFFFFF800  }
0xab: {  	[spmem:s3] =	stream.indirect.scatter.add.f32 [tilespmem:s22], [sflag:$0x12], $0x10, s11, s20, $0xb8;
	[tilespmem:$0x12F00] =	vst v63  }
.Ltmp3:
0xac: {  	_ = 	snop;
	(pc) =	sbr.rel .LBB2_2-.Ltmp3, $4  }
0xad: {  	_ =	swait.ge [sflag:s7], $0x800  }
0xae: {  	[sflag:s7] =	ssyncset.done $0x0  }
0xaf: {  	s14 =	sadd.s32 $0x780, s10;
	s9 =	sadd.s32 $0x1000, s9;
	[sflag:s7] =	ssyncadd.s32 $0xFFFFF800  }
0xb0: {  	[tilespmem:s22], [sflag:$0xA] =	stream.indirect.gather [spmem:s2], $0x10, s14, s20, $0xb8;
	[tilespmem:$0x12F00] =	vst v63  }
.LBB2_5:
0xb1: {  	_ =	sfence.sel $0x180000  }
0xb2: {  	[bflag:$0x0] =	sbarrier.arrive $0xFFFF  }
0xb3: {  	_ =	strace $0x9000004A  }
0xb4: {  	s0 =	stileid.u32;
	[bflag:$0x2] =	sbarrier.arrive $0xFFFF  }
0xb5: {  	p0 =	sne.s32 s0, $0x0;
	s0 =	rddreg [dreg:$0x3]  }
0xb6: {  	s0 =	sadd.s32 @!p0 $0x100000, s0  }
0xb7: {  	[sflag:s0] =	ssyncadd.tile.s32 @!p0 $0x1;
	_ =	shalt  }
.Lfunc_end2:
_tile_overlayer_lowered:
.L_overlay_start_2:
0xb8: {  	(tag) =	ssettag $0x2  }
0xb9: {  	s0 =	rddreg [dreg:$0x0];
	s2 =	stileid.u32  }
0xba: {  	s1 =	rddreg [dreg:$0x1];
	p0 =	sne.s32 s2, $0x0  }
0xbb: {  	s3 =	rddreg [dreg:$0x2];
	[bflag:$0x3] =	sbarrier.arrive $0xFFFF;
	s2 =	simm.s32 @!p0 $0x1C13  }
0xbc: {  	[timem:s3], [sflag:s2] =	dma.local @!p0 [hbm:s0], s1  }
0xbd: {  	s0 =	simm.s32 @!p0 $0x13  }
0xbe: {  	_ =	swait.ge @!p0 [sflag:s0], s1  }
0xbf: {  	s1 =	ssub.s32 @!p0 $0x0, s1;
	[sflag:s0] =	ssyncset.done @!p0 $0x0  }
0xc0: {  	[sflag:s0] =	ssyncadd.s32 @!p0 s1  }
0xc1: {  	[bflag:$0x3] =	sbarrier.arrive $0xFFFF  }
0xc2: {  	_ =	shalt  }

// kernel: kernel.16.cloned.1.call-start
scs
__scs_entry_jumppad:
0x0: {  	(pc) =	sbr.rel $0x88, $3  }
0x1: {  	(tag) =	ssettag $0x0;
	lr =	simm.s32 $0x1  }
0x2: {  	[smem:$0x3F96] =	sst lr;
	_ =	strace $0xD0000000  }
0x3: {  	_ = 	snop  }
0x4: {  	_ = 	snop  }
0x5: {  	_ = 	snop  }
0x6: {  	_ = 	snop  }
0x7: {  	_ = 	snop  }
__scs_overlays_trampoline_lowered:
0x8: {  	[smem:$0x3FA5] =	sst s0  }
0x9: {  	[smem:$0x3FA6] =	sst s1  }
0xa: {  	[smem:$0x3FA7] =	sst s2  }
0xb: {  	[smem:$0x3FA8] =	sst s3  }
0xc: {  	[smem:$0x3FA9] =	sst s4  }
0xd: {  	[smem:$0x3FAA] =	sst s5  }
0xe: {  	[smem:$0x3FAB] =	sst s6  }
0xf: {  	[smem:$0x3FAC] =	sst s7  }
0x10: {  	[smem:$0x3FAD] =	sst s8  }
0x11: {  	[smem:$0x3FAE] =	sst s9;
	s0 =	simm.s32 @!p0 $0x0  }
0x12: {  	s1 =	sld [smem:$0x3F94];
	s0 =	simm.s32 @p0 $0x1  }
0x13: {  	[smem:$0x3FAF] =	sst s0;
	s0 =	simm.s32 @!p1 $0x0  }
0x14: {  	s2 =	sld [smem:$0x3F93];
	s0 =	simm.s32 @p1 $0x1  }
0x15: {  	[smem:$0x3FB0] =	sst s0;
	s0 =	simm.s32 @!p2 $0x0  }
0x16: {  	s3 =	sld [smem:$0x3FDB];
	s0 =	simm.s32 @p2 $0x1  }
0x17: {  	s4 =	simm.s32 $0x1BF5;
	[smem:$0x3FB2] =	sst s0  }
0x18: {  	s0 =	sld [smem:$0x3F95];
	_ =	swait.ge [sflag:s4], $0x0  }
0x19: {  	s7 =	sld [smem:$0x3F96]  }
0x1a: {  	s8 =	sadd.s32 $0xFFFFE003, lr  }
0x1b: {  	s9 =	sadd.s32 $0xFFFFFEF7, lr;
	s5 =	simm.s32 $0xFFFFFFFF;
	p2 =	slt.u32 s8, $0xFFFFF086  }
0x1c: {  	p1 =	slt.u32 s9, $0xF7A;
	s5 =	simm.s32 @!p2 $0x0  }
0x1d: {  	s5 =	simm.s32 @p1 $0x1;
	p0 =	seq.s32 s7, s2  }
0x1e: {  	s7 =	smul.u32 @!p0 $0xF7A, s2;
	p2 =	seq.s32 @!p0 s5, $0x0  }
0x1f: {  	s9 =	smul.u32 $0xF7A, s1;
	s8 =	simm.s32 @!p0 $0x1BF5;
	p2 =	por !p2, p0  }
0x20: {  	[sflag:s8] =	ssyncset.s32 @!p0 $0xFFFFF086;
	s6 =	sadd.s32 @!p0 s3, s7;
	s7 =	simm.s32 @!p0 $0x108  }
0x21: {  	s3 =	sadd.s32 s3, s9;
	s6 =	sadd.s32 @!p0 $0x88, s6;
	s7 =	simm.s32 @p2 $0x1082  }
0x22: {  	[simem:s7], [sflag:s8] =	dma.local @!p0 [hbm:s6], $0xF7A  }
0x23: {  	s9 =	sor.u32 $0xD0000000, s2;
	s6 =	simm.s32 $0x108;
	_ =	swait.ge @!p0 [sflag:s8], $0x0  }
0x24: {  	s3 =	sadd.s32 $0x88, s3;
	s6 =	simm.s32 @!p1 $0x1082;
	[sflag:s4] =	ssyncset.s32 $0xFFFFF086  }
0x25: {  	[simem:s6], [sflag:s4] =	dma.local [hbm:s3], $0xF7A  }
0x26: {  	[smem:$0x3F96] =	sst s1;
	(tag) =	ssettag s2;
	_ =	strace s9  }
0x27: {  	s1 =	sld [smem:$0x3FA6]  }
0x28: {  	s2 =	sld [smem:$0x3FA7]  }
0x29: {  	s4 =	sld [smem:$0x3FA9]  }
0x2a: {  	p0 =	seq.s32 s5, $0x0;
	s5 =	sld [smem:$0x3FAA]  }
0x2b: {  	s6 =	sld [smem:$0x3FAB]  }
0x2c: {  	s7 =	sld [smem:$0x3FAC]  }
0x2d: {  	s3 =	simm.s32 $0x108;
	s8 =	sld [smem:$0x3FAD]  }
0x2e: {  	s3 =	simm.s32 @!p0 $0x1082;
	s9 =	sld [smem:$0x3FAE]  }
0x2f: {  	lr =	sadd.s32 s0, s3;
	s0 =	sld [smem:$0x3FA5]  }
0x30: {  	s3 =	sld [smem:$0x3FA8]  }
0x31: {  	[smem:$0x3FB1] =	sst s10  }
0x32: {  	s10 =	sld [smem:$0x3FAF];
	_ =	sdelay $0x3  }
0x33: {  	p0 =	seq.s32 s10, $0x1;
	s10 =	sld [smem:$0x3FB1];
	_ =	sdelay $0x3  }
0x34: {  	[smem:$0x3FB1] =	sst s10  }
0x35: {  	s10 =	sld [smem:$0x3FB0];
	_ =	sdelay $0x3  }
0x36: {  	p1 =	seq.s32 s10, $0x1;
	s10 =	sld [smem:$0x3FB1];
	_ =	sdelay $0x3  }
0x37: {  	[smem:$0x3FB1] =	sst s10  }
0x38: {  	s10 =	sld [smem:$0x3FB2]  }
0x39: {  	_ = 	snop;
	(pc) =	sbr.ind lr, $3  }
0x3a: {  	_ = 	snop  }
0x3b: {  	_ = 	snop  }
0x3c: {  	p2 =	seq.s32 s10, $0x1;
	s10 =	sld [smem:$0x3FB1]  }
0x3d: {  	_ =	shalt  }
0x3e: {  	_ =	shalt  }
0x3f: {  	_ =	shalt  }
0x40: {  	_ =	shalt  }
0x41: {  	_ =	shalt  }
0x42: {  	_ =	shalt  }
0x43: {  	_ =	shalt  }
0x44: {  	_ =	shalt  }
0x45: {  	_ =	shalt  }
0x46: {  	_ =	shalt  }
0x47: {  	_ =	shalt  }
0x48: {  	_ =	shalt  }
0x49: {  	_ =	shalt  }
0x4a: {  	_ =	shalt  }
0x4b: {  	_ =	shalt  }
0x4c: {  	_ =	shalt  }
0x4d: {  	_ =	shalt  }
0x4e: {  	_ =	shalt  }
0x4f: {  	_ =	shalt  }
0x50: {  	_ =	shalt  }
0x51: {  	_ =	shalt  }
0x52: {  	_ =	shalt  }
0x53: {  	_ =	shalt  }
0x54: {  	_ =	shalt  }
0x55: {  	_ =	shalt  }
0x56: {  	_ =	shalt  }
0x57: {  	_ =	shalt  }
0x58: {  	_ =	shalt  }
0x59: {  	_ =	shalt  }
0x5a: {  	_ =	shalt  }
0x5b: {  	_ =	shalt  }
0x5c: {  	_ =	shalt  }
0x5d: {  	_ =	shalt  }
0x5e: {  	_ =	shalt  }
0x5f: {  	_ =	shalt  }
0x60: {  	_ =	shalt  }
0x61: {  	_ =	shalt  }
0x62: {  	_ =	shalt  }
0x63: {  	_ =	shalt  }
0x64: {  	_ =	shalt  }
0x65: {  	_ =	shalt  }
0x66: {  	_ =	shalt  }
0x67: {  	_ =	shalt  }
0x68: {  	_ =	shalt  }
0x69: {  	_ =	shalt  }
0x6a: {  	_ =	shalt  }
0x6b: {  	_ =	shalt  }
0x6c: {  	_ =	shalt  }
0x6d: {  	_ =	shalt  }
0x6e: {  	_ =	shalt  }
0x6f: {  	_ =	shalt  }
0x70: {  	_ =	shalt  }
0x71: {  	_ =	shalt  }
0x72: {  	_ =	shalt  }
0x73: {  	_ =	shalt  }
0x74: {  	_ =	shalt  }
0x75: {  	_ =	shalt  }
0x76: {  	_ =	shalt  }
0x77: {  	_ =	shalt  }
0x78: {  	_ =	shalt  }
0x79: {  	_ =	shalt  }
0x7a: {  	_ =	shalt  }
0x7b: {  	_ =	shalt  }
0x7c: {  	_ =	shalt  }
0x7d: {  	_ =	shalt  }
0x7e: {  	_ =	shalt  }
0x7f: {  	_ =	shalt  }
0x80: {  	_ =	shalt  }
0x81: {  	_ =	shalt  }
0x82: {  	_ =	shalt  }
0x83: {  	_ =	shalt  }
0x84: {  	_ =	shalt  }
0x85: {  	_ =	shalt  }
0x86: {  	_ =	shalt  }
0x87: {  	_ =	shalt  }
.Lfunc_end0:
.L_simem_size_0:
called_computation.2_lowered:
.L_overlay_start_0:
0x88: {  	s2 =	sld [smem:$0x3FD9]  }
0x89: {  	s3 =	sld [smem:$0x3FFE];
	_ =	sdelay $0x1  }
0x8a: {  	s1 =	srdreg.scid  }
0x8b: {  	s0 =	sand.u32 $0x1, s1  }
0x8c: {  	s16 =	sshll.u32 s0, $0xA;
	s2 =	sadd.s32 s3, s2  }
0x8d: {  	s2 =	sadd.s32 s2, s16  }
0x8e: {  	[smem:$0x3FBD] =	sst s2  }
0x8f: {  	_ = 	snop  }
0x90: {  	(tm) =	ssettm $0x1  }
0x91: {  	s17 =	sld [smem:$0x3FFB];
	_ =	sdelay $0x3  }
0x92: {  	_ =	strace s17  }
0x93: {  	s2 =	sld [smem:$0x3FFC];
	_ =	sdelay $0x3  }
0x94: {  	_ =	strace s2  }
0x95: {  	s2 =	sld [smem:$0x3FFD];
	_ =	sdelay $0x3  }
0x96: {  	_ =	strace s2  }
0x97: {  	_ =	strace $0x8FFFFFFF  }
0x98: {  	s18 =	sld [smem:$0x3FDB];
	_ =	sdelay $0x1  }
0x99: {  	s19 =	simm.s32 $_scs_section_size  }
0x9a: {  	s4 =	simm.s32 $_size__tile_overlayer_lowered;
	s5 =	simm.s32 $_tile_overlayer_lowered  }
0x9b: {  	s22 =	simm.s32 $0x1BFF;
	s21 =	sshll.u32 s5, $0x1;
	s2 =	sadd.s32 s19, s18  }
0x9c: {  	s6 =	simm.s32 $0x0;
	s20 =	sshll.u32 s4, $0x1;
	s4 =	sadd.s32 s21, s2  }
0x9d: {  	[timem:s6], [sflag:s22] =	dma.local [hbm:s4], s20  }
0x9e: {  	_ =	swait.ge [sflag:s22], s20  }
0x9f: {  	s3 =	ssub.s32 $0x0, s20;
	[sflag:s22] =	ssyncset.done $0x0  }
0xa0: {  	[sflag:s22] =	ssyncadd.s32 s3;
	_ =	sdelay $0x1  }
0xa1: {  	s23 =	simm.s32 $0x1B8B  }
0xa2: {  	_ =	swait.ge [sflag:s23], $0x1  }
0xa3: {  	[sflag:s23] =	ssyncset.done $0x0  }
0xa4: {  	s25 =	simm.s32 $0x1B8E;
	s24 =	sld [smem:$0x3FFE];
	[sflag:s23] =	ssyncadd.s32 $0xFFFFFFFF  }
0xa5: {  	s26 =	simm.s32 $execute0_lowered;
	[smem:$0x3FD2] =	sst s25  }
0xa6: {  	s4 =	sshll.u32 s26, $0x1;
	_ =	strace $0x8000004C;
	[dreg:$0x1] =	wrdreg $0xFFFFFFFF  }
0xa7: {  	s28 =	simm.s32 $_size_execute0_lowered;
	s2 =	sadd.s32 s2, s4;
	[dreg:$0x0] =	wrdreg $0x0  }
0xa8: {  	s4 =	sshll.u32 s28, $0x1;
	[dreg:$0x2] =	wrdreg s2  }
0xa9: {  	[dreg:$0x3] =	wrdreg s4  }
0xaa: {  	[dreg:$0x4] =	wrdreg $0xC0  }
0xab: {  	_ =	task [dreg:s6], $0x5FFFF  }
0xac: {  	[dreg:$0x1] =	wrdreg $0xFFFFFFFF  }
0xad: {  	[dreg:$0x0] =	wrdreg $0x60  }
0xae: {  	[dreg:$0x2] =	wrdreg s24  }
0xaf: {  	[dreg:$0x3] =	wrdreg $0x107800  }
0xb0: {  	[dreg:$0x4] =	wrdreg $0xE0000  }
0xb1: {  	[dreg:$0x5] =	wrdreg $0x9  }
0xb2: {  	_ =	task.clear_ibuf [dreg:s6], $0x6FFFF;
	_ =	strace $0x9000004C  }
0xb3: {  	s29 =	simm.s32 $0x9;
	_ =	strace $0x8000004E  }
0xb4: {  	_ =	swait.ge [sflag:s29], $0x1  }
0xb5: {  	[sflag:s29] =	ssyncadd.s32 $0xFFFFFFFF  }
0xb6: {  	_ =	strace $0x9000004E  }
0xb7: {  	_ =	sfence  }
0xb8: {  	s30 =	sld [smem:$0x0];
	_ =	sdelay $0x2  }
0xb9: {  	s31 =	sshll.u32 s1, $0xD;
	s1 =	sshrl.u32 s1, $0x2  }
0xba: {  	s3 =	sand.u32 $0x4000, s31;
	s1 =	sadd.s32 s1, s30  }
0xbb: {  	s0 =	sor.u32 s3, s0;
	s1 =	sshll.u32 s1, $0x11  }
0xbc: {  	s0 =	sor.u32 s1, s0  }
0xbd: {  	s0 =	sadd.s32 $0x8F2B, s0  }
0xbe: {  	[sflag:s0] =	ssyncadd.remote.s32 $0x1  }
0xbf: {  	_ =	sfence.sel $0xFFFF  }
0xc0: {  	[dreg:$0x0] =	wrdreg $0xFFFFFFFF;
	(pc) =	sbr.abs _section_cstart, $3  }
0xc1: {  	[dreg:$0x1] =	wrdreg $0xFFFFFFFF  }
0xc2: {  	_ =	task.clear_ibuf [dreg:s6], $0x2FFFF;
	_ =	strace $0x9FFFFFFF  }
0xc3: {  	(tm) =	ssettm $0x7FFFFFFF  }
tec
execute0_lowered:
.L_overlay_start_1:
0x0: {  	(tag) =	ssettag $0x1  }
0x1: {  	s0 =	srdreg.scid;
	s1 =	rddreg [dreg:$0x0]  }
0x2: {  	s10 =	stileid.u32;
	s2 =	rddreg [dreg:$0x1]  }
0x3: {  	s14 =	simm.s32 $0x0;
	s29 =	simm.s32 $0xC000;
	s28 =	simm.s32 $0xD  }
0x4: {  	s30 =	simm.s32 $0x7;
	s31 =	simm.s32 $0xF;
	s0 =	sand.u32 $0x1, s0  }
0x5: {  	s3 =	sshll.u32 s10, $0x1;
	s6 =	smul.u32 $0x2780, s10;
	[smem:$0x7FF] =	sst s14  }
0x6: {  	s18 =	sshll.u32 s10, $0x6;
	s4 =	sor.u32 s0, s3;
	s3 =	rddreg [dreg:$0x2]  }
0x7: {  	s7 =	smul.u32 $0x27800, s0;
	_ =	strace $0x8000004D;
	s0 =	ssub.s32 $0x2, s0  }
0x8: {  	s21 =	sor.u32 $0x1C02, s18;
	[dreg:$0x4] =	wrdreg s18;
	s26 =	sor.u32 $0x1C01, s18  }
0x9: {  	s18 =	simm.s32 $0x2;
	s5 =	smul.u32 $0xA00, s4;
	s15 =	sshrl.u32 s6, $0x3  }
0xa: {  	s17 =	sshrl.u32 s0, $0x1;
	s19 =	sadd.s32 s6, s2;
	[dreg:$0x6] =	wrdreg s21  }
0xb: {  	[dreg:$0xd] =	wrdreg s26;
	s21 =	simm.s32 $0xA000;
	s26 =	simm.s32 $0x5  }
0xc: {  	s7 =	sadd.s32 s6, s7;
	s9 =	sadd.s32 s15, s1;
	s0 =	ssub.s32 s0, s17  }
0xd: {  	s6 =	sadd.s32 s6, s3;
	s25 =	sshrl.u32 s19, $0x3;
	s19 =	simm.s32 $0x1  }
0xe: {  	s17 =	simm.s32 $0x11;
	s8 =	sadd.s32 s5, s1;
	s16 =	sshrl.u32 s7, $0x3  }
0xf: {  	s20 =	sadd.s32 $0x2B800, s9;
	s22 =	sadd.s32 $0x30800, s9;
	s0 =	smax.u32 s0, $0x1  }
0x10: {  	[dreg:$0xc] =	wrdreg s25;
	s15 =	sshrl.u32 s6, $0x3;
	s25 =	simm.s32 $0xB  }
0x11: {  	s6 =	simm.s32 $0xA;
	s7 =	simm.s32 $0x12;
	[dreg:$0x5] =	wrdreg s20  }
0x12: {  	s1 =	sadd.s32 s16, s1;
	[dreg:$0x7] =	wrdreg s22;
	s23 =	sadd.s32 $0x17800, s8  }
.Ltmp0:
0x13: {  	s24 =	sadd.s32 $0x3800, s8;
	[dreg:$0xb] =	wrdreg s0;
	(pc) =	sbr.rel .LBB2_1-.Ltmp0, $4  }
0x14: {  	s16 =	simm.s32 $0x13;
	s20 =	simm.s32 $0x80;
	s0 =	simm.s32 $0xD000  }
0x15: {  	s22 =	simm.s32 $0xD800;
	s8 =	simm.s32 $0x0;
	[dreg:$0x8] =	wrdreg s23  }
0x16: {  	[dreg:$0x9] =	wrdreg s24;
	s1 =	sadd.s32 $0x35800, s1;
	s24 =	simm.s32 $0xB000  }
0x17: {  	s23 =	simm.s32 $0x3;
	[dreg:$0xa] =	wrdreg s1;
	s1 =	simm.s32 $0x9  }
.LBB2_4:
0x18: {  	_ =	swait.ge [sflag:s6], $0x800  }
0x19: {  	[sflag:s6] =	ssyncset.done $0x0  }
0x1a: {  	[sflag:s6] =	ssyncadd.s32 $0xFFFFF800  }
0x1b: {  	[spmem:s3] =	stream.indirect.scatter.add.f32 [tilespmem:s22], [sflag:$0x12], $0x10, s11, s20, $0xb8;
	[tilespmem:$0x12F00] =	vst v63  }
0x1c: {  	_ =	swait.ge [sflag:s7], $0x800  }
0x1d: {  	[sflag:s7] =	ssyncset.done $0x0  }
0x1e: {  	[sflag:s7] =	ssyncadd.s32 $0xFFFFF800  }
0x1f: {  	[bflag:$0x0] =	sbarrier.arrive $0xFFFF  }
0x20: {  	s4 =	rddreg [dreg:$0x4]  }
0x21: {  	s5 =	rddreg [dreg:$0xa];
	s4 =	sor.u32 $0x1C13, s4  }
0x22: {  	[hbm:s5], [sflag:s4] =	dma.local [spmem:s15], $0x4F0  }
0x23: {  	_ =	swait.ge [sflag:s16], $0x4F0  }
0x24: {  	s8 =	sadd.s32 $0x1, s8;
	s14 =	rddreg [dreg:$0xb]  }
0x25: {  	p0 =	sne.s32 s8, s14  }
.Ltmp1:
0x26: {  	_ = 	snop;
	(pc) =	sbr.rel @!p0 .LBB2_5-.Ltmp1, $3  }
0x27: {  	_ =	sdelay $0x1  }
0x28: {  	[sflag:s16] =	ssyncset.done $0x0  }
0x29: {  	[sflag:s16] =	ssyncadd.s32 $0xFFFFFB10  }
.LBB2_1:
0x2a: {  	s4 =	rddreg [dreg:$0x5]  }
0x2b: {  	s5 =	rddreg [dreg:$0x6]  }
0x2c: {  	s9 =	rddreg [dreg:$0xc]  }
0x2d: {  	[spmem:s9], [sflag:s5] =	dma.local [hbm:s4], $0x4F0  }
0x2e: {  	s4 =	rddreg [dreg:$0x7]  }
0x2f: {  	s5 =	rddreg [dreg:$0xd]  }
0x30: {  	[spmem:s15], [sflag:s5] =	dma.local [hbm:s4], $0x4F0  }
0x31: {  	s10 =	simm.s32 $0x0;
	s5 =	rddreg [dreg:$0x8]  }
0x32: {  	[tilespmem:s10], [sflag:$0x13] =	stream.linear.gather [hbm4b:s5+s10], $0x5000, $0x38;
	[tilespmem:$0x12F00] =	vst v63  }
0x33: {  	_ =	swait.ge [sflag:s16], $0x5000  }
0x34: {  	[sflag:s16] =	ssyncset.done $0x0  }
0x35: {  	s12 =	simm.s32 $0x5000;
	s11 =	rddreg [dreg:$0x9];
	[sflag:s16] =	ssyncadd.s32 $0xFFFFB000  }
0x36: {  	[tilespmem:s12], [sflag:$0x13] =	stream.linear.gather [hbm4b:s11+s10], $0x5000, $0x38;
	[tilespmem:$0x12F00] =	vst v63  }
0x37: {  	_ =	swait.ge [sflag:s16], $0x5000  }
0x38: {  	[sflag:s16] =	ssyncset.done $0x0  }
0x39: {  	[sflag:s16] =	ssyncadd.s32 $0xFFFFB000  }
0x3a: {  	_ =	swait.ge [sflag:s18], $0x4F0  }
0x3b: {  	[sflag:s18] =	ssyncset.done $0x0  }
0x3c: {  	[sflag:s18] =	ssyncadd.s32 $0xFFFFFB10  }
0x3d: {  	_ =	swait.ge [sflag:s19], $0x4F0  }
0x3e: {  	[sflag:s19] =	ssyncset.done $0x0  }
0x3f: {  	[sflag:s19] =	ssyncadd.s32 $0xFFFFFB10  }
0x40: {  	[bflag:$0x0] =	sbarrier.arrive $0xFFFF  }
0x41: {  	[tilespmem:s21], [sflag:$0x3] =	stream.indirect.gather [spmem:s2], $0x10, s10, s20, $0xb8;
	[tilespmem:$0x12F00] =	vst v63  }
0x42: {  	s13 =	simm.s32 $0xA800  }
0x43: {  	[tilespmem:s13], [sflag:$0x4] =	stream.indirect.gather [spmem:s2], $0x10, s20, s20, $0xb8;
	[tilespmem:$0x12F00] =	vst v63  }
0x44: {  	s14 =	simm.s32 $0x100  }
0x45: {  	[tilespmem:s24], [sflag:$0x5] =	stream.indirect.gather [spmem:s2], $0x10, s14, s20, $0xb8;
	[tilespmem:$0x12F00] =	vst v63  }
0x46: {  	s9 =	simm.s32 $0xB800;
	s5 =	simm.s32 $0x180  }
0x47: {  	[tilespmem:s9], [sflag:$0x6] =	stream.indirect.gather [spmem:s2], $0x10, s5, s20, $0xb8;
	[tilespmem:$0x12F00] =	vst v63  }
0x48: {  	s10 =	simm.s32 $0x200  }
0x49: {  	[tilespmem:s29], [sflag:$0x7] =	stream.indirect.gather [spmem:s2], $0x10, s10, s20, $0xb8;
	[tilespmem:$0x12F00] =	vst v63  }
0x4a: {  	s11 =	simm.s32 $0x280;
	s12 =	simm.s32 $0xC800  }
0x4b: {  	[tilespmem:s12], [sflag:$0x8] =	stream.indirect.gather [spmem:s2], $0x10, s11, s20, $0xb8;
	[tilespmem:$0x12F00] =	vst v63  }
0x4c: {  	s13 =	simm.s32 $0x300  }
0x4d: {  	[tilespmem:s0], [sflag:$0x9] =	stream.indirect.gather [spmem:s2], $0x10, s13, s20, $0xb8;
	[tilespmem:$0x12F00] =	vst v63  }
0x4e: {  	s14 =	simm.s32 $0x380;
	s9 =	simm.s32 $0x0  }
0x4f: {  	[tilespmem:s22], [sflag:$0xA] =	stream.indirect.gather [spmem:s2], $0x10, s14, s20, $0xb8;
	[tilespmem:$0x12F00] =	vst v63  }
.LBB2_2:
0x50: {  	_ =	swait.ge [sflag:s23], $0x800  }
0x51: {  	s10 =	sshra.s32 s9, $0x2;
	[sflag:s23] =	ssyncset.done $0x0  }
0x52: {  	s11 =	sadd.s32 $0x5000, s10;
	[sflag:s23] =	ssyncadd.s32 $0xFFFFF800  }
0x53: {  	[spmem:s3] =	stream.indirect.scatter.add.f32 [tilespmem:s21], [sflag:$0xB], $0x10, s11, s20, $0xb8;
	[tilespmem:$0x12F00] =	vst v63  }
0x54: {  	_ =	swait.ge [sflag:s25], $0x800  }
0x55: {  	p0 =	seq.s32 s9, $0x13000;
	[sflag:s25] =	ssyncset.done $0x0  }
0x56: {  	s11 =	simm.s32 @p0 $0x4;
	[sflag:s25] =	ssyncadd.s32 $0xFFFFF800  }
0x57: {  	_ =	swait.ge @p0 [sflag:s11], $0x800  }
0x58: {  	s13 =	sshra.s32 @p0 s9, $0x2;
	s14 =	simm.s32 @p0 $0x80;
	[sflag:s11] =	ssyncset.done @p0 $0x0  }
0x59: {  	s12 =	simm.s32 @p0 $0xA800;
	[sflag:s11] =	ssyncadd.s32 @p0 $0xFFFFF800;
	s11 =	sadd.s32 @p0 $0x5080, s13  }
0x5a: {  	[spmem:s3] =	stream.indirect.scatter.add.f32 @p0 [tilespmem:s12], [sflag:$0xC], $0x10, s11, s14, $0xb8;
	[tilespmem:$0x12F00] =	vst v63  }
0x5b: {  	s11 =	simm.s32 @p0 $0xC  }
0x5c: {  	_ =	swait.ge @p0 [sflag:s11], $0x800  }
0x5d: {  	[sflag:s11] =	ssyncset.done @p0 $0x0  }
0x5e: {  	[sflag:s11] =	ssyncadd.s32 @p0 $0xFFFFF800;
	s11 =	sshra.s32 @!p0 s9, $0x2  }
0x5f: {  	s4 =	simm.s32 @!p0 $0xA000;
	s12 =	simm.s32 @!p0 $0x80;
	s5 =	sadd.s32 @!p0 $0x400, s11  }
0x60: {  	[tilespmem:s4], [sflag:$0x3] =	stream.indirect.gather @!p0 [spmem:s2], $0x10, s5, s12, $0xb8;
	[tilespmem:$0x12F00] =	vst v63  }
0x61: {  	s4 =	simm.s32 @!p0 $0x4  }
0x62: {  	_ =	swait.ge @!p0 [sflag:s4], $0x800  }
0x63: {  	[sflag:s4] =	ssyncset.done @!p0 $0x0  }
0x64: {  	s5 =	simm.s32 @!p0 $0xA800;
	[sflag:s4] =	ssyncadd.s32 @!p0 $0xFFFFF800;
	s4 =	sadd.s32 @!p0 $0x5080, s11  }
0x65: {  	[spmem:s3] =	stream.indirect.scatter.add.f32 @!p0 [tilespmem:s5], [sflag:$0xC], $0x10, s4, s12, $0xb8;
	[tilespmem:$0x12F00] =	vst v63  }
0x66: {  	s4 =	simm.s32 @!p0 $0xC  }
0x67: {  	_ =	swait.ge @!p0 [sflag:s4], $0x800  }
0x68: {  	[sflag:s4] =	ssyncset.done @!p0 $0x0  }
0x69: {  	[sflag:s4] =	ssyncadd.s32 @!p0 $0xFFFFF800;
	s4 =	sadd.s32 @!p0 $0x480, s11  }
0x6a: {  	[tilespmem:s5], [sflag:$0x4] =	stream.indirect.gather @!p0 [spmem:s2], $0x10, s4, s12, $0xb8;
	[tilespmem:$0x12F00] =	vst v63  }
0x6b: {  	_ =	swait.ge [sflag:s26], $0x800  }
0x6c: {  	[sflag:s26] =	ssyncset.done $0x0  }
0x6d: {  	s5 =	sadd.s32 $0x5100, s10;
	[sflag:s26] =	ssyncadd.s32 $0xFFFFF800  }
0x6e: {  	[spmem:s3] =	stream.indirect.scatter.add.f32 [tilespmem:s24], [sflag:$0xD], $0x10, s5, s20, $0xb8;
	[tilespmem:$0x12F00] =	vst v63  }
0x6f: {  	_ =	swait.ge [sflag:s28], $0x800  }
0x70: {  	[sflag:s28] =	ssyncset.done $0x0  }
0x71: {  	s4 =	simm.s32 @p0 $0x6;
	[sflag:s28] =	ssyncadd.s32 $0xFFFFF800  }
0x72: {  	_ =	swait.ge @p0 [sflag:s4], $0x800  }
0x73: {  	[sflag:s4] =	ssyncset.done @p0 $0x0  }
0x74: {  	s5 =	simm.s32 @p0 $0xB800;
	[sflag:s4] =	ssyncadd.s32 @p0 $0xFFFFF800;
	s4 =	sadd.s32 @p0 $0x5180, s13  }
0x75: {  	[spmem:s3] =	stream.indirect.scatter.add.f32 @p0 [tilespmem:s5], [sflag:$0xE], $0x10, s4, s14, $0xb8;
	[tilespmem:$0x12F00] =	vst v63  }
0x76: {  	s4 =	simm.s32 @p0 $0xE  }
0x77: {  	_ =	swait.ge @p0 [sflag:s4], $0x800  }
0x78: {  	[sflag:s4] =	ssyncset.done @p0 $0x0  }
0x79: {  	s5 =	simm.s32 @!p0 $0xB000;
	[sflag:s4] =	ssyncadd.s32 @p0 $0xFFFFF800;
	s4 =	sadd.s32 @!p0 $0x500, s11  }
0x7a: {  	[tilespmem:s5], [sflag:$0x5] =	stream.indirect.gather @!p0 [spmem:s2], $0x10, s4, s12, $0xb8;
	[tilespmem:$0x12F00] =	vst v63  }
0x7b: {  	s4 =	simm.s32 @!p0 $0x6  }
0x7c: {  	_ =	swait.ge @!p0 [sflag:s4], $0x800  }
0x7d: {  	[sflag:s4] =	ssyncset.done @!p0 $0x0  }
0x7e: {  	s5 =	simm.s32 @!p0 $0xB800;
	[sflag:s4] =	ssyncadd.s32 @!p0 $0xFFFFF800;
	s4 =	sadd.s32 @!p0 $0x5180, s11  }
0x7f: {  	[spmem:s3] =	stream.indirect.scatter.add.f32 @!p0 [tilespmem:s5], [sflag:$0xE], $0x10, s4, s12, $0xb8;
	[tilespmem:$0x12F00] =	vst v63  }
0x80: {  	s4 =	simm.s32 @!p0 $0xE  }
0x81: {  	_ =	swait.ge @!p0 [sflag:s4], $0x800  }
0x82: {  	[sflag:s4] =	ssyncset.done @!p0 $0x0  }
0x83: {  	[sflag:s4] =	ssyncadd.s32 @!p0 $0xFFFFF800;
	s4 =	sadd.s32 @!p0 $0x580, s11  }
0x84: {  	[tilespmem:s5], [sflag:$0x6] =	stream.indirect.gather @!p0 [spmem:s2], $0x10, s4, s12, $0xb8;
	[tilespmem:$0x12F00] =	vst v63  }
0x85: {  	_ =	swait.ge [sflag:s30], $0x800  }
0x86: {  	[sflag:s30] =	ssyncset.done $0x0  }
0x87: {  	s5 =	sadd.s32 $0x5200, s10;
	[sflag:s30] =	ssyncadd.s32 $0xFFFFF800  }
0x88: {  	[spmem:s3] =	stream.indirect.scatter.add.f32 [tilespmem:s29], [sflag:$0xF], $0x10, s5, s20, $0xb8;
	[tilespmem:$0x12F00] =	vst v63  }
0x89: {  	_ =	swait.ge [sflag:s31], $0x800  }
0x8a: {  	[sflag:s31] =	ssyncset.done $0x0  }
0x8b: {  	s4 =	simm.s32 @p0 $0x8;
	[sflag:s31] =	ssyncadd.s32 $0xFFFFF800  }
0x8c: {  	_ =	swait.ge @p0 [sflag:s4], $0x800  }
0x8d: {  	[sflag:s4] =	ssyncset.done @p0 $0x0  }
0x8e: {  	s5 =	simm.s32 @p0 $0xC800;
	[sflag:s4] =	ssyncadd.s32 @p0 $0xFFFFF800;
	s4 =	sadd.s32 @p0 $0x5280, s13  }
0x8f: {  	[spmem:s3] =	stream.indirect.scatter.add.f32 @p0 [tilespmem:s5], [sflag:$0x10], $0x10, s4, s14, $0xb8;
	[tilespmem:$0x12F00] =	vst v63  }
0x90: {  	s4 =	simm.s32 @p0 $0x10  }
0x91: {  	_ =	swait.ge @p0 [sflag:s4], $0x800  }
0x92: {  	[sflag:s4] =	ssyncset.done @p0 $0x0  }
0x93: {  	s5 =	simm.s32 @!p0 $0xC000;
	[sflag:s4] =	ssyncadd.s32 @p0 $0xFFFFF800;
	s4 =	sadd.s32 @!p0 $0x600, s11  }
0x94: {  	[tilespmem:s5], [sflag:$0x7] =	stream.indirect.gather @!p0 [spmem:s2], $0x10, s4, s12, $0xb8;
	[tilespmem:$0x12F00] =	vst v63  }
0x95: {  	s4 =	simm.s32 @!p0 $0x8  }
0x96: {  	_ =	swait.ge @!p0 [sflag:s4], $0x800  }
0x97: {  	[sflag:s4] =	ssyncset.done @!p0 $0x0  }
0x98: {  	s5 =	simm.s32 @!p0 $0xC800;
	[sflag:s4] =	ssyncadd.s32 @!p0 $0xFFFFF800;
	s4 =	sadd.s32 @!p0 $0x5280, s11  }
0x99: {  	[spmem:s3] =	stream.indirect.scatter.add.f32 @!p0 [tilespmem:s5], [sflag:$0x10], $0x10, s4, s12, $0xb8;
	[tilespmem:$0x12F00] =	vst v63  }
0x9a: {  	s4 =	simm.s32 @!p0 $0x10  }
0x9b: {  	_ =	swait.ge @!p0 [sflag:s4], $0x800  }
0x9c: {  	[sflag:s4] =	ssyncset.done @!p0 $0x0  }
0x9d: {  	[sflag:s4] =	ssyncadd.s32 @!p0 $0xFFFFF800;
	s4 =	sadd.s32 @!p0 $0x680, s11  }
0x9e: {  	[tilespmem:s5], [sflag:$0x8] =	stream.indirect.gather @!p0 [spmem:s2], $0x10, s4, s12, $0xb8;
	[tilespmem:$0x12F00] =	vst v63  }
0x9f: {  	_ =	swait.ge [sflag:s1], $0x800  }
0xa0: {  	[sflag:s1] =	ssyncset.done $0x0  }
.Ltmp2:
0xa1: {  	s14 =	sadd.s32 $0x5300, s10;
	[sflag:s1] =	ssyncadd.s32 $0xFFFFF800;
	(pc) =	sbr.rel @p0 .LBB2_4-.Ltmp2, $4  }
0xa2: {  	[spmem:s3] =	stream.indirect.scatter.add.f32 [tilespmem:s0], [sflag:$0x11], $0x10, s14, s20, $0xb8;
	[tilespmem:$0x12F00] =	vst v63  }
0xa3: {  	_ =	swait.ge [sflag:s17], $0x800  }
0xa4: {  	[sflag:s17] =	ssyncset.done $0x0  }
0xa5: {  	s11 =	sadd.s32 $0x5380, s10;
	[sflag:s17] =	ssyncadd.s32 $0xFFFFF800  }
0xa6: {  	s4 =	sadd.s32 $0x700, s10  }
0xa7: {  	[tilespmem:s0], [sflag:$0x9] =	stream.indirect.gather [spmem:s2], $0x10, s4, s20, $0xb8;
	[tilespmem:$0x12F00] =	vst v63  }
0xa8: {  	_ =	swait.ge [sflag:s6], $0x800  }
0xa9: {  	[sflag:s6] =	ssyncset.done $0x0  }
0xaa: {  	[sflag:s6] =	ssyncadd.s32 $0xFFFFF800  }
0xab: {  	[spmem:s3] =	stream.indirect.scatter.add.f32 [tilespmem:s22], [sflag:$0x12], $0x10, s11, s20, $0xb8;
	[tilespmem:$0x12F00] =	vst v63  }
.Ltmp3:
0xac: {  	_ = 	snop;
	(pc) =	sbr.rel .LBB2_2-.Ltmp3, $4  }
0xad: {  	_ =	swait.ge [sflag:s7], $0x800  }
0xae: {  	[sflag:s7] =	ssyncset.done $0x0  }
0xaf: {  	s14 =	sadd.s32 $0x780, s10;
	s9 =	sadd.s32 $0x1000, s9;
	[sflag:s7] =	ssyncadd.s32 $0xFFFFF800  }
0xb0: {  	[tilespmem:s22], [sflag:$0xA] =	stream.indirect.gather [spmem:s2], $0x10, s14, s20, $0xb8;
	[tilespmem:$0x12F00] =	vst v63  }
.LBB2_5:
0xb1: {  	_ =	sfence.sel $0x180000  }
0xb2: {  	[bflag:$0x0] =	sbarrier.arrive $0xFFFF  }
0xb3: {  	_ =	strace $0x9000004D  }
0xb4: {  	s0 =	stileid.u32;
	[bflag:$0x2] =	sbarrier.arrive $0xFFFF  }
0xb5: {  	p0 =	sne.s32 s0, $0x0;
	s0 =	rddreg [dreg:$0x3]  }
0xb6: {  	s0 =	sadd.s32 @!p0 $0x100000, s0  }
0xb7: {  	[sflag:s0] =	ssyncadd.tile.s32 @!p0 $0x1;
	_ =	shalt  }
.Lfunc_end2:
_tile_overlayer_lowered:
.L_overlay_start_2:
0xb8: {  	(tag) =	ssettag $0x2  }
0xb9: {  	s0 =	rddreg [dreg:$0x0];
	s2 =	stileid.u32  }
0xba: {  	s1 =	rddreg [dreg:$0x1];
	p0 =	sne.s32 s2, $0x0  }
0xbb: {  	s3 =	rddreg [dreg:$0x2];
	[bflag:$0x3] =	sbarrier.arrive $0xFFFF;
	s2 =	simm.s32 @!p0 $0x1C13  }
0xbc: {  	[timem:s3], [sflag:s2] =	dma.local @!p0 [hbm:s0], s1  }
0xbd: {  	s0 =	simm.s32 @!p0 $0x13  }
0xbe: {  	_ =	swait.ge @!p0 [sflag:s0], s1  }
0xbf: {  	s1 =	ssub.s32 @!p0 $0x0, s1;
	[sflag:s0] =	ssyncset.done @!p0 $0x0  }
0xc0: {  	[sflag:s0] =	ssyncadd.s32 @!p0 s1  }
0xc1: {  	[bflag:$0x3] =	sbarrier.arrive $0xFFFF  }
0xc2: {  	_ =	shalt  }

// kernel: kernel.19.cloned.1.call-start
scs
__scs_entry_jumppad:
0x0: {  	(pc) =	sbr.rel $0x88, $3  }
0x1: {  	(tag) =	ssettag $0x0;
	lr =	simm.s32 $0x1  }
0x2: {  	[smem:$0x3F96] =	sst lr;
	_ =	strace $0xD0000000  }
0x3: {  	_ = 	snop  }
0x4: {  	_ = 	snop  }
0x5: {  	_ = 	snop  }
0x6: {  	_ = 	snop  }
0x7: {  	_ = 	snop  }
__scs_overlays_trampoline_lowered:
0x8: {  	[smem:$0x3FA5] =	sst s0  }
0x9: {  	[smem:$0x3FA6] =	sst s1  }
0xa: {  	[smem:$0x3FA7] =	sst s2  }
0xb: {  	[smem:$0x3FA8] =	sst s3  }
0xc: {  	[smem:$0x3FA9] =	sst s4  }
0xd: {  	[smem:$0x3FAA] =	sst s5  }
0xe: {  	[smem:$0x3FAB] =	sst s6  }
0xf: {  	[smem:$0x3FAC] =	sst s7  }
0x10: {  	[smem:$0x3FAD] =	sst s8  }
0x11: {  	[smem:$0x3FAE] =	sst s9;
	s0 =	simm.s32 @!p0 $0x0  }
0x12: {  	s1 =	sld [smem:$0x3F94];
	s0 =	simm.s32 @p0 $0x1  }
0x13: {  	[smem:$0x3FAF] =	sst s0;
	s0 =	simm.s32 @!p1 $0x0  }
0x14: {  	s2 =	sld [smem:$0x3F93];
	s0 =	simm.s32 @p1 $0x1  }
0x15: {  	[smem:$0x3FB0] =	sst s0;
	s0 =	simm.s32 @!p2 $0x0  }
0x16: {  	s3 =	sld [smem:$0x3FDB];
	s0 =	simm.s32 @p2 $0x1  }
0x17: {  	s4 =	simm.s32 $0x1BF5;
	[smem:$0x3FB2] =	sst s0  }
0x18: {  	s0 =	sld [smem:$0x3F95];
	_ =	swait.ge [sflag:s4], $0x0  }
0x19: {  	s7 =	sld [smem:$0x3F96]  }
0x1a: {  	s8 =	sadd.s32 $0xFFFFE003, lr  }
0x1b: {  	s9 =	sadd.s32 $0xFFFFFEF7, lr;
	s5 =	simm.s32 $0xFFFFFFFF;
	p2 =	slt.u32 s8, $0xFFFFF086  }
0x1c: {  	p1 =	slt.u32 s9, $0xF7A;
	s5 =	simm.s32 @!p2 $0x0  }
0x1d: {  	s5 =	simm.s32 @p1 $0x1;
	p0 =	seq.s32 s7, s2  }
0x1e: {  	s7 =	smul.u32 @!p0 $0xF7A, s2;
	p2 =	seq.s32 @!p0 s5, $0x0  }
0x1f: {  	s9 =	smul.u32 $0xF7A, s1;
	s8 =	simm.s32 @!p0 $0x1BF5;
	p2 =	por !p2, p0  }
0x20: {  	[sflag:s8] =	ssyncset.s32 @!p0 $0xFFFFF086;
	s6 =	sadd.s32 @!p0 s3, s7;
	s7 =	simm.s32 @!p0 $0x108  }
0x21: {  	s3 =	sadd.s32 s3, s9;
	s6 =	sadd.s32 @!p0 $0x88, s6;
	s7 =	simm.s32 @p2 $0x1082  }
0x22: {  	[simem:s7], [sflag:s8] =	dma.local @!p0 [hbm:s6], $0xF7A  }
0x23: {  	s9 =	sor.u32 $0xD0000000, s2;
	s6 =	simm.s32 $0x108;
	_ =	swait.ge @!p0 [sflag:s8], $0x0  }
0x24: {  	s3 =	sadd.s32 $0x88, s3;
	s6 =	simm.s32 @!p1 $0x1082;
	[sflag:s4] =	ssyncset.s32 $0xFFFFF086  }
0x25: {  	[simem:s6], [sflag:s4] =	dma.local [hbm:s3], $0xF7A  }
0x26: {  	[smem:$0x3F96] =	sst s1;
	(tag) =	ssettag s2;
	_ =	strace s9  }
0x27: {  	s1 =	sld [smem:$0x3FA6]  }
0x28: {  	s2 =	sld [smem:$0x3FA7]  }
0x29: {  	s4 =	sld [smem:$0x3FA9]  }
0x2a: {  	p0 =	seq.s32 s5, $0x0;
	s5 =	sld [smem:$0x3FAA]  }
0x2b: {  	s6 =	sld [smem:$0x3FAB]  }
0x2c: {  	s7 =	sld [smem:$0x3FAC]  }
0x2d: {  	s3 =	simm.s32 $0x108;
	s8 =	sld [smem:$0x3FAD]  }
0x2e: {  	s3 =	simm.s32 @!p0 $0x1082;
	s9 =	sld [smem:$0x3FAE]  }
0x2f: {  	lr =	sadd.s32 s0, s3;
	s0 =	sld [smem:$0x3FA5]  }
0x30: {  	s3 =	sld [smem:$0x3FA8]  }
0x31: {  	[smem:$0x3FB1] =	sst s10  }
0x32: {  	s10 =	sld [smem:$0x3FAF];
	_ =	sdelay $0x3  }
0x33: {  	p0 =	seq.s32 s10, $0x1;
	s10 =	sld [smem:$0x3FB1];
	_ =	sdelay $0x3  }
0x34: {  	[smem:$0x3FB1] =	sst s10  }
0x35: {  	s10 =	sld [smem:$0x3FB0];
	_ =	sdelay $0x3  }
0x36: {  	p1 =	seq.s32 s10, $0x1;
	s10 =	sld [smem:$0x3FB1];
	_ =	sdelay $0x3  }
0x37: {  	[smem:$0x3FB1] =	sst s10  }
0x38: {  	s10 =	sld [smem:$0x3FB2]  }
0x39: {  	_ = 	snop;
	(pc) =	sbr.ind lr, $3  }
0x3a: {  	_ = 	snop  }
0x3b: {  	_ = 	snop  }
0x3c: {  	p2 =	seq.s32 s10, $0x1;
	s10 =	sld [smem:$0x3FB1]  }
0x3d: {  	_ =	shalt  }
0x3e: {  	_ =	shalt  }
0x3f: {  	_ =	shalt  }
0x40: {  	_ =	shalt  }
0x41: {  	_ =	shalt  }
0x42: {  	_ =	shalt  }
0x43: {  	_ =	shalt  }
0x44: {  	_ =	shalt  }
0x45: {  	_ =	shalt  }
0x46: {  	_ =	shalt  }
0x47: {  	_ =	shalt  }
0x48: {  	_ =	shalt  }
0x49: {  	_ =	shalt  }
0x4a: {  	_ =	shalt  }
0x4b: {  	_ =	shalt  }
0x4c: {  	_ =	shalt  }
0x4d: {  	_ =	shalt  }
0x4e: {  	_ =	shalt  }
0x4f: {  	_ =	shalt  }
0x50: {  	_ =	shalt  }
0x51: {  	_ =	shalt  }
0x52: {  	_ =	shalt  }
0x53: {  	_ =	shalt  }
0x54: {  	_ =	shalt  }
0x55: {  	_ =	shalt  }
0x56: {  	_ =	shalt  }
0x57: {  	_ =	shalt  }
0x58: {  	_ =	shalt  }
0x59: {  	_ =	shalt  }
0x5a: {  	_ =	shalt  }
0x5b: {  	_ =	shalt  }
0x5c: {  	_ =	shalt  }
0x5d: {  	_ =	shalt  }
0x5e: {  	_ =	shalt  }
0x5f: {  	_ =	shalt  }
0x60: {  	_ =	shalt  }
0x61: {  	_ =	shalt  }
0x62: {  	_ =	shalt  }
0x63: {  	_ =	shalt  }
0x64: {  	_ =	shalt  }
0x65: {  	_ =	shalt  }
0x66: {  	_ =	shalt  }
0x67: {  	_ =	shalt  }
0x68: {  	_ =	shalt  }
0x69: {  	_ =	shalt  }
0x6a: {  	_ =	shalt  }
0x6b: {  	_ =	shalt  }
0x6c: {  	_ =	shalt  }
0x6d: {  	_ =	shalt  }
0x6e: {  	_ =	shalt  }
0x6f: {  	_ =	shalt  }
0x70: {  	_ =	shalt  }
0x71: {  	_ =	shalt  }
0x72: {  	_ =	shalt  }
0x73: {  	_ =	shalt  }
0x74: {  	_ =	shalt  }
0x75: {  	_ =	shalt  }
0x76: {  	_ =	shalt  }
0x77: {  	_ =	shalt  }
0x78: {  	_ =	shalt  }
0x79: {  	_ =	shalt  }
0x7a: {  	_ =	shalt  }
0x7b: {  	_ =	shalt  }
0x7c: {  	_ =	shalt  }
0x7d: {  	_ =	shalt  }
0x7e: {  	_ =	shalt  }
0x7f: {  	_ =	shalt  }
0x80: {  	_ =	shalt  }
0x81: {  	_ =	shalt  }
0x82: {  	_ =	shalt  }
0x83: {  	_ =	shalt  }
0x84: {  	_ =	shalt  }
0x85: {  	_ =	shalt  }
0x86: {  	_ =	shalt  }
0x87: {  	_ =	shalt  }
.Lfunc_end0:
.L_simem_size_0:
called_computation.3_lowered:
.L_overlay_start_0:
0x88: {  	s2 =	sld [smem:$0x3FD9]  }
0x89: {  	s3 =	sld [smem:$0x3FFE];
	_ =	sdelay $0x1  }
0x8a: {  	s1 =	srdreg.scid  }
0x8b: {  	s0 =	sand.u32 $0x1, s1  }
0x8c: {  	s16 =	sshll.u32 s0, $0xA;
	s2 =	sadd.s32 s3, s2  }
0x8d: {  	s2 =	sadd.s32 s2, s16  }
0x8e: {  	[smem:$0x3FBD] =	sst s2  }
0x8f: {  	_ = 	snop  }
0x90: {  	(tm) =	ssettm $0x1  }
0x91: {  	s17 =	sld [smem:$0x3FFB];
	_ =	sdelay $0x3  }
0x92: {  	_ =	strace s17  }
0x93: {  	s2 =	sld [smem:$0x3FFC];
	_ =	sdelay $0x3  }
0x94: {  	_ =	strace s2  }
0x95: {  	s2 =	sld [smem:$0x3FFD];
	_ =	sdelay $0x3  }
0x96: {  	_ =	strace s2  }
0x97: {  	_ =	strace $0x8FFFFFFF  }
0x98: {  	s18 =	sld [smem:$0x3FDB];
	_ =	sdelay $0x1  }
0x99: {  	s19 =	simm.s32 $_scs_section_size  }
0x9a: {  	s4 =	simm.s32 $_size__tile_overlayer_lowered;
	s5 =	simm.s32 $_tile_overlayer_lowered  }
0x9b: {  	s22 =	simm.s32 $0x1BFF;
	s21 =	sshll.u32 s5, $0x1;
	s2 =	sadd.s32 s19, s18  }
0x9c: {  	s6 =	simm.s32 $0x0;
	s20 =	sshll.u32 s4, $0x1;
	s4 =	sadd.s32 s21, s2  }
0x9d: {  	[timem:s6], [sflag:s22] =	dma.local [hbm:s4], s20  }
0x9e: {  	_ =	swait.ge [sflag:s22], s20  }
0x9f: {  	s3 =	ssub.s32 $0x0, s20;
	[sflag:s22] =	ssyncset.done $0x0  }
0xa0: {  	[sflag:s22] =	ssyncadd.s32 s3;
	_ =	sdelay $0x1  }
0xa1: {  	s23 =	simm.s32 $0x1B8B  }
0xa2: {  	_ =	swait.ge [sflag:s23], $0x1  }
0xa3: {  	[sflag:s23] =	ssyncset.done $0x0  }
0xa4: {  	s25 =	simm.s32 $0x1B8E;
	s24 =	sld [smem:$0x3FFE];
	[sflag:s23] =	ssyncadd.s32 $0xFFFFFFFF  }
0xa5: {  	s26 =	simm.s32 $execute0_lowered;
	[smem:$0x3FD2] =	sst s25  }
0xa6: {  	s4 =	sshll.u32 s26, $0x1;
	_ =	strace $0x8000004F;
	[dreg:$0x1] =	wrdreg $0xFFFFFFFF  }
0xa7: {  	s28 =	simm.s32 $_size_execute0_lowered;
	s2 =	sadd.s32 s2, s4;
	[dreg:$0x0] =	wrdreg $0x0  }
0xa8: {  	s4 =	sshll.u32 s28, $0x1;
	[dreg:$0x2] =	wrdreg s2  }
0xa9: {  	[dreg:$0x3] =	wrdreg s4  }
0xaa: {  	[dreg:$0x4] =	wrdreg $0xC0  }
0xab: {  	_ =	task [dreg:s6], $0x5FFFF  }
0xac: {  	[dreg:$0x1] =	wrdreg $0xFFFFFFFF  }
0xad: {  	[dreg:$0x0] =	wrdreg $0x60  }
0xae: {  	[dreg:$0x2] =	wrdreg s24  }
0xaf: {  	[dreg:$0x3] =	wrdreg $0x107800  }
0xb0: {  	[dreg:$0x4] =	wrdreg $0xE0000  }
0xb1: {  	[dreg:$0x5] =	wrdreg $0x9  }
0xb2: {  	_ =	task.clear_ibuf [dreg:s6], $0x6FFFF;
	_ =	strace $0x9000004F  }
0xb3: {  	s29 =	simm.s32 $0x9;
	_ =	strace $0x80000051  }
0xb4: {  	_ =	swait.ge [sflag:s29], $0x1  }
0xb5: {  	[sflag:s29] =	ssyncadd.s32 $0xFFFFFFFF  }
0xb6: {  	_ =	strace $0x90000051  }
0xb7: {  	_ =	sfence  }
0xb8: {  	s30 =	sld [smem:$0x0];
	_ =	sdelay $0x2  }
0xb9: {  	s31 =	sshll.u32 s1, $0xD;
	s1 =	sshrl.u32 s1, $0x2  }
0xba: {  	s3 =	sand.u32 $0x4000, s31;
	s1 =	sadd.s32 s1, s30  }
0xbb: {  	s0 =	sor.u32 s3, s0;
	s1 =	sshll.u32 s1, $0x11  }
0xbc: {  	s0 =	sor.u32 s1, s0  }
0xbd: {  	s0 =	sadd.s32 $0x8F2B, s0  }
0xbe: {  	[sflag:s0] =	ssyncadd.remote.s32 $0x1  }
0xbf: {  	_ =	sfence.sel $0xFFFF  }
0xc0: {  	[dreg:$0x0] =	wrdreg $0xFFFFFFFF;
	(pc) =	sbr.abs _section_cstart, $3  }
0xc1: {  	[dreg:$0x1] =	wrdreg $0xFFFFFFFF  }
0xc2: {  	_ =	task.clear_ibuf [dreg:s6], $0x2FFFF;
	_ =	strace $0x9FFFFFFF  }
0xc3: {  	(tm) =	ssettm $0x7FFFFFFF  }
tec
execute0_lowered:
.L_overlay_start_1:
0x0: {  	(tag) =	ssettag $0x1  }
0x1: {  	s0 =	srdreg.scid;
	s1 =	rddreg [dreg:$0x0]  }
0x2: {  	s10 =	stileid.u32;
	s2 =	rddreg [dreg:$0x1]  }
0x3: {  	s14 =	simm.s32 $0x0;
	s29 =	simm.s32 $0xC000;
	s28 =	simm.s32 $0xD  }
0x4: {  	s30 =	simm.s32 $0x7;
	s31 =	simm.s32 $0xF;
	s0 =	sand.u32 $0x1, s0  }
0x5: {  	s3 =	sshll.u32 s10, $0x1;
	s6 =	smul.u32 $0x2780, s10;
	[smem:$0x7FF] =	sst s14  }
0x6: {  	s18 =	sshll.u32 s10, $0x6;
	s4 =	sor.u32 s0, s3;
	s3 =	rddreg [dreg:$0x2]  }
0x7: {  	s7 =	smul.u32 $0x27800, s0;
	_ =	strace $0x80000050;
	s0 =	ssub.s32 $0x2, s0  }
0x8: {  	s21 =	sor.u32 $0x1C02, s18;
	[dreg:$0x4] =	wrdreg s18;
	s26 =	sor.u32 $0x1C01, s18  }
0x9: {  	s18 =	simm.s32 $0x2;
	s5 =	smul.u32 $0xA00, s4;
	s15 =	sshrl.u32 s6, $0x3  }
0xa: {  	s17 =	sshrl.u32 s0, $0x1;
	s19 =	sadd.s32 s6, s2;
	[dreg:$0x6] =	wrdreg s21  }
0xb: {  	[dreg:$0xd] =	wrdreg s26;
	s21 =	simm.s32 $0xA000;
	s26 =	simm.s32 $0x5  }
0xc: {  	s7 =	sadd.s32 s6, s7;
	s9 =	sadd.s32 s15, s1;
	s0 =	ssub.s32 s0, s17  }
0xd: {  	s6 =	sadd.s32 s6, s3;
	s25 =	sshrl.u32 s19, $0x3;
	s19 =	simm.s32 $0x1  }
0xe: {  	s17 =	simm.s32 $0x11;
	s8 =	sadd.s32 s5, s1;
	s16 =	sshrl.u32 s7, $0x3  }
0xf: {  	s20 =	sadd.s32 $0x2B800, s9;
	s22 =	sadd.s32 $0x30800, s9;
	s0 =	smax.u32 s0, $0x1  }
0x10: {  	[dreg:$0xc] =	wrdreg s25;
	s15 =	sshrl.u32 s6, $0x3;
	s25 =	simm.s32 $0xB  }
0x11: {  	s6 =	simm.s32 $0xA;
	s7 =	simm.s32 $0x12;
	[dreg:$0x5] =	wrdreg s20  }
0x12: {  	s1 =	sadd.s32 s16, s1;
	[dreg:$0x7] =	wrdreg s22;
	s23 =	sadd.s32 $0x17800, s8  }
.Ltmp0:
0x13: {  	s24 =	sadd.s32 $0x3800, s8;
	[dreg:$0xb] =	wrdreg s0;
	(pc) =	sbr.rel .LBB2_1-.Ltmp0, $4  }
0x14: {  	s16 =	simm.s32 $0x13;
	s20 =	simm.s32 $0x80;
	s0 =	simm.s32 $0xD000  }
0x15: {  	s22 =	simm.s32 $0xD800;
	s8 =	simm.s32 $0x0;
	[dreg:$0x8] =	wrdreg s23  }
0x16: {  	[dreg:$0x9] =	wrdreg s24;
	s1 =	sadd.s32 $0x35800, s1;
	s24 =	simm.s32 $0xB000  }
0x17: {  	s23 =	simm.s32 $0x3;
	[dreg:$0xa] =	wrdreg s1;
	s1 =	simm.s32 $0x9  }
.LBB2_4:
0x18: {  	_ =	swait.ge [sflag:s6], $0x800  }
0x19: {  	[sflag:s6] =	ssyncset.done $0x0  }
0x1a: {  	[sflag:s6] =	ssyncadd.s32 $0xFFFFF800  }
0x1b: {  	[spmem:s3] =	stream.indirect.scatter.add.f32 [tilespmem:s22], [sflag:$0x12], $0x10, s11, s20, $0xb8;
	[tilespmem:$0x12F00] =	vst v63  }
0x1c: {  	_ =	swait.ge [sflag:s7], $0x800  }
0x1d: {  	[sflag:s7] =	ssyncset.done $0x0  }
0x1e: {  	[sflag:s7] =	ssyncadd.s32 $0xFFFFF800  }
0x1f: {  	[bflag:$0x0] =	sbarrier.arrive $0xFFFF  }
0x20: {  	s4 =	rddreg [dreg:$0x4]  }
0x21: {  	s5 =	rddreg [dreg:$0xa];
	s4 =	sor.u32 $0x1C13, s4  }
0x22: {  	[hbm:s5], [sflag:s4] =	dma.local [spmem:s15], $0x4F0  }
0x23: {  	_ =	swait.ge [sflag:s16], $0x4F0  }
0x24: {  	s8 =	sadd.s32 $0x1, s8;
	s14 =	rddreg [dreg:$0xb]  }
0x25: {  	p0 =	sne.s32 s8, s14  }
.Ltmp1:
0x26: {  	_ = 	snop;
	(pc) =	sbr.rel @!p0 .LBB2_5-.Ltmp1, $3  }
0x27: {  	_ =	sdelay $0x1  }
0x28: {  	[sflag:s16] =	ssyncset.done $0x0  }
0x29: {  	[sflag:s16] =	ssyncadd.s32 $0xFFFFFB10  }
.LBB2_1:
0x2a: {  	s4 =	rddreg [dreg:$0x5]  }
0x2b: {  	s5 =	rddreg [dreg:$0x6]  }
0x2c: {  	s9 =	rddreg [dreg:$0xc]  }
0x2d: {  	[spmem:s9], [sflag:s5] =	dma.local [hbm:s4], $0x4F0  }
0x2e: {  	s4 =	rddreg [dreg:$0x7]  }
0x2f: {  	s5 =	rddreg [dreg:$0xd]  }
0x30: {  	[spmem:s15], [sflag:s5] =	dma.local [hbm:s4], $0x4F0  }
0x31: {  	s10 =	simm.s32 $0x0;
	s5 =	rddreg [dreg:$0x8]  }
0x32: {  	[tilespmem:s10], [sflag:$0x13] =	stream.linear.gather [hbm4b:s5+s10], $0x5000, $0x38;
	[tilespmem:$0x12F00] =	vst v63  }
0x33: {  	_ =	swait.ge [sflag:s16], $0x5000  }
0x34: {  	[sflag:s16] =	ssyncset.done $0x0  }
0x35: {  	s12 =	simm.s32 $0x5000;
	s11 =	rddreg [dreg:$0x9];
	[sflag:s16] =	ssyncadd.s32 $0xFFFFB000  }
0x36: {  	[tilespmem:s12], [sflag:$0x13] =	stream.linear.gather [hbm4b:s11+s10], $0x5000, $0x38;
	[tilespmem:$0x12F00] =	vst v63  }
0x37: {  	_ =	swait.ge [sflag:s16], $0x5000  }
0x38: {  	[sflag:s16] =	ssyncset.done $0x0  }
0x39: {  	[sflag:s16] =	ssyncadd.s32 $0xFFFFB000  }
0x3a: {  	_ =	swait.ge [sflag:s18], $0x4F0  }
0x3b: {  	[sflag:s18] =	ssyncset.done $0x0  }
0x3c: {  	[sflag:s18] =	ssyncadd.s32 $0xFFFFFB10  }
0x3d: {  	_ =	swait.ge [sflag:s19], $0x4F0  }
0x3e: {  	[sflag:s19] =	ssyncset.done $0x0  }
0x3f: {  	[sflag:s19] =	ssyncadd.s32 $0xFFFFFB10  }
0x40: {  	[bflag:$0x0] =	sbarrier.arrive $0xFFFF  }
0x41: {  	[tilespmem:s21], [sflag:$0x3] =	stream.indirect.gather [spmem:s2], $0x10, s10, s20, $0xb8;
	[tilespmem:$0x12F00] =	vst v63  }
0x42: {  	s13 =	simm.s32 $0xA800  }
0x43: {  	[tilespmem:s13], [sflag:$0x4] =	stream.indirect.gather [spmem:s2], $0x10, s20, s20, $0xb8;
	[tilespmem:$0x12F00] =	vst v63  }
0x44: {  	s14 =	simm.s32 $0x100  }
0x45: {  	[tilespmem:s24], [sflag:$0x5] =	stream.indirect.gather [spmem:s2], $0x10, s14, s20, $0xb8;
	[tilespmem:$0x12F00] =	vst v63  }
0x46: {  	s9 =	simm.s32 $0xB800;
	s5 =	simm.s32 $0x180  }
0x47: {  	[tilespmem:s9], [sflag:$0x6] =	stream.indirect.gather [spmem:s2], $0x10, s5, s20, $0xb8;
	[tilespmem:$0x12F00] =	vst v63  }
0x48: {  	s10 =	simm.s32 $0x200  }
0x49: {  	[tilespmem:s29], [sflag:$0x7] =	stream.indirect.gather [spmem:s2], $0x10, s10, s20, $0xb8;
	[tilespmem:$0x12F00] =	vst v63  }
0x4a: {  	s11 =	simm.s32 $0x280;
	s12 =	simm.s32 $0xC800  }
0x4b: {  	[tilespmem:s12], [sflag:$0x8] =	stream.indirect.gather [spmem:s2], $0x10, s11, s20, $0xb8;
	[tilespmem:$0x12F00] =	vst v63  }
0x4c: {  	s13 =	simm.s32 $0x300  }
0x4d: {  	[tilespmem:s0], [sflag:$0x9] =	stream.indirect.gather [spmem:s2], $0x10, s13, s20, $0xb8;
	[tilespmem:$0x12F00] =	vst v63  }
0x4e: {  	s14 =	simm.s32 $0x380;
	s9 =	simm.s32 $0x0  }
0x4f: {  	[tilespmem:s22], [sflag:$0xA] =	stream.indirect.gather [spmem:s2], $0x10, s14, s20, $0xb8;
	[tilespmem:$0x12F00] =	vst v63  }
.LBB2_2:
0x50: {  	_ =	swait.ge [sflag:s23], $0x800  }
0x51: {  	s10 =	sshra.s32 s9, $0x2;
	[sflag:s23] =	ssyncset.done $0x0  }
0x52: {  	s11 =	sadd.s32 $0x5000, s10;
	[sflag:s23] =	ssyncadd.s32 $0xFFFFF800  }
0x53: {  	[spmem:s3] =	stream.indirect.scatter.add.f32 [tilespmem:s21], [sflag:$0xB], $0x10, s11, s20, $0xb8;
	[tilespmem:$0x12F00] =	vst v63  }
0x54: {  	_ =	swait.ge [sflag:s25], $0x800  }
0x55: {  	p0 =	seq.s32 s9, $0x13000;
	[sflag:s25] =	ssyncset.done $0x0  }
0x56: {  	s11 =	simm.s32 @p0 $0x4;
	[sflag:s25] =	ssyncadd.s32 $0xFFFFF800  }
0x57: {  	_ =	swait.ge @p0 [sflag:s11], $0x800  }
0x58: {  	s13 =	sshra.s32 @p0 s9, $0x2;
	s14 =	simm.s32 @p0 $0x80;
	[sflag:s11] =	ssyncset.done @p0 $0x0  }
0x59: {  	s12 =	simm.s32 @p0 $0xA800;
	[sflag:s11] =	ssyncadd.s32 @p0 $0xFFFFF800;
	s11 =	sadd.s32 @p0 $0x5080, s13  }
0x5a: {  	[spmem:s3] =	stream.indirect.scatter.add.f32 @p0 [tilespmem:s12], [sflag:$0xC], $0x10, s11, s14, $0xb8;
	[tilespmem:$0x12F00] =	vst v63  }
0x5b: {  	s11 =	simm.s32 @p0 $0xC  }
0x5c: {  	_ =	swait.ge @p0 [sflag:s11], $0x800  }
0x5d: {  	[sflag:s11] =	ssyncset.done @p0 $0x0  }
0x5e: {  	[sflag:s11] =	ssyncadd.s32 @p0 $0xFFFFF800;
	s11 =	sshra.s32 @!p0 s9, $0x2  }
0x5f: {  	s4 =	simm.s32 @!p0 $0xA000;
	s12 =	simm.s32 @!p0 $0x80;
	s5 =	sadd.s32 @!p0 $0x400, s11  }
0x60: {  	[tilespmem:s4], [sflag:$0x3] =	stream.indirect.gather @!p0 [spmem:s2], $0x10, s5, s12, $0xb8;
	[tilespmem:$0x12F00] =	vst v63  }
0x61: {  	s4 =	simm.s32 @!p0 $0x4  }
0x62: {  	_ =	swait.ge @!p0 [sflag:s4], $0x800  }
0x63: {  	[sflag:s4] =	ssyncset.done @!p0 $0x0  }
0x64: {  	s5 =	simm.s32 @!p0 $0xA800;
	[sflag:s4] =	ssyncadd.s32 @!p0 $0xFFFFF800;
	s4 =	sadd.s32 @!p0 $0x5080, s11  }
0x65: {  	[spmem:s3] =	stream.indirect.scatter.add.f32 @!p0 [tilespmem:s5], [sflag:$0xC], $0x10, s4, s12, $0xb8;
	[tilespmem:$0x12F00] =	vst v63  }
0x66: {  	s4 =	simm.s32 @!p0 $0xC  }
0x67: {  	_ =	swait.ge @!p0 [sflag:s4], $0x800  }
0x68: {  	[sflag:s4] =	ssyncset.done @!p0 $0x0  }
0x69: {  	[sflag:s4] =	ssyncadd.s32 @!p0 $0xFFFFF800;
	s4 =	sadd.s32 @!p0 $0x480, s11  }
0x6a: {  	[tilespmem:s5], [sflag:$0x4] =	stream.indirect.gather @!p0 [spmem:s2], $0x10, s4, s12, $0xb8;
	[tilespmem:$0x12F00] =	vst v63  }
0x6b: {  	_ =	swait.ge [sflag:s26], $0x800  }
0x6c: {  	[sflag:s26] =	ssyncset.done $0x0  }
0x6d: {  	s5 =	sadd.s32 $0x5100, s10;
	[sflag:s26] =	ssyncadd.s32 $0xFFFFF800  }
0x6e: {  	[spmem:s3] =	stream.indirect.scatter.add.f32 [tilespmem:s24], [sflag:$0xD], $0x10, s5, s20, $0xb8;
	[tilespmem:$0x12F00] =	vst v63  }
0x6f: {  	_ =	swait.ge [sflag:s28], $0x800  }
0x70: {  	[sflag:s28] =	ssyncset.done $0x0  }
0x71: {  	s4 =	simm.s32 @p0 $0x6;
	[sflag:s28] =	ssyncadd.s32 $0xFFFFF800  }
0x72: {  	_ =	swait.ge @p0 [sflag:s4], $0x800  }
0x73: {  	[sflag:s4] =	ssyncset.done @p0 $0x0  }
0x74: {  	s5 =	simm.s32 @p0 $0xB800;
	[sflag:s4] =	ssyncadd.s32 @p0 $0xFFFFF800;
	s4 =	sadd.s32 @p0 $0x5180, s13  }
0x75: {  	[spmem:s3] =	stream.indirect.scatter.add.f32 @p0 [tilespmem:s5], [sflag:$0xE], $0x10, s4, s14, $0xb8;
	[tilespmem:$0x12F00] =	vst v63  }
0x76: {  	s4 =	simm.s32 @p0 $0xE  }
0x77: {  	_ =	swait.ge @p0 [sflag:s4], $0x800  }
0x78: {  	[sflag:s4] =	ssyncset.done @p0 $0x0  }
0x79: {  	s5 =	simm.s32 @!p0 $0xB000;
	[sflag:s4] =	ssyncadd.s32 @p0 $0xFFFFF800;
	s4 =	sadd.s32 @!p0 $0x500, s11  }
0x7a: {  	[tilespmem:s5], [sflag:$0x5] =	stream.indirect.gather @!p0 [spmem:s2], $0x10, s4, s12, $0xb8;
	[tilespmem:$0x12F00] =	vst v63  }
0x7b: {  	s4 =	simm.s32 @!p0 $0x6  }
0x7c: {  	_ =	swait.ge @!p0 [sflag:s4], $0x800  }
0x7d: {  	[sflag:s4] =	ssyncset.done @!p0 $0x0  }
0x7e: {  	s5 =	simm.s32 @!p0 $0xB800;
	[sflag:s4] =	ssyncadd.s32 @!p0 $0xFFFFF800;
	s4 =	sadd.s32 @!p0 $0x5180, s11  }
0x7f: {  	[spmem:s3] =	stream.indirect.scatter.add.f32 @!p0 [tilespmem:s5], [sflag:$0xE], $0x10, s4, s12, $0xb8;
	[tilespmem:$0x12F00] =	vst v63  }
0x80: {  	s4 =	simm.s32 @!p0 $0xE  }
0x81: {  	_ =	swait.ge @!p0 [sflag:s4], $0x800  }
0x82: {  	[sflag:s4] =	ssyncset.done @!p0 $0x0  }
0x83: {  	[sflag:s4] =	ssyncadd.s32 @!p0 $0xFFFFF800;
	s4 =	sadd.s32 @!p0 $0x580, s11  }
0x84: {  	[tilespmem:s5], [sflag:$0x6] =	stream.indirect.gather @!p0 [spmem:s2], $0x10, s4, s12, $0xb8;
	[tilespmem:$0x12F00] =	vst v63  }
0x85: {  	_ =	swait.ge [sflag:s30], $0x800  }
0x86: {  	[sflag:s30] =	ssyncset.done $0x0  }
0x87: {  	s5 =	sadd.s32 $0x5200, s10;
	[sflag:s30] =	ssyncadd.s32 $0xFFFFF800  }
0x88: {  	[spmem:s3] =	stream.indirect.scatter.add.f32 [tilespmem:s29], [sflag:$0xF], $0x10, s5, s20, $0xb8;
	[tilespmem:$0x12F00] =	vst v63  }
0x89: {  	_ =	swait.ge [sflag:s31], $0x800  }
0x8a: {  	[sflag:s31] =	ssyncset.done $0x0  }
0x8b: {  	s4 =	simm.s32 @p0 $0x8;
	[sflag:s31] =	ssyncadd.s32 $0xFFFFF800  }
0x8c: {  	_ =	swait.ge @p0 [sflag:s4], $0x800  }
0x8d: {  	[sflag:s4] =	ssyncset.done @p0 $0x0  }
0x8e: {  	s5 =	simm.s32 @p0 $0xC800;
	[sflag:s4] =	ssyncadd.s32 @p0 $0xFFFFF800;
	s4 =	sadd.s32 @p0 $0x5280, s13  }
0x8f: {  	[spmem:s3] =	stream.indirect.scatter.add.f32 @p0 [tilespmem:s5], [sflag:$0x10], $0x10, s4, s14, $0xb8;
	[tilespmem:$0x12F00] =	vst v63  }
0x90: {  	s4 =	simm.s32 @p0 $0x10  }
0x91: {  	_ =	swait.ge @p0 [sflag:s4], $0x800  }
0x92: {  	[sflag:s4] =	ssyncset.done @p0 $0x0  }
0x93: {  	s5 =	simm.s32 @!p0 $0xC000;
	[sflag:s4] =	ssyncadd.s32 @p0 $0xFFFFF800;
	s4 =	sadd.s32 @!p0 $0x600, s11  }
0x94: {  	[tilespmem:s5], [sflag:$0x7] =	stream.indirect.gather @!p0 [spmem:s2], $0x10, s4, s12, $0xb8;
	[tilespmem:$0x12F00] =	vst v63  }
0x95: {  	s4 =	simm.s32 @!p0 $0x8  }
0x96: {  	_ =	swait.ge @!p0 [sflag:s4], $0x800  }
0x97: {  	[sflag:s4] =	ssyncset.done @!p0 $0x0  }
0x98: {  	s5 =	simm.s32 @!p0 $0xC800;
	[sflag:s4] =	ssyncadd.s32 @!p0 $0xFFFFF800;
	s4 =	sadd.s32 @!p0 $0x5280, s11  }
0x99: {  	[spmem:s3] =	stream.indirect.scatter.add.f32 @!p0 [tilespmem:s5], [sflag:$0x10], $0x10, s4, s12, $0xb8;
	[tilespmem:$0x12F00] =	vst v63  }
0x9a: {  	s4 =	simm.s32 @!p0 $0x10  }
0x9b: {  	_ =	swait.ge @!p0 [sflag:s4], $0x800  }
0x9c: {  	[sflag:s4] =	ssyncset.done @!p0 $0x0  }
0x9d: {  	[sflag:s4] =	ssyncadd.s32 @!p0 $0xFFFFF800;
	s4 =	sadd.s32 @!p0 $0x680, s11  }
0x9e: {  	[tilespmem:s5], [sflag:$0x8] =	stream.indirect.gather @!p0 [spmem:s2], $0x10, s4, s12, $0xb8;
	[tilespmem:$0x12F00] =	vst v63  }
0x9f: {  	_ =	swait.ge [sflag:s1], $0x800  }
0xa0: {  	[sflag:s1] =	ssyncset.done $0x0  }
.Ltmp2:
0xa1: {  	s14 =	sadd.s32 $0x5300, s10;
	[sflag:s1] =	ssyncadd.s32 $0xFFFFF800;
	(pc) =	sbr.rel @p0 .LBB2_4-.Ltmp2, $4  }
0xa2: {  	[spmem:s3] =	stream.indirect.scatter.add.f32 [tilespmem:s0], [sflag:$0x11], $0x10, s14, s20, $0xb8;
	[tilespmem:$0x12F00] =	vst v63  }
0xa3: {  	_ =	swait.ge [sflag:s17], $0x800  }
0xa4: {  	[sflag:s17] =	ssyncset.done $0x0  }
0xa5: {  	s11 =	sadd.s32 $0x5380, s10;
	[sflag:s17] =	ssyncadd.s32 $0xFFFFF800  }
0xa6: {  	s4 =	sadd.s32 $0x700, s10  }
0xa7: {  	[tilespmem:s0], [sflag:$0x9] =	stream.indirect.gather [spmem:s2], $0x10, s4, s20, $0xb8;
	[tilespmem:$0x12F00] =	vst v63  }
0xa8: {  	_ =	swait.ge [sflag:s6], $0x800  }
0xa9: {  	[sflag:s6] =	ssyncset.done $0x0  }
0xaa: {  	[sflag:s6] =	ssyncadd.s32 $0xFFFFF800  }
0xab: {  	[spmem:s3] =	stream.indirect.scatter.add.f32 [tilespmem:s22], [sflag:$0x12], $0x10, s11, s20, $0xb8;
	[tilespmem:$0x12F00] =	vst v63  }
.Ltmp3:
0xac: {  	_ = 	snop;
	(pc) =	sbr.rel .LBB2_2-.Ltmp3, $4  }
0xad: {  	_ =	swait.ge [sflag:s7], $0x800  }
0xae: {  	[sflag:s7] =	ssyncset.done $0x0  }
0xaf: {  	s14 =	sadd.s32 $0x780, s10;
	s9 =	sadd.s32 $0x1000, s9;
	[sflag:s7] =	ssyncadd.s32 $0xFFFFF800  }
0xb0: {  	[tilespmem:s22], [sflag:$0xA] =	stream.indirect.gather [spmem:s2], $0x10, s14, s20, $0xb8;
	[tilespmem:$0x12F00] =	vst v63  }
.LBB2_5:
0xb1: {  	_ =	sfence.sel $0x180000  }
0xb2: {  	[bflag:$0x0] =	sbarrier.arrive $0xFFFF  }
0xb3: {  	_ =	strace $0x90000050  }
0xb4: {  	s0 =	stileid.u32;
	[bflag:$0x2] =	sbarrier.arrive $0xFFFF  }
0xb5: {  	p0 =	sne.s32 s0, $0x0;
	s0 =	rddreg [dreg:$0x3]  }
0xb6: {  	s0 =	sadd.s32 @!p0 $0x100000, s0  }
0xb7: {  	[sflag:s0] =	ssyncadd.tile.s32 @!p0 $0x1;
	_ =	shalt  }
.Lfunc_end2:
_tile_overlayer_lowered:
.L_overlay_start_2:
0xb8: {  	(tag) =	ssettag $0x2  }
0xb9: {  	s0 =	rddreg [dreg:$0x0];
	s2 =	stileid.u32  }
0xba: {  	s1 =	rddreg [dreg:$0x1];
	p0 =	sne.s32 s2, $0x0  }
0xbb: {  	s3 =	rddreg [dreg:$0x2];
	[bflag:$0x3] =	sbarrier.arrive $0xFFFF;
	s2 =	simm.s32 @!p0 $0x1C13  }
0xbc: {  	[timem:s3], [sflag:s2] =	dma.local @!p0 [hbm:s0], s1  }
0xbd: {  	s0 =	simm.s32 @!p0 $0x13  }
0xbe: {  	_ =	swait.ge @!p0 [sflag:s0], s1  }
0xbf: {  	s1 =	ssub.s32 @!p0 $0x0, s1;
	[sflag:s0] =	ssyncset.done @!p0 $0x0  }
0xc0: {  	[sflag:s0] =	ssyncadd.s32 @!p0 s1  }
0xc1: {  	[bflag:$0x3] =	sbarrier.arrive $0xFFFF  }
0xc2: {  	_ =	shalt  }

</sc_bundles>
